<compile_context>
chip_gen: v7x
topology: tpu7x:2x2x1
jax: 0.10.2.dev20260603
libtpu: 0.0.44.dev20260713+nightly
codegen_flags: <defaults>
</compile_context>

<pallas_src>
import functools

import jax
import jax.numpy as jnp
from jax import lax
from jax.experimental import pallas as pl
from jax.experimental.pallas import tpu as pltpu
from jax.experimental.pallas import tpu_sc as plsc

N = 10000
E = 160000
DF = 128
RPAD = 10112
NPAD = 10016
NROWS = N + 1
TROW = RPAD // 128
SIZE = RPAD * NROWS

NW = 32
CHUNK = 128
E_PAD = 163840
NCHUNK = E_PAD // (NW * CHUNK)
NFIRE = NCHUNK + 1
CAP = NFIRE * CHUNK
NBANDS = 2
HROWS = N // NBANDS
HSIZE = RPAD * (HROWS + 1)
HPAD_FIDX = HROWS * RPAD
HBLK = 40
HNBLK = HROWS // HBLK

BLK = 80
NBLK = N // BLK


def _st_body(x_ref, w_ref, at_ref, s_ref, t_ref):
    wx = lax.dot_general(x_ref[...], w_ref[...], (((1,), (1,)), ((), ())),
                         preferred_element_type=jnp.float32)
    a1 = at_ref[0, pl.ds(0, DF)]
    a2 = at_ref[0, pl.ds(DF, DF)]
    s = jnp.sum(wx * a1[None, :], axis=1)
    t = jnp.sum(wx * a2[None, :], axis=1)
    s_ref[0, pl.ds(0, N)] = s
    t_ref[0, pl.ds(0, N)] = t
    s_ref[0, pl.ds(N, NPAD - N)] = jnp.zeros((NPAD - N,), jnp.float32)
    t_ref[0, pl.ds(N, NPAD - N)] = jnp.zeros((NPAD - N,), jnp.float32)


_sc_mesh = plsc.VectorSubcoreMesh(core_axis_name="c", subcore_axis_name="s")


def _make_sc_scatter(b0):

    @functools.partial(
        pl.kernel,
        out_type=(),
        mesh=_sc_mesh,
        compiler_params=pltpu.CompilerParams(needs_layout_passes=False),
        scratch_types=[
            pltpu.VMEM_SHARED((NPAD,), jnp.float32),
            pltpu.VMEM_SHARED((NPAD,), jnp.float32),
            pltpu.VMEM((NPAD,), jnp.float32),
            pltpu.VMEM((NPAD,), jnp.float32),
            pltpu.VMEM((NCHUNK, CHUNK), jnp.int32),
            pltpu.VMEM((CAP,), jnp.int32),
            pltpu.VMEM((NFIRE, CHUNK), jnp.float32),
            pltpu.VMEM((NFIRE, CHUNK), jnp.int32),
            pltpu.SemaphoreType.DMA,
        ],
    )
    def sc_scatter(code_hbm, s_hbm, t_hbm, buf_ref,
                   sh_s, sh_t, sl_v, tl_v, codev, flt, cv, fv, sem):
        cid = lax.axis_index("c")
        sid = lax.axis_index("s")
        wid = sid * 2 + cid

        @pl.when(sid == 0)
        def _():
            pltpu.sync_copy(s_hbm, sh_s)
            pltpu.sync_copy(t_hbm, sh_t)

        plsc.subcore_barrier()
        pltpu.sync_copy(sh_s, sl_v)
        pltpu.sync_copy(sh_t, tl_v)
        pltpu.sync_copy(code_hbm.at[pl.ds(wid * NCHUNK, NCHUNK)], codev)

        lanes = lax.iota(jnp.int32, 16)

        def filt(c, p):
            for i in range(CHUNK // 16):
                v = codev[c, pl.ds(i * 16, 16)]
                sidx = v // N
                inb = (sidx >= b0) & (sidx < b0 + HROWS)
                plsc.store_compressed(flt.at[pl.ds(p, 16)], v, mask=inb)
                p = p + jnp.max(plsc.all_reduce_population_count(inb))
            return p

        n = lax.fori_loop(0, NCHUNK, filt, jnp.int32(0))

        def prefill(k, carry):
            fv[k >> 3, pl.ds((k & 7) * 16, 16)] = jnp.full(
                (16,), HPAD_FIDX, jnp.int32)
            return carry

        lax.fori_loop(0, NFIRE * 8, prefill, 0)

        def emit(j, carry):
            base = j * 16
            v = flt[pl.ds(base, 16)]
            tail = lanes < (n - base)
            vv = jnp.where(tail, v, 0)
            sidx = vv // N
            didx = vv - sidx * N
            z = plsc.load_gather(sl_v, [sidx]) + plsc.load_gather(tl_v, [didx])
            zlr = jnp.where(z >= 0.0, z, 0.1 * z)
            coef = jnp.exp(zlr)
            fidx = jnp.where(tail, vv + sidx * (RPAD - N) - b0 * RPAD,
                             HPAD_FIDX)
            row = j >> 3
            col = (j & 7) * 16
            cv[row, pl.ds(col, 16)] = coef
            fv[row, pl.ds(col, 16)] = fidx
            return carry

        lax.fori_loop(0, (n + 15) // 16, emit, 0)

        nf = (n + CHUNK - 1) // CHUNK

        def fire(c, carry):
            pltpu.async_copy(cv.at[c], buf_ref.at[fv.at[c]], sem)
            return carry

        lax.fori_loop(0, nf, fire, 0)

        def drain(c, carry):
            pltpu.make_async_copy(cv.at[c], buf_ref.at[fv.at[c]], sem).wait()
            return carry

        lax.fori_loop(0, nf, drain, 0)

    return sc_scatter


_sc_scatters = [_make_sc_scatter(k * HROWS) for k in range(NBANDS)]


def _norm_block(blk, g, row0):
    rs = jnp.sum(blk, axis=1)
    fix = (rs == 0.0).astype(jnp.float32)
    inv = 1.0 / (rs + fix)
    row_ids = lax.broadcasted_iota(jnp.int32, (HBLK, N), 0) + g * HBLK + row0
    col_ids = lax.broadcasted_iota(jnp.int32, (HBLK, N), 1)
    dmask = (col_ids == row_ids).astype(jnp.float32)
    core = lax.slice(blk, (0, 0), (HBLK, N))
    return (core + dmask * fix[:, None]) * inv[:, None]


def _make_norm_first(row0):
    def body(buf_ref, out_ref):
        g = pl.program_id(0)
        out_ref[...] = _norm_block(buf_ref[...], g, row0)

    return body


def _make_norm_next(row0):
    def body(buf_ref, prev_ref, out_ref):
        del prev_ref
        g = pl.program_id(0)
        out_ref[...] = _norm_block(buf_ref[...], g, row0)

    return body


def kernel(x, edge_index, W, a):
    at2d = a.reshape(1, 2 * DF)
    s2d, t2d = pl.pallas_call(
        _st_body,
        out_shape=[jax.ShapeDtypeStruct((1, NPAD), jnp.float32),
                   jax.ShapeDtypeStruct((1, NPAD), jnp.float32)],
    )(x, W, at2d)
    s1d = s2d.reshape(NPAD)
    t1d = t2d.reshape(NPAD)

    src = edge_index[0].astype(jnp.int32)
    dst = edge_index[1].astype(jnp.int32)
    npad = E_PAD - E
    code = src * N + dst
    code_p = jnp.concatenate([code, jnp.full((npad,), N * N, jnp.int32)])
    code_p = code_p.reshape(E_PAD // CHUNK, CHUNK)

    denses = []
    for k in range(NBANDS):
        buf = jax.new_ref(jnp.zeros((HSIZE,), jnp.float32))
        _sc_scatters[k](code_p, s1d, t1d, buf)
        denses.append(buf[...].reshape(HROWS + 1, RPAD))

    out = pl.pallas_call(
        _make_norm_first(0),
        grid=(HNBLK,),
        in_specs=[pl.BlockSpec((HBLK, RPAD), lambda g: (g, 0))],
        out_specs=pl.BlockSpec((HBLK, N), lambda g: (g, 0)),
        out_shape=jax.ShapeDtypeStruct((N, N), jnp.float32),
    )(denses[0])
    for k in range(1, NBANDS):
        out = pl.pallas_call(
            _make_norm_next(k * HROWS),
            grid=(HNBLK,),
            in_specs=[pl.BlockSpec((HBLK, RPAD), lambda g: (g, 0)),
                      pl.BlockSpec(memory_space=pl.ANY)],
            out_specs=pl.BlockSpec((HBLK, N),
                                   lambda g, k=k: (g + k * HNBLK, 0)),
            out_shape=jax.ShapeDtypeStruct((N, N), jnp.float32),
            input_output_aliases={1: 0},
        )(denses[k], out)
    return out

# --- scband reference (transcript-rebuilt; emitter-appended) ---
"""Pipeline reference for scband-atten-model-20083267076674 (READ-ONLY COPY).

The authoritative reference and input builder live on the scoring server;
editing this copy changes nothing except your own understanding.
"""

import jax, jax.numpy as jnp
import numpy as np
import math


def setup_inputs(seed: int = 0) -> dict:
    key = jax.random.key(seed)
    N, E, d_feat, nhidden = 10000, 160000, 128, 128
    k1, k2, k3, k4 = jax.random.split(key, 4)
    x = jax.random.normal(k1, (N, d_feat), dtype=jnp.float32)
    edge_index = jax.random.randint(k2, (2, E), 0, N)
    # glorot init matching torch reset_parameters
    stdv_W = math.sqrt(6.0 / (nhidden + d_feat))
    W = jax.random.uniform(k3, (nhidden, d_feat), dtype=jnp.float32, minval=-stdv_W, maxval=stdv_W)
    stdv_a = math.sqrt(6.0 / (2 * nhidden + 1))
    a = jax.random.uniform(k4, (2 * nhidden, 1), dtype=jnp.float32, minval=-stdv_a, maxval=stdv_a)
    return {"x": x, "edge_index": edge_index, "W": W, "a": a}


def reference(x, edge_index, W, a):
    N = x.shape[0]
    # Wx = self.W(x)  (Linear without bias: x @ W.T)
    Wx = x @ W.T
    src = edge_index[0]
    dst = edge_index[1]
    # gather endpoint features (torch: Wx[indices[0]], Wx[indices[1]])
    fea1 = jnp.take(Wx, src, axis=0)
    fea2 = jnp.take(Wx, dst, axis=0)
    fea12 = jnp.concatenate([fea1, fea2], axis=1)
    atten_coef = jnp.exp(jax.nn.leaky_relu(fea12 @ a, negative_slope=0.1)).flatten()
    # scatter-overwrite into dense NxN attention matrix
    A = jnp.zeros((N, N), dtype=x.dtype).at[src, dst].set(atten_coef)
    s1 = A.sum(axis=1)
    # rows with zero sum get a 1 on the diagonal
    diag_fix = (s1 == 0).astype(x.dtype)
    idx = jnp.arange(N)
    A = A.at[idx, idx].add(diag_fix)
    # (A.t() / A.sum(1)).t() == row-normalize
    A = A / A.sum(axis=1, keepdims=True)
    return A

if __name__ == "__main__":
    import jax
    _d = setup_inputs()
    print(jax.jit(kernel)(*tuple(_d.values())))

</pallas_src>

<mosaic_0001>
#map = affine_map<(d0, d1) -> (0, 0)>
#map1 = affine_map<(d0, d1) -> (0)>
module attributes {stable_mosaic.version = 14 : i64} {
  func.func @new_body(%arg0: i32, %arg1: i32, %arg2: memref<1280x128xi32, #tpu.memory_space<hbm>>, %arg3: memref<10016xf32, #tpu.memory_space<hbm>>, %arg4: memref<10016xf32, #tpu.memory_space<hbm>>, %arg5: memref<50570112xf32, #tpu.memory_space<hbm>>, %arg6: memref<50570112xf32, #tpu.memory_space<hbm>>, %arg7: memref<10016xf32, #tpu.memory_space<vmem_shared>>, %arg8: memref<10016xf32, #tpu.memory_space<vmem_shared>>, %arg9: memref<10016xf32, #tpu.memory_space<vmem>>, %arg10: memref<10016xf32, #tpu.memory_space<vmem>>, %arg11: memref<40x128xi32, #tpu.memory_space<vmem>>, %arg12: memref<5248xi32, #tpu.memory_space<vmem>>, %arg13: memref<41x128xf32, #tpu.memory_space<vmem>>, %arg14: memref<41x128xi32, #tpu.memory_space<vmem>>, %arg15: memref<!tpu.dma_semaphore, #tpu.memory_space<semaphore_mem>>) attributes {dimension_semantics = [#tpu.dimension_semantics<core_parallel>, #tpu.dimension_semantics<subcore_parallel>], iteration_bounds = array<i64: 2, 16>, scalar_prefetch = 0 : i64, scratch_operands = 9 : i64, tpu.core_type = #tpu.core_type<sc_vector_subcore>, window_params = [{transform_indices = #map}, {transform_indices = #map1}, {transform_indices = #map1}, {transform_indices = #map1}, {transform_indices = #map1}]} {
    %mul3A = arith.constant 2 : i32
    %mul3A_0 = arith.muli %arg1, %mul3A : i32
    %add3A = arith.addi %mul3A_0, %arg0 : i32
    %eq3A = arith.constant 0 : i32
    %eq3A_1 = arith.cmpi eq, %arg1, %eq3A : i32
    %convert_element_type3A = arith.extui %eq3A_1 : i1 to i32
    %cond3A = arith.constant 0 : i32
    %cond3A_2 = arith.cmpi ne, %convert_element_type3A, %cond3A : i32
    scf.if %cond3A_2 {
      "tpu.region"() ({
        %run_scoped3A = tpu.sem_alloc : memref<!tpu.dma_semaphore, #tpu.memory_space<semaphore_mem>>
        tpu.enqueue_dma source(%arg3 : memref<10016xf32, #tpu.memory_space<hbm>>) target(%arg7 : memref<10016xf32, #tpu.memory_space<vmem_shared>>) target_semaphore(%run_scoped3A : memref<!tpu.dma_semaphore, #tpu.memory_space<semaphore_mem>>)
        tpu.wait_dma2 semaphore(%run_scoped3A : memref<!tpu.dma_semaphore, #tpu.memory_space<semaphore_mem>>) src(%arg3 : memref<10016xf32, #tpu.memory_space<hbm>>) dst(%arg7 : memref<10016xf32, #tpu.memory_space<vmem_shared>>)
        tpu.yield
      }) : () -> ()
      "tpu.region"() ({
        %run_scoped3A = tpu.sem_alloc : memref<!tpu.dma_semaphore, #tpu.memory_space<semaphore_mem>>
        tpu.enqueue_dma source(%arg4 : memref<10016xf32, #tpu.memory_space<hbm>>) target(%arg8 : memref<10016xf32, #tpu.memory_space<vmem_shared>>) target_semaphore(%run_scoped3A : memref<!tpu.dma_semaphore, #tpu.memory_space<semaphore_mem>>)
        tpu.wait_dma2 semaphore(%run_scoped3A : memref<!tpu.dma_semaphore, #tpu.memory_space<semaphore_mem>>) src(%arg4 : memref<10016xf32, #tpu.memory_space<hbm>>) dst(%arg8 : memref<10016xf32, #tpu.memory_space<vmem_shared>>)
        tpu.yield
      }) : () -> ()
    } else {
    }
    %barrier3A = arith.constant 0 : index
    tpu.barrier barrier_id(%barrier3A)
    "tpu.region"() ({
      %run_scoped3A = tpu.sem_alloc : memref<!tpu.dma_semaphore, #tpu.memory_space<semaphore_mem>>
      tpu.enqueue_dma source(%arg7 : memref<10016xf32, #tpu.memory_space<vmem_shared>>) target(%arg9 : memref<10016xf32, #tpu.memory_space<vmem>>) target_semaphore(%run_scoped3A : memref<!tpu.dma_semaphore, #tpu.memory_space<semaphore_mem>>)
      tpu.wait_dma2 semaphore(%run_scoped3A : memref<!tpu.dma_semaphore, #tpu.memory_space<semaphore_mem>>) src(%arg7 : memref<10016xf32, #tpu.memory_space<vmem_shared>>) dst(%arg9 : memref<10016xf32, #tpu.memory_space<vmem>>)
      tpu.yield
    }) : () -> ()
    "tpu.region"() ({
      %run_scoped3A = tpu.sem_alloc : memref<!tpu.dma_semaphore, #tpu.memory_space<semaphore_mem>>
      tpu.enqueue_dma source(%arg8 : memref<10016xf32, #tpu.memory_space<vmem_shared>>) target(%arg10 : memref<10016xf32, #tpu.memory_space<vmem>>) target_semaphore(%run_scoped3A : memref<!tpu.dma_semaphore, #tpu.memory_space<semaphore_mem>>)
      tpu.wait_dma2 semaphore(%run_scoped3A : memref<!tpu.dma_semaphore, #tpu.memory_space<semaphore_mem>>) src(%arg8 : memref<10016xf32, #tpu.memory_space<vmem_shared>>) dst(%arg10 : memref<10016xf32, #tpu.memory_space<vmem>>)
      tpu.yield
    }) : () -> ()
    %mul3A_3 = arith.constant 40 : i32
    %mul3A_4 = arith.muli %add3A, %mul3A_3 : i32
    "tpu.region"() ({
      %run_scoped3A = tpu.sem_alloc : memref<!tpu.dma_semaphore, #tpu.memory_space<semaphore_mem>>
      %dma_start3A = arith.constant 0 : i32
      %dma_start3A_92 = tpu.memref_slice %arg2[%mul3A_4, %dma_start3A] : memref<1280x128xi32, #tpu.memory_space<hbm>> -> memref<40x128xi32, #tpu.memory_space<hbm>>
      %dma_start3A_93 = arith.constant 0 : i32
      %dma_start3A_94 = tpu.memref_slice %arg2[%mul3A_4, %dma_start3A_93] : memref<1280x128xi32, #tpu.memory_space<hbm>> -> memref<40x128xi32, #tpu.memory_space<hbm>>
      tpu.enqueue_dma source(%dma_start3A_94 : memref<40x128xi32, #tpu.memory_space<hbm>>) target(%arg11 : memref<40x128xi32, #tpu.memory_space<vmem>>) target_semaphore(%run_scoped3A : memref<!tpu.dma_semaphore, #tpu.memory_space<semaphore_mem>>)
      %dma_wait3A = arith.constant 0 : i32
      %dma_wait3A_95 = tpu.memref_slice %arg2[%mul3A_4, %dma_wait3A] : memref<1280x128xi32, #tpu.memory_space<hbm>> -> memref<40x128xi32, #tpu.memory_space<hbm>>
      %dma_wait3A_96 = arith.constant 0 : i32
      %dma_wait3A_97 = tpu.memref_slice %arg2[%mul3A_4, %dma_wait3A_96] : memref<1280x128xi32, #tpu.memory_space<hbm>> -> memref<40x128xi32, #tpu.memory_space<hbm>>
      tpu.wait_dma2 semaphore(%run_scoped3A : memref<!tpu.dma_semaphore, #tpu.memory_space<semaphore_mem>>) src(%dma_wait3A_97 : memref<40x128xi32, #tpu.memory_space<hbm>>) dst(%arg11 : memref<40x128xi32, #tpu.memory_space<vmem>>)
      tpu.yield
    }) : () -> ()
    %iota3A = tpu.iota {dimensions = array<i32: 0>} : vector<16xi32>
    %scan3A = arith.constant 0 : i32
    %scan3A_5 = arith.constant 0 : i32
    %scan3A_6 = arith.constant 40 : i32
    %scan3A_7 = arith.addi %scan3A_5, %scan3A_6 : i32
    %scan3A_8 = arith.constant 1 : i32
    %scan3A_9 = scf.for %scan3A_92 = %scan3A_5 to %scan3A_7 step %scan3A_8 iter_args(%scan3A_93 = %scan3A) -> (i32)  : i32 {
      %get3A = arith.index_cast %scan3A_92 : i32 to index
      %get3A_94 = arith.constant 0 : index
      %get3A_95 = tpu.vector_load %arg11[%get3A, %get3A_94] {strides = array<i32>} : memref<40x128xi32, #tpu.memory_space<vmem>>, vector<16xi32>,
      %jit3A_96 = arith.constant 10000 : i32
      %div3A_97 = vector.broadcast %jit3A_96 : i32 to vector<16xi32>
      %div3A_98 = arith.divsi %get3A_95, %div3A_97 : vector<16xi32>
      %sign3A_99 = arith.constant 0 : i32
      %sign3A_100 = vector.broadcast %sign3A_99 : i32 to vector<16xi32>
      %sign3A_101 = arith.cmpi sgt, %get3A_95, %sign3A_100 : vector<16xi32>
      %sign3A_102 = arith.extui %sign3A_101 : vector<16xi1> to vector<16xi32>
      %sign3A_103 = arith.constant 0 : i32
      %sign3A_104 = vector.broadcast %sign3A_103 : i32 to vector<16xi32>
      %sign3A_105 = arith.cmpi slt, %get3A_95, %sign3A_104 : vector<16xi32>
      %sign3A_106 = arith.extui %sign3A_105 : vector<16xi1> to vector<16xi32>
      %sign3A_107 = arith.subi %sign3A_102, %sign3A_106 : vector<16xi32>
      %sign3A_108 = arith.constant 0 : i32
      %sign3A_109 = arith.cmpi sgt, %jit3A_96, %sign3A_108 : i32
      %sign3A_110 = arith.extui %sign3A_109 : i1 to i32
      %sign3A_111 = arith.constant 0 : i32
      %sign3A_112 = arith.cmpi slt, %jit3A_96, %sign3A_111 : i32
      %sign3A_113 = arith.extui %sign3A_112 : i1 to i32
      %sign3A_114 = arith.subi %sign3A_110, %sign3A_113 : i32
      %ne3A_115 = vector.broadcast %sign3A_114 : i32 to vector<16xi32>
      %ne3A_116 = arith.cmpi ne, %sign3A_107, %ne3A_115 : vector<16xi32>
      %rem3A_117 = vector.broadcast %jit3A_96 : i32 to vector<16xi32>
      %rem3A_118 = arith.remsi %get3A_95, %rem3A_117 : vector<16xi32>
      %ne3A_119 = arith.constant 0 : i32
      %ne3A_120 = vector.broadcast %ne3A_119 : i32 to vector<16xi32>
      %ne3A_121 = arith.cmpi ne, %rem3A_118, %ne3A_120 : vector<16xi32>
      %and3A_122 = arith.andi %ne3A_116, %ne3A_121 : vector<16xi1>
      %sub3A_123 = arith.constant 1 : i32
      %sub3A_124 = vector.broadcast %sub3A_123 : i32 to vector<16xi32>
      %sub3A_125 = arith.subi %div3A_98, %sub3A_124 : vector<16xi32>
      %select_n3A_126 = arith.select %and3A_122, %sub3A_125, %div3A_98 : vector<16xi1>, vector<16xi32>
      %ge3A = arith.constant 5000 : i32
      %ge3A_127 = vector.broadcast %ge3A : i32 to vector<16xi32>
      %ge3A_128 = arith.cmpi sge, %select_n3A_126, %ge3A_127 : vector<16xi32>
      %lt3A = arith.constant 10000 : i32
      %lt3A_129 = vector.broadcast %lt3A : i32 to vector<16xi32>
      %lt3A_130 = arith.cmpi slt, %select_n3A_126, %lt3A_129 : vector<16xi32>
      %and3A_131 = arith.andi %ge3A_128, %lt3A_130 : vector<16xi1>
      %swap3A = arith.index_cast %scan3A_93 : i32 to index
      %swap3A_132 = tpu.vector_load %arg12[%swap3A] masked %and3A_131 {strides = array<i32>} : memref<5248xi32, #tpu.memory_space<vmem>>, vector<16xi32>, vector<16xi1>
      tpu.vector_store %arg12[%swap3A], %get3A_95 masked %and3A_131 {strides = array<i32>} : memref<5248xi32, #tpu.memory_space<vmem>>, vector<16xi32>, vector<16xi1>
      %all_reduce_population_count3A = tpu.all_reduce %and3A_131 {dim = 0 : i64, kind = #tpu.reduction_kind<sum>} : vector<16xi1> -> vector<16xi32>
      %reduce_max3A = arith.constant true
      %reduce_max3A_133 = vector.broadcast %reduce_max3A : i1 to vector<16xi1>
      %reduce_max3A_134 = arith.constant -2147483648 : i32
      %reduce_max3A_135 = vector.broadcast %reduce_max3A_134 : i32 to vector<16xi32>
      %reduce_max3A_136 = arith.xori %all_reduce_population_count3A, %reduce_max3A_135 : vector<16xi32>
      %reduce_max3A_137 = tpu.scan <max>, %reduce_max3A_136 masked %reduce_max3A_133 : vector<16xi32>, vector<16xi1> -> vector<16xi32>
      %reduce_max3A_138 = arith.xori %reduce_max3A_137, %reduce_max3A_135 : vector<16xi32>
      %reduce_max3A_139 = vector.extract %reduce_max3A_138[15] : i32 from vector<16xi32>
      %add3A_140 = arith.addi %scan3A_93, %reduce_max3A_139 : i32
      %get3A_141 = arith.index_cast %scan3A_92 : i32 to index
      %get3A_142 = arith.constant 16 : index
      %get3A_143 = tpu.vector_load %arg11[%get3A_141, %get3A_142] {strides = array<i32>} : memref<40x128xi32, #tpu.memory_space<vmem>>, vector<16xi32>,
      %jit3A_144 = arith.constant 10000 : i32
      %div3A_145 = vector.broadcast %jit3A_144 : i32 to vector<16xi32>
      %div3A_146 = arith.divsi %get3A_143, %div3A_145 : vector<16xi32>
      %sign3A_147 = arith.constant 0 : i32
      %sign3A_148 = vector.broadcast %sign3A_147 : i32 to vector<16xi32>
      %sign3A_149 = arith.cmpi sgt, %get3A_143, %sign3A_148 : vector<16xi32>
      %sign3A_150 = arith.extui %sign3A_149 : vector<16xi1> to vector<16xi32>
      %sign3A_151 = arith.constant 0 : i32
      %sign3A_152 = vector.broadcast %sign3A_151 : i32 to vector<16xi32>
      %sign3A_153 = arith.cmpi slt, %get3A_143, %sign3A_152 : vector<16xi32>
      %sign3A_154 = arith.extui %sign3A_153 : vector<16xi1> to vector<16xi32>
      %sign3A_155 = arith.subi %sign3A_150, %sign3A_154 : vector<16xi32>
      %sign3A_156 = arith.constant 0 : i32
      %sign3A_157 = arith.cmpi sgt, %jit3A_144, %sign3A_156 : i32
      %sign3A_158 = arith.extui %sign3A_157 : i1 to i32
      %sign3A_159 = arith.constant 0 : i32
      %sign3A_160 = arith.cmpi slt, %jit3A_144, %sign3A_159 : i32
      %sign3A_161 = arith.extui %sign3A_160 : i1 to i32
      %sign3A_162 = arith.subi %sign3A_158, %sign3A_161 : i32
      %ne3A_163 = vector.broadcast %sign3A_162 : i32 to vector<16xi32>
      %ne3A_164 = arith.cmpi ne, %sign3A_155, %ne3A_163 : vector<16xi32>
      %rem3A_165 = vector.broadcast %jit3A_144 : i32 to vector<16xi32>
      %rem3A_166 = arith.remsi %get3A_143, %rem3A_165 : vector<16xi32>
      %ne3A_167 = arith.constant 0 : i32
      %ne3A_168 = vector.broadcast %ne3A_167 : i32 to vector<16xi32>
      %ne3A_169 = arith.cmpi ne, %rem3A_166, %ne3A_168 : vector<16xi32>
      %and3A_170 = arith.andi %ne3A_164, %ne3A_169 : vector<16xi1>
      %sub3A_171 = arith.constant 1 : i32
      %sub3A_172 = vector.broadcast %sub3A_171 : i32 to vector<16xi32>
      %sub3A_173 = arith.subi %div3A_146, %sub3A_172 : vector<16xi32>
      %select_n3A_174 = arith.select %and3A_170, %sub3A_173, %div3A_146 : vector<16xi1>, vector<16xi32>
      %ge3A_175 = arith.constant 5000 : i32
      %ge3A_176 = vector.broadcast %ge3A_175 : i32 to vector<16xi32>
      %ge3A_177 = arith.cmpi sge, %select_n3A_174, %ge3A_176 : vector<16xi32>
      %lt3A_178 = arith.constant 10000 : i32
      %lt3A_179 = vector.broadcast %lt3A_178 : i32 to vector<16xi32>
      %lt3A_180 = arith.cmpi slt, %select_n3A_174, %lt3A_179 : vector<16xi32>
      %and3A_181 = arith.andi %ge3A_177, %lt3A_180 : vector<16xi1>
      %swap3A_182 = arith.index_cast %add3A_140 : i32 to index
      %swap3A_183 = tpu.vector_load %arg12[%swap3A_182] masked %and3A_181 {strides = array<i32>} : memref<5248xi32, #tpu.memory_space<vmem>>, vector<16xi32>, vector<16xi1>
      tpu.vector_store %arg12[%swap3A_182], %get3A_143 masked %and3A_181 {strides = array<i32>} : memref<5248xi32, #tpu.memory_space<vmem>>, vector<16xi32>, vector<16xi1>
      %all_reduce_population_count3A_184 = tpu.all_reduce %and3A_181 {dim = 0 : i64, kind = #tpu.reduction_kind<sum>} : vector<16xi1> -> vector<16xi32>
      %reduce_max3A_185 = arith.constant true
      %reduce_max3A_186 = vector.broadcast %reduce_max3A_185 : i1 to vector<16xi1>
      %reduce_max3A_187 = arith.constant -2147483648 : i32
      %reduce_max3A_188 = vector.broadcast %reduce_max3A_187 : i32 to vector<16xi32>
      %reduce_max3A_189 = arith.xori %all_reduce_population_count3A_184, %reduce_max3A_188 : vector<16xi32>
      %reduce_max3A_190 = tpu.scan <max>, %reduce_max3A_189 masked %reduce_max3A_186 : vector<16xi32>, vector<16xi1> -> vector<16xi32>
      %reduce_max3A_191 = arith.xori %reduce_max3A_190, %reduce_max3A_188 : vector<16xi32>
      %reduce_max3A_192 = vector.extract %reduce_max3A_191[15] : i32 from vector<16xi32>
      %add3A_193 = arith.addi %add3A_140, %reduce_max3A_192 : i32
      %get3A_194 = arith.index_cast %scan3A_92 : i32 to index
      %get3A_195 = arith.constant 32 : index
      %get3A_196 = tpu.vector_load %arg11[%get3A_194, %get3A_195] {strides = array<i32>} : memref<40x128xi32, #tpu.memory_space<vmem>>, vector<16xi32>,
      %jit3A_197 = arith.constant 10000 : i32
      %div3A_198 = vector.broadcast %jit3A_197 : i32 to vector<16xi32>
      %div3A_199 = arith.divsi %get3A_196, %div3A_198 : vector<16xi32>
      %sign3A_200 = arith.constant 0 : i32
      %sign3A_201 = vector.broadcast %sign3A_200 : i32 to vector<16xi32>
      %sign3A_202 = arith.cmpi sgt, %get3A_196, %sign3A_201 : vector<16xi32>
      %sign3A_203 = arith.extui %sign3A_202 : vector<16xi1> to vector<16xi32>
      %sign3A_204 = arith.constant 0 : i32
      %sign3A_205 = vector.broadcast %sign3A_204 : i32 to vector<16xi32>
      %sign3A_206 = arith.cmpi slt, %get3A_196, %sign3A_205 : vector<16xi32>
      %sign3A_207 = arith.extui %sign3A_206 : vector<16xi1> to vector<16xi32>
      %sign3A_208 = arith.subi %sign3A_203, %sign3A_207 : vector<16xi32>
      %sign3A_209 = arith.constant 0 : i32
      %sign3A_210 = arith.cmpi sgt, %jit3A_197, %sign3A_209 : i32
      %sign3A_211 = arith.extui %sign3A_210 : i1 to i32
      %sign3A_212 = arith.constant 0 : i32
      %sign3A_213 = arith.cmpi slt, %jit3A_197, %sign3A_212 : i32
      %sign3A_214 = arith.extui %sign3A_213 : i1 to i32
      %sign3A_215 = arith.subi %sign3A_211, %sign3A_214 : i32
      %ne3A_216 = vector.broadcast %sign3A_215 : i32 to vector<16xi32>
      %ne3A_217 = arith.cmpi ne, %sign3A_208, %ne3A_216 : vector<16xi32>
      %rem3A_218 = vector.broadcast %jit3A_197 : i32 to vector<16xi32>
      %rem3A_219 = arith.remsi %get3A_196, %rem3A_218 : vector<16xi32>
      %ne3A_220 = arith.constant 0 : i32
      %ne3A_221 = vector.broadcast %ne3A_220 : i32 to vector<16xi32>
      %ne3A_222 = arith.cmpi ne, %rem3A_219, %ne3A_221 : vector<16xi32>
      %and3A_223 = arith.andi %ne3A_217, %ne3A_222 : vector<16xi1>
      %sub3A_224 = arith.constant 1 : i32
      %sub3A_225 = vector.broadcast %sub3A_224 : i32 to vector<16xi32>
      %sub3A_226 = arith.subi %div3A_199, %sub3A_225 : vector<16xi32>
      %select_n3A_227 = arith.select %and3A_223, %sub3A_226, %div3A_199 : vector<16xi1>, vector<16xi32>
      %ge3A_228 = arith.constant 5000 : i32
      %ge3A_229 = vector.broadcast %ge3A_228 : i32 to vector<16xi32>
      %ge3A_230 = arith.cmpi sge, %select_n3A_227, %ge3A_229 : vector<16xi32>
      %lt3A_231 = arith.constant 10000 : i32
      %lt3A_232 = vector.broadcast %lt3A_231 : i32 to vector<16xi32>
      %lt3A_233 = arith.cmpi slt, %select_n3A_227, %lt3A_232 : vector<16xi32>
      %and3A_234 = arith.andi %ge3A_230, %lt3A_233 : vector<16xi1>
      %swap3A_235 = arith.index_cast %add3A_193 : i32 to index
      %swap3A_236 = tpu.vector_load %arg12[%swap3A_235] masked %and3A_234 {strides = array<i32>} : memref<5248xi32, #tpu.memory_space<vmem>>, vector<16xi32>, vector<16xi1>
      tpu.vector_store %arg12[%swap3A_235], %get3A_196 masked %and3A_234 {strides = array<i32>} : memref<5248xi32, #tpu.memory_space<vmem>>, vector<16xi32>, vector<16xi1>
      %all_reduce_population_count3A_237 = tpu.all_reduce %and3A_234 {dim = 0 : i64, kind = #tpu.reduction_kind<sum>} : vector<16xi1> -> vector<16xi32>
      %reduce_max3A_238 = arith.constant true
      %reduce_max3A_239 = vector.broadcast %reduce_max3A_238 : i1 to vector<16xi1>
      %reduce_max3A_240 = arith.constant -2147483648 : i32
      %reduce_max3A_241 = vector.broadcast %reduce_max3A_240 : i32 to vector<16xi32>
      %reduce_max3A_242 = arith.xori %all_reduce_population_count3A_237, %reduce_max3A_241 : vector<16xi32>
      %reduce_max3A_243 = tpu.scan <max>, %reduce_max3A_242 masked %reduce_max3A_239 : vector<16xi32>, vector<16xi1> -> vector<16xi32>
      %reduce_max3A_244 = arith.xori %reduce_max3A_243, %reduce_max3A_241 : vector<16xi32>
      %reduce_max3A_245 = vector.extract %reduce_max3A_244[15] : i32 from vector<16xi32>
      %add3A_246 = arith.addi %add3A_193, %reduce_max3A_245 : i32
      %get3A_247 = arith.index_cast %scan3A_92 : i32 to index
      %get3A_248 = arith.constant 48 : index
      %get3A_249 = tpu.vector_load %arg11[%get3A_247, %get3A_248] {strides = array<i32>} : memref<40x128xi32, #tpu.memory_space<vmem>>, vector<16xi32>,
      %jit3A_250 = arith.constant 10000 : i32
      %div3A_251 = vector.broadcast %jit3A_250 : i32 to vector<16xi32>
      %div3A_252 = arith.divsi %get3A_249, %div3A_251 : vector<16xi32>
      %sign3A_253 = arith.constant 0 : i32
      %sign3A_254 = vector.broadcast %sign3A_253 : i32 to vector<16xi32>
      %sign3A_255 = arith.cmpi sgt, %get3A_249, %sign3A_254 : vector<16xi32>
      %sign3A_256 = arith.extui %sign3A_255 : vector<16xi1> to vector<16xi32>
      %sign3A_257 = arith.constant 0 : i32
      %sign3A_258 = vector.broadcast %sign3A_257 : i32 to vector<16xi32>
      %sign3A_259 = arith.cmpi slt, %get3A_249, %sign3A_258 : vector<16xi32>
      %sign3A_260 = arith.extui %sign3A_259 : vector<16xi1> to vector<16xi32>
      %sign3A_261 = arith.subi %sign3A_256, %sign3A_260 : vector<16xi32>
      %sign3A_262 = arith.constant 0 : i32
      %sign3A_263 = arith.cmpi sgt, %jit3A_250, %sign3A_262 : i32
      %sign3A_264 = arith.extui %sign3A_263 : i1 to i32
      %sign3A_265 = arith.constant 0 : i32
      %sign3A_266 = arith.cmpi slt, %jit3A_250, %sign3A_265 : i32
      %sign3A_267 = arith.extui %sign3A_266 : i1 to i32
      %sign3A_268 = arith.subi %sign3A_264, %sign3A_267 : i32
      %ne3A_269 = vector.broadcast %sign3A_268 : i32 to vector<16xi32>
      %ne3A_270 = arith.cmpi ne, %sign3A_261, %ne3A_269 : vector<16xi32>
      %rem3A_271 = vector.broadcast %jit3A_250 : i32 to vector<16xi32>
      %rem3A_272 = arith.remsi %get3A_249, %rem3A_271 : vector<16xi32>
      %ne3A_273 = arith.constant 0 : i32
      %ne3A_274 = vector.broadcast %ne3A_273 : i32 to vector<16xi32>
      %ne3A_275 = arith.cmpi ne, %rem3A_272, %ne3A_274 : vector<16xi32>
      %and3A_276 = arith.andi %ne3A_270, %ne3A_275 : vector<16xi1>
      %sub3A_277 = arith.constant 1 : i32
      %sub3A_278 = vector.broadcast %sub3A_277 : i32 to vector<16xi32>
      %sub3A_279 = arith.subi %div3A_252, %sub3A_278 : vector<16xi32>
      %select_n3A_280 = arith.select %and3A_276, %sub3A_279, %div3A_252 : vector<16xi1>, vector<16xi32>
      %ge3A_281 = arith.constant 5000 : i32
      %ge3A_282 = vector.broadcast %ge3A_281 : i32 to vector<16xi32>
      %ge3A_283 = arith.cmpi sge, %select_n3A_280, %ge3A_282 : vector<16xi32>
      %lt3A_284 = arith.constant 10000 : i32
      %lt3A_285 = vector.broadcast %lt3A_284 : i32 to vector<16xi32>
      %lt3A_286 = arith.cmpi slt, %select_n3A_280, %lt3A_285 : vector<16xi32>
      %and3A_287 = arith.andi %ge3A_283, %lt3A_286 : vector<16xi1>
      %swap3A_288 = arith.index_cast %add3A_246 : i32 to index
      %swap3A_289 = tpu.vector_load %arg12[%swap3A_288] masked %and3A_287 {strides = array<i32>} : memref<5248xi32, #tpu.memory_space<vmem>>, vector<16xi32>, vector<16xi1>
      tpu.vector_store %arg12[%swap3A_288], %get3A_249 masked %and3A_287 {strides = array<i32>} : memref<5248xi32, #tpu.memory_space<vmem>>, vector<16xi32>, vector<16xi1>
      %all_reduce_population_count3A_290 = tpu.all_reduce %and3A_287 {dim = 0 : i64, kind = #tpu.reduction_kind<sum>} : vector<16xi1> -> vector<16xi32>
      %reduce_max3A_291 = arith.constant true
      %reduce_max3A_292 = vector.broadcast %reduce_max3A_291 : i1 to vector<16xi1>
      %reduce_max3A_293 = arith.constant -2147483648 : i32
      %reduce_max3A_294 = vector.broadcast %reduce_max3A_293 : i32 to vector<16xi32>
      %reduce_max3A_295 = arith.xori %all_reduce_population_count3A_290, %reduce_max3A_294 : vector<16xi32>
      %reduce_max3A_296 = tpu.scan <max>, %reduce_max3A_295 masked %reduce_max3A_292 : vector<16xi32>, vector<16xi1> -> vector<16xi32>
      %reduce_max3A_297 = arith.xori %reduce_max3A_296, %reduce_max3A_294 : vector<16xi32>
      %reduce_max3A_298 = vector.extract %reduce_max3A_297[15] : i32 from vector<16xi32>
      %add3A_299 = arith.addi %add3A_246, %reduce_max3A_298 : i32
      %get3A_300 = arith.index_cast %scan3A_92 : i32 to index
      %get3A_301 = arith.constant 64 : index
      %get3A_302 = tpu.vector_load %arg11[%get3A_300, %get3A_301] {strides = array<i32>} : memref<40x128xi32, #tpu.memory_space<vmem>>, vector<16xi32>,
      %jit3A_303 = arith.constant 10000 : i32
      %div3A_304 = vector.broadcast %jit3A_303 : i32 to vector<16xi32>
      %div3A_305 = arith.divsi %get3A_302, %div3A_304 : vector<16xi32>
      %sign3A_306 = arith.constant 0 : i32
      %sign3A_307 = vector.broadcast %sign3A_306 : i32 to vector<16xi32>
      %sign3A_308 = arith.cmpi sgt, %get3A_302, %sign3A_307 : vector<16xi32>
      %sign3A_309 = arith.extui %sign3A_308 : vector<16xi1> to vector<16xi32>
      %sign3A_310 = arith.constant 0 : i32
      %sign3A_311 = vector.broadcast %sign3A_310 : i32 to vector<16xi32>
      %sign3A_312 = arith.cmpi slt, %get3A_302, %sign3A_311 : vector<16xi32>
      %sign3A_313 = arith.extui %sign3A_312 : vector<16xi1> to vector<16xi32>
      %sign3A_314 = arith.subi %sign3A_309, %sign3A_313 : vector<16xi32>
      %sign3A_315 = arith.constant 0 : i32
      %sign3A_316 = arith.cmpi sgt, %jit3A_303, %sign3A_315 : i32
      %sign3A_317 = arith.extui %sign3A_316 : i1 to i32
      %sign3A_318 = arith.constant 0 : i32
      %sign3A_319 = arith.cmpi slt, %jit3A_303, %sign3A_318 : i32
      %sign3A_320 = arith.extui %sign3A_319 : i1 to i32
      %sign3A_321 = arith.subi %sign3A_317, %sign3A_320 : i32
      %ne3A_322 = vector.broadcast %sign3A_321 : i32 to vector<16xi32>
      %ne3A_323 = arith.cmpi ne, %sign3A_314, %ne3A_322 : vector<16xi32>
      %rem3A_324 = vector.broadcast %jit3A_303 : i32 to vector<16xi32>
      %rem3A_325 = arith.remsi %get3A_302, %rem3A_324 : vector<16xi32>
      %ne3A_326 = arith.constant 0 : i32
      %ne3A_327 = vector.broadcast %ne3A_326 : i32 to vector<16xi32>
      %ne3A_328 = arith.cmpi ne, %rem3A_325, %ne3A_327 : vector<16xi32>
      %and3A_329 = arith.andi %ne3A_323, %ne3A_328 : vector<16xi1>
      %sub3A_330 = arith.constant 1 : i32
      %sub3A_331 = vector.broadcast %sub3A_330 : i32 to vector<16xi32>
      %sub3A_332 = arith.subi %div3A_305, %sub3A_331 : vector<16xi32>
      %select_n3A_333 = arith.select %and3A_329, %sub3A_332, %div3A_305 : vector<16xi1>, vector<16xi32>
      %ge3A_334 = arith.constant 5000 : i32
      %ge3A_335 = vector.broadcast %ge3A_334 : i32 to vector<16xi32>
      %ge3A_336 = arith.cmpi sge, %select_n3A_333, %ge3A_335 : vector<16xi32>
      %lt3A_337 = arith.constant 10000 : i32
      %lt3A_338 = vector.broadcast %lt3A_337 : i32 to vector<16xi32>
      %lt3A_339 = arith.cmpi slt, %select_n3A_333, %lt3A_338 : vector<16xi32>
      %and3A_340 = arith.andi %ge3A_336, %lt3A_339 : vector<16xi1>
      %swap3A_341 = arith.index_cast %add3A_299 : i32 to index
      %swap3A_342 = tpu.vector_load %arg12[%swap3A_341] masked %and3A_340 {strides = array<i32>} : memref<5248xi32, #tpu.memory_space<vmem>>, vector<16xi32>, vector<16xi1>
      tpu.vector_store %arg12[%swap3A_341], %get3A_302 masked %and3A_340 {strides = array<i32>} : memref<5248xi32, #tpu.memory_space<vmem>>, vector<16xi32>, vector<16xi1>
      %all_reduce_population_count3A_343 = tpu.all_reduce %and3A_340 {dim = 0 : i64, kind = #tpu.reduction_kind<sum>} : vector<16xi1> -> vector<16xi32>
      %reduce_max3A_344 = arith.constant true
      %reduce_max3A_345 = vector.broadcast %reduce_max3A_344 : i1 to vector<16xi1>
      %reduce_max3A_346 = arith.constant -2147483648 : i32
      %reduce_max3A_347 = vector.broadcast %reduce_max3A_346 : i32 to vector<16xi32>
      %reduce_max3A_348 = arith.xori %all_reduce_population_count3A_343, %reduce_max3A_347 : vector<16xi32>
      %reduce_max3A_349 = tpu.scan <max>, %reduce_max3A_348 masked %reduce_max3A_345 : vector<16xi32>, vector<16xi1> -> vector<16xi32>
      %reduce_max3A_350 = arith.xori %reduce_max3A_349, %reduce_max3A_347 : vector<16xi32>
      %reduce_max3A_351 = vector.extract %reduce_max3A_350[15] : i32 from vector<16xi32>
      %add3A_352 = arith.addi %add3A_299, %reduce_max3A_351 : i32
      %get3A_353 = arith.index_cast %scan3A_92 : i32 to index
      %get3A_354 = arith.constant 80 : index
      %get3A_355 = tpu.vector_load %arg11[%get3A_353, %get3A_354] {strides = array<i32>} : memref<40x128xi32, #tpu.memory_space<vmem>>, vector<16xi32>,
      %jit3A_356 = arith.constant 10000 : i32
      %div3A_357 = vector.broadcast %jit3A_356 : i32 to vector<16xi32>
      %div3A_358 = arith.divsi %get3A_355, %div3A_357 : vector<16xi32>
      %sign3A_359 = arith.constant 0 : i32
      %sign3A_360 = vector.broadcast %sign3A_359 : i32 to vector<16xi32>
      %sign3A_361 = arith.cmpi sgt, %get3A_355, %sign3A_360 : vector<16xi32>
      %sign3A_362 = arith.extui %sign3A_361 : vector<16xi1> to vector<16xi32>
      %sign3A_363 = arith.constant 0 : i32
      %sign3A_364 = vector.broadcast %sign3A_363 : i32 to vector<16xi32>
      %sign3A_365 = arith.cmpi slt, %get3A_355, %sign3A_364 : vector<16xi32>
      %sign3A_366 = arith.extui %sign3A_365 : vector<16xi1> to vector<16xi32>
      %sign3A_367 = arith.subi %sign3A_362, %sign3A_366 : vector<16xi32>
      %sign3A_368 = arith.constant 0 : i32
      %sign3A_369 = arith.cmpi sgt, %jit3A_356, %sign3A_368 : i32
      %sign3A_370 = arith.extui %sign3A_369 : i1 to i32
      %sign3A_371 = arith.constant 0 : i32
      %sign3A_372 = arith.cmpi slt, %jit3A_356, %sign3A_371 : i32
      %sign3A_373 = arith.extui %sign3A_372 : i1 to i32
      %sign3A_374 = arith.subi %sign3A_370, %sign3A_373 : i32
      %ne3A_375 = vector.broadcast %sign3A_374 : i32 to vector<16xi32>
      %ne3A_376 = arith.cmpi ne, %sign3A_367, %ne3A_375 : vector<16xi32>
      %rem3A_377 = vector.broadcast %jit3A_356 : i32 to vector<16xi32>
      %rem3A_378 = arith.remsi %get3A_355, %rem3A_377 : vector<16xi32>
      %ne3A_379 = arith.constant 0 : i32
      %ne3A_380 = vector.broadcast %ne3A_379 : i32 to vector<16xi32>
      %ne3A_381 = arith.cmpi ne, %rem3A_378, %ne3A_380 : vector<16xi32>
      %and3A_382 = arith.andi %ne3A_376, %ne3A_381 : vector<16xi1>
      %sub3A_383 = arith.constant 1 : i32
      %sub3A_384 = vector.broadcast %sub3A_383 : i32 to vector<16xi32>
      %sub3A_385 = arith.subi %div3A_358, %sub3A_384 : vector<16xi32>
      %select_n3A_386 = arith.select %and3A_382, %sub3A_385, %div3A_358 : vector<16xi1>, vector<16xi32>
      %ge3A_387 = arith.constant 5000 : i32
      %ge3A_388 = vector.broadcast %ge3A_387 : i32 to vector<16xi32>
      %ge3A_389 = arith.cmpi sge, %select_n3A_386, %ge3A_388 : vector<16xi32>
      %lt3A_390 = arith.constant 10000 : i32
      %lt3A_391 = vector.broadcast %lt3A_390 : i32 to vector<16xi32>
      %lt3A_392 = arith.cmpi slt, %select_n3A_386, %lt3A_391 : vector<16xi32>
      %and3A_393 = arith.andi %ge3A_389, %lt3A_392 : vector<16xi1>
      %swap3A_394 = arith.index_cast %add3A_352 : i32 to index
      %swap3A_395 = tpu.vector_load %arg12[%swap3A_394] masked %and3A_393 {strides = array<i32>} : memref<5248xi32, #tpu.memory_space<vmem>>, vector<16xi32>, vector<16xi1>
      tpu.vector_store %arg12[%swap3A_394], %get3A_355 masked %and3A_393 {strides = array<i32>} : memref<5248xi32, #tpu.memory_space<vmem>>, vector<16xi32>, vector<16xi1>
      %all_reduce_population_count3A_396 = tpu.all_reduce %and3A_393 {dim = 0 : i64, kind = #tpu.reduction_kind<sum>} : vector<16xi1> -> vector<16xi32>
      %reduce_max3A_397 = arith.constant true
      %reduce_max3A_398 = vector.broadcast %reduce_max3A_397 : i1 to vector<16xi1>
      %reduce_max3A_399 = arith.constant -2147483648 : i32
      %reduce_max3A_400 = vector.broadcast %reduce_max3A_399 : i32 to vector<16xi32>
      %reduce_max3A_401 = arith.xori %all_reduce_population_count3A_396, %reduce_max3A_400 : vector<16xi32>
      %reduce_max3A_402 = tpu.scan <max>, %reduce_max3A_401 masked %reduce_max3A_398 : vector<16xi32>, vector<16xi1> -> vector<16xi32>
      %reduce_max3A_403 = arith.xori %reduce_max3A_402, %reduce_max3A_400 : vector<16xi32>
      %reduce_max3A_404 = vector.extract %reduce_max3A_403[15] : i32 from vector<16xi32>
      %add3A_405 = arith.addi %add3A_352, %reduce_max3A_404 : i32
      %get3A_406 = arith.index_cast %scan3A_92 : i32 to index
      %get3A_407 = arith.constant 96 : index
      %get3A_408 = tpu.vector_load %arg11[%get3A_406, %get3A_407] {strides = array<i32>} : memref<40x128xi32, #tpu.memory_space<vmem>>, vector<16xi32>,
      %jit3A_409 = arith.constant 10000 : i32
      %div3A_410 = vector.broadcast %jit3A_409 : i32 to vector<16xi32>
      %div3A_411 = arith.divsi %get3A_408, %div3A_410 : vector<16xi32>
      %sign3A_412 = arith.constant 0 : i32
      %sign3A_413 = vector.broadcast %sign3A_412 : i32 to vector<16xi32>
      %sign3A_414 = arith.cmpi sgt, %get3A_408, %sign3A_413 : vector<16xi32>
      %sign3A_415 = arith.extui %sign3A_414 : vector<16xi1> to vector<16xi32>
      %sign3A_416 = arith.constant 0 : i32
      %sign3A_417 = vector.broadcast %sign3A_416 : i32 to vector<16xi32>
      %sign3A_418 = arith.cmpi slt, %get3A_408, %sign3A_417 : vector<16xi32>
      %sign3A_419 = arith.extui %sign3A_418 : vector<16xi1> to vector<16xi32>
      %sign3A_420 = arith.subi %sign3A_415, %sign3A_419 : vector<16xi32>
      %sign3A_421 = arith.constant 0 : i32
      %sign3A_422 = arith.cmpi sgt, %jit3A_409, %sign3A_421 : i32
      %sign3A_423 = arith.extui %sign3A_422 : i1 to i32
      %sign3A_424 = arith.constant 0 : i32
      %sign3A_425 = arith.cmpi slt, %jit3A_409, %sign3A_424 : i32
      %sign3A_426 = arith.extui %sign3A_425 : i1 to i32
      %sign3A_427 = arith.subi %sign3A_423, %sign3A_426 : i32
      %ne3A_428 = vector.broadcast %sign3A_427 : i32 to vector<16xi32>
      %ne3A_429 = arith.cmpi ne, %sign3A_420, %ne3A_428 : vector<16xi32>
      %rem3A_430 = vector.broadcast %jit3A_409 : i32 to vector<16xi32>
      %rem3A_431 = arith.remsi %get3A_408, %rem3A_430 : vector<16xi32>
      %ne3A_432 = arith.constant 0 : i32
      %ne3A_433 = vector.broadcast %ne3A_432 : i32 to vector<16xi32>
      %ne3A_434 = arith.cmpi ne, %rem3A_431, %ne3A_433 : vector<16xi32>
      %and3A_435 = arith.andi %ne3A_429, %ne3A_434 : vector<16xi1>
      %sub3A_436 = arith.constant 1 : i32
      %sub3A_437 = vector.broadcast %sub3A_436 : i32 to vector<16xi32>
      %sub3A_438 = arith.subi %div3A_411, %sub3A_437 : vector<16xi32>
      %select_n3A_439 = arith.select %and3A_435, %sub3A_438, %div3A_411 : vector<16xi1>, vector<16xi32>
      %ge3A_440 = arith.constant 5000 : i32
      %ge3A_441 = vector.broadcast %ge3A_440 : i32 to vector<16xi32>
      %ge3A_442 = arith.cmpi sge, %select_n3A_439, %ge3A_441 : vector<16xi32>
      %lt3A_443 = arith.constant 10000 : i32
      %lt3A_444 = vector.broadcast %lt3A_443 : i32 to vector<16xi32>
      %lt3A_445 = arith.cmpi slt, %select_n3A_439, %lt3A_444 : vector<16xi32>
      %and3A_446 = arith.andi %ge3A_442, %lt3A_445 : vector<16xi1>
      %swap3A_447 = arith.index_cast %add3A_405 : i32 to index
      %swap3A_448 = tpu.vector_load %arg12[%swap3A_447] masked %and3A_446 {strides = array<i32>} : memref<5248xi32, #tpu.memory_space<vmem>>, vector<16xi32>, vector<16xi1>
      tpu.vector_store %arg12[%swap3A_447], %get3A_408 masked %and3A_446 {strides = array<i32>} : memref<5248xi32, #tpu.memory_space<vmem>>, vector<16xi32>, vector<16xi1>
      %all_reduce_population_count3A_449 = tpu.all_reduce %and3A_446 {dim = 0 : i64, kind = #tpu.reduction_kind<sum>} : vector<16xi1> -> vector<16xi32>
      %reduce_max3A_450 = arith.constant true
      %reduce_max3A_451 = vector.broadcast %reduce_max3A_450 : i1 to vector<16xi1>
      %reduce_max3A_452 = arith.constant -2147483648 : i32
      %reduce_max3A_453 = vector.broadcast %reduce_max3A_452 : i32 to vector<16xi32>
      %reduce_max3A_454 = arith.xori %all_reduce_population_count3A_449, %reduce_max3A_453 : vector<16xi32>
      %reduce_max3A_455 = tpu.scan <max>, %reduce_max3A_454 masked %reduce_max3A_451 : vector<16xi32>, vector<16xi1> -> vector<16xi32>
      %reduce_max3A_456 = arith.xori %reduce_max3A_455, %reduce_max3A_453 : vector<16xi32>
      %reduce_max3A_457 = vector.extract %reduce_max3A_456[15] : i32 from vector<16xi32>
      %add3A_458 = arith.addi %add3A_405, %reduce_max3A_457 : i32
      %get3A_459 = arith.index_cast %scan3A_92 : i32 to index
      %get3A_460 = arith.constant 112 : index
      %get3A_461 = tpu.vector_load %arg11[%get3A_459, %get3A_460] {strides = array<i32>} : memref<40x128xi32, #tpu.memory_space<vmem>>, vector<16xi32>,
      %jit3A_462 = arith.constant 10000 : i32
      %div3A_463 = vector.broadcast %jit3A_462 : i32 to vector<16xi32>
      %div3A_464 = arith.divsi %get3A_461, %div3A_463 : vector<16xi32>
      %sign3A_465 = arith.constant 0 : i32
      %sign3A_466 = vector.broadcast %sign3A_465 : i32 to vector<16xi32>
      %sign3A_467 = arith.cmpi sgt, %get3A_461, %sign3A_466 : vector<16xi32>
      %sign3A_468 = arith.extui %sign3A_467 : vector<16xi1> to vector<16xi32>
      %sign3A_469 = arith.constant 0 : i32
      %sign3A_470 = vector.broadcast %sign3A_469 : i32 to vector<16xi32>
      %sign3A_471 = arith.cmpi slt, %get3A_461, %sign3A_470 : vector<16xi32>
      %sign3A_472 = arith.extui %sign3A_471 : vector<16xi1> to vector<16xi32>
      %sign3A_473 = arith.subi %sign3A_468, %sign3A_472 : vector<16xi32>
      %sign3A_474 = arith.constant 0 : i32
      %sign3A_475 = arith.cmpi sgt, %jit3A_462, %sign3A_474 : i32
      %sign3A_476 = arith.extui %sign3A_475 : i1 to i32
      %sign3A_477 = arith.constant 0 : i32
      %sign3A_478 = arith.cmpi slt, %jit3A_462, %sign3A_477 : i32
      %sign3A_479 = arith.extui %sign3A_478 : i1 to i32
      %sign3A_480 = arith.subi %sign3A_476, %sign3A_479 : i32
      %ne3A_481 = vector.broadcast %sign3A_480 : i32 to vector<16xi32>
      %ne3A_482 = arith.cmpi ne, %sign3A_473, %ne3A_481 : vector<16xi32>
      %rem3A_483 = vector.broadcast %jit3A_462 : i32 to vector<16xi32>
      %rem3A_484 = arith.remsi %get3A_461, %rem3A_483 : vector<16xi32>
      %ne3A_485 = arith.constant 0 : i32
      %ne3A_486 = vector.broadcast %ne3A_485 : i32 to vector<16xi32>
      %ne3A_487 = arith.cmpi ne, %rem3A_484, %ne3A_486 : vector<16xi32>
      %and3A_488 = arith.andi %ne3A_482, %ne3A_487 : vector<16xi1>
      %sub3A_489 = arith.constant 1 : i32
      %sub3A_490 = vector.broadcast %sub3A_489 : i32 to vector<16xi32>
      %sub3A_491 = arith.subi %div3A_464, %sub3A_490 : vector<16xi32>
      %select_n3A_492 = arith.select %and3A_488, %sub3A_491, %div3A_464 : vector<16xi1>, vector<16xi32>
      %ge3A_493 = arith.constant 5000 : i32
      %ge3A_494 = vector.broadcast %ge3A_493 : i32 to vector<16xi32>
      %ge3A_495 = arith.cmpi sge, %select_n3A_492, %ge3A_494 : vector<16xi32>
      %lt3A_496 = arith.constant 10000 : i32
      %lt3A_497 = vector.broadcast %lt3A_496 : i32 to vector<16xi32>
      %lt3A_498 = arith.cmpi slt, %select_n3A_492, %lt3A_497 : vector<16xi32>
      %and3A_499 = arith.andi %ge3A_495, %lt3A_498 : vector<16xi1>
      %swap3A_500 = arith.index_cast %add3A_458 : i32 to index
      %swap3A_501 = tpu.vector_load %arg12[%swap3A_500] masked %and3A_499 {strides = array<i32>} : memref<5248xi32, #tpu.memory_space<vmem>>, vector<16xi32>, vector<16xi1>
      tpu.vector_store %arg12[%swap3A_500], %get3A_461 masked %and3A_499 {strides = array<i32>} : memref<5248xi32, #tpu.memory_space<vmem>>, vector<16xi32>, vector<16xi1>
      %all_reduce_population_count3A_502 = tpu.all_reduce %and3A_499 {dim = 0 : i64, kind = #tpu.reduction_kind<sum>} : vector<16xi1> -> vector<16xi32>
      %reduce_max3A_503 = arith.constant true
      %reduce_max3A_504 = vector.broadcast %reduce_max3A_503 : i1 to vector<16xi1>
      %reduce_max3A_505 = arith.constant -2147483648 : i32
      %reduce_max3A_506 = vector.broadcast %reduce_max3A_505 : i32 to vector<16xi32>
      %reduce_max3A_507 = arith.xori %all_reduce_population_count3A_502, %reduce_max3A_506 : vector<16xi32>
      %reduce_max3A_508 = tpu.scan <max>, %reduce_max3A_507 masked %reduce_max3A_504 : vector<16xi32>, vector<16xi1> -> vector<16xi32>
      %reduce_max3A_509 = arith.xori %reduce_max3A_508, %reduce_max3A_506 : vector<16xi32>
      %reduce_max3A_510 = vector.extract %reduce_max3A_509[15] : i32 from vector<16xi32>
      %add3A_511 = arith.addi %add3A_458, %reduce_max3A_510 : i32
      scf.yield %add3A_511 : i32
    }
    %scan3A_10 = arith.constant 40 : i32
    %scan3A_11 = arith.constant 0 : i32
    %scan3A_12 = arith.constant 0 : i32
    %scan3A_13 = arith.constant 328 : i32
    %scan3A_14 = arith.addi %scan3A_12, %scan3A_13 : i32
    %scan3A_15 = arith.constant 1 : i32
    scf.for %scan3A_92 = %scan3A_12 to %scan3A_14 step %scan3A_15  : i32 {
      %broadcast_in_dim3A = arith.constant 50560000 : i32
      %broadcast_in_dim3A_93 = vector.broadcast %broadcast_in_dim3A : i32 to vector<16xi32>
      %shift_right_arithmetic3A = arith.constant 3 : i32
      %shift_right_arithmetic3A_94 = arith.shrsi %scan3A_92, %shift_right_arithmetic3A : i32
      %and3A_95 = arith.constant 7 : i32
      %and3A_96 = arith.andi %scan3A_92, %and3A_95 : i32
      %mul3A_97 = arith.constant 16 : i32
      %mul3A_98 = arith.muli %and3A_96, %mul3A_97 : i32
      %swap3A = arith.index_cast %shift_right_arithmetic3A_94 : i32 to index
      %swap3A_99 = arith.index_cast %mul3A_98 : i32 to index
      %swap3A_100 = tpu.vector_load %arg14[%swap3A, %swap3A_99] {strides = array<i32>} : memref<41x128xi32, #tpu.memory_space<vmem>>, vector<16xi32>,
      tpu.vector_store %arg14[%swap3A, %swap3A_99], %broadcast_in_dim3A_93 {strides = array<i32>} : memref<41x128xi32, #tpu.memory_space<vmem>>, vector<16xi32>,
    }
    %scan3A_16 = arith.constant 328 : i32
    %add3A_17 = arith.constant 15 : i32
    %add3A_18 = arith.addi %scan3A_9, %add3A_17 : i32
    %jit3A = arith.constant 16 : i32
    %div3A = arith.divsi %add3A_18, %jit3A : i32
    %sign3A = arith.constant 0 : i32
    %sign3A_19 = arith.cmpi sgt, %add3A_18, %sign3A : i32
    %sign3A_20 = arith.extui %sign3A_19 : i1 to i32
    %sign3A_21 = arith.constant 0 : i32
    %sign3A_22 = arith.cmpi slt, %add3A_18, %sign3A_21 : i32
    %sign3A_23 = arith.extui %sign3A_22 : i1 to i32
    %sign3A_24 = arith.subi %sign3A_20, %sign3A_23 : i32
    %sign3A_25 = arith.constant 0 : i32
    %sign3A_26 = arith.cmpi sgt, %jit3A, %sign3A_25 : i32
    %sign3A_27 = arith.extui %sign3A_26 : i1 to i32
    %sign3A_28 = arith.constant 0 : i32
    %sign3A_29 = arith.cmpi slt, %jit3A, %sign3A_28 : i32
    %sign3A_30 = arith.extui %sign3A_29 : i1 to i32
    %sign3A_31 = arith.subi %sign3A_27, %sign3A_30 : i32
    %ne3A = arith.cmpi ne, %sign3A_24, %sign3A_31 : i32
    %rem3A = arith.remsi %add3A_18, %jit3A : i32
    %ne3A_32 = arith.constant 0 : i32
    %ne3A_33 = arith.cmpi ne, %rem3A, %ne3A_32 : i32
    %and3A = arith.andi %ne3A, %ne3A_33 : i1
    %sub3A = arith.constant 1 : i32
    %sub3A_34 = arith.subi %div3A, %sub3A : i32
    %select_n3A = arith.select %and3A, %sub3A_34, %div3A : i32
    %while3A = arith.constant 0 : i32
    %while3A_35 = arith.constant 0 : i32
    %while3A_36 = arith.subi %select_n3A, %while3A_35 : i32
    %while3A_37 = arith.addi %while3A_35, %while3A_36 : i32
    %while3A_38 = arith.constant 1 : i32
    %while3A_39 = arith.divsi %while3A_36, %while3A_38 : i32
    %while3A_40 = arith.muli %while3A_39, %while3A_38 : i32
    %while3A_41 = arith.addi %while3A_35, %while3A_40 : i32
    %while3A_42 = arith.constant 1 : i32
    scf.for %while3A_92 = %while3A_35 to %while3A_41 step %while3A_42  : i32 {
      %mul3A_93 = arith.constant 16 : i32
      %mul3A_94 = arith.muli %while3A_92, %mul3A_93 : i32
      %get3A = arith.index_cast %mul3A_94 : i32 to index
      %get3A_95 = tpu.vector_load %arg12[%get3A] {strides = array<i32>} : memref<5248xi32, #tpu.memory_space<vmem>>, vector<16xi32>,
      %sub3A_96 = arith.subi %scan3A_9, %mul3A_94 : i32
      %lt3A = vector.broadcast %sub3A_96 : i32 to vector<16xi32>
      %lt3A_97 = arith.cmpi slt, %iota3A, %lt3A : vector<16xi32>
      %jit3A_98 = arith.constant 0 : i32
      %broadcast_in_dim3A = vector.broadcast %jit3A_98 : i32 to vector<16xi32>
      %select_n3A_99 = arith.select %lt3A_97, %get3A_95, %broadcast_in_dim3A : vector<16xi1>, vector<16xi32>
      %jit3A_100 = arith.constant 10000 : i32
      %div3A_101 = vector.broadcast %jit3A_100 : i32 to vector<16xi32>
      %div3A_102 = arith.divsi %select_n3A_99, %div3A_101 : vector<16xi32>
      %sign3A_103 = arith.constant 0 : i32
      %sign3A_104 = vector.broadcast %sign3A_103 : i32 to vector<16xi32>
      %sign3A_105 = arith.cmpi sgt, %select_n3A_99, %sign3A_104 : vector<16xi32>
      %sign3A_106 = arith.extui %sign3A_105 : vector<16xi1> to vector<16xi32>
      %sign3A_107 = arith.constant 0 : i32
      %sign3A_108 = vector.broadcast %sign3A_107 : i32 to vector<16xi32>
      %sign3A_109 = arith.cmpi slt, %select_n3A_99, %sign3A_108 : vector<16xi32>
      %sign3A_110 = arith.extui %sign3A_109 : vector<16xi1> to vector<16xi32>
      %sign3A_111 = arith.subi %sign3A_106, %sign3A_110 : vector<16xi32>
      %sign3A_112 = arith.constant 0 : i32
      %sign3A_113 = arith.cmpi sgt, %jit3A_100, %sign3A_112 : i32
      %sign3A_114 = arith.extui %sign3A_113 : i1 to i32
      %sign3A_115 = arith.constant 0 : i32
      %sign3A_116 = arith.cmpi slt, %jit3A_100, %sign3A_115 : i32
      %sign3A_117 = arith.extui %sign3A_116 : i1 to i32
      %sign3A_118 = arith.subi %sign3A_114, %sign3A_117 : i32
      %ne3A_119 = vector.broadcast %sign3A_118 : i32 to vector<16xi32>
      %ne3A_120 = arith.cmpi ne, %sign3A_111, %ne3A_119 : vector<16xi32>
      %rem3A_121 = vector.broadcast %jit3A_100 : i32 to vector<16xi32>
      %rem3A_122 = arith.remsi %select_n3A_99, %rem3A_121 : vector<16xi32>
      %ne3A_123 = arith.constant 0 : i32
      %ne3A_124 = vector.broadcast %ne3A_123 : i32 to vector<16xi32>
      %ne3A_125 = arith.cmpi ne, %rem3A_122, %ne3A_124 : vector<16xi32>
      %and3A_126 = arith.andi %ne3A_120, %ne3A_125 : vector<16xi1>
      %sub3A_127 = arith.constant 1 : i32
      %sub3A_128 = vector.broadcast %sub3A_127 : i32 to vector<16xi32>
      %sub3A_129 = arith.subi %div3A_102, %sub3A_128 : vector<16xi32>
      %select_n3A_130 = arith.select %and3A_126, %sub3A_129, %div3A_102 : vector<16xi1>, vector<16xi32>
      %mul3A_131 = arith.constant 10000 : i32
      %mul3A_132 = vector.broadcast %mul3A_131 : i32 to vector<16xi32>
      %mul3A_133 = arith.muli %select_n3A_130, %mul3A_132 : vector<16xi32>
      %sub3A_134 = arith.subi %select_n3A_99, %mul3A_133 : vector<16xi32>
      %gather3A = tpu.vector_load_idx %arg9[%select_n3A_130] : memref<10016xf32, #tpu.memory_space<vmem>>[vector<16xi32>], vector<16xf32>,
      %gather3A_135 = tpu.vector_load_idx %arg10[%sub3A_134] : memref<10016xf32, #tpu.memory_space<vmem>>[vector<16xi32>], vector<16xf32>,
      %add3A_136 = arith.addf %gather3A, %gather3A_135 : vector<16xf32>
      %ge3A = arith.constant 0.000000e+00 : f32
      %ge3A_137 = vector.broadcast %ge3A : f32 to vector<16xf32>
      %ge3A_138 = arith.cmpf oge, %add3A_136, %ge3A_137 : vector<16xf32>
      %mul3A_139 = arith.constant 1.000000e-01 : f32
      %mul3A_140 = vector.broadcast %mul3A_139 : f32 to vector<16xf32>
      %mul3A_141 = arith.mulf %mul3A_140, %add3A_136 : vector<16xf32>
      %select_n3A_142 = arith.select %ge3A_138, %add3A_136, %mul3A_141 : vector<16xi1>, vector<16xf32>
      %exp3A = math.exp %select_n3A_142 : vector<16xf32>
      %mul3A_143 = arith.constant 112 : i32
      %mul3A_144 = vector.broadcast %mul3A_143 : i32 to vector<16xi32>
      %mul3A_145 = arith.muli %select_n3A_130, %mul3A_144 : vector<16xi32>
      %add3A_146 = arith.addi %select_n3A_99, %mul3A_145 : vector<16xi32>
      %sub3A_147 = arith.constant 50560000 : i32
      %sub3A_148 = vector.broadcast %sub3A_147 : i32 to vector<16xi32>
      %sub3A_149 = arith.subi %add3A_146, %sub3A_148 : vector<16xi32>
      %jit3A_150 = arith.constant 50560000 : i32
      %broadcast_in_dim3A_151 = vector.broadcast %jit3A_150 : i32 to vector<16xi32>
      %select_n3A_152 = arith.select %lt3A_97, %sub3A_149, %broadcast_in_dim3A_151 : vector<16xi1>, vector<16xi32>
      %shift_right_arithmetic3A = arith.constant 3 : i32
      %shift_right_arithmetic3A_153 = arith.shrsi %while3A_92, %shift_right_arithmetic3A : i32
      %and3A_154 = arith.constant 7 : i32
      %and3A_155 = arith.andi %while3A_92, %and3A_154 : i32
      %mul3A_156 = arith.constant 16 : i32
      %mul3A_157 = arith.muli %and3A_155, %mul3A_156 : i32
      %swap3A = arith.index_cast %shift_right_arithmetic3A_153 : i32 to index
      %swap3A_158 = arith.index_cast %mul3A_157 : i32 to index
      %swap3A_159 = tpu.vector_load %arg13[%swap3A, %swap3A_158] {strides = array<i32>} : memref<41x128xf32, #tpu.memory_space<vmem>>, vector<16xf32>,
      tpu.vector_store %arg13[%swap3A, %swap3A_158], %exp3A {strides = array<i32>} : memref<41x128xf32, #tpu.memory_space<vmem>>, vector<16xf32>,
      %swap3A_160 = arith.index_cast %shift_right_arithmetic3A_153 : i32 to index
      %swap3A_161 = arith.index_cast %mul3A_157 : i32 to index
      %swap3A_162 = tpu.vector_load %arg14[%swap3A_160, %swap3A_161] {strides = array<i32>} : memref<41x128xi32, #tpu.memory_space<vmem>>, vector<16xi32>,
      tpu.vector_store %arg14[%swap3A_160, %swap3A_161], %select_n3A_152 {strides = array<i32>} : memref<41x128xi32, #tpu.memory_space<vmem>>, vector<16xi32>,
    }
    %while3A_43 = arith.constant 1 : i32
    scf.for %while3A_92 = %while3A_41 to %while3A_37 step %while3A_43  : i32 {
      %mul3A_93 = arith.constant 16 : i32
      %mul3A_94 = arith.muli %while3A_92, %mul3A_93 : i32
      %get3A = arith.index_cast %mul3A_94 : i32 to index
      %get3A_95 = tpu.vector_load %arg12[%get3A] {strides = array<i32>} : memref<5248xi32, #tpu.memory_space<vmem>>, vector<16xi32>,
      %sub3A_96 = arith.subi %scan3A_9, %mul3A_94 : i32
      %lt3A = vector.broadcast %sub3A_96 : i32 to vector<16xi32>
      %lt3A_97 = arith.cmpi slt, %iota3A, %lt3A : vector<16xi32>
      %jit3A_98 = arith.constant 0 : i32
      %broadcast_in_dim3A = vector.broadcast %jit3A_98 : i32 to vector<16xi32>
      %select_n3A_99 = arith.select %lt3A_97, %get3A_95, %broadcast_in_dim3A : vector<16xi1>, vector<16xi32>
      %jit3A_100 = arith.constant 10000 : i32
      %div3A_101 = vector.broadcast %jit3A_100 : i32 to vector<16xi32>
      %div3A_102 = arith.divsi %select_n3A_99, %div3A_101 : vector<16xi32>
      %sign3A_103 = arith.constant 0 : i32
      %sign3A_104 = vector.broadcast %sign3A_103 : i32 to vector<16xi32>
      %sign3A_105 = arith.cmpi sgt, %select_n3A_99, %sign3A_104 : vector<16xi32>
      %sign3A_106 = arith.extui %sign3A_105 : vector<16xi1> to vector<16xi32>
      %sign3A_107 = arith.constant 0 : i32
      %sign3A_108 = vector.broadcast %sign3A_107 : i32 to vector<16xi32>
      %sign3A_109 = arith.cmpi slt, %select_n3A_99, %sign3A_108 : vector<16xi32>
      %sign3A_110 = arith.extui %sign3A_109 : vector<16xi1> to vector<16xi32>
      %sign3A_111 = arith.subi %sign3A_106, %sign3A_110 : vector<16xi32>
      %sign3A_112 = arith.constant 0 : i32
      %sign3A_113 = arith.cmpi sgt, %jit3A_100, %sign3A_112 : i32
      %sign3A_114 = arith.extui %sign3A_113 : i1 to i32
      %sign3A_115 = arith.constant 0 : i32
      %sign3A_116 = arith.cmpi slt, %jit3A_100, %sign3A_115 : i32
      %sign3A_117 = arith.extui %sign3A_116 : i1 to i32
      %sign3A_118 = arith.subi %sign3A_114, %sign3A_117 : i32
      %ne3A_119 = vector.broadcast %sign3A_118 : i32 to vector<16xi32>
      %ne3A_120 = arith.cmpi ne, %sign3A_111, %ne3A_119 : vector<16xi32>
      %rem3A_121 = vector.broadcast %jit3A_100 : i32 to vector<16xi32>
      %rem3A_122 = arith.remsi %select_n3A_99, %rem3A_121 : vector<16xi32>
      %ne3A_123 = arith.constant 0 : i32
      %ne3A_124 = vector.broadcast %ne3A_123 : i32 to vector<16xi32>
      %ne3A_125 = arith.cmpi ne, %rem3A_122, %ne3A_124 : vector<16xi32>
      %and3A_126 = arith.andi %ne3A_120, %ne3A_125 : vector<16xi1>
      %sub3A_127 = arith.constant 1 : i32
      %sub3A_128 = vector.broadcast %sub3A_127 : i32 to vector<16xi32>
      %sub3A_129 = arith.subi %div3A_102, %sub3A_128 : vector<16xi32>
      %select_n3A_130 = arith.select %and3A_126, %sub3A_129, %div3A_102 : vector<16xi1>, vector<16xi32>
      %mul3A_131 = arith.constant 10000 : i32
      %mul3A_132 = vector.broadcast %mul3A_131 : i32 to vector<16xi32>
      %mul3A_133 = arith.muli %select_n3A_130, %mul3A_132 : vector<16xi32>
      %sub3A_134 = arith.subi %select_n3A_99, %mul3A_133 : vector<16xi32>
      %gather3A = tpu.vector_load_idx %arg9[%select_n3A_130] : memref<10016xf32, #tpu.memory_space<vmem>>[vector<16xi32>], vector<16xf32>,
      %gather3A_135 = tpu.vector_load_idx %arg10[%sub3A_134] : memref<10016xf32, #tpu.memory_space<vmem>>[vector<16xi32>], vector<16xf32>,
      %add3A_136 = arith.addf %gather3A, %gather3A_135 : vector<16xf32>
      %ge3A = arith.constant 0.000000e+00 : f32
      %ge3A_137 = vector.broadcast %ge3A : f32 to vector<16xf32>
      %ge3A_138 = arith.cmpf oge, %add3A_136, %ge3A_137 : vector<16xf32>
      %mul3A_139 = arith.constant 1.000000e-01 : f32
      %mul3A_140 = vector.broadcast %mul3A_139 : f32 to vector<16xf32>
      %mul3A_141 = arith.mulf %mul3A_140, %add3A_136 : vector<16xf32>
      %select_n3A_142 = arith.select %ge3A_138, %add3A_136, %mul3A_141 : vector<16xi1>, vector<16xf32>
      %exp3A = math.exp %select_n3A_142 : vector<16xf32>
      %mul3A_143 = arith.constant 112 : i32
      %mul3A_144 = vector.broadcast %mul3A_143 : i32 to vector<16xi32>
      %mul3A_145 = arith.muli %select_n3A_130, %mul3A_144 : vector<16xi32>
      %add3A_146 = arith.addi %select_n3A_99, %mul3A_145 : vector<16xi32>
      %sub3A_147 = arith.constant 50560000 : i32
      %sub3A_148 = vector.broadcast %sub3A_147 : i32 to vector<16xi32>
      %sub3A_149 = arith.subi %add3A_146, %sub3A_148 : vector<16xi32>
      %jit3A_150 = arith.constant 50560000 : i32
      %broadcast_in_dim3A_151 = vector.broadcast %jit3A_150 : i32 to vector<16xi32>
      %select_n3A_152 = arith.select %lt3A_97, %sub3A_149, %broadcast_in_dim3A_151 : vector<16xi1>, vector<16xi32>
      %shift_right_arithmetic3A = arith.constant 3 : i32
      %shift_right_arithmetic3A_153 = arith.shrsi %while3A_92, %shift_right_arithmetic3A : i32
      %and3A_154 = arith.constant 7 : i32
      %and3A_155 = arith.andi %while3A_92, %and3A_154 : i32
      %mul3A_156 = arith.constant 16 : i32
      %mul3A_157 = arith.muli %and3A_155, %mul3A_156 : i32
      %swap3A = arith.index_cast %shift_right_arithmetic3A_153 : i32 to index
      %swap3A_158 = arith.index_cast %mul3A_157 : i32 to index
      %swap3A_159 = tpu.vector_load %arg13[%swap3A, %swap3A_158] {strides = array<i32>} : memref<41x128xf32, #tpu.memory_space<vmem>>, vector<16xf32>,
      tpu.vector_store %arg13[%swap3A, %swap3A_158], %exp3A {strides = array<i32>} : memref<41x128xf32, #tpu.memory_space<vmem>>, vector<16xf32>,
      %swap3A_160 = arith.index_cast %shift_right_arithmetic3A_153 : i32 to index
      %swap3A_161 = arith.index_cast %mul3A_157 : i32 to index
      %swap3A_162 = tpu.vector_load %arg14[%swap3A_160, %swap3A_161] {strides = array<i32>} : memref<41x128xi32, #tpu.memory_space<vmem>>, vector<16xi32>,
      tpu.vector_store %arg14[%swap3A_160, %swap3A_161], %select_n3A_152 {strides = array<i32>} : memref<41x128xi32, #tpu.memory_space<vmem>>, vector<16xi32>,
    }
    %add3A_44 = arith.constant 128 : i32
    %add3A_45 = arith.addi %scan3A_9, %add3A_44 : i32
    %sub3A_46 = arith.constant 1 : i32
    %sub3A_47 = arith.subi %add3A_45, %sub3A_46 : i32
    %jit3A_48 = arith.constant 128 : i32
    %div3A_49 = arith.divsi %sub3A_47, %jit3A_48 : i32
    %sign3A_50 = arith.constant 0 : i32
    %sign3A_51 = arith.cmpi sgt, %sub3A_47, %sign3A_50 : i32
    %sign3A_52 = arith.extui %sign3A_51 : i1 to i32
    %sign3A_53 = arith.constant 0 : i32
    %sign3A_54 = arith.cmpi slt, %sub3A_47, %sign3A_53 : i32
    %sign3A_55 = arith.extui %sign3A_54 : i1 to i32
    %sign3A_56 = arith.subi %sign3A_52, %sign3A_55 : i32
    %sign3A_57 = arith.constant 0 : i32
    %sign3A_58 = arith.cmpi sgt, %jit3A_48, %sign3A_57 : i32
    %sign3A_59 = arith.extui %sign3A_58 : i1 to i32
    %sign3A_60 = arith.constant 0 : i32
    %sign3A_61 = arith.cmpi slt, %jit3A_48, %sign3A_60 : i32
    %sign3A_62 = arith.extui %sign3A_61 : i1 to i32
    %sign3A_63 = arith.subi %sign3A_59, %sign3A_62 : i32
    %ne3A_64 = arith.cmpi ne, %sign3A_56, %sign3A_63 : i32
    %rem3A_65 = arith.remsi %sub3A_47, %jit3A_48 : i32
    %ne3A_66 = arith.constant 0 : i32
    %ne3A_67 = arith.cmpi ne, %rem3A_65, %ne3A_66 : i32
    %and3A_68 = arith.andi %ne3A_64, %ne3A_67 : i1
    %sub3A_69 = arith.constant 1 : i32
    %sub3A_70 = arith.subi %div3A_49, %sub3A_69 : i32
    %select_n3A_71 = arith.select %and3A_68, %sub3A_70, %div3A_49 : i32
    %while3A_72 = arith.constant 0 : i32
    %while3A_73 = arith.constant 0 : i32
    %while3A_74 = arith.subi %select_n3A_71, %while3A_73 : i32
    %while3A_75 = arith.addi %while3A_73, %while3A_74 : i32
    %while3A_76 = arith.constant 1 : i32
    %while3A_77 = arith.divsi %while3A_74, %while3A_76 : i32
    %while3A_78 = arith.muli %while3A_77, %while3A_76 : i32
    %while3A_79 = arith.addi %while3A_73, %while3A_78 : i32
    %while3A_80 = arith.constant 1 : i32
    scf.for %while3A_92 = %while3A_73 to %while3A_79 step %while3A_80  : i32 {
      %dma_start3A = arith.constant 0 : i32
      %dma_start3A_93 = tpu.memref_slice %arg13[%while3A_92, %dma_start3A] : memref<41x128xf32, #tpu.memory_space<vmem>> -> memref<1x128xf32, #tpu.memory_space<vmem>>
      %dma_start3A_94 = tpu.memref_squeeze %dma_start3A_93 : memref<1x128xf32, #tpu.memory_space<vmem>> -> memref<128xf32, #tpu.memory_space<vmem>>
      %dma_start3A_95 = arith.constant 0 : i32
      %dma_start3A_96 = tpu.memref_slice %arg14[%while3A_92, %dma_start3A_95] : memref<41x128xi32, #tpu.memory_space<vmem>> -> memref<1x128xi32, #tpu.memory_space<vmem>>
      %dma_start3A_97 = tpu.memref_squeeze %dma_start3A_96 : memref<1x128xi32, #tpu.memory_space<vmem>> -> memref<128xi32, #tpu.memory_space<vmem>>
      %dma_start3A_98 = arith.constant 0 : i32
      %dma_start3A_99 = tpu.memref_slice %arg5[%dma_start3A_98] : memref<50570112xf32, #tpu.memory_space<hbm>> -> memref<50570112xf32, #tpu.memory_space<hbm>>
      tpu.enqueue_indirect_dma source(%dma_start3A_94 : memref<128xf32, #tpu.memory_space<vmem>>) target(%dma_start3A_99 : memref<50570112xf32, #tpu.memory_space<hbm>>) offsets(%dma_start3A_97 : memref<128xi32, #tpu.memory_space<vmem>>) semaphore(%arg15 : memref<!tpu.dma_semaphore, #tpu.memory_space<semaphore_mem>>)
    }
    %while3A_81 = arith.constant 1 : i32
    scf.for %while3A_92 = %while3A_79 to %while3A_75 step %while3A_81  : i32 {
      %dma_start3A = arith.constant 0 : i32
      %dma_start3A_93 = tpu.memref_slice %arg13[%while3A_92, %dma_start3A] : memref<41x128xf32, #tpu.memory_space<vmem>> -> memref<1x128xf32, #tpu.memory_space<vmem>>
      %dma_start3A_94 = tpu.memref_squeeze %dma_start3A_93 : memref<1x128xf32, #tpu.memory_space<vmem>> -> memref<128xf32, #tpu.memory_space<vmem>>
      %dma_start3A_95 = arith.constant 0 : i32
      %dma_start3A_96 = tpu.memref_slice %arg14[%while3A_92, %dma_start3A_95] : memref<41x128xi32, #tpu.memory_space<vmem>> -> memref<1x128xi32, #tpu.memory_space<vmem>>
      %dma_start3A_97 = tpu.memref_squeeze %dma_start3A_96 : memref<1x128xi32, #tpu.memory_space<vmem>> -> memref<128xi32, #tpu.memory_space<vmem>>
      %dma_start3A_98 = arith.constant 0 : i32
      %dma_start3A_99 = tpu.memref_slice %arg5[%dma_start3A_98] : memref<50570112xf32, #tpu.memory_space<hbm>> -> memref<50570112xf32, #tpu.memory_space<hbm>>
      tpu.enqueue_indirect_dma source(%dma_start3A_94 : memref<128xf32, #tpu.memory_space<vmem>>) target(%dma_start3A_99 : memref<50570112xf32, #tpu.memory_space<hbm>>) offsets(%dma_start3A_97 : memref<128xi32, #tpu.memory_space<vmem>>) semaphore(%arg15 : memref<!tpu.dma_semaphore, #tpu.memory_space<semaphore_mem>>)
    }
    %while3A_82 = arith.constant 0 : i32
    %while3A_83 = arith.constant 0 : i32
    %while3A_84 = arith.subi %select_n3A_71, %while3A_83 : i32
    %while3A_85 = arith.addi %while3A_83, %while3A_84 : i32
    %while3A_86 = arith.constant 1 : i32
    %while3A_87 = arith.divsi %while3A_84, %while3A_86 : i32
    %while3A_88 = arith.muli %while3A_87, %while3A_86 : i32
    %while3A_89 = arith.addi %while3A_83, %while3A_88 : i32
    %while3A_90 = arith.constant 1 : i32
    scf.for %while3A_92 = %while3A_83 to %while3A_89 step %while3A_90  : i32 {
      %dma_wait3A = arith.constant 0 : i32
      %dma_wait3A_93 = tpu.memref_slice %arg13[%while3A_92, %dma_wait3A] : memref<41x128xf32, #tpu.memory_space<vmem>> -> memref<1x128xf32, #tpu.memory_space<vmem>>
      %dma_wait3A_94 = tpu.memref_squeeze %dma_wait3A_93 : memref<1x128xf32, #tpu.memory_space<vmem>> -> memref<128xf32, #tpu.memory_space<vmem>>
      %dma_wait3A_95 = arith.constant 0 : i32
      %dma_wait3A_96 = tpu.memref_slice %arg14[%while3A_92, %dma_wait3A_95] : memref<41x128xi32, #tpu.memory_space<vmem>> -> memref<1x128xi32, #tpu.memory_space<vmem>>
      %dma_wait3A_97 = tpu.memref_squeeze %dma_wait3A_96 : memref<1x128xi32, #tpu.memory_space<vmem>> -> memref<128xi32, #tpu.memory_space<vmem>>
      %dma_wait3A_98 = arith.constant 0 : i32
      %dma_wait3A_99 = tpu.memref_slice %arg5[%dma_wait3A_98] : memref<50570112xf32, #tpu.memory_space<hbm>> -> memref<50570112xf32, #tpu.memory_space<hbm>>
      tpu.wait_indirect_dma semaphore(%arg15 : memref<!tpu.dma_semaphore, #tpu.memory_space<semaphore_mem>>) src(%dma_wait3A_94 : memref<128xf32, #tpu.memory_space<vmem>>) dst(%dma_wait3A_99 : memref<50570112xf32, #tpu.memory_space<hbm>>)
    }
    %while3A_91 = arith.constant 1 : i32
    scf.for %while3A_92 = %while3A_89 to %while3A_85 step %while3A_91  : i32 {
      %dma_wait3A = arith.constant 0 : i32
      %dma_wait3A_93 = tpu.memref_slice %arg13[%while3A_92, %dma_wait3A] : memref<41x128xf32, #tpu.memory_space<vmem>> -> memref<1x128xf32, #tpu.memory_space<vmem>>
      %dma_wait3A_94 = tpu.memref_squeeze %dma_wait3A_93 : memref<1x128xf32, #tpu.memory_space<vmem>> -> memref<128xf32, #tpu.memory_space<vmem>>
      %dma_wait3A_95 = arith.constant 0 : i32
      %dma_wait3A_96 = tpu.memref_slice %arg14[%while3A_92, %dma_wait3A_95] : memref<41x128xi32, #tpu.memory_space<vmem>> -> memref<1x128xi32, #tpu.memory_space<vmem>>
      %dma_wait3A_97 = tpu.memref_squeeze %dma_wait3A_96 : memref<1x128xi32, #tpu.memory_space<vmem>> -> memref<128xi32, #tpu.memory_space<vmem>>
      %dma_wait3A_98 = arith.constant 0 : i32
      %dma_wait3A_99 = tpu.memref_slice %arg5[%dma_wait3A_98] : memref<50570112xf32, #tpu.memory_space<hbm>> -> memref<50570112xf32, #tpu.memory_space<hbm>>
      tpu.wait_indirect_dma semaphore(%arg15 : memref<!tpu.dma_semaphore, #tpu.memory_space<semaphore_mem>>) src(%dma_wait3A_94 : memref<128xf32, #tpu.memory_space<vmem>>) dst(%dma_wait3A_99 : memref<50570112xf32, #tpu.memory_space<hbm>>)
    }
    return
  }
}

#map = affine_map<(d0, d1) -> (0, 0)>
#map1 = affine_map<(d0, d1) -> (0)>
module attributes {stable_mosaic.version = 14 : i64} {
  func.func @new_body(%arg0: i32, %arg1: i32, %arg2: memref<1280x128xi32, #tpu.memory_space<hbm>>, %arg3: memref<10016xf32, #tpu.memory_space<hbm>>, %arg4: memref<10016xf32, #tpu.memory_space<hbm>>, %arg5: memref<50570112xf32, #tpu.memory_space<hbm>>, %arg6: memref<50570112xf32, #tpu.memory_space<hbm>>, %arg7: memref<10016xf32, #tpu.memory_space<vmem_shared>>, %arg8: memref<10016xf32, #tpu.memory_space<vmem_shared>>, %arg9: memref<10016xf32, #tpu.memory_space<vmem>>, %arg10: memref<10016xf32, #tpu.memory_space<vmem>>, %arg11: memref<40x128xi32, #tpu.memory_space<vmem>>, %arg12: memref<5248xi32, #tpu.memory_space<vmem>>, %arg13: memref<41x128xf32, #tpu.memory_space<vmem>>, %arg14: memref<41x128xi32, #tpu.memory_space<vmem>>, %arg15: memref<!tpu.dma_semaphore, #tpu.memory_space<semaphore_mem>>) attributes {dimension_semantics = [#tpu.dimension_semantics<core_parallel>, #tpu.dimension_semantics<subcore_parallel>], iteration_bounds = array<i64: 2, 16>, scalar_prefetch = 0 : i64, scratch_operands = 9 : i64, tpu.core_type = #tpu.core_type<sc_vector_subcore>, window_params = [{transform_indices = #map}, {transform_indices = #map1}, {transform_indices = #map1}, {transform_indices = #map1}, {transform_indices = #map1}]} {
    %mul3A = arith.constant 2 : i32
    %mul3A_0 = arith.muli %arg1, %mul3A : i32
    %add3A = arith.addi %mul3A_0, %arg0 : i32
    %eq3A = arith.constant 0 : i32
    %eq3A_1 = arith.cmpi eq, %arg1, %eq3A : i32
    %convert_element_type3A = arith.extui %eq3A_1 : i1 to i32
    %cond3A = arith.constant 0 : i32
    %cond3A_2 = arith.cmpi ne, %convert_element_type3A, %cond3A : i32
    scf.if %cond3A_2 {
      "tpu.region"() ({
        %run_scoped3A = tpu.sem_alloc : memref<!tpu.dma_semaphore, #tpu.memory_space<semaphore_mem>>
        tpu.enqueue_dma source(%arg3 : memref<10016xf32, #tpu.memory_space<hbm>>) target(%arg7 : memref<10016xf32, #tpu.memory_space<vmem_shared>>) target_semaphore(%run_scoped3A : memref<!tpu.dma_semaphore, #tpu.memory_space<semaphore_mem>>)
        tpu.wait_dma2 semaphore(%run_scoped3A : memref<!tpu.dma_semaphore, #tpu.memory_space<semaphore_mem>>) src(%arg3 : memref<10016xf32, #tpu.memory_space<hbm>>) dst(%arg7 : memref<10016xf32, #tpu.memory_space<vmem_shared>>)
        tpu.yield
      }) : () -> ()
      "tpu.region"() ({
        %run_scoped3A = tpu.sem_alloc : memref<!tpu.dma_semaphore, #tpu.memory_space<semaphore_mem>>
        tpu.enqueue_dma source(%arg4 : memref<10016xf32, #tpu.memory_space<hbm>>) target(%arg8 : memref<10016xf32, #tpu.memory_space<vmem_shared>>) target_semaphore(%run_scoped3A : memref<!tpu.dma_semaphore, #tpu.memory_space<semaphore_mem>>)
        tpu.wait_dma2 semaphore(%run_scoped3A : memref<!tpu.dma_semaphore, #tpu.memory_space<semaphore_mem>>) src(%arg4 : memref<10016xf32, #tpu.memory_space<hbm>>) dst(%arg8 : memref<10016xf32, #tpu.memory_space<vmem_shared>>)
        tpu.yield
      }) : () -> ()
    } else {
    }
    %barrier3A = arith.constant 0 : index
    tpu.barrier barrier_id(%barrier3A)
    "tpu.region"() ({
      %run_scoped3A = tpu.sem_alloc : memref<!tpu.dma_semaphore, #tpu.memory_space<semaphore_mem>>
      tpu.enqueue_dma source(%arg7 : memref<10016xf32, #tpu.memory_space<vmem_shared>>) target(%arg9 : memref<10016xf32, #tpu.memory_space<vmem>>) target_semaphore(%run_scoped3A : memref<!tpu.dma_semaphore, #tpu.memory_space<semaphore_mem>>)
      tpu.wait_dma2 semaphore(%run_scoped3A : memref<!tpu.dma_semaphore, #tpu.memory_space<semaphore_mem>>) src(%arg7 : memref<10016xf32, #tpu.memory_space<vmem_shared>>) dst(%arg9 : memref<10016xf32, #tpu.memory_space<vmem>>)
      tpu.yield
    }) : () -> ()
    "tpu.region"() ({
      %run_scoped3A = tpu.sem_alloc : memref<!tpu.dma_semaphore, #tpu.memory_space<semaphore_mem>>
      tpu.enqueue_dma source(%arg8 : memref<10016xf32, #tpu.memory_space<vmem_shared>>) target(%arg10 : memref<10016xf32, #tpu.memory_space<vmem>>) target_semaphore(%run_scoped3A : memref<!tpu.dma_semaphore, #tpu.memory_space<semaphore_mem>>)
      tpu.wait_dma2 semaphore(%run_scoped3A : memref<!tpu.dma_semaphore, #tpu.memory_space<semaphore_mem>>) src(%arg8 : memref<10016xf32, #tpu.memory_space<vmem_shared>>) dst(%arg10 : memref<10016xf32, #tpu.memory_space<vmem>>)
      tpu.yield
    }) : () -> ()
    %mul3A_3 = arith.constant 40 : i32
    %mul3A_4 = arith.muli %add3A, %mul3A_3 : i32
    "tpu.region"() ({
      %run_scoped3A = tpu.sem_alloc : memref<!tpu.dma_semaphore, #tpu.memory_space<semaphore_mem>>
      %dma_start3A = arith.constant 0 : i32
      %dma_start3A_92 = tpu.memref_slice %arg2[%mul3A_4, %dma_start3A] : memref<1280x128xi32, #tpu.memory_space<hbm>> -> memref<40x128xi32, #tpu.memory_space<hbm>>
      %dma_start3A_93 = arith.constant 0 : i32
      %dma_start3A_94 = tpu.memref_slice %arg2[%mul3A_4, %dma_start3A_93] : memref<1280x128xi32, #tpu.memory_space<hbm>> -> memref<40x128xi32, #tpu.memory_space<hbm>>
      tpu.enqueue_dma source(%dma_start3A_94 : memref<40x128xi32, #tpu.memory_space<hbm>>) target(%arg11 : memref<40x128xi32, #tpu.memory_space<vmem>>) target_semaphore(%run_scoped3A : memref<!tpu.dma_semaphore, #tpu.memory_space<semaphore_mem>>)
      %dma_wait3A = arith.constant 0 : i32
      %dma_wait3A_95 = tpu.memref_slice %arg2[%mul3A_4, %dma_wait3A] : memref<1280x128xi32, #tpu.memory_space<hbm>> -> memref<40x128xi32, #tpu.memory_space<hbm>>
      %dma_wait3A_96 = arith.constant 0 : i32
      %dma_wait3A_97 = tpu.memref_slice %arg2[%mul3A_4, %dma_wait3A_96] : memref<1280x128xi32, #tpu.memory_space<hbm>> -> memref<40x128xi32, #tpu.memory_space<hbm>>
      tpu.wait_dma2 semaphore(%run_scoped3A : memref<!tpu.dma_semaphore, #tpu.memory_space<semaphore_mem>>) src(%dma_wait3A_97 : memref<40x128xi32, #tpu.memory_space<hbm>>) dst(%arg11 : memref<40x128xi32, #tpu.memory_space<vmem>>)
      tpu.yield
    }) : () -> ()
    %iota3A = tpu.iota {dimensions = array<i32: 0>} : vector<16xi32>
    %scan3A = arith.constant 0 : i32
    %scan3A_5 = arith.constant 0 : i32
    %scan3A_6 = arith.constant 40 : i32
    %scan3A_7 = arith.addi %scan3A_5, %scan3A_6 : i32
    %scan3A_8 = arith.constant 1 : i32
    %scan3A_9 = scf.for %scan3A_92 = %scan3A_5 to %scan3A_7 step %scan3A_8 iter_args(%scan3A_93 = %scan3A) -> (i32)  : i32 {
      %get3A = arith.index_cast %scan3A_92 : i32 to index
      %get3A_94 = arith.constant 0 : index
      %get3A_95 = tpu.vector_load %arg11[%get3A, %get3A_94] {strides = array<i32>} : memref<40x128xi32, #tpu.memory_space<vmem>>, vector<16xi32>,
      %jit3A_96 = arith.constant 10000 : i32
      %div3A_97 = vector.broadcast %jit3A_96 : i32 to vector<16xi32>
      %div3A_98 = arith.divsi %get3A_95, %div3A_97 : vector<16xi32>
      %sign3A_99 = arith.constant 0 : i32
      %sign3A_100 = vector.broadcast %sign3A_99 : i32 to vector<16xi32>
      %sign3A_101 = arith.cmpi sgt, %get3A_95, %sign3A_100 : vector<16xi32>
      %sign3A_102 = arith.extui %sign3A_101 : vector<16xi1> to vector<16xi32>
      %sign3A_103 = arith.constant 0 : i32
      %sign3A_104 = vector.broadcast %sign3A_103 : i32 to vector<16xi32>
      %sign3A_105 = arith.cmpi slt, %get3A_95, %sign3A_104 : vector<16xi32>
      %sign3A_106 = arith.extui %sign3A_105 : vector<16xi1> to vector<16xi32>
      %sign3A_107 = arith.subi %sign3A_102, %sign3A_106 : vector<16xi32>
      %sign3A_108 = arith.constant 0 : i32
      %sign3A_109 = arith.cmpi sgt, %jit3A_96, %sign3A_108 : i32
      %sign3A_110 = arith.extui %sign3A_109 : i1 to i32
      %sign3A_111 = arith.constant 0 : i32
      %sign3A_112 = arith.cmpi slt, %jit3A_96, %sign3A_111 : i32
      %sign3A_113 = arith.extui %sign3A_112 : i1 to i32
      %sign3A_114 = arith.subi %sign3A_110, %sign3A_113 : i32
      %ne3A_115 = vector.broadcast %sign3A_114 : i32 to vector<16xi32>
      %ne3A_116 = arith.cmpi ne, %sign3A_107, %ne3A_115 : vector<16xi32>
      %rem3A_117 = vector.broadcast %jit3A_96 : i32 to vector<16xi32>
      %rem3A_118 = arith.remsi %get3A_95, %rem3A_117 : vector<16xi32>
      %ne3A_119 = arith.constant 0 : i32
      %ne3A_120 = vector.broadcast %ne3A_119 : i32 to vector<16xi32>
      %ne3A_121 = arith.cmpi ne, %rem3A_118, %ne3A_120 : vector<16xi32>
      %and3A_122 = arith.andi %ne3A_116, %ne3A_121 : vector<16xi1>
      %sub3A_123 = arith.constant 1 : i32
      %sub3A_124 = vector.broadcast %sub3A_123 : i32 to vector<16xi32>
      %sub3A_125 = arith.subi %div3A_98, %sub3A_124 : vector<16xi32>
      %select_n3A_126 = arith.select %and3A_122, %sub3A_125, %div3A_98 : vector<16xi1>, vector<16xi32>
      %ge3A = arith.constant 0 : i32
      %ge3A_127 = vector.broadcast %ge3A : i32 to vector<16xi32>
      %ge3A_128 = arith.cmpi sge, %select_n3A_126, %ge3A_127 : vector<16xi32>
      %lt3A = arith.constant 5000 : i32
      %lt3A_129 = vector.broadcast %lt3A : i32 to vector<16xi32>
      %lt3A_130 = arith.cmpi slt, %select_n3A_126, %lt3A_129 : vector<16xi32>
      %and3A_131 = arith.andi %ge3A_128, %lt3A_130 : vector<16xi1>
      %swap3A = arith.index_cast %scan3A_93 : i32 to index
      %swap3A_132 = tpu.vector_load %arg12[%swap3A] masked %and3A_131 {strides = array<i32>} : memref<5248xi32, #tpu.memory_space<vmem>>, vector<16xi32>, vector<16xi1>
      tpu.vector_store %arg12[%swap3A], %get3A_95 masked %and3A_131 {strides = array<i32>} : memref<5248xi32, #tpu.memory_space<vmem>>, vector<16xi32>, vector<16xi1>
      %all_reduce_population_count3A = tpu.all_reduce %and3A_131 {dim = 0 : i64, kind = #tpu.reduction_kind<sum>} : vector<16xi1> -> vector<16xi32>
      %reduce_max3A = arith.constant true
      %reduce_max3A_133 = vector.broadcast %reduce_max3A : i1 to vector<16xi1>
      %reduce_max3A_134 = arith.constant -2147483648 : i32
      %reduce_max3A_135 = vector.broadcast %reduce_max3A_134 : i32 to vector<16xi32>
      %reduce_max3A_136 = arith.xori %all_reduce_population_count3A, %reduce_max3A_135 : vector<16xi32>
      %reduce_max3A_137 = tpu.scan <max>, %reduce_max3A_136 masked %reduce_max3A_133 : vector<16xi32>, vector<16xi1> -> vector<16xi32>
      %reduce_max3A_138 = arith.xori %reduce_max3A_137, %reduce_max3A_135 : vector<16xi32>
      %reduce_max3A_139 = vector.extract %reduce_max3A_138[15] : i32 from vector<16xi32>
      %add3A_140 = arith.addi %scan3A_93, %reduce_max3A_139 : i32
      %get3A_141 = arith.index_cast %scan3A_92 : i32 to index
      %get3A_142 = arith.constant 16 : index
      %get3A_143 = tpu.vector_load %arg11[%get3A_141, %get3A_142] {strides = array<i32>} : memref<40x128xi32, #tpu.memory_space<vmem>>, vector<16xi32>,
      %jit3A_144 = arith.constant 10000 : i32
      %div3A_145 = vector.broadcast %jit3A_144 : i32 to vector<16xi32>
      %div3A_146 = arith.divsi %get3A_143, %div3A_145 : vector<16xi32>
      %sign3A_147 = arith.constant 0 : i32
      %sign3A_148 = vector.broadcast %sign3A_147 : i32 to vector<16xi32>
      %sign3A_149 = arith.cmpi sgt, %get3A_143, %sign3A_148 : vector<16xi32>
      %sign3A_150 = arith.extui %sign3A_149 : vector<16xi1> to vector<16xi32>
      %sign3A_151 = arith.constant 0 : i32
      %sign3A_152 = vector.broadcast %sign3A_151 : i32 to vector<16xi32>
      %sign3A_153 = arith.cmpi slt, %get3A_143, %sign3A_152 : vector<16xi32>
      %sign3A_154 = arith.extui %sign3A_153 : vector<16xi1> to vector<16xi32>
      %sign3A_155 = arith.subi %sign3A_150, %sign3A_154 : vector<16xi32>
      %sign3A_156 = arith.constant 0 : i32
      %sign3A_157 = arith.cmpi sgt, %jit3A_144, %sign3A_156 : i32
      %sign3A_158 = arith.extui %sign3A_157 : i1 to i32
      %sign3A_159 = arith.constant 0 : i32
      %sign3A_160 = arith.cmpi slt, %jit3A_144, %sign3A_159 : i32
      %sign3A_161 = arith.extui %sign3A_160 : i1 to i32
      %sign3A_162 = arith.subi %sign3A_158, %sign3A_161 : i32
      %ne3A_163 = vector.broadcast %sign3A_162 : i32 to vector<16xi32>
      %ne3A_164 = arith.cmpi ne, %sign3A_155, %ne3A_163 : vector<16xi32>
      %rem3A_165 = vector.broadcast %jit3A_144 : i32 to vector<16xi32>
      %rem3A_166 = arith.remsi %get3A_143, %rem3A_165 : vector<16xi32>
      %ne3A_167 = arith.constant 0 : i32
      %ne3A_168 = vector.broadcast %ne3A_167 : i32 to vector<16xi32>
      %ne3A_169 = arith.cmpi ne, %rem3A_166, %ne3A_168 : vector<16xi32>
      %and3A_170 = arith.andi %ne3A_164, %ne3A_169 : vector<16xi1>
      %sub3A_171 = arith.constant 1 : i32
      %sub3A_172 = vector.broadcast %sub3A_171 : i32 to vector<16xi32>
      %sub3A_173 = arith.subi %div3A_146, %sub3A_172 : vector<16xi32>
      %select_n3A_174 = arith.select %and3A_170, %sub3A_173, %div3A_146 : vector<16xi1>, vector<16xi32>
      %ge3A_175 = arith.constant 0 : i32
      %ge3A_176 = vector.broadcast %ge3A_175 : i32 to vector<16xi32>
      %ge3A_177 = arith.cmpi sge, %select_n3A_174, %ge3A_176 : vector<16xi32>
      %lt3A_178 = arith.constant 5000 : i32
      %lt3A_179 = vector.broadcast %lt3A_178 : i32 to vector<16xi32>
      %lt3A_180 = arith.cmpi slt, %select_n3A_174, %lt3A_179 : vector<16xi32>
      %and3A_181 = arith.andi %ge3A_177, %lt3A_180 : vector<16xi1>
      %swap3A_182 = arith.index_cast %add3A_140 : i32 to index
      %swap3A_183 = tpu.vector_load %arg12[%swap3A_182] masked %and3A_181 {strides = array<i32>} : memref<5248xi32, #tpu.memory_space<vmem>>, vector<16xi32>, vector<16xi1>
      tpu.vector_store %arg12[%swap3A_182], %get3A_143 masked %and3A_181 {strides = array<i32>} : memref<5248xi32, #tpu.memory_space<vmem>>, vector<16xi32>, vector<16xi1>
      %all_reduce_population_count3A_184 = tpu.all_reduce %and3A_181 {dim = 0 : i64, kind = #tpu.reduction_kind<sum>} : vector<16xi1> -> vector<16xi32>
      %reduce_max3A_185 = arith.constant true
      %reduce_max3A_186 = vector.broadcast %reduce_max3A_185 : i1 to vector<16xi1>
      %reduce_max3A_187 = arith.constant -2147483648 : i32
      %reduce_max3A_188 = vector.broadcast %reduce_max3A_187 : i32 to vector<16xi32>
      %reduce_max3A_189 = arith.xori %all_reduce_population_count3A_184, %reduce_max3A_188 : vector<16xi32>
      %reduce_max3A_190 = tpu.scan <max>, %reduce_max3A_189 masked %reduce_max3A_186 : vector<16xi32>, vector<16xi1> -> vector<16xi32>
      %reduce_max3A_191 = arith.xori %reduce_max3A_190, %reduce_max3A_188 : vector<16xi32>
      %reduce_max3A_192 = vector.extract %reduce_max3A_191[15] : i32 from vector<16xi32>
      %add3A_193 = arith.addi %add3A_140, %reduce_max3A_192 : i32
      %get3A_194 = arith.index_cast %scan3A_92 : i32 to index
      %get3A_195 = arith.constant 32 : index
      %get3A_196 = tpu.vector_load %arg11[%get3A_194, %get3A_195] {strides = array<i32>} : memref<40x128xi32, #tpu.memory_space<vmem>>, vector<16xi32>,
      %jit3A_197 = arith.constant 10000 : i32
      %div3A_198 = vector.broadcast %jit3A_197 : i32 to vector<16xi32>
      %div3A_199 = arith.divsi %get3A_196, %div3A_198 : vector<16xi32>
      %sign3A_200 = arith.constant 0 : i32
      %sign3A_201 = vector.broadcast %sign3A_200 : i32 to vector<16xi32>
      %sign3A_202 = arith.cmpi sgt, %get3A_196, %sign3A_201 : vector<16xi32>
      %sign3A_203 = arith.extui %sign3A_202 : vector<16xi1> to vector<16xi32>
      %sign3A_204 = arith.constant 0 : i32
      %sign3A_205 = vector.broadcast %sign3A_204 : i32 to vector<16xi32>
      %sign3A_206 = arith.cmpi slt, %get3A_196, %sign3A_205 : vector<16xi32>
      %sign3A_207 = arith.extui %sign3A_206 : vector<16xi1> to vector<16xi32>
      %sign3A_208 = arith.subi %sign3A_203, %sign3A_207 : vector<16xi32>
      %sign3A_209 = arith.constant 0 : i32
      %sign3A_210 = arith.cmpi sgt, %jit3A_197, %sign3A_209 : i32
      %sign3A_211 = arith.extui %sign3A_210 : i1 to i32
      %sign3A_212 = arith.constant 0 : i32
      %sign3A_213 = arith.cmpi slt, %jit3A_197, %sign3A_212 : i32
      %sign3A_214 = arith.extui %sign3A_213 : i1 to i32
      %sign3A_215 = arith.subi %sign3A_211, %sign3A_214 : i32
      %ne3A_216 = vector.broadcast %sign3A_215 : i32 to vector<16xi32>
      %ne3A_217 = arith.cmpi ne, %sign3A_208, %ne3A_216 : vector<16xi32>
      %rem3A_218 = vector.broadcast %jit3A_197 : i32 to vector<16xi32>
      %rem3A_219 = arith.remsi %get3A_196, %rem3A_218 : vector<16xi32>
      %ne3A_220 = arith.constant 0 : i32
      %ne3A_221 = vector.broadcast %ne3A_220 : i32 to vector<16xi32>
      %ne3A_222 = arith.cmpi ne, %rem3A_219, %ne3A_221 : vector<16xi32>
      %and3A_223 = arith.andi %ne3A_217, %ne3A_222 : vector<16xi1>
      %sub3A_224 = arith.constant 1 : i32
      %sub3A_225 = vector.broadcast %sub3A_224 : i32 to vector<16xi32>
      %sub3A_226 = arith.subi %div3A_199, %sub3A_225 : vector<16xi32>
      %select_n3A_227 = arith.select %and3A_223, %sub3A_226, %div3A_199 : vector<16xi1>, vector<16xi32>
      %ge3A_228 = arith.constant 0 : i32
      %ge3A_229 = vector.broadcast %ge3A_228 : i32 to vector<16xi32>
      %ge3A_230 = arith.cmpi sge, %select_n3A_227, %ge3A_229 : vector<16xi32>
      %lt3A_231 = arith.constant 5000 : i32
      %lt3A_232 = vector.broadcast %lt3A_231 : i32 to vector<16xi32>
      %lt3A_233 = arith.cmpi slt, %select_n3A_227, %lt3A_232 : vector<16xi32>
      %and3A_234 = arith.andi %ge3A_230, %lt3A_233 : vector<16xi1>
      %swap3A_235 = arith.index_cast %add3A_193 : i32 to index
      %swap3A_236 = tpu.vector_load %arg12[%swap3A_235] masked %and3A_234 {strides = array<i32>} : memref<5248xi32, #tpu.memory_space<vmem>>, vector<16xi32>, vector<16xi1>
      tpu.vector_store %arg12[%swap3A_235], %get3A_196 masked %and3A_234 {strides = array<i32>} : memref<5248xi32, #tpu.memory_space<vmem>>, vector<16xi32>, vector<16xi1>
      %all_reduce_population_count3A_237 = tpu.all_reduce %and3A_234 {dim = 0 : i64, kind = #tpu.reduction_kind<sum>} : vector<16xi1> -> vector<16xi32>
      %reduce_max3A_238 = arith.constant true
      %reduce_max3A_239 = vector.broadcast %reduce_max3A_238 : i1 to vector<16xi1>
      %reduce_max3A_240 = arith.constant -2147483648 : i32
      %reduce_max3A_241 = vector.broadcast %reduce_max3A_240 : i32 to vector<16xi32>
      %reduce_max3A_242 = arith.xori %all_reduce_population_count3A_237, %reduce_max3A_241 : vector<16xi32>
      %reduce_max3A_243 = tpu.scan <max>, %reduce_max3A_242 masked %reduce_max3A_239 : vector<16xi32>, vector<16xi1> -> vector<16xi32>
      %reduce_max3A_244 = arith.xori %reduce_max3A_243, %reduce_max3A_241 : vector<16xi32>
      %reduce_max3A_245 = vector.extract %reduce_max3A_244[15] : i32 from vector<16xi32>
      %add3A_246 = arith.addi %add3A_193, %reduce_max3A_245 : i32
      %get3A_247 = arith.index_cast %scan3A_92 : i32 to index
      %get3A_248 = arith.constant 48 : index
      %get3A_249 = tpu.vector_load %arg11[%get3A_247, %get3A_248] {strides = array<i32>} : memref<40x128xi32, #tpu.memory_space<vmem>>, vector<16xi32>,
      %jit3A_250 = arith.constant 10000 : i32
      %div3A_251 = vector.broadcast %jit3A_250 : i32 to vector<16xi32>
      %div3A_252 = arith.divsi %get3A_249, %div3A_251 : vector<16xi32>
      %sign3A_253 = arith.constant 0 : i32
      %sign3A_254 = vector.broadcast %sign3A_253 : i32 to vector<16xi32>
      %sign3A_255 = arith.cmpi sgt, %get3A_249, %sign3A_254 : vector<16xi32>
      %sign3A_256 = arith.extui %sign3A_255 : vector<16xi1> to vector<16xi32>
      %sign3A_257 = arith.constant 0 : i32
      %sign3A_258 = vector.broadcast %sign3A_257 : i32 to vector<16xi32>
      %sign3A_259 = arith.cmpi slt, %get3A_249, %sign3A_258 : vector<16xi32>
      %sign3A_260 = arith.extui %sign3A_259 : vector<16xi1> to vector<16xi32>
      %sign3A_261 = arith.subi %sign3A_256, %sign3A_260 : vector<16xi32>
      %sign3A_262 = arith.constant 0 : i32
      %sign3A_263 = arith.cmpi sgt, %jit3A_250, %sign3A_262 : i32
      %sign3A_264 = arith.extui %sign3A_263 : i1 to i32
      %sign3A_265 = arith.constant 0 : i32
      %sign3A_266 = arith.cmpi slt, %jit3A_250, %sign3A_265 : i32
      %sign3A_267 = arith.extui %sign3A_266 : i1 to i32
      %sign3A_268 = arith.subi %sign3A_264, %sign3A_267 : i32
      %ne3A_269 = vector.broadcast %sign3A_268 : i32 to vector<16xi32>
      %ne3A_270 = arith.cmpi ne, %sign3A_261, %ne3A_269 : vector<16xi32>
      %rem3A_271 = vector.broadcast %jit3A_250 : i32 to vector<16xi32>
      %rem3A_272 = arith.remsi %get3A_249, %rem3A_271 : vector<16xi32>
      %ne3A_273 = arith.constant 0 : i32
      %ne3A_274 = vector.broadcast %ne3A_273 : i32 to vector<16xi32>
      %ne3A_275 = arith.cmpi ne, %rem3A_272, %ne3A_274 : vector<16xi32>
      %and3A_276 = arith.andi %ne3A_270, %ne3A_275 : vector<16xi1>
      %sub3A_277 = arith.constant 1 : i32
      %sub3A_278 = vector.broadcast %sub3A_277 : i32 to vector<16xi32>
      %sub3A_279 = arith.subi %div3A_252, %sub3A_278 : vector<16xi32>
      %select_n3A_280 = arith.select %and3A_276, %sub3A_279, %div3A_252 : vector<16xi1>, vector<16xi32>
      %ge3A_281 = arith.constant 0 : i32
      %ge3A_282 = vector.broadcast %ge3A_281 : i32 to vector<16xi32>
      %ge3A_283 = arith.cmpi sge, %select_n3A_280, %ge3A_282 : vector<16xi32>
      %lt3A_284 = arith.constant 5000 : i32
      %lt3A_285 = vector.broadcast %lt3A_284 : i32 to vector<16xi32>
      %lt3A_286 = arith.cmpi slt, %select_n3A_280, %lt3A_285 : vector<16xi32>
      %and3A_287 = arith.andi %ge3A_283, %lt3A_286 : vector<16xi1>
      %swap3A_288 = arith.index_cast %add3A_246 : i32 to index
      %swap3A_289 = tpu.vector_load %arg12[%swap3A_288] masked %and3A_287 {strides = array<i32>} : memref<5248xi32, #tpu.memory_space<vmem>>, vector<16xi32>, vector<16xi1>
      tpu.vector_store %arg12[%swap3A_288], %get3A_249 masked %and3A_287 {strides = array<i32>} : memref<5248xi32, #tpu.memory_space<vmem>>, vector<16xi32>, vector<16xi1>
      %all_reduce_population_count3A_290 = tpu.all_reduce %and3A_287 {dim = 0 : i64, kind = #tpu.reduction_kind<sum>} : vector<16xi1> -> vector<16xi32>
      %reduce_max3A_291 = arith.constant true
      %reduce_max3A_292 = vector.broadcast %reduce_max3A_291 : i1 to vector<16xi1>
      %reduce_max3A_293 = arith.constant -2147483648 : i32
      %reduce_max3A_294 = vector.broadcast %reduce_max3A_293 : i32 to vector<16xi32>
      %reduce_max3A_295 = arith.xori %all_reduce_population_count3A_290, %reduce_max3A_294 : vector<16xi32>
      %reduce_max3A_296 = tpu.scan <max>, %reduce_max3A_295 masked %reduce_max3A_292 : vector<16xi32>, vector<16xi1> -> vector<16xi32>
      %reduce_max3A_297 = arith.xori %reduce_max3A_296, %reduce_max3A_294 : vector<16xi32>
      %reduce_max3A_298 = vector.extract %reduce_max3A_297[15] : i32 from vector<16xi32>
      %add3A_299 = arith.addi %add3A_246, %reduce_max3A_298 : i32
      %get3A_300 = arith.index_cast %scan3A_92 : i32 to index
      %get3A_301 = arith.constant 64 : index
      %get3A_302 = tpu.vector_load %arg11[%get3A_300, %get3A_301] {strides = array<i32>} : memref<40x128xi32, #tpu.memory_space<vmem>>, vector<16xi32>,
      %jit3A_303 = arith.constant 10000 : i32
      %div3A_304 = vector.broadcast %jit3A_303 : i32 to vector<16xi32>
      %div3A_305 = arith.divsi %get3A_302, %div3A_304 : vector<16xi32>
      %sign3A_306 = arith.constant 0 : i32
      %sign3A_307 = vector.broadcast %sign3A_306 : i32 to vector<16xi32>
      %sign3A_308 = arith.cmpi sgt, %get3A_302, %sign3A_307 : vector<16xi32>
      %sign3A_309 = arith.extui %sign3A_308 : vector<16xi1> to vector<16xi32>
      %sign3A_310 = arith.constant 0 : i32
      %sign3A_311 = vector.broadcast %sign3A_310 : i32 to vector<16xi32>
      %sign3A_312 = arith.cmpi slt, %get3A_302, %sign3A_311 : vector<16xi32>
      %sign3A_313 = arith.extui %sign3A_312 : vector<16xi1> to vector<16xi32>
      %sign3A_314 = arith.subi %sign3A_309, %sign3A_313 : vector<16xi32>
      %sign3A_315 = arith.constant 0 : i32
      %sign3A_316 = arith.cmpi sgt, %jit3A_303, %sign3A_315 : i32
      %sign3A_317 = arith.extui %sign3A_316 : i1 to i32
      %sign3A_318 = arith.constant 0 : i32
      %sign3A_319 = arith.cmpi slt, %jit3A_303, %sign3A_318 : i32
      %sign3A_320 = arith.extui %sign3A_319 : i1 to i32
      %sign3A_321 = arith.subi %sign3A_317, %sign3A_320 : i32
      %ne3A_322 = vector.broadcast %sign3A_321 : i32 to vector<16xi32>
      %ne3A_323 = arith.cmpi ne, %sign3A_314, %ne3A_322 : vector<16xi32>
      %rem3A_324 = vector.broadcast %jit3A_303 : i32 to vector<16xi32>
      %rem3A_325 = arith.remsi %get3A_302, %rem3A_324 : vector<16xi32>
      %ne3A_326 = arith.constant 0 : i32
      %ne3A_327 = vector.broadcast %ne3A_326 : i32 to vector<16xi32>
      %ne3A_328 = arith.cmpi ne, %rem3A_325, %ne3A_327 : vector<16xi32>
      %and3A_329 = arith.andi %ne3A_323, %ne3A_328 : vector<16xi1>
      %sub3A_330 = arith.constant 1 : i32
      %sub3A_331 = vector.broadcast %sub3A_330 : i32 to vector<16xi32>
      %sub3A_332 = arith.subi %div3A_305, %sub3A_331 : vector<16xi32>
      %select_n3A_333 = arith.select %and3A_329, %sub3A_332, %div3A_305 : vector<16xi1>, vector<16xi32>
      %ge3A_334 = arith.constant 0 : i32
      %ge3A_335 = vector.broadcast %ge3A_334 : i32 to vector<16xi32>
      %ge3A_336 = arith.cmpi sge, %select_n3A_333, %ge3A_335 : vector<16xi32>
      %lt3A_337 = arith.constant 5000 : i32
      %lt3A_338 = vector.broadcast %lt3A_337 : i32 to vector<16xi32>
      %lt3A_339 = arith.cmpi slt, %select_n3A_333, %lt3A_338 : vector<16xi32>
      %and3A_340 = arith.andi %ge3A_336, %lt3A_339 : vector<16xi1>
      %swap3A_341 = arith.index_cast %add3A_299 : i32 to index
      %swap3A_342 = tpu.vector_load %arg12[%swap3A_341] masked %and3A_340 {strides = array<i32>} : memref<5248xi32, #tpu.memory_space<vmem>>, vector<16xi32>, vector<16xi1>
      tpu.vector_store %arg12[%swap3A_341], %get3A_302 masked %and3A_340 {strides = array<i32>} : memref<5248xi32, #tpu.memory_space<vmem>>, vector<16xi32>, vector<16xi1>
      %all_reduce_population_count3A_343 = tpu.all_reduce %and3A_340 {dim = 0 : i64, kind = #tpu.reduction_kind<sum>} : vector<16xi1> -> vector<16xi32>
      %reduce_max3A_344 = arith.constant true
      %reduce_max3A_345 = vector.broadcast %reduce_max3A_344 : i1 to vector<16xi1>
      %reduce_max3A_346 = arith.constant -2147483648 : i32
      %reduce_max3A_347 = vector.broadcast %reduce_max3A_346 : i32 to vector<16xi32>
      %reduce_max3A_348 = arith.xori %all_reduce_population_count3A_343, %reduce_max3A_347 : vector<16xi32>
      %reduce_max3A_349 = tpu.scan <max>, %reduce_max3A_348 masked %reduce_max3A_345 : vector<16xi32>, vector<16xi1> -> vector<16xi32>
      %reduce_max3A_350 = arith.xori %reduce_max3A_349, %reduce_max3A_347 : vector<16xi32>
      %reduce_max3A_351 = vector.extract %reduce_max3A_350[15] : i32 from vector<16xi32>
      %add3A_352 = arith.addi %add3A_299, %reduce_max3A_351 : i32
      %get3A_353 = arith.index_cast %scan3A_92 : i32 to index
      %get3A_354 = arith.constant 80 : index
      %get3A_355 = tpu.vector_load %arg11[%get3A_353, %get3A_354] {strides = array<i32>} : memref<40x128xi32, #tpu.memory_space<vmem>>, vector<16xi32>,
      %jit3A_356 = arith.constant 10000 : i32
      %div3A_357 = vector.broadcast %jit3A_356 : i32 to vector<16xi32>
      %div3A_358 = arith.divsi %get3A_355, %div3A_357 : vector<16xi32>
      %sign3A_359 = arith.constant 0 : i32
      %sign3A_360 = vector.broadcast %sign3A_359 : i32 to vector<16xi32>
      %sign3A_361 = arith.cmpi sgt, %get3A_355, %sign3A_360 : vector<16xi32>
      %sign3A_362 = arith.extui %sign3A_361 : vector<16xi1> to vector<16xi32>
      %sign3A_363 = arith.constant 0 : i32
      %sign3A_364 = vector.broadcast %sign3A_363 : i32 to vector<16xi32>
      %sign3A_365 = arith.cmpi slt, %get3A_355, %sign3A_364 : vector<16xi32>
      %sign3A_366 = arith.extui %sign3A_365 : vector<16xi1> to vector<16xi32>
      %sign3A_367 = arith.subi %sign3A_362, %sign3A_366 : vector<16xi32>
      %sign3A_368 = arith.constant 0 : i32
      %sign3A_369 = arith.cmpi sgt, %jit3A_356, %sign3A_368 : i32
      %sign3A_370 = arith.extui %sign3A_369 : i1 to i32
      %sign3A_371 = arith.constant 0 : i32
      %sign3A_372 = arith.cmpi slt, %jit3A_356, %sign3A_371 : i32
      %sign3A_373 = arith.extui %sign3A_372 : i1 to i32
      %sign3A_374 = arith.subi %sign3A_370, %sign3A_373 : i32
      %ne3A_375 = vector.broadcast %sign3A_374 : i32 to vector<16xi32>
      %ne3A_376 = arith.cmpi ne, %sign3A_367, %ne3A_375 : vector<16xi32>
      %rem3A_377 = vector.broadcast %jit3A_356 : i32 to vector<16xi32>
      %rem3A_378 = arith.remsi %get3A_355, %rem3A_377 : vector<16xi32>
      %ne3A_379 = arith.constant 0 : i32
      %ne3A_380 = vector.broadcast %ne3A_379 : i32 to vector<16xi32>
      %ne3A_381 = arith.cmpi ne, %rem3A_378, %ne3A_380 : vector<16xi32>
      %and3A_382 = arith.andi %ne3A_376, %ne3A_381 : vector<16xi1>
      %sub3A_383 = arith.constant 1 : i32
      %sub3A_384 = vector.broadcast %sub3A_383 : i32 to vector<16xi32>
      %sub3A_385 = arith.subi %div3A_358, %sub3A_384 : vector<16xi32>
      %select_n3A_386 = arith.select %and3A_382, %sub3A_385, %div3A_358 : vector<16xi1>, vector<16xi32>
      %ge3A_387 = arith.constant 0 : i32
      %ge3A_388 = vector.broadcast %ge3A_387 : i32 to vector<16xi32>
      %ge3A_389 = arith.cmpi sge, %select_n3A_386, %ge3A_388 : vector<16xi32>
      %lt3A_390 = arith.constant 5000 : i32
      %lt3A_391 = vector.broadcast %lt3A_390 : i32 to vector<16xi32>
      %lt3A_392 = arith.cmpi slt, %select_n3A_386, %lt3A_391 : vector<16xi32>
      %and3A_393 = arith.andi %ge3A_389, %lt3A_392 : vector<16xi1>
      %swap3A_394 = arith.index_cast %add3A_352 : i32 to index
      %swap3A_395 = tpu.vector_load %arg12[%swap3A_394] masked %and3A_393 {strides = array<i32>} : memref<5248xi32, #tpu.memory_space<vmem>>, vector<16xi32>, vector<16xi1>
      tpu.vector_store %arg12[%swap3A_394], %get3A_355 masked %and3A_393 {strides = array<i32>} : memref<5248xi32, #tpu.memory_space<vmem>>, vector<16xi32>, vector<16xi1>
      %all_reduce_population_count3A_396 = tpu.all_reduce %and3A_393 {dim = 0 : i64, kind = #tpu.reduction_kind<sum>} : vector<16xi1> -> vector<16xi32>
      %reduce_max3A_397 = arith.constant true
      %reduce_max3A_398 = vector.broadcast %reduce_max3A_397 : i1 to vector<16xi1>
      %reduce_max3A_399 = arith.constant -2147483648 : i32
      %reduce_max3A_400 = vector.broadcast %reduce_max3A_399 : i32 to vector<16xi32>
      %reduce_max3A_401 = arith.xori %all_reduce_population_count3A_396, %reduce_max3A_400 : vector<16xi32>
      %reduce_max3A_402 = tpu.scan <max>, %reduce_max3A_401 masked %reduce_max3A_398 : vector<16xi32>, vector<16xi1> -> vector<16xi32>
      %reduce_max3A_403 = arith.xori %reduce_max3A_402, %reduce_max3A_400 : vector<16xi32>
      %reduce_max3A_404 = vector.extract %reduce_max3A_403[15] : i32 from vector<16xi32>
      %add3A_405 = arith.addi %add3A_352, %reduce_max3A_404 : i32
      %get3A_406 = arith.index_cast %scan3A_92 : i32 to index
      %get3A_407 = arith.constant 96 : index
      %get3A_408 = tpu.vector_load %arg11[%get3A_406, %get3A_407] {strides = array<i32>} : memref<40x128xi32, #tpu.memory_space<vmem>>, vector<16xi32>,
      %jit3A_409 = arith.constant 10000 : i32
      %div3A_410 = vector.broadcast %jit3A_409 : i32 to vector<16xi32>
      %div3A_411 = arith.divsi %get3A_408, %div3A_410 : vector<16xi32>
      %sign3A_412 = arith.constant 0 : i32
      %sign3A_413 = vector.broadcast %sign3A_412 : i32 to vector<16xi32>
      %sign3A_414 = arith.cmpi sgt, %get3A_408, %sign3A_413 : vector<16xi32>
      %sign3A_415 = arith.extui %sign3A_414 : vector<16xi1> to vector<16xi32>
      %sign3A_416 = arith.constant 0 : i32
      %sign3A_417 = vector.broadcast %sign3A_416 : i32 to vector<16xi32>
      %sign3A_418 = arith.cmpi slt, %get3A_408, %sign3A_417 : vector<16xi32>
      %sign3A_419 = arith.extui %sign3A_418 : vector<16xi1> to vector<16xi32>
      %sign3A_420 = arith.subi %sign3A_415, %sign3A_419 : vector<16xi32>
      %sign3A_421 = arith.constant 0 : i32
      %sign3A_422 = arith.cmpi sgt, %jit3A_409, %sign3A_421 : i32
      %sign3A_423 = arith.extui %sign3A_422 : i1 to i32
      %sign3A_424 = arith.constant 0 : i32
      %sign3A_425 = arith.cmpi slt, %jit3A_409, %sign3A_424 : i32
      %sign3A_426 = arith.extui %sign3A_425 : i1 to i32
      %sign3A_427 = arith.subi %sign3A_423, %sign3A_426 : i32
      %ne3A_428 = vector.broadcast %sign3A_427 : i32 to vector<16xi32>
      %ne3A_429 = arith.cmpi ne, %sign3A_420, %ne3A_428 : vector<16xi32>
      %rem3A_430 = vector.broadcast %jit3A_409 : i32 to vector<16xi32>
      %rem3A_431 = arith.remsi %get3A_408, %rem3A_430 : vector<16xi32>
      %ne3A_432 = arith.constant 0 : i32
      %ne3A_433 = vector.broadcast %ne3A_432 : i32 to vector<16xi32>
      %ne3A_434 = arith.cmpi ne, %rem3A_431, %ne3A_433 : vector<16xi32>
      %and3A_435 = arith.andi %ne3A_429, %ne3A_434 : vector<16xi1>
      %sub3A_436 = arith.constant 1 : i32
      %sub3A_437 = vector.broadcast %sub3A_436 : i32 to vector<16xi32>
      %sub3A_438 = arith.subi %div3A_411, %sub3A_437 : vector<16xi32>
      %select_n3A_439 = arith.select %and3A_435, %sub3A_438, %div3A_411 : vector<16xi1>, vector<16xi32>
      %ge3A_440 = arith.constant 0 : i32
      %ge3A_441 = vector.broadcast %ge3A_440 : i32 to vector<16xi32>
      %ge3A_442 = arith.cmpi sge, %select_n3A_439, %ge3A_441 : vector<16xi32>
      %lt3A_443 = arith.constant 5000 : i32
      %lt3A_444 = vector.broadcast %lt3A_443 : i32 to vector<16xi32>
      %lt3A_445 = arith.cmpi slt, %select_n3A_439, %lt3A_444 : vector<16xi32>
      %and3A_446 = arith.andi %ge3A_442, %lt3A_445 : vector<16xi1>
      %swap3A_447 = arith.index_cast %add3A_405 : i32 to index
      %swap3A_448 = tpu.vector_load %arg12[%swap3A_447] masked %and3A_446 {strides = array<i32>} : memref<5248xi32, #tpu.memory_space<vmem>>, vector<16xi32>, vector<16xi1>
      tpu.vector_store %arg12[%swap3A_447], %get3A_408 masked %and3A_446 {strides = array<i32>} : memref<5248xi32, #tpu.memory_space<vmem>>, vector<16xi32>, vector<16xi1>
      %all_reduce_population_count3A_449 = tpu.all_reduce %and3A_446 {dim = 0 : i64, kind = #tpu.reduction_kind<sum>} : vector<16xi1> -> vector<16xi32>
      %reduce_max3A_450 = arith.constant true
      %reduce_max3A_451 = vector.broadcast %reduce_max3A_450 : i1 to vector<16xi1>
      %reduce_max3A_452 = arith.constant -2147483648 : i32
      %reduce_max3A_453 = vector.broadcast %reduce_max3A_452 : i32 to vector<16xi32>
      %reduce_max3A_454 = arith.xori %all_reduce_population_count3A_449, %reduce_max3A_453 : vector<16xi32>
      %reduce_max3A_455 = tpu.scan <max>, %reduce_max3A_454 masked %reduce_max3A_451 : vector<16xi32>, vector<16xi1> -> vector<16xi32>
      %reduce_max3A_456 = arith.xori %reduce_max3A_455, %reduce_max3A_453 : vector<16xi32>
      %reduce_max3A_457 = vector.extract %reduce_max3A_456[15] : i32 from vector<16xi32>
      %add3A_458 = arith.addi %add3A_405, %reduce_max3A_457 : i32
      %get3A_459 = arith.index_cast %scan3A_92 : i32 to index
      %get3A_460 = arith.constant 112 : index
      %get3A_461 = tpu.vector_load %arg11[%get3A_459, %get3A_460] {strides = array<i32>} : memref<40x128xi32, #tpu.memory_space<vmem>>, vector<16xi32>,
      %jit3A_462 = arith.constant 10000 : i32
      %div3A_463 = vector.broadcast %jit3A_462 : i32 to vector<16xi32>
      %div3A_464 = arith.divsi %get3A_461, %div3A_463 : vector<16xi32>
      %sign3A_465 = arith.constant 0 : i32
      %sign3A_466 = vector.broadcast %sign3A_465 : i32 to vector<16xi32>
      %sign3A_467 = arith.cmpi sgt, %get3A_461, %sign3A_466 : vector<16xi32>
      %sign3A_468 = arith.extui %sign3A_467 : vector<16xi1> to vector<16xi32>
      %sign3A_469 = arith.constant 0 : i32
      %sign3A_470 = vector.broadcast %sign3A_469 : i32 to vector<16xi32>
      %sign3A_471 = arith.cmpi slt, %get3A_461, %sign3A_470 : vector<16xi32>
      %sign3A_472 = arith.extui %sign3A_471 : vector<16xi1> to vector<16xi32>
      %sign3A_473 = arith.subi %sign3A_468, %sign3A_472 : vector<16xi32>
      %sign3A_474 = arith.constant 0 : i32
      %sign3A_475 = arith.cmpi sgt, %jit3A_462, %sign3A_474 : i32
      %sign3A_476 = arith.extui %sign3A_475 : i1 to i32
      %sign3A_477 = arith.constant 0 : i32
      %sign3A_478 = arith.cmpi slt, %jit3A_462, %sign3A_477 : i32
      %sign3A_479 = arith.extui %sign3A_478 : i1 to i32
      %sign3A_480 = arith.subi %sign3A_476, %sign3A_479 : i32
      %ne3A_481 = vector.broadcast %sign3A_480 : i32 to vector<16xi32>
      %ne3A_482 = arith.cmpi ne, %sign3A_473, %ne3A_481 : vector<16xi32>
      %rem3A_483 = vector.broadcast %jit3A_462 : i32 to vector<16xi32>
      %rem3A_484 = arith.remsi %get3A_461, %rem3A_483 : vector<16xi32>
      %ne3A_485 = arith.constant 0 : i32
      %ne3A_486 = vector.broadcast %ne3A_485 : i32 to vector<16xi32>
      %ne3A_487 = arith.cmpi ne, %rem3A_484, %ne3A_486 : vector<16xi32>
      %and3A_488 = arith.andi %ne3A_482, %ne3A_487 : vector<16xi1>
      %sub3A_489 = arith.constant 1 : i32
      %sub3A_490 = vector.broadcast %sub3A_489 : i32 to vector<16xi32>
      %sub3A_491 = arith.subi %div3A_464, %sub3A_490 : vector<16xi32>
      %select_n3A_492 = arith.select %and3A_488, %sub3A_491, %div3A_464 : vector<16xi1>, vector<16xi32>
      %ge3A_493 = arith.constant 0 : i32
      %ge3A_494 = vector.broadcast %ge3A_493 : i32 to vector<16xi32>
      %ge3A_495 = arith.cmpi sge, %select_n3A_492, %ge3A_494 : vector<16xi32>
      %lt3A_496 = arith.constant 5000 : i32
      %lt3A_497 = vector.broadcast %lt3A_496 : i32 to vector<16xi32>
      %lt3A_498 = arith.cmpi slt, %select_n3A_492, %lt3A_497 : vector<16xi32>
      %and3A_499 = arith.andi %ge3A_495, %lt3A_498 : vector<16xi1>
      %swap3A_500 = arith.index_cast %add3A_458 : i32 to index
      %swap3A_501 = tpu.vector_load %arg12[%swap3A_500] masked %and3A_499 {strides = array<i32>} : memref<5248xi32, #tpu.memory_space<vmem>>, vector<16xi32>, vector<16xi1>
      tpu.vector_store %arg12[%swap3A_500], %get3A_461 masked %and3A_499 {strides = array<i32>} : memref<5248xi32, #tpu.memory_space<vmem>>, vector<16xi32>, vector<16xi1>
      %all_reduce_population_count3A_502 = tpu.all_reduce %and3A_499 {dim = 0 : i64, kind = #tpu.reduction_kind<sum>} : vector<16xi1> -> vector<16xi32>
      %reduce_max3A_503 = arith.constant true
      %reduce_max3A_504 = vector.broadcast %reduce_max3A_503 : i1 to vector<16xi1>
      %reduce_max3A_505 = arith.constant -2147483648 : i32
      %reduce_max3A_506 = vector.broadcast %reduce_max3A_505 : i32 to vector<16xi32>
      %reduce_max3A_507 = arith.xori %all_reduce_population_count3A_502, %reduce_max3A_506 : vector<16xi32>
      %reduce_max3A_508 = tpu.scan <max>, %reduce_max3A_507 masked %reduce_max3A_504 : vector<16xi32>, vector<16xi1> -> vector<16xi32>
      %reduce_max3A_509 = arith.xori %reduce_max3A_508, %reduce_max3A_506 : vector<16xi32>
      %reduce_max3A_510 = vector.extract %reduce_max3A_509[15] : i32 from vector<16xi32>
      %add3A_511 = arith.addi %add3A_458, %reduce_max3A_510 : i32
      scf.yield %add3A_511 : i32
    }
    %scan3A_10 = arith.constant 40 : i32
    %scan3A_11 = arith.constant 0 : i32
    %scan3A_12 = arith.constant 0 : i32
    %scan3A_13 = arith.constant 328 : i32
    %scan3A_14 = arith.addi %scan3A_12, %scan3A_13 : i32
    %scan3A_15 = arith.constant 1 : i32
    scf.for %scan3A_92 = %scan3A_12 to %scan3A_14 step %scan3A_15  : i32 {
      %broadcast_in_dim3A = arith.constant 50560000 : i32
      %broadcast_in_dim3A_93 = vector.broadcast %broadcast_in_dim3A : i32 to vector<16xi32>
      %shift_right_arithmetic3A = arith.constant 3 : i32
      %shift_right_arithmetic3A_94 = arith.shrsi %scan3A_92, %shift_right_arithmetic3A : i32
      %and3A_95 = arith.constant 7 : i32
      %and3A_96 = arith.andi %scan3A_92, %and3A_95 : i32
      %mul3A_97 = arith.constant 16 : i32
      %mul3A_98 = arith.muli %and3A_96, %mul3A_97 : i32
      %swap3A = arith.index_cast %shift_right_arithmetic3A_94 : i32 to index
      %swap3A_99 = arith.index_cast %mul3A_98 : i32 to index
      %swap3A_100 = tpu.vector_load %arg14[%swap3A, %swap3A_99] {strides = array<i32>} : memref<41x128xi32, #tpu.memory_space<vmem>>, vector<16xi32>,
      tpu.vector_store %arg14[%swap3A, %swap3A_99], %broadcast_in_dim3A_93 {strides = array<i32>} : memref<41x128xi32, #tpu.memory_space<vmem>>, vector<16xi32>,
    }
    %scan3A_16 = arith.constant 328 : i32
    %add3A_17 = arith.constant 15 : i32
    %add3A_18 = arith.addi %scan3A_9, %add3A_17 : i32
    %jit3A = arith.constant 16 : i32
    %div3A = arith.divsi %add3A_18, %jit3A : i32
    %sign3A = arith.constant 0 : i32
    %sign3A_19 = arith.cmpi sgt, %add3A_18, %sign3A : i32
    %sign3A_20 = arith.extui %sign3A_19 : i1 to i32
    %sign3A_21 = arith.constant 0 : i32
    %sign3A_22 = arith.cmpi slt, %add3A_18, %sign3A_21 : i32
    %sign3A_23 = arith.extui %sign3A_22 : i1 to i32
    %sign3A_24 = arith.subi %sign3A_20, %sign3A_23 : i32
    %sign3A_25 = arith.constant 0 : i32
    %sign3A_26 = arith.cmpi sgt, %jit3A, %sign3A_25 : i32
    %sign3A_27 = arith.extui %sign3A_26 : i1 to i32
    %sign3A_28 = arith.constant 0 : i32
    %sign3A_29 = arith.cmpi slt, %jit3A, %sign3A_28 : i32
    %sign3A_30 = arith.extui %sign3A_29 : i1 to i32
    %sign3A_31 = arith.subi %sign3A_27, %sign3A_30 : i32
    %ne3A = arith.cmpi ne, %sign3A_24, %sign3A_31 : i32
    %rem3A = arith.remsi %add3A_18, %jit3A : i32
    %ne3A_32 = arith.constant 0 : i32
    %ne3A_33 = arith.cmpi ne, %rem3A, %ne3A_32 : i32
    %and3A = arith.andi %ne3A, %ne3A_33 : i1
    %sub3A = arith.constant 1 : i32
    %sub3A_34 = arith.subi %div3A, %sub3A : i32
    %select_n3A = arith.select %and3A, %sub3A_34, %div3A : i32
    %while3A = arith.constant 0 : i32
    %while3A_35 = arith.constant 0 : i32
    %while3A_36 = arith.subi %select_n3A, %while3A_35 : i32
    %while3A_37 = arith.addi %while3A_35, %while3A_36 : i32
    %while3A_38 = arith.constant 1 : i32
    %while3A_39 = arith.divsi %while3A_36, %while3A_38 : i32
    %while3A_40 = arith.muli %while3A_39, %while3A_38 : i32
    %while3A_41 = arith.addi %while3A_35, %while3A_40 : i32
    %while3A_42 = arith.constant 1 : i32
    scf.for %while3A_92 = %while3A_35 to %while3A_41 step %while3A_42  : i32 {
      %mul3A_93 = arith.constant 16 : i32
      %mul3A_94 = arith.muli %while3A_92, %mul3A_93 : i32
      %get3A = arith.index_cast %mul3A_94 : i32 to index
      %get3A_95 = tpu.vector_load %arg12[%get3A] {strides = array<i32>} : memref<5248xi32, #tpu.memory_space<vmem>>, vector<16xi32>,
      %sub3A_96 = arith.subi %scan3A_9, %mul3A_94 : i32
      %lt3A = vector.broadcast %sub3A_96 : i32 to vector<16xi32>
      %lt3A_97 = arith.cmpi slt, %iota3A, %lt3A : vector<16xi32>
      %jit3A_98 = arith.constant 0 : i32
      %broadcast_in_dim3A = vector.broadcast %jit3A_98 : i32 to vector<16xi32>
      %select_n3A_99 = arith.select %lt3A_97, %get3A_95, %broadcast_in_dim3A : vector<16xi1>, vector<16xi32>
      %jit3A_100 = arith.constant 10000 : i32
      %div3A_101 = vector.broadcast %jit3A_100 : i32 to vector<16xi32>
      %div3A_102 = arith.divsi %select_n3A_99, %div3A_101 : vector<16xi32>
      %sign3A_103 = arith.constant 0 : i32
      %sign3A_104 = vector.broadcast %sign3A_103 : i32 to vector<16xi32>
      %sign3A_105 = arith.cmpi sgt, %select_n3A_99, %sign3A_104 : vector<16xi32>
      %sign3A_106 = arith.extui %sign3A_105 : vector<16xi1> to vector<16xi32>
      %sign3A_107 = arith.constant 0 : i32
      %sign3A_108 = vector.broadcast %sign3A_107 : i32 to vector<16xi32>
      %sign3A_109 = arith.cmpi slt, %select_n3A_99, %sign3A_108 : vector<16xi32>
      %sign3A_110 = arith.extui %sign3A_109 : vector<16xi1> to vector<16xi32>
      %sign3A_111 = arith.subi %sign3A_106, %sign3A_110 : vector<16xi32>
      %sign3A_112 = arith.constant 0 : i32
      %sign3A_113 = arith.cmpi sgt, %jit3A_100, %sign3A_112 : i32
      %sign3A_114 = arith.extui %sign3A_113 : i1 to i32
      %sign3A_115 = arith.constant 0 : i32
      %sign3A_116 = arith.cmpi slt, %jit3A_100, %sign3A_115 : i32
      %sign3A_117 = arith.extui %sign3A_116 : i1 to i32
      %sign3A_118 = arith.subi %sign3A_114, %sign3A_117 : i32
      %ne3A_119 = vector.broadcast %sign3A_118 : i32 to vector<16xi32>
      %ne3A_120 = arith.cmpi ne, %sign3A_111, %ne3A_119 : vector<16xi32>
      %rem3A_121 = vector.broadcast %jit3A_100 : i32 to vector<16xi32>
      %rem3A_122 = arith.remsi %select_n3A_99, %rem3A_121 : vector<16xi32>
      %ne3A_123 = arith.constant 0 : i32
      %ne3A_124 = vector.broadcast %ne3A_123 : i32 to vector<16xi32>
      %ne3A_125 = arith.cmpi ne, %rem3A_122, %ne3A_124 : vector<16xi32>
      %and3A_126 = arith.andi %ne3A_120, %ne3A_125 : vector<16xi1>
      %sub3A_127 = arith.constant 1 : i32
      %sub3A_128 = vector.broadcast %sub3A_127 : i32 to vector<16xi32>
      %sub3A_129 = arith.subi %div3A_102, %sub3A_128 : vector<16xi32>
      %select_n3A_130 = arith.select %and3A_126, %sub3A_129, %div3A_102 : vector<16xi1>, vector<16xi32>
      %mul3A_131 = arith.constant 10000 : i32
      %mul3A_132 = vector.broadcast %mul3A_131 : i32 to vector<16xi32>
      %mul3A_133 = arith.muli %select_n3A_130, %mul3A_132 : vector<16xi32>
      %sub3A_134 = arith.subi %select_n3A_99, %mul3A_133 : vector<16xi32>
      %gather3A = tpu.vector_load_idx %arg9[%select_n3A_130] : memref<10016xf32, #tpu.memory_space<vmem>>[vector<16xi32>], vector<16xf32>,
      %gather3A_135 = tpu.vector_load_idx %arg10[%sub3A_134] : memref<10016xf32, #tpu.memory_space<vmem>>[vector<16xi32>], vector<16xf32>,
      %add3A_136 = arith.addf %gather3A, %gather3A_135 : vector<16xf32>
      %ge3A = arith.constant 0.000000e+00 : f32
      %ge3A_137 = vector.broadcast %ge3A : f32 to vector<16xf32>
      %ge3A_138 = arith.cmpf oge, %add3A_136, %ge3A_137 : vector<16xf32>
      %mul3A_139 = arith.constant 1.000000e-01 : f32
      %mul3A_140 = vector.broadcast %mul3A_139 : f32 to vector<16xf32>
      %mul3A_141 = arith.mulf %mul3A_140, %add3A_136 : vector<16xf32>
      %select_n3A_142 = arith.select %ge3A_138, %add3A_136, %mul3A_141 : vector<16xi1>, vector<16xf32>
      %exp3A = math.exp %select_n3A_142 : vector<16xf32>
      %mul3A_143 = arith.constant 112 : i32
      %mul3A_144 = vector.broadcast %mul3A_143 : i32 to vector<16xi32>
      %mul3A_145 = arith.muli %select_n3A_130, %mul3A_144 : vector<16xi32>
      %add3A_146 = arith.addi %select_n3A_99, %mul3A_145 : vector<16xi32>
      %sub3A_147 = arith.constant 0 : i32
      %sub3A_148 = vector.broadcast %sub3A_147 : i32 to vector<16xi32>
      %sub3A_149 = arith.subi %add3A_146, %sub3A_148 : vector<16xi32>
      %jit3A_150 = arith.constant 50560000 : i32
      %broadcast_in_dim3A_151 = vector.broadcast %jit3A_150 : i32 to vector<16xi32>
      %select_n3A_152 = arith.select %lt3A_97, %sub3A_149, %broadcast_in_dim3A_151 : vector<16xi1>, vector<16xi32>
      %shift_right_arithmetic3A = arith.constant 3 : i32
      %shift_right_arithmetic3A_153 = arith.shrsi %while3A_92, %shift_right_arithmetic3A : i32
      %and3A_154 = arith.constant 7 : i32
      %and3A_155 = arith.andi %while3A_92, %and3A_154 : i32
      %mul3A_156 = arith.constant 16 : i32
      %mul3A_157 = arith.muli %and3A_155, %mul3A_156 : i32
      %swap3A = arith.index_cast %shift_right_arithmetic3A_153 : i32 to index
      %swap3A_158 = arith.index_cast %mul3A_157 : i32 to index
      %swap3A_159 = tpu.vector_load %arg13[%swap3A, %swap3A_158] {strides = array<i32>} : memref<41x128xf32, #tpu.memory_space<vmem>>, vector<16xf32>,
      tpu.vector_store %arg13[%swap3A, %swap3A_158], %exp3A {strides = array<i32>} : memref<41x128xf32, #tpu.memory_space<vmem>>, vector<16xf32>,
      %swap3A_160 = arith.index_cast %shift_right_arithmetic3A_153 : i32 to index
      %swap3A_161 = arith.index_cast %mul3A_157 : i32 to index
      %swap3A_162 = tpu.vector_load %arg14[%swap3A_160, %swap3A_161] {strides = array<i32>} : memref<41x128xi32, #tpu.memory_space<vmem>>, vector<16xi32>,
      tpu.vector_store %arg14[%swap3A_160, %swap3A_161], %select_n3A_152 {strides = array<i32>} : memref<41x128xi32, #tpu.memory_space<vmem>>, vector<16xi32>,
    }
    %while3A_43 = arith.constant 1 : i32
    scf.for %while3A_92 = %while3A_41 to %while3A_37 step %while3A_43  : i32 {
      %mul3A_93 = arith.constant 16 : i32
      %mul3A_94 = arith.muli %while3A_92, %mul3A_93 : i32
      %get3A = arith.index_cast %mul3A_94 : i32 to index
      %get3A_95 = tpu.vector_load %arg12[%get3A] {strides = array<i32>} : memref<5248xi32, #tpu.memory_space<vmem>>, vector<16xi32>,
      %sub3A_96 = arith.subi %scan3A_9, %mul3A_94 : i32
      %lt3A = vector.broadcast %sub3A_96 : i32 to vector<16xi32>
      %lt3A_97 = arith.cmpi slt, %iota3A, %lt3A : vector<16xi32>
      %jit3A_98 = arith.constant 0 : i32
      %broadcast_in_dim3A = vector.broadcast %jit3A_98 : i32 to vector<16xi32>
      %select_n3A_99 = arith.select %lt3A_97, %get3A_95, %broadcast_in_dim3A : vector<16xi1>, vector<16xi32>
      %jit3A_100 = arith.constant 10000 : i32
      %div3A_101 = vector.broadcast %jit3A_100 : i32 to vector<16xi32>
      %div3A_102 = arith.divsi %select_n3A_99, %div3A_101 : vector<16xi32>
      %sign3A_103 = arith.constant 0 : i32
      %sign3A_104 = vector.broadcast %sign3A_103 : i32 to vector<16xi32>
      %sign3A_105 = arith.cmpi sgt, %select_n3A_99, %sign3A_104 : vector<16xi32>
      %sign3A_106 = arith.extui %sign3A_105 : vector<16xi1> to vector<16xi32>
      %sign3A_107 = arith.constant 0 : i32
      %sign3A_108 = vector.broadcast %sign3A_107 : i32 to vector<16xi32>
      %sign3A_109 = arith.cmpi slt, %select_n3A_99, %sign3A_108 : vector<16xi32>
      %sign3A_110 = arith.extui %sign3A_109 : vector<16xi1> to vector<16xi32>
      %sign3A_111 = arith.subi %sign3A_106, %sign3A_110 : vector<16xi32>
      %sign3A_112 = arith.constant 0 : i32
      %sign3A_113 = arith.cmpi sgt, %jit3A_100, %sign3A_112 : i32
      %sign3A_114 = arith.extui %sign3A_113 : i1 to i32
      %sign3A_115 = arith.constant 0 : i32
      %sign3A_116 = arith.cmpi slt, %jit3A_100, %sign3A_115 : i32
      %sign3A_117 = arith.extui %sign3A_116 : i1 to i32
      %sign3A_118 = arith.subi %sign3A_114, %sign3A_117 : i32
      %ne3A_119 = vector.broadcast %sign3A_118 : i32 to vector<16xi32>
      %ne3A_120 = arith.cmpi ne, %sign3A_111, %ne3A_119 : vector<16xi32>
      %rem3A_121 = vector.broadcast %jit3A_100 : i32 to vector<16xi32>
      %rem3A_122 = arith.remsi %select_n3A_99, %rem3A_121 : vector<16xi32>
      %ne3A_123 = arith.constant 0 : i32
      %ne3A_124 = vector.broadcast %ne3A_123 : i32 to vector<16xi32>
      %ne3A_125 = arith.cmpi ne, %rem3A_122, %ne3A_124 : vector<16xi32>
      %and3A_126 = arith.andi %ne3A_120, %ne3A_125 : vector<16xi1>
      %sub3A_127 = arith.constant 1 : i32
      %sub3A_128 = vector.broadcast %sub3A_127 : i32 to vector<16xi32>
      %sub3A_129 = arith.subi %div3A_102, %sub3A_128 : vector<16xi32>
      %select_n3A_130 = arith.select %and3A_126, %sub3A_129, %div3A_102 : vector<16xi1>, vector<16xi32>
      %mul3A_131 = arith.constant 10000 : i32
      %mul3A_132 = vector.broadcast %mul3A_131 : i32 to vector<16xi32>
      %mul3A_133 = arith.muli %select_n3A_130, %mul3A_132 : vector<16xi32>
      %sub3A_134 = arith.subi %select_n3A_99, %mul3A_133 : vector<16xi32>
      %gather3A = tpu.vector_load_idx %arg9[%select_n3A_130] : memref<10016xf32, #tpu.memory_space<vmem>>[vector<16xi32>], vector<16xf32>,
      %gather3A_135 = tpu.vector_load_idx %arg10[%sub3A_134] : memref<10016xf32, #tpu.memory_space<vmem>>[vector<16xi32>], vector<16xf32>,
      %add3A_136 = arith.addf %gather3A, %gather3A_135 : vector<16xf32>
      %ge3A = arith.constant 0.000000e+00 : f32
      %ge3A_137 = vector.broadcast %ge3A : f32 to vector<16xf32>
      %ge3A_138 = arith.cmpf oge, %add3A_136, %ge3A_137 : vector<16xf32>
      %mul3A_139 = arith.constant 1.000000e-01 : f32
      %mul3A_140 = vector.broadcast %mul3A_139 : f32 to vector<16xf32>
      %mul3A_141 = arith.mulf %mul3A_140, %add3A_136 : vector<16xf32>
      %select_n3A_142 = arith.select %ge3A_138, %add3A_136, %mul3A_141 : vector<16xi1>, vector<16xf32>
      %exp3A = math.exp %select_n3A_142 : vector<16xf32>
      %mul3A_143 = arith.constant 112 : i32
      %mul3A_144 = vector.broadcast %mul3A_143 : i32 to vector<16xi32>
      %mul3A_145 = arith.muli %select_n3A_130, %mul3A_144 : vector<16xi32>
      %add3A_146 = arith.addi %select_n3A_99, %mul3A_145 : vector<16xi32>
      %sub3A_147 = arith.constant 0 : i32
      %sub3A_148 = vector.broadcast %sub3A_147 : i32 to vector<16xi32>
      %sub3A_149 = arith.subi %add3A_146, %sub3A_148 : vector<16xi32>
      %jit3A_150 = arith.constant 50560000 : i32
      %broadcast_in_dim3A_151 = vector.broadcast %jit3A_150 : i32 to vector<16xi32>
      %select_n3A_152 = arith.select %lt3A_97, %sub3A_149, %broadcast_in_dim3A_151 : vector<16xi1>, vector<16xi32>
      %shift_right_arithmetic3A = arith.constant 3 : i32
      %shift_right_arithmetic3A_153 = arith.shrsi %while3A_92, %shift_right_arithmetic3A : i32
      %and3A_154 = arith.constant 7 : i32
      %and3A_155 = arith.andi %while3A_92, %and3A_154 : i32
      %mul3A_156 = arith.constant 16 : i32
      %mul3A_157 = arith.muli %and3A_155, %mul3A_156 : i32
      %swap3A = arith.index_cast %shift_right_arithmetic3A_153 : i32 to index
      %swap3A_158 = arith.index_cast %mul3A_157 : i32 to index
      %swap3A_159 = tpu.vector_load %arg13[%swap3A, %swap3A_158] {strides = array<i32>} : memref<41x128xf32, #tpu.memory_space<vmem>>, vector<16xf32>,
      tpu.vector_store %arg13[%swap3A, %swap3A_158], %exp3A {strides = array<i32>} : memref<41x128xf32, #tpu.memory_space<vmem>>, vector<16xf32>,
      %swap3A_160 = arith.index_cast %shift_right_arithmetic3A_153 : i32 to index
      %swap3A_161 = arith.index_cast %mul3A_157 : i32 to index
      %swap3A_162 = tpu.vector_load %arg14[%swap3A_160, %swap3A_161] {strides = array<i32>} : memref<41x128xi32, #tpu.memory_space<vmem>>, vector<16xi32>,
      tpu.vector_store %arg14[%swap3A_160, %swap3A_161], %select_n3A_152 {strides = array<i32>} : memref<41x128xi32, #tpu.memory_space<vmem>>, vector<16xi32>,
    }
    %add3A_44 = arith.constant 128 : i32
    %add3A_45 = arith.addi %scan3A_9, %add3A_44 : i32
    %sub3A_46 = arith.constant 1 : i32
    %sub3A_47 = arith.subi %add3A_45, %sub3A_46 : i32
    %jit3A_48 = arith.constant 128 : i32
    %div3A_49 = arith.divsi %sub3A_47, %jit3A_48 : i32
    %sign3A_50 = arith.constant 0 : i32
    %sign3A_51 = arith.cmpi sgt, %sub3A_47, %sign3A_50 : i32
    %sign3A_52 = arith.extui %sign3A_51 : i1 to i32
    %sign3A_53 = arith.constant 0 : i32
    %sign3A_54 = arith.cmpi slt, %sub3A_47, %sign3A_53 : i32
    %sign3A_55 = arith.extui %sign3A_54 : i1 to i32
    %sign3A_56 = arith.subi %sign3A_52, %sign3A_55 : i32
    %sign3A_57 = arith.constant 0 : i32
    %sign3A_58 = arith.cmpi sgt, %jit3A_48, %sign3A_57 : i32
    %sign3A_59 = arith.extui %sign3A_58 : i1 to i32
    %sign3A_60 = arith.constant 0 : i32
    %sign3A_61 = arith.cmpi slt, %jit3A_48, %sign3A_60 : i32
    %sign3A_62 = arith.extui %sign3A_61 : i1 to i32
    %sign3A_63 = arith.subi %sign3A_59, %sign3A_62 : i32
    %ne3A_64 = arith.cmpi ne, %sign3A_56, %sign3A_63 : i32
    %rem3A_65 = arith.remsi %sub3A_47, %jit3A_48 : i32
    %ne3A_66 = arith.constant 0 : i32
    %ne3A_67 = arith.cmpi ne, %rem3A_65, %ne3A_66 : i32
    %and3A_68 = arith.andi %ne3A_64, %ne3A_67 : i1
    %sub3A_69 = arith.constant 1 : i32
    %sub3A_70 = arith.subi %div3A_49, %sub3A_69 : i32
    %select_n3A_71 = arith.select %and3A_68, %sub3A_70, %div3A_49 : i32
    %while3A_72 = arith.constant 0 : i32
    %while3A_73 = arith.constant 0 : i32
    %while3A_74 = arith.subi %select_n3A_71, %while3A_73 : i32
    %while3A_75 = arith.addi %while3A_73, %while3A_74 : i32
    %while3A_76 = arith.constant 1 : i32
    %while3A_77 = arith.divsi %while3A_74, %while3A_76 : i32
    %while3A_78 = arith.muli %while3A_77, %while3A_76 : i32
    %while3A_79 = arith.addi %while3A_73, %while3A_78 : i32
    %while3A_80 = arith.constant 1 : i32
    scf.for %while3A_92 = %while3A_73 to %while3A_79 step %while3A_80  : i32 {
      %dma_start3A = arith.constant 0 : i32
      %dma_start3A_93 = tpu.memref_slice %arg13[%while3A_92, %dma_start3A] : memref<41x128xf32, #tpu.memory_space<vmem>> -> memref<1x128xf32, #tpu.memory_space<vmem>>
      %dma_start3A_94 = tpu.memref_squeeze %dma_start3A_93 : memref<1x128xf32, #tpu.memory_space<vmem>> -> memref<128xf32, #tpu.memory_space<vmem>>
      %dma_start3A_95 = arith.constant 0 : i32
      %dma_start3A_96 = tpu.memref_slice %arg14[%while3A_92, %dma_start3A_95] : memref<41x128xi32, #tpu.memory_space<vmem>> -> memref<1x128xi32, #tpu.memory_space<vmem>>
      %dma_start3A_97 = tpu.memref_squeeze %dma_start3A_96 : memref<1x128xi32, #tpu.memory_space<vmem>> -> memref<128xi32, #tpu.memory_space<vmem>>
      %dma_start3A_98 = arith.constant 0 : i32
      %dma_start3A_99 = tpu.memref_slice %arg5[%dma_start3A_98] : memref<50570112xf32, #tpu.memory_space<hbm>> -> memref<50570112xf32, #tpu.memory_space<hbm>>
      tpu.enqueue_indirect_dma source(%dma_start3A_94 : memref<128xf32, #tpu.memory_space<vmem>>) target(%dma_start3A_99 : memref<50570112xf32, #tpu.memory_space<hbm>>) offsets(%dma_start3A_97 : memref<128xi32, #tpu.memory_space<vmem>>) semaphore(%arg15 : memref<!tpu.dma_semaphore, #tpu.memory_space<semaphore_mem>>)
    }
    %while3A_81 = arith.constant 1 : i32
    scf.for %while3A_92 = %while3A_79 to %while3A_75 step %while3A_81  : i32 {
      %dma_start3A = arith.constant 0 : i32
      %dma_start3A_93 = tpu.memref_slice %arg13[%while3A_92, %dma_start3A] : memref<41x128xf32, #tpu.memory_space<vmem>> -> memref<1x128xf32, #tpu.memory_space<vmem>>
      %dma_start3A_94 = tpu.memref_squeeze %dma_start3A_93 : memref<1x128xf32, #tpu.memory_space<vmem>> -> memref<128xf32, #tpu.memory_space<vmem>>
      %dma_start3A_95 = arith.constant 0 : i32
      %dma_start3A_96 = tpu.memref_slice %arg14[%while3A_92, %dma_start3A_95] : memref<41x128xi32, #tpu.memory_space<vmem>> -> memref<1x128xi32, #tpu.memory_space<vmem>>
      %dma_start3A_97 = tpu.memref_squeeze %dma_start3A_96 : memref<1x128xi32, #tpu.memory_space<vmem>> -> memref<128xi32, #tpu.memory_space<vmem>>
      %dma_start3A_98 = arith.constant 0 : i32
      %dma_start3A_99 = tpu.memref_slice %arg5[%dma_start3A_98] : memref<50570112xf32, #tpu.memory_space<hbm>> -> memref<50570112xf32, #tpu.memory_space<hbm>>
      tpu.enqueue_indirect_dma source(%dma_start3A_94 : memref<128xf32, #tpu.memory_space<vmem>>) target(%dma_start3A_99 : memref<50570112xf32, #tpu.memory_space<hbm>>) offsets(%dma_start3A_97 : memref<128xi32, #tpu.memory_space<vmem>>) semaphore(%arg15 : memref<!tpu.dma_semaphore, #tpu.memory_space<semaphore_mem>>)
    }
    %while3A_82 = arith.constant 0 : i32
    %while3A_83 = arith.constant 0 : i32
    %while3A_84 = arith.subi %select_n3A_71, %while3A_83 : i32
    %while3A_85 = arith.addi %while3A_83, %while3A_84 : i32
    %while3A_86 = arith.constant 1 : i32
    %while3A_87 = arith.divsi %while3A_84, %while3A_86 : i32
    %while3A_88 = arith.muli %while3A_87, %while3A_86 : i32
    %while3A_89 = arith.addi %while3A_83, %while3A_88 : i32
    %while3A_90 = arith.constant 1 : i32
    scf.for %while3A_92 = %while3A_83 to %while3A_89 step %while3A_90  : i32 {
      %dma_wait3A = arith.constant 0 : i32
      %dma_wait3A_93 = tpu.memref_slice %arg13[%while3A_92, %dma_wait3A] : memref<41x128xf32, #tpu.memory_space<vmem>> -> memref<1x128xf32, #tpu.memory_space<vmem>>
      %dma_wait3A_94 = tpu.memref_squeeze %dma_wait3A_93 : memref<1x128xf32, #tpu.memory_space<vmem>> -> memref<128xf32, #tpu.memory_space<vmem>>
      %dma_wait3A_95 = arith.constant 0 : i32
      %dma_wait3A_96 = tpu.memref_slice %arg14[%while3A_92, %dma_wait3A_95] : memref<41x128xi32, #tpu.memory_space<vmem>> -> memref<1x128xi32, #tpu.memory_space<vmem>>
      %dma_wait3A_97 = tpu.memref_squeeze %dma_wait3A_96 : memref<1x128xi32, #tpu.memory_space<vmem>> -> memref<128xi32, #tpu.memory_space<vmem>>
      %dma_wait3A_98 = arith.constant 0 : i32
      %dma_wait3A_99 = tpu.memref_slice %arg5[%dma_wait3A_98] : memref<50570112xf32, #tpu.memory_space<hbm>> -> memref<50570112xf32, #tpu.memory_space<hbm>>
      tpu.wait_indirect_dma semaphore(%arg15 : memref<!tpu.dma_semaphore, #tpu.memory_space<semaphore_mem>>) src(%dma_wait3A_94 : memref<128xf32, #tpu.memory_space<vmem>>) dst(%dma_wait3A_99 : memref<50570112xf32, #tpu.memory_space<hbm>>)
    }
    %while3A_91 = arith.constant 1 : i32
    scf.for %while3A_92 = %while3A_89 to %while3A_85 step %while3A_91  : i32 {
      %dma_wait3A = arith.constant 0 : i32
      %dma_wait3A_93 = tpu.memref_slice %arg13[%while3A_92, %dma_wait3A] : memref<41x128xf32, #tpu.memory_space<vmem>> -> memref<1x128xf32, #tpu.memory_space<vmem>>
      %dma_wait3A_94 = tpu.memref_squeeze %dma_wait3A_93 : memref<1x128xf32, #tpu.memory_space<vmem>> -> memref<128xf32, #tpu.memory_space<vmem>>
      %dma_wait3A_95 = arith.constant 0 : i32
      %dma_wait3A_96 = tpu.memref_slice %arg14[%while3A_92, %dma_wait3A_95] : memref<41x128xi32, #tpu.memory_space<vmem>> -> memref<1x128xi32, #tpu.memory_space<vmem>>
      %dma_wait3A_97 = tpu.memref_squeeze %dma_wait3A_96 : memref<1x128xi32, #tpu.memory_space<vmem>> -> memref<128xi32, #tpu.memory_space<vmem>>
      %dma_wait3A_98 = arith.constant 0 : i32
      %dma_wait3A_99 = tpu.memref_slice %arg5[%dma_wait3A_98] : memref<50570112xf32, #tpu.memory_space<hbm>> -> memref<50570112xf32, #tpu.memory_space<hbm>>
      tpu.wait_indirect_dma semaphore(%arg15 : memref<!tpu.dma_semaphore, #tpu.memory_space<semaphore_mem>>) src(%dma_wait3A_94 : memref<128xf32, #tpu.memory_space<vmem>>) dst(%dma_wait3A_99 : memref<50570112xf32, #tpu.memory_space<hbm>>)
    }
    return
  }
}

module attributes {stable_mosaic.version = 14 : i64} {
  func.func @_st_body(%arg0: memref<10000x128xf32, #tpu.memory_space<vmem>>, %arg1: memref<128x128xf32, #tpu.memory_space<vmem>>, %arg2: memref<1x256xf32, #tpu.memory_space<vmem>>, %arg3: memref<1x10016xf32, #tpu.memory_space<vmem>>, %arg4: memref<1x10016xf32, #tpu.memory_space<vmem>>) attributes {dimension_semantics = [], scalar_prefetch = 0 : i64, scratch_operands = 0 : i64, tpu.core_type = #tpu.core_type<tc>} {
    %get3A = arith.constant 0 : index
    %get3A_0 = arith.constant 0 : index
    %get3A_1 = vector.load %arg0[%get3A, %get3A_0] : memref<10000x128xf32, #tpu.memory_space<vmem>>, vector<10000x128xf32>
    %get3A_2 = arith.constant 0 : index
    %get3A_3 = arith.constant 0 : index
    %get3A_4 = vector.load %arg1[%get3A_2, %get3A_3] : memref<128x128xf32, #tpu.memory_space<vmem>>, vector<128x128xf32>
    %dot_general3A = arith.constant dense<0.000000e+00> : vector<10000x128xf32>
    %dot_general3A_5 = tpu.matmul %get3A_1, %get3A_4, %dot_general3A {dimension_numbers = #tpu.dot_dimension_numbers<[1], [1], [0], [0], [0, 0, 1, 0], [], []>, transpose_lhs_hint = false} : vector<10000x128xf32>, vector<128x128xf32>, vector<10000x128xf32> -> vector<10000x128xf32>
    %get3A_6 = arith.constant 0 : index
    %get3A_7 = arith.constant 0 : index
    %get3A_8 = vector.load %arg2[%get3A_6, %get3A_7] : memref<1x256xf32, #tpu.memory_space<vmem>>, vector<1x128xf32>
    %get3A_9 = vector.shape_cast %get3A_8 : vector<1x128xf32> to vector<128xf32>
    %get3A_10 = arith.constant 0 : index
    %get3A_11 = arith.constant 128 : index
    %get3A_12 = vector.load %arg2[%get3A_10, %get3A_11] : memref<1x256xf32, #tpu.memory_space<vmem>>, vector<1x128xf32>
    %get3A_13 = vector.shape_cast %get3A_12 : vector<1x128xf32> to vector<128xf32>
    %broadcast_in_dim3A = vector.shape_cast %get3A_9 : vector<128xf32> to vector<1x128xf32>
    %mul3A = vector.broadcast %broadcast_in_dim3A : vector<1x128xf32> to vector<10000x128xf32>
    %mul3A_14 = arith.mulf %dot_general3A_5, %mul3A : vector<10000x128xf32>
    %reduce_sum3A = arith.constant dense<0.000000e+00> : vector<10000xf32>
    %reduce_sum3A_15 = vector.multi_reduction <add>, %mul3A_14, %reduce_sum3A [1] : vector<10000x128xf32> to vector<10000xf32>
    %broadcast_in_dim3A_16 = vector.shape_cast %get3A_13 : vector<128xf32> to vector<1x128xf32>
    %mul3A_17 = vector.broadcast %broadcast_in_dim3A_16 : vector<1x128xf32> to vector<10000x128xf32>
    %mul3A_18 = arith.mulf %dot_general3A_5, %mul3A_17 : vector<10000x128xf32>
    %reduce_sum3A_19 = arith.constant dense<0.000000e+00> : vector<10000xf32>
    %reduce_sum3A_20 = vector.multi_reduction <add>, %mul3A_18, %reduce_sum3A_19 [1] : vector<10000x128xf32> to vector<10000xf32>
    %swap3A = arith.constant 0 : index
    %swap3A_21 = arith.constant 0 : index
    %swap3A_22 = vector.load %arg3[%swap3A, %swap3A_21] : memref<1x10016xf32, #tpu.memory_space<vmem>>, vector<1x10000xf32>
    %swap3A_23 = vector.shape_cast %swap3A_22 : vector<1x10000xf32> to vector<10000xf32>
    %swap3A_24 = vector.shape_cast %reduce_sum3A_15 : vector<10000xf32> to vector<1x10000xf32>
    tpu.vector_store %arg3[%swap3A, %swap3A_21], %swap3A_24 {strides = array<i32>} : memref<1x10016xf32, #tpu.memory_space<vmem>>, vector<1x10000xf32>,
    %swap3A_25 = arith.constant 0 : index
    %swap3A_26 = arith.constant 0 : index
    %swap3A_27 = vector.load %arg4[%swap3A_25, %swap3A_26] : memref<1x10016xf32, #tpu.memory_space<vmem>>, vector<1x10000xf32>
    %swap3A_28 = vector.shape_cast %swap3A_27 : vector<1x10000xf32> to vector<10000xf32>
    %swap3A_29 = vector.shape_cast %reduce_sum3A_20 : vector<10000xf32> to vector<1x10000xf32>
    tpu.vector_store %arg4[%swap3A_25, %swap3A_26], %swap3A_29 {strides = array<i32>} : memref<1x10016xf32, #tpu.memory_space<vmem>>, vector<1x10000xf32>,
    %broadcast_in_dim3A_30 = arith.constant 0.000000e+00 : f32
    %broadcast_in_dim3A_31 = vector.broadcast %broadcast_in_dim3A_30 : f32 to vector<16xf32>
    %swap3A_32 = arith.constant 0 : index
    %swap3A_33 = arith.constant 10000 : index
    %swap3A_34 = vector.load %arg3[%swap3A_32, %swap3A_33] : memref<1x10016xf32, #tpu.memory_space<vmem>>, vector<1x16xf32>
    %swap3A_35 = vector.shape_cast %swap3A_34 : vector<1x16xf32> to vector<16xf32>
    %swap3A_36 = vector.shape_cast %broadcast_in_dim3A_31 : vector<16xf32> to vector<1x16xf32>
    tpu.vector_store %arg3[%swap3A_32, %swap3A_33], %swap3A_36 {strides = array<i32>} : memref<1x10016xf32, #tpu.memory_space<vmem>>, vector<1x16xf32>,
    %broadcast_in_dim3A_37 = arith.constant 0.000000e+00 : f32
    %broadcast_in_dim3A_38 = vector.broadcast %broadcast_in_dim3A_37 : f32 to vector<16xf32>
    %swap3A_39 = arith.constant 0 : index
    %swap3A_40 = arith.constant 10000 : index
    %swap3A_41 = vector.load %arg4[%swap3A_39, %swap3A_40] : memref<1x10016xf32, #tpu.memory_space<vmem>>, vector<1x16xf32>
    %swap3A_42 = vector.shape_cast %swap3A_41 : vector<1x16xf32> to vector<16xf32>
    %swap3A_43 = vector.shape_cast %broadcast_in_dim3A_38 : vector<16xf32> to vector<1x16xf32>
    tpu.vector_store %arg4[%swap3A_39, %swap3A_40], %swap3A_43 {strides = array<i32>} : memref<1x10016xf32, #tpu.memory_space<vmem>>, vector<1x16xf32>,
    return
  }
}

module attributes {stable_mosaic.version = 14 : i64} {
  func.func @body(%arg0: i32, %arg1: memref<40x10112xf32, #tpu.memory_space<vmem>>, %arg2: memref<10000x10000xf32, #tpu.memory_space<any>>, %arg3: memref<40x10000xf32, #tpu.memory_space<vmem>>) attributes {dimension_semantics = [#tpu.dimension_semantics<arbitrary>], iteration_bounds = array<i64: 125>, scalar_prefetch = 0 : i64, scratch_operands = 0 : i64, tpu.core_type = #tpu.core_type<tc>, window_params = [{transform_indices = @transform_0, window_bounds = array<i64: 40, 10112>}, {}, {transform_indices = @transform_2, window_bounds = array<i64: 40, 10000>}]} {
    %get3A = arith.constant 0 : index
    %get3A_0 = arith.constant 0 : index
    %get3A_1 = vector.load %arg1[%get3A, %get3A_0] : memref<40x10112xf32, #tpu.memory_space<vmem>>, vector<40x10112xf32>
    %reduce_sum3A = arith.constant dense<0.000000e+00> : vector<40xf32>
    %reduce_sum3A_2 = vector.multi_reduction <add>, %get3A_1, %reduce_sum3A [1] : vector<40x10112xf32> to vector<40xf32>
    %eq3A = arith.constant 0.000000e+00 : f32
    %eq3A_3 = vector.broadcast %eq3A : f32 to vector<40xf32>
    %eq3A_4 = arith.cmpf oeq, %reduce_sum3A_2, %eq3A_3 : vector<40xf32>
    %convert_element_type3A = arith.extui %eq3A_4 : vector<40xi1> to vector<40xi32>
    %convert_element_type3A_5 = arith.sitofp %convert_element_type3A : vector<40xi32> to vector<40xf32>
    %add3A = arith.addf %reduce_sum3A_2, %convert_element_type3A_5 : vector<40xf32>
    %div3A = arith.constant 1.000000e+00 : f32
    %div3A_6 = vector.broadcast %div3A : f32 to vector<40xf32>
    %div3A_7 = arith.divf %div3A_6, %add3A : vector<40xf32>
    %iota3A = tpu.iota {dimensions = array<i32: 0>} : vector<40x10000xi32>
    %mul3A = arith.constant 40 : i32
    %mul3A_8 = arith.muli %arg0, %mul3A : i32
    %add3A_9 = vector.broadcast %mul3A_8 : i32 to vector<40x10000xi32>
    %add3A_10 = arith.addi %iota3A, %add3A_9 : vector<40x10000xi32>
    %add3A_11 = arith.constant 5000 : i32
    %add3A_12 = vector.broadcast %add3A_11 : i32 to vector<40x10000xi32>
    %add3A_13 = arith.addi %add3A_10, %add3A_12 : vector<40x10000xi32>
    %iota3A_14 = tpu.iota {dimensions = array<i32: 1>} : vector<40x10000xi32>
    %eq3A_15 = arith.cmpi eq, %iota3A_14, %add3A_13 : vector<40x10000xi32>
    %convert_element_type3A_16 = arith.extui %eq3A_15 : vector<40x10000xi1> to vector<40x10000xi32>
    %convert_element_type3A_17 = arith.sitofp %convert_element_type3A_16 : vector<40x10000xi32> to vector<40x10000xf32>
    %slice3A = vector.extract_strided_slice %get3A_1 {offsets = [0, 0], sizes = [40, 10000], strides = [1, 1]} : vector<40x10112xf32> to vector<40x10000xf32>
    %broadcast_in_dim3A = vector.shape_cast %convert_element_type3A_5 : vector<40xf32> to vector<40x1xf32>
    %mul3A_18 = vector.broadcast %broadcast_in_dim3A : vector<40x1xf32> to vector<40x10000xf32>
    %mul3A_19 = arith.mulf %convert_element_type3A_17, %mul3A_18 : vector<40x10000xf32>
    %add3A_20 = arith.addf %slice3A, %mul3A_19 : vector<40x10000xf32>
    %broadcast_in_dim3A_21 = vector.shape_cast %div3A_7 : vector<40xf32> to vector<40x1xf32>
    %mul3A_22 = vector.broadcast %broadcast_in_dim3A_21 : vector<40x1xf32> to vector<40x10000xf32>
    %mul3A_23 = arith.mulf %add3A_20, %mul3A_22 : vector<40x10000xf32>
    %swap3A = arith.constant 0 : index
    %swap3A_24 = arith.constant 0 : index
    %swap3A_25 = vector.load %arg3[%swap3A, %swap3A_24] : memref<40x10000xf32, #tpu.memory_space<vmem>>, vector<40x10000xf32>
    tpu.vector_store %arg3[%swap3A, %swap3A_24], %mul3A_23 {strides = array<i32>} : memref<40x10000xf32, #tpu.memory_space<vmem>>, vector<40x10000xf32>,
    return
  }
  func.func @transform_0(%arg0: i32) -> (i32, i32) {
    %c0_i32 = arith.constant 0 : i32
    %c0_i32_0 = arith.constant 0 : i32
    return %arg0, %c0_i32 : i32, i32
  }
  func.func @transform_2(%arg0: i32) -> (i32, i32) {
    %add3A = arith.constant 125 : i32
    %add3A_0 = arith.addi %arg0, %add3A : i32
    %c0_i32 = arith.constant 0 : i32
    %c0_i32_1 = arith.constant 0 : i32
    return %add3A_0, %c0_i32 : i32, i32
  }
}

module attributes {stable_mosaic.version = 14 : i64} {
  func.func @body(%arg0: i32, %arg1: memref<40x10112xf32, #tpu.memory_space<vmem>>, %arg2: memref<40x10000xf32, #tpu.memory_space<vmem>>) attributes {dimension_semantics = [#tpu.dimension_semantics<arbitrary>], iteration_bounds = array<i64: 125>, scalar_prefetch = 0 : i64, scratch_operands = 0 : i64, tpu.core_type = #tpu.core_type<tc>, window_params = [{transform_indices = @transform_0, window_bounds = array<i64: 40, 10112>}, {transform_indices = @transform_1, window_bounds = array<i64: 40, 10000>}]} {
    %get3A = arith.constant 0 : index
    %get3A_0 = arith.constant 0 : index
    %get3A_1 = vector.load %arg1[%get3A, %get3A_0] : memref<40x10112xf32, #tpu.memory_space<vmem>>, vector<40x10112xf32>
    %reduce_sum3A = arith.constant dense<0.000000e+00> : vector<40xf32>
    %reduce_sum3A_2 = vector.multi_reduction <add>, %get3A_1, %reduce_sum3A [1] : vector<40x10112xf32> to vector<40xf32>
    %eq3A = arith.constant 0.000000e+00 : f32
    %eq3A_3 = vector.broadcast %eq3A : f32 to vector<40xf32>
    %eq3A_4 = arith.cmpf oeq, %reduce_sum3A_2, %eq3A_3 : vector<40xf32>
    %convert_element_type3A = arith.extui %eq3A_4 : vector<40xi1> to vector<40xi32>
    %convert_element_type3A_5 = arith.sitofp %convert_element_type3A : vector<40xi32> to vector<40xf32>
    %add3A = arith.addf %reduce_sum3A_2, %convert_element_type3A_5 : vector<40xf32>
    %div3A = arith.constant 1.000000e+00 : f32
    %div3A_6 = vector.broadcast %div3A : f32 to vector<40xf32>
    %div3A_7 = arith.divf %div3A_6, %add3A : vector<40xf32>
    %iota3A = tpu.iota {dimensions = array<i32: 0>} : vector<40x10000xi32>
    %mul3A = arith.constant 40 : i32
    %mul3A_8 = arith.muli %arg0, %mul3A : i32
    %add3A_9 = vector.broadcast %mul3A_8 : i32 to vector<40x10000xi32>
    %add3A_10 = arith.addi %iota3A, %add3A_9 : vector<40x10000xi32>
    %add3A_11 = arith.constant 0 : i32
    %add3A_12 = vector.broadcast %add3A_11 : i32 to vector<40x10000xi32>
    %add3A_13 = arith.addi %add3A_10, %add3A_12 : vector<40x10000xi32>
    %iota3A_14 = tpu.iota {dimensions = array<i32: 1>} : vector<40x10000xi32>
    %eq3A_15 = arith.cmpi eq, %iota3A_14, %add3A_13 : vector<40x10000xi32>
    %convert_element_type3A_16 = arith.extui %eq3A_15 : vector<40x10000xi1> to vector<40x10000xi32>
    %convert_element_type3A_17 = arith.sitofp %convert_element_type3A_16 : vector<40x10000xi32> to vector<40x10000xf32>
    %slice3A = vector.extract_strided_slice %get3A_1 {offsets = [0, 0], sizes = [40, 10000], strides = [1, 1]} : vector<40x10112xf32> to vector<40x10000xf32>
    %broadcast_in_dim3A = vector.shape_cast %convert_element_type3A_5 : vector<40xf32> to vector<40x1xf32>
    %mul3A_18 = vector.broadcast %broadcast_in_dim3A : vector<40x1xf32> to vector<40x10000xf32>
    %mul3A_19 = arith.mulf %convert_element_type3A_17, %mul3A_18 : vector<40x10000xf32>
    %add3A_20 = arith.addf %slice3A, %mul3A_19 : vector<40x10000xf32>
    %broadcast_in_dim3A_21 = vector.shape_cast %div3A_7 : vector<40xf32> to vector<40x1xf32>
    %mul3A_22 = vector.broadcast %broadcast_in_dim3A_21 : vector<40x1xf32> to vector<40x10000xf32>
    %mul3A_23 = arith.mulf %add3A_20, %mul3A_22 : vector<40x10000xf32>
    %swap3A = arith.constant 0 : index
    %swap3A_24 = arith.constant 0 : index
    %swap3A_25 = vector.load %arg2[%swap3A, %swap3A_24] : memref<40x10000xf32, #tpu.memory_space<vmem>>, vector<40x10000xf32>
    tpu.vector_store %arg2[%swap3A, %swap3A_24], %mul3A_23 {strides = array<i32>} : memref<40x10000xf32, #tpu.memory_space<vmem>>, vector<40x10000xf32>,
    return
  }
  func.func @transform_0(%arg0: i32) -> (i32, i32) {
    %c0_i32 = arith.constant 0 : i32
    %c0_i32_0 = arith.constant 0 : i32
    return %arg0, %c0_i32 : i32, i32
  }
  func.func @transform_1(%arg0: i32) -> (i32, i32) {
    %c0_i32 = arith.constant 0 : i32
    %c0_i32_0 = arith.constant 0 : i32
    return %arg0, %c0_i32 : i32, i32
  }
}

</mosaic_0001>

<sc_bundles>
// kernel: kernel.10.cloned.1.call-start
scs
__scs_entry_jumppad:
0x0: {  	(pc) =	sbr.rel $0x88, $3  }
0x1: {  	(tag) =	ssettag $0x0;
	lr =	simm.s32 $0x1  }
0x2: {  	[smem:$0x3F9D] =	sst lr;
	_ =	strace $0xD0000000  }
0x3: {  	_ = 	snop  }
0x4: {  	_ = 	snop  }
0x5: {  	_ = 	snop  }
0x6: {  	_ = 	snop  }
0x7: {  	_ = 	snop  }
__scs_overlays_trampoline_lowered:
0x8: {  	[smem:$0x3FAC] =	sst s0  }
0x9: {  	[smem:$0x3FAD] =	sst s1  }
0xa: {  	[smem:$0x3FAE] =	sst s2  }
0xb: {  	[smem:$0x3FAF] =	sst s3  }
0xc: {  	[smem:$0x3FB0] =	sst s4  }
0xd: {  	[smem:$0x3FB1] =	sst s5  }
0xe: {  	[smem:$0x3FB2] =	sst s6  }
0xf: {  	[smem:$0x3FB3] =	sst s7  }
0x10: {  	[smem:$0x3FB4] =	sst s8  }
0x11: {  	[smem:$0x3FB5] =	sst s9;
	s0 =	simm.s32 @!p0 $0x0  }
0x12: {  	s1 =	sld [smem:$0x3F9B];
	s0 =	simm.s32 @p0 $0x1  }
0x13: {  	[smem:$0x3FB6] =	sst s0;
	s0 =	simm.s32 @!p1 $0x0  }
0x14: {  	s2 =	sld [smem:$0x3F9A];
	s0 =	simm.s32 @p1 $0x1  }
0x15: {  	[smem:$0x3FB7] =	sst s0;
	s0 =	simm.s32 @!p2 $0x0  }
0x16: {  	s3 =	sld [smem:$0x3FDB];
	s0 =	simm.s32 @p2 $0x1  }
0x17: {  	s4 =	simm.s32 $0x1BF5;
	[smem:$0x3FB9] =	sst s0  }
0x18: {  	s0 =	sld [smem:$0x3F9C];
	_ =	swait.ge [sflag:s4], $0x0  }
0x19: {  	s7 =	sld [smem:$0x3F9D]  }
0x1a: {  	s8 =	sadd.s32 $0xFFFFE003, lr  }
0x1b: {  	s9 =	sadd.s32 $0xFFFFFEF7, lr;
	s5 =	simm.s32 $0xFFFFFFFF;
	p2 =	slt.u32 s8, $0xFFFFF086  }
0x1c: {  	p1 =	slt.u32 s9, $0xF7A;
	s5 =	simm.s32 @!p2 $0x0  }
0x1d: {  	s5 =	simm.s32 @p1 $0x1;
	p0 =	seq.s32 s7, s2  }
0x1e: {  	s7 =	smul.u32 @!p0 $0xF7A, s2;
	p2 =	seq.s32 @!p0 s5, $0x0  }
0x1f: {  	s9 =	smul.u32 $0xF7A, s1;
	s8 =	simm.s32 @!p0 $0x1BF5;
	p2 =	por !p2, p0  }
0x20: {  	[sflag:s8] =	ssyncset.s32 @!p0 $0xFFFFF086;
	s6 =	sadd.s32 @!p0 s3, s7;
	s7 =	simm.s32 @!p0 $0x108  }
0x21: {  	s3 =	sadd.s32 s3, s9;
	s6 =	sadd.s32 @!p0 $0x88, s6;
	s7 =	simm.s32 @p2 $0x1082  }
0x22: {  	[simem:s7], [sflag:s8] =	dma.local @!p0 [hbm:s6], $0xF7A  }
0x23: {  	s9 =	sor.u32 $0xD0000000, s2;
	s6 =	simm.s32 $0x108;
	_ =	swait.ge @!p0 [sflag:s8], $0x0  }
0x24: {  	s3 =	sadd.s32 $0x88, s3;
	s6 =	simm.s32 @!p1 $0x1082;
	[sflag:s4] =	ssyncset.s32 $0xFFFFF086  }
0x25: {  	[simem:s6], [sflag:s4] =	dma.local [hbm:s3], $0xF7A  }
0x26: {  	[smem:$0x3F9D] =	sst s1;
	(tag) =	ssettag s2;
	_ =	strace s9  }
0x27: {  	s1 =	sld [smem:$0x3FAD]  }
0x28: {  	s2 =	sld [smem:$0x3FAE]  }
0x29: {  	s4 =	sld [smem:$0x3FB0]  }
0x2a: {  	p0 =	seq.s32 s5, $0x0;
	s5 =	sld [smem:$0x3FB1]  }
0x2b: {  	s6 =	sld [smem:$0x3FB2]  }
0x2c: {  	s7 =	sld [smem:$0x3FB3]  }
0x2d: {  	s3 =	simm.s32 $0x108;
	s8 =	sld [smem:$0x3FB4]  }
0x2e: {  	s3 =	simm.s32 @!p0 $0x1082;
	s9 =	sld [smem:$0x3FB5]  }
0x2f: {  	lr =	sadd.s32 s0, s3;
	s0 =	sld [smem:$0x3FAC]  }
0x30: {  	s3 =	sld [smem:$0x3FAF]  }
0x31: {  	[smem:$0x3FB8] =	sst s10  }
0x32: {  	s10 =	sld [smem:$0x3FB6];
	_ =	sdelay $0x3  }
0x33: {  	p0 =	seq.s32 s10, $0x1;
	s10 =	sld [smem:$0x3FB8];
	_ =	sdelay $0x3  }
0x34: {  	[smem:$0x3FB8] =	sst s10  }
0x35: {  	s10 =	sld [smem:$0x3FB7];
	_ =	sdelay $0x3  }
0x36: {  	p1 =	seq.s32 s10, $0x1;
	s10 =	sld [smem:$0x3FB8];
	_ =	sdelay $0x3  }
0x37: {  	[smem:$0x3FB8] =	sst s10  }
0x38: {  	s10 =	sld [smem:$0x3FB9]  }
0x39: {  	_ = 	snop;
	(pc) =	sbr.ind lr, $3  }
0x3a: {  	_ = 	snop  }
0x3b: {  	_ = 	snop  }
0x3c: {  	p2 =	seq.s32 s10, $0x1;
	s10 =	sld [smem:$0x3FB8]  }
0x3d: {  	_ =	shalt  }
0x3e: {  	_ =	shalt  }
0x3f: {  	_ =	shalt  }
0x40: {  	_ =	shalt  }
0x41: {  	_ =	shalt  }
0x42: {  	_ =	shalt  }
0x43: {  	_ =	shalt  }
0x44: {  	_ =	shalt  }
0x45: {  	_ =	shalt  }
0x46: {  	_ =	shalt  }
0x47: {  	_ =	shalt  }
0x48: {  	_ =	shalt  }
0x49: {  	_ =	shalt  }
0x4a: {  	_ =	shalt  }
0x4b: {  	_ =	shalt  }
0x4c: {  	_ =	shalt  }
0x4d: {  	_ =	shalt  }
0x4e: {  	_ =	shalt  }
0x4f: {  	_ =	shalt  }
0x50: {  	_ =	shalt  }
0x51: {  	_ =	shalt  }
0x52: {  	_ =	shalt  }
0x53: {  	_ =	shalt  }
0x54: {  	_ =	shalt  }
0x55: {  	_ =	shalt  }
0x56: {  	_ =	shalt  }
0x57: {  	_ =	shalt  }
0x58: {  	_ =	shalt  }
0x59: {  	_ =	shalt  }
0x5a: {  	_ =	shalt  }
0x5b: {  	_ =	shalt  }
0x5c: {  	_ =	shalt  }
0x5d: {  	_ =	shalt  }
0x5e: {  	_ =	shalt  }
0x5f: {  	_ =	shalt  }
0x60: {  	_ =	shalt  }
0x61: {  	_ =	shalt  }
0x62: {  	_ =	shalt  }
0x63: {  	_ =	shalt  }
0x64: {  	_ =	shalt  }
0x65: {  	_ =	shalt  }
0x66: {  	_ =	shalt  }
0x67: {  	_ =	shalt  }
0x68: {  	_ =	shalt  }
0x69: {  	_ =	shalt  }
0x6a: {  	_ =	shalt  }
0x6b: {  	_ =	shalt  }
0x6c: {  	_ =	shalt  }
0x6d: {  	_ =	shalt  }
0x6e: {  	_ =	shalt  }
0x6f: {  	_ =	shalt  }
0x70: {  	_ =	shalt  }
0x71: {  	_ =	shalt  }
0x72: {  	_ =	shalt  }
0x73: {  	_ =	shalt  }
0x74: {  	_ =	shalt  }
0x75: {  	_ =	shalt  }
0x76: {  	_ =	shalt  }
0x77: {  	_ =	shalt  }
0x78: {  	_ =	shalt  }
0x79: {  	_ =	shalt  }
0x7a: {  	_ =	shalt  }
0x7b: {  	_ =	shalt  }
0x7c: {  	_ =	shalt  }
0x7d: {  	_ =	shalt  }
0x7e: {  	_ =	shalt  }
0x7f: {  	_ =	shalt  }
0x80: {  	_ =	shalt  }
0x81: {  	_ =	shalt  }
0x82: {  	_ =	shalt  }
0x83: {  	_ =	shalt  }
0x84: {  	_ =	shalt  }
0x85: {  	_ =	shalt  }
0x86: {  	_ =	shalt  }
0x87: {  	_ =	shalt  }
.Lfunc_end0:
.L_simem_size_0:
called_computation.1_lowered:
.L_overlay_start_0:
0x88: {  	s2 =	sld [smem:$0x3FD9]  }
0x89: {  	s3 =	sld [smem:$0x3FFE];
	_ =	sdelay $0x1  }
0x8a: {  	s1 =	srdreg.scid  }
0x8b: {  	s0 =	sand.u32 $0x1, s1  }
0x8c: {  	s17 =	sshll.u32 s0, $0xA;
	s2 =	sadd.s32 s3, s2  }
0x8d: {  	s2 =	sadd.s32 s2, s17  }
0x8e: {  	[smem:$0x3FC4] =	sst s2  }
0x8f: {  	_ = 	snop  }
0x90: {  	(tm) =	ssettm $0x1  }
0x91: {  	s18 =	sld [smem:$0x3FFB];
	_ =	sdelay $0x3  }
0x92: {  	_ =	strace s18  }
0x93: {  	s2 =	sld [smem:$0x3FFC];
	_ =	sdelay $0x3  }
0x94: {  	_ =	strace s2  }
0x95: {  	s2 =	sld [smem:$0x3FFD];
	_ =	sdelay $0x3  }
0x96: {  	_ =	strace s2  }
0x97: {  	_ =	strace $0x8FFFFFFF  }
0x98: {  	s19 =	sld [smem:$0x3FDB];
	_ =	sdelay $0x1  }
0x99: {  	s20 =	simm.s32 $_scs_section_size  }
0x9a: {  	s4 =	simm.s32 $_size__tile_overlayer_lowered;
	s5 =	simm.s32 $_tile_overlayer_lowered  }
0x9b: {  	s6 =	simm.s32 $0x1BFF;
	s21 =	sshll.u32 s5, $0x1;
	s3 =	sadd.s32 s20, s19  }
0x9c: {  	s22 =	simm.s32 $0x0;
	s4 =	sshll.u32 s4, $0x1;
	s5 =	sadd.s32 s21, s3  }
0x9d: {  	[timem:s22], [sflag:s6] =	dma.local [hbm:s5], s4  }
0x9e: {  	_ =	swait.ge [sflag:s6], s4  }
0x9f: {  	s4 =	ssub.s32 $0x0, s4;
	[sflag:s6] =	ssyncset.done $0x0  }
0xa0: {  	[sflag:s6] =	ssyncadd.s32 s4;
	_ =	sdelay $0x1  }
0xa1: {  	s23 =	simm.s32 $0x1B8B  }
0xa2: {  	_ =	swait.ge [sflag:s23], $0x1  }
0xa3: {  	[sflag:s23] =	ssyncset.done $0x0  }
0xa4: {  	[sflag:s23] =	ssyncadd.s32 $0xFFFFFFFF  }
0xa5: {  	s4 =	sld [smem:$0x0]  }
0xa6: {  	s5 =	sand.u32 $0xFFFFFFFE, s1  }
0xa7: {  	p0 =	sne.s32 s1, s5  }
0xa8: {  	s5 =	sshll.u32 @p0 s5, $0xE  }
0xa9: {  	s5 =	sadd.s32 @p0 $0x11B8D, s5;
	s6 =	sshll.u32 @p0 s4, $0x11  }
0xaa: {  	s5 =	sor.u32 @p0 s6, s5  }
0xab: {  	[sflag:s5] =	ssyncadd.remote.s32 @p0 $0x1;
	_ =	sdelay $0x1  }
0xac: {  	s5 =	simm.s32 @p0 $0x1B8D  }
0xad: {  	_ =	swait.eq @p0 [sflag:s5], $0x1  }
0xae: {  	[sflag:s5] =	ssyncadd.s32 @p0 $0xFFFFFFFF  }
0xaf: {  	s6 =	sshll.u32 @!p0 s1, $0xE  }
0xb0: {  	s6 =	sor.u32 @!p0 $0x4000, s6;
	s5 =	simm.s32 @!p0 $0x1B8D  }
0xb1: {  	s4 =	sshll.u32 @!p0 s4, $0x11;
	s6 =	sadd.s32 @!p0 $0x11B8D, s6;
	_ =	swait.eq @!p0 [sflag:s5], $0x1  }
0xb2: {  	s4 =	sor.u32 @!p0 s4, s6;
	[sflag:s5] =	ssyncadd.s32 @!p0 $0xFFFFFFFF  }
0xb3: {  	s25 =	simm.s32 $0x1B8E;
	s24 =	sld [smem:$0x3FFE];
	[sflag:s4] =	ssyncadd.remote.s32 @!p0 $0x1  }
0xb4: {  	s26 =	simm.s32 $execute0_lowered;
	[smem:$0x3FD2] =	sst s25  }
0xb5: {  	s5 =	sshll.u32 s26, $0x1;
	_ =	strace $0x80000049;
	[dreg:$0x1] =	wrdreg $0xFFFFFFFF  }
0xb6: {  	s28 =	simm.s32 $_size_execute0_lowered;
	s3 =	sadd.s32 s3, s5;
	[dreg:$0x0] =	wrdreg $0x0  }
0xb7: {  	s5 =	sshll.u32 s28, $0x1;
	[dreg:$0x2] =	wrdreg s3  }
0xb8: {  	[dreg:$0x3] =	wrdreg s5  }
0xb9: {  	[dreg:$0x4] =	wrdreg $0xC0  }
0xba: {  	_ =	task [dreg:s22], $0x5FFFF  }
0xbb: {  	[dreg:$0x1] =	wrdreg $0xFFFFFFFF  }
0xbc: {  	[dreg:$0x0] =	wrdreg $0x60  }
0xbd: {  	[dreg:$0x2] =	wrdreg s24  }
0xbe: {  	[dreg:$0x3] =	wrdreg $0x0  }
0xbf: {  	[dreg:$0x4] =	wrdreg $0x2780  }
0xc0: {  	[dreg:$0x5] =	wrdreg $0xA  }
0xc1: {  	_ =	task.clear_ibuf [dreg:s22], $0x6FFFF;
	_ =	strace $0x90000049  }
0xc2: {  	s29 =	simm.s32 $0xA;
	_ =	strace $0x8000004B  }
0xc3: {  	_ =	swait.ge [sflag:s29], $0x1  }
0xc4: {  	[sflag:s29] =	ssyncadd.s32 $0xFFFFFFFF  }
0xc5: {  	_ =	strace $0x9000004B  }
0xc6: {  	_ =	sfence  }
0xc7: {  	s30 =	sld [smem:$0x0];
	_ =	sdelay $0x2  }
0xc8: {  	s31 =	sshll.u32 s1, $0xD;
	s1 =	sshrl.u32 s1, $0x2  }
0xc9: {  	s4 =	sand.u32 $0x4000, s31;
	s1 =	sadd.s32 s1, s30  }
0xca: {  	s0 =	sor.u32 s4, s0;
	s1 =	sshll.u32 s1, $0x11  }
0xcb: {  	s0 =	sor.u32 s1, s0  }
0xcc: {  	s0 =	sadd.s32 $0x8F2B, s0  }
0xcd: {  	[sflag:s0] =	ssyncadd.remote.s32 $0x1  }
0xce: {  	_ =	sfence.sel $0xFFFF  }
0xcf: {  	[dreg:$0x0] =	wrdreg $0xFFFFFFFF;
	(pc) =	sbr.abs _section_cstart, $3  }
0xd0: {  	[dreg:$0x1] =	wrdreg $0xFFFFFFFF  }
0xd1: {  	_ =	task.clear_ibuf [dreg:s22], $0x2FFFF;
	_ =	strace $0x9FFFFFFF  }
0xd2: {  	(tm) =	ssettm $0x7FFFFFFF  }
0xd3: {  	_ =	shalt  }
tec
execute0_lowered:
.L_overlay_start_1:
0x0: {  	(tag) =	ssettag $0x1  }
0x1: {  	s4 =	rddreg [dreg:$0x0]  }
0x2: {  	s0 =	srdreg.scid;
	s5 =	rddreg [dreg:$0x1]  }
0x3: {  	s1 =	stileid.u32;
	s6 =	rddreg [dreg:$0x2]  }
0x4: {  	s3 =	simm.s32 $0x0;
	s0 =	sand.u32 $0x1, s0;
	s2 =	sshll.u32 s1, $0x1  }
0x5: {  	[smem:$0x7FF] =	sst s3;
	s2 =	sor.u32 s0, s2  }
0x6: {  	v0 =	vimm.s32 $0xECA86420;
	s7 =	sadd.s32 $0x600, s4;
	s0 =	ssub.s32 $0x2, s0;
	s2 =	smul.u32 $0x280, s2  }
0x7: {  	vm0 =	vcmask $0xB08;
	vm1 =	vcmask $0x1310;
	vm2 =	vcmask $0x1B18;
	_ =	strace $0x8000004A;
	[dreg:$0x4] =	wrdreg s7;
	s31 =	sshrl.u32 s0, $0x1  }
0x8: {  	vm3 =	vcmask $0x300;
	vm4 =	vcmask $0x2320;
	vm5 =	vcmask $0x2B28;
	s0 =	ssub.s32 s0, s31;
	s2 =	sadd.s32 s2, s4;
	s4 =	sadd.s32 $0x5C00, s4  }
.Ltmp0:
0x9: {  	vm6 =	vcmask $0x3330;
	v1 =	vlaneseq.u32;
	vm7 =	vcmask $0x3B38;
	s0 =	smax.u32 s0, $0x1;
	[dreg:$0x5] =	wrdreg s4;
	(pc) =	sbr.rel .LBB2_1-.Ltmp0, $4  }
0xa: {  	vm8 =	vmmov $0xff;
	vm12 =	vcmask $0xF0C;
	vm13 =	vcmask $0x1714;
	p0 =	sne.s32 s1, $0x0;
	s2 =	sadd.s32 $0xC00, s2;
	[dreg:$0x7] =	wrdreg s0  }
0xb: {  	vm14 =	vcmask $0x1F1C;
	vm15 =	vcmask $0x2724;
	v0 =	vunpack.c.l.s4.s8 v0;
	s0 =	sshrl.u32 @!p0 s5, $0x3;
	[dreg:$0x6] =	wrdreg s2  }
0xc: {  	s12 =	simm.s32 $0x2C70;
	vm9 =	vcmask $0x2F2C;
	vm10 =	vcmask $0x3734;
	v3 =	vimm.s32 $0x0;
	[dreg:$0x8] =	wrdreg s0;
	s0 =	sshrl.u32 @!p0 s6, $0x3  }
0xd: {  	v4 =	vimm.s32 $0x3037C00;
	v2 =	vmul.u32 $0x2, v1;
	s1 =	simm.s32 $0x0;
	s7 =	simm.s32 $0x4F0;
	v0 =	vunpack.c.0.s8.s32 v0;
	[dreg:$0x9] =	wrdreg s0  }
.LBB2_13:
0xe: {  	[sflag:s1] =	ssyncadd.s32 $0xFFFFFF80;
	s1 =	rddreg [dreg:$0xa]  }
.LBB2_14:
0xf: {  	s1 =	sadd.s32 $0x1, s1;
	s0 =	rddreg [dreg:$0x7]  }
0x10: {  	p1 =	sne.s32 s1, s0  }
.Ltmp1:
0x11: {  	_ = 	snop;
	(pc) =	sbr.rel @!p1 .LBB2_15-.Ltmp1, $1  }
0x12: {  	_ =	sdelay $0x3  }
.LBB2_1:
0x13: {  	[dreg:$0xa] =	wrdreg s1  }
0x14: {  	s1 =	rddreg [dreg:$0x0]  }
0x15: {  	s0 =	simm.s32 @!p0 $0x1C02;
	s2 =	rddreg [dreg:$0x8]  }
0x16: {  	[spmem:s2], [sflag:s0] =	dma.local @!p0 [hbm:s1], $0x4F0  }
0x17: {  	s1 =	simm.s32 @!p0 $0x2  }
0x18: {  	_ =	swait.ge @!p0 [sflag:s1], $0x4F0  }
0x19: {  	[sflag:s1] =	ssyncset.done @!p0 $0x0;
	s2 =	rddreg [dreg:$0x4]  }
0x1a: {  	s3 =	rddreg [dreg:$0x9];
	[sflag:s1] =	ssyncadd.s32 @!p0 $0xFFFFFB10  }
0x1b: {  	[spmem:s3], [sflag:s0] =	dma.local @!p0 [hbm:s2], $0x4F0  }
0x1c: {  	_ =	swait.ge @!p0 [sflag:s1], $0x4F0  }
0x1d: {  	[sflag:s1] =	ssyncset.done @!p0 $0x0  }
0x1e: {  	[sflag:s1] =	ssyncadd.s32 @!p0 $0xFFFFFB10  }
0x1f: {  	[bflag:$0x0] =	sbarrier.arrive $0xFFFF  }
0x20: {  	s26 =	simm.s32 $0x2;
	s25 =	rddreg [dreg:$0x1]  }
0x21: {  	[tilespmem:s7], [sflag:$0x2] =	stream.linear.gather [spmem:s25], $0x2780, $0x38;
	[tilespmem:$0xAC70] =	vst v63  }
0x22: {  	_ =	swait.ge [sflag:s26], $0x2780  }
0x23: {  	[sflag:s26] =	ssyncset.done $0x0  }
0x24: {  	[sflag:s26] =	ssyncadd.s32 $0xFFFFD880  }
0x25: {  	s28 =	rddreg [dreg:$0x2]  }
0x26: {  	[tilespmem:s12], [sflag:$0x2] =	stream.linear.gather [spmem:s28], $0x2780, $0x38;
	[tilespmem:$0xAC70] =	vst v63  }
0x27: {  	_ =	swait.ge [sflag:s26], $0x2780  }
0x28: {  	s29 =	simm.s32 $0x0;
	[sflag:s26] =	ssyncset.done $0x0  }
0x29: {  	s31 =	simm.s32 $0x53F0;
	s30 =	rddreg [dreg:$0x6];
	[sflag:s26] =	ssyncadd.s32 $0xFFFFD880  }
0x2a: {  	[tilespmem:s31], [sflag:$0x2] =	stream.linear.gather [hbm4b:s30+s29], $0x1400, $0x38;
	[tilespmem:$0xAC70] =	vst v63  }
0x2b: {  	_ =	swait.ge [sflag:s26], $0x1400  }
0x2c: {  	[sflag:s26] =	ssyncset.done $0x0  }
0x2d: {  	s15 =	simm.s32 $0x0;
	[sflag:s26] =	ssyncadd.s32 $0xFFFFEC00;
	s26 =	simm.s32 $0x0  }
.LBB2_2:
0x2e: {  	s21 =	sshra.s32 s15, $0x2  }
0x2f: {  	v5 =	vld [tilespmem:s21+$0x53F0];
	_ =	sdelay $0x4  }
0x30: {  	(v2sf) =	vpush v5, $0xD;
	_ =	sdelay $0x1  }
0x31: {  	(v2sf) =	vpush v5, $0xC;
	_ =	sdelay $0x1  }
0x32: {  	(v2sf) =	vpush v5, $0xE;
	_ =	sdelay $0x1  }
0x33: {  	(v2sf) =	vpush v5, $0xF;
	_ =	sdelay $0x1  }
0x34: {  	(v2sf) =	vpush v5, $0x9;
	_ =	sdelay $0x1  }
0x35: {  	(v2sf) =	vpush v5, $0x8;
	_ =	sdelay $0x1  }
0x36: {  	(v2sf) =	vpush v5, $0xA;
	_ =	sdelay $0x1  }
0x37: {  	(v2sf) =	vpush v5, $0xB  }
0x38: {  	s0 =	spop (v2sf)  }
0x39: {  	(v2sf) =	vpush v5, $0x0;
	s1 =	smulhi.u32 $0x68DB8BAD, s0;
	s0 =	sshra.s32 s0, $0x1F  }
0x3a: {  	s2 =	spop (v2sf);
	s0 =	smul.u32 $0x68DB8BAD, s0  }
0x3b: {  	(v2sf) =	vpush v5, $0x1;
	s3 =	smulhi.u32 $0x68DB8BAD, s2;
	s2 =	sshra.s32 s2, $0x1F  }
0x3c: {  	s4 =	spop (v2sf);
	(v2sf) =	vpush v5, $0x2;
	s2 =	smul.u32 $0x68DB8BAD, s2  }
0x3d: {  	s5 =	smulhi.u32 $0x68DB8BAD, s4;
	s4 =	sshra.s32 s4, $0x1F;
	(v2sf) =	vpush v5, $0x3  }
0x3e: {  	s14 =	spop (v2sf);
	s4 =	smul.u32 $0x68DB8BAD, s4;
	(v2sf) =	vpush v5, $0x4  }
0x3f: {  	s22 =	smulhi.u32 $0x68DB8BAD, s14;
	s14 =	sshra.s32 s14, $0x1F;
	(v2sf) =	vpush v5, $0x5  }
0x40: {  	s19 =	spop (v2sf);
	s14 =	smul.u32 $0x68DB8BAD, s14;
	(v2sf) =	vpush v5, $0x6  }
0x41: {  	s24 =	smulhi.u32 $0x68DB8BAD, s19;
	s20 =	sshra.s32 s19, $0x1F;
	(v2sf) =	vpush v5, $0x7  }
0x42: {  	s23 =	spop (v2sf);
	s19 =	sadd.s32 s0, s1;
	s16 =	smul.u32 $0x68DB8BAD, s20  }
0x43: {  	s0 =	sshrl.u32 s19, $0x1F;
	s25 =	smulhi.u32 $0x68DB8BAD, s23;
	s17 =	sshra.s32 s23, $0x1F  }
0x44: {  	s23 =	sadd.s32 s2, s3;
	s31 =	spop (v2sf);
	s18 =	smul.u32 $0x68DB8BAD, s17  }
0x45: {  	s20 =	sadd.s32 s4, s5;
	s29 =	smulhi.u32 $0x68DB8BAD, s31;
	s2 =	sshra.s32 s31, $0x1F  }
0x46: {  	s28 =	sshrl.u32 s23, $0x1F;
	s11 =	spop (v2sf);
	s6 =	smul.u32 $0x68DB8BAD, s2  }
0x47: {  	s5 =	sshrl.u32 s20, $0x1F;
	s30 =	smulhi.u32 $0x68DB8BAD, s11;
	s2 =	sshra.s32 s11, $0x1F  }
0x48: {  	s22 =	sadd.s32 s14, s22;
	s31 =	smul.u32 $0x68DB8BAD, s2;
	s12 =	spop (v2sf)  }
0x49: {  	s7 =	sshrl.u32 s22, $0x1F;
	s8 =	smulhi.u32 $0x68DB8BAD, s12;
	s13 =	sshra.s32 s12, $0x1F  }
0x4a: {  	s2 =	sadd.s32 s16, s24;
	s14 =	spop (v2sf);
	s9 =	smul.u32 $0x68DB8BAD, s13  }
0x4b: {  	s10 =	smulhi.u32 $0x68DB8BAD, s14;
	s16 =	sshra.s32 s14, $0x1F;
	s17 =	spop (v2sf)  }
0x4c: {  	s1 =	sadd.s32 s18, s25;
	s3 =	smul.u32 $0x68DB8BAD, s16;
	s18 =	spop (v2sf)  }
0x4d: {  	s12 =	smulhi.u32 $0x68DB8BAD, s17;
	s24 =	sshra.s32 s17, $0x1F;
	s17 =	spop (v2sf)  }
0x4e: {  	s14 =	sadd.s32 s6, s29;
	s6 =	smul.u32 $0x68DB8BAD, s24;
	s29 =	spop (v2sf)  }
0x4f: {  	s11 =	smulhi.u32 $0x68DB8BAD, s18;
	s25 =	sshra.s32 s18, $0x1F;
	s13 =	spop (v2sf)  }
0x50: {  	s24 =	sadd.s32 s31, s30;
	s25 =	smul.u32 $0x68DB8BAD, s25;
	s16 =	spop (v2sf)  }
0x51: {  	s8 =	sadd.s32 s9, s8;
	s18 =	smulhi.u32 $0x68DB8BAD, s16;
	s30 =	sshra.s32 s16, $0x1F  }
0x52: {  	s3 =	sadd.s32 s3, s10;
	s10 =	sshrl.u32 s2, $0x1F;
	s30 =	smul.u32 $0x68DB8BAD, s30  }
0x53: {  	v7 =	vmov s28;
	s31 =	smulhi.u32 $0x68DB8BAD, s17;
	s17 =	sshra.s32 s17, $0x1F;
	s2 =	sshra.s32 s2, $0xC  }
0x54: {  	v7 =	vsel vm0, s0, v7;
	s4 =	sadd.s32 s6, s12;
	s11 =	sadd.s32 s25, s11;
	s25 =	sadd.s32 s30, s18  }
0x55: {  	v7 =	vsel vm1, s5, v7;
	s6 =	sshrl.u32 s8, $0x1F;
	s9 =	smul.u32 $0x68DB8BAD, s17;
	s30 =	sshra.s32 s25, $0x1F  }
0x56: {  	v7 =	vsel vm2, s7, v7;
	v8 =	vmov s6;
	s6 =	sshra.s32 s29, $0x1F;
	s7 =	smulhi.u32 $0x68DB8BAD, s13;
	s16 =	sshra.s32 s8, $0xC;
	v6 =	vmov s30  }
0x57: {  	vm11 =	vcmask $0x704;
	s17 =	sshrl.u32 s24, $0x1F;
	s8 =	sshra.s32 s8, $0x1F;
	s0 =	smul.u32 $0x68DB8BAD, s6;
	v6 =	vsel vm3, s16, v6  }
0x58: {  	s28 =	sshrl.u32 s3, $0x1F;
	s16 =	smulhi.u32 $0x68DB8BAD, s29;
	s29 =	sshra.s32 s3, $0xC;
	v6 =	vsel vm11, s8, v6  }
0x59: {  	v8 =	vnsel vm3, $0x0, v8;
	s6 =	sshra.s32 s13, $0x1F;
	s13 =	sshra.s32 s4, $0xC;
	s3 =	sshra.s32 s3, $0x1F;
	v6 =	vsel vm0, s29, v6  }
0x5a: {  	v8 =	vsel vm0, s28, v8;
	s28 =	sadd.s32 s9, s31;
	s30 =	sshrl.u32 s1, $0x1F;
	s8 =	sshrl.u32 s4, $0x1F;
	v6 =	vsel vm12, s3, v6  }
0x5b: {  	s5 =	sshrl.u32 s11, $0x1F;
	s31 =	sshrl.u32 s28, $0x1F;
	v9 =	vmov s30;
	s30 =	sshra.s32 s4, $0x1F;
	v8 =	vsel vm1, s8, v8;
	v6 =	vsel vm1, s13, v6  }
0x5c: {  	s18 =	sshrl.u32 s14, $0x1F;
	s1 =	sshra.s32 s1, $0xC;
	v9 =	vsel vm0, s10, v9;
	v8 =	vsel vm2, s5, v8;
	s5 =	sshra.s32 s11, $0xC;
	v6 =	vsel vm13, s30, v6  }
0x5d: {  	s12 =	sshra.s32 s28, $0xC;
	v10 =	vmov s1;
	s10 =	sshra.s32 s11, $0x1F;
	s29 =	smul.u32 $0x68DB8BAD, s6;
	v9 =	vsel vm1, s18, v9;
	v6 =	vsel vm2, s5, v6  }
0x5e: {  	v10 =	vsel vm0, s2, v10;
	s0 =	sadd.s32 s0, s16;
	s16 =	sshra.s32 s28, $0x1F;
	v9 =	vsel vm2, s17, v9;
	s17 =	sshra.s32 s19, $0xC;
	v6 =	vsel vm14, s10, v6  }
0x5f: {  	s19 =	sshra.s32 s20, $0xC;
	s20 =	sshra.s32 s14, $0xC;
	v8 =	vsel vm4, s31, v8;
	v7 =	vcombine.low v9, v7;
	s13 =	sshra.s32 s23, $0xC;
	v6 =	vsel vm4, s12, v6  }
0x60: {  	s6 =	sshrl.u32 s0, $0x1F;
	s18 =	sshra.s32 s0, $0xC;
	v10 =	vsel vm1, s20, v10;
	v27 =	vmov s13;
	v6 =	vsel vm15, s16, v6  }
0x61: {  	s28 =	sshra.s32 s24, $0xC;
	s0 =	sshra.s32 s0, $0x1F;
	s9 =	sadd.s32 s29, s7;
	v8 =	vsel vm5, s6, v8;
	v9 =	vsel vm0, s17, v27;
	v6 =	vsel vm5, s18, v6  }
0x62: {  	s23 =	sshra.s32 s22, $0xC;
	s11 =	sshrl.u32 s9, $0x1F;
	s29 =	sshra.s32 s9, $0xC;
	v10 =	vsel vm2, s28, v10;
	v9 =	vsel vm1, s19, v9;
	v6 =	vsel vm9, s0, v6  }
0x63: {  	s30 =	sshrl.u32 s25, $0x1F;
	s31 =	sshra.s32 s9, $0x1F;
	v8 =	vsel vm6, s11, v8;
	v9 =	vsel vm2, s23, v9;
	v6 =	vsel vm6, s29, v6  }
0x64: {  	s1 =	sshra.s32 s25, $0xC;
	v8 =	vsel vm7, s30, v8;
	v9 =	vcombine.low v10, v9;
	v6 =	vsel vm10, s31, v6  }
0x65: {  	v7 =	vperm.xlane v7, v0;
	v8 =	vperm.xlane v8, v2;
	v6 =	vsel vm7, s1, v6  }
0x66: {  	v9 =	vperm.xlane v9, v0;
	v6 =	vperm.xlane v6, v2;
	_ =	sdelay $0x1  }
0x67: {  	v7 =	vsel vm8, v8, v7;
	v6 =	vsel vm8, v6, v9  }
0x68: {  	v6 =	vadd.s32 v7, v6  }
0x69: {  	v7 =	vmul.u32 $0xFFFFD8F0, v6  }
0x6a: {  	v28 =	vsub.s32 $0x0, v5  }
0x6b: {  	vm9 =	vlt.s32 v5, $0x1;
	vm10 =	vne.s32 v7, v28  }
0x6c: {  	vm9 =	vmand vm9, vm10  }
0x6d: {  	v7 =	vsel vm9, $0xFFFFFFFF, v3  }
0x6e: {  	v6 =	vadd.s32 v7, v6  }
0x6f: {  	v6 =	vadd.s32 $0xFFFFEC78, v6  }
0x70: {  	vm9 =	vlt.u32 v6, $0x1388  }
0x71: {  	v6 =	vmpcnt.ones.xlane vm9;
	_ =	sdelay $0x1  }
0x72: {  	v6 =	vxor.u32 $0x80000000, v6  }
0x73: {  	(xrf0) =	vmax.scan.msk.u32 $0xffff, v6;
	_ =	sdelay $0x1  }
0x74: {  	[tilespmem:s26+$0x67F0] =	vst.msk vm9, v5  }
0x75: {  	v5 =	vld [tilespmem:s21+$0x5400];
	_ =	sdelay $0x2  }
0x76: {  	v6, _, _ =	vpop (xrf0)  }
0x77: {  	(v2sf) =	vpush v6, $0xF  }
0x78: {  	(v2sf) =	vpush v5, $0xD;
	_ =	sdelay $0x1  }
0x79: {  	(v2sf) =	vpush v5, $0xC;
	_ =	sdelay $0x1  }
0x7a: {  	(v2sf) =	vpush v5, $0xE;
	_ =	sdelay $0x1  }
0x7b: {  	(v2sf) =	vpush v5, $0xF;
	_ =	sdelay $0x1  }
0x7c: {  	(v2sf) =	vpush v5, $0x9;
	_ =	sdelay $0x1  }
0x7d: {  	(v2sf) =	vpush v5, $0x8;
	_ =	sdelay $0x1  }
0x7e: {  	(v2sf) =	vpush v5, $0xA;
	_ =	sdelay $0x1  }
0x7f: {  	(v2sf) =	vpush v5, $0xB;
	s19 =	spop (v2sf)  }
0x80: {  	s2 =	spop (v2sf)  }
0x81: {  	(v2sf) =	vpush v5, $0x0;
	s3 =	smulhi.u32 $0x68DB8BAD, s2;
	s0 =	sshra.s32 s2, $0x1F  }
0x82: {  	s4 =	spop (v2sf);
	s0 =	smul.u32 $0x68DB8BAD, s0  }
0x83: {  	(v2sf) =	vpush v5, $0x1;
	s5 =	smulhi.u32 $0x68DB8BAD, s4;
	s2 =	sshra.s32 s4, $0x1F  }
0x84: {  	s7 =	spop (v2sf);
	s2 =	smul.u32 $0x68DB8BAD, s2  }
0x85: {  	(v2sf) =	vpush v5, $0x2;
	s8 =	smulhi.u32 $0x68DB8BAD, s7;
	s4 =	sshra.s32 s7, $0x1F  }
0x86: {  	(v2sf) =	vpush v5, $0x3;
	s9 =	spop (v2sf);
	s4 =	smul.u32 $0x68DB8BAD, s4  }
0x87: {  	(v2sf) =	vpush v5, $0x4;
	s10 =	smulhi.u32 $0x68DB8BAD, s9;
	s7 =	sshra.s32 s9, $0x1F  }
0x88: {  	s11 =	spop (v2sf);
	(v2sf) =	vpush v5, $0x5;
	s7 =	smul.u32 $0x68DB8BAD, s7  }
0x89: {  	s12 =	smulhi.u32 $0x68DB8BAD, s11;
	s9 =	sshra.s32 s11, $0x1F;
	(v2sf) =	vpush v5, $0x6  }
0x8a: {  	s16 =	spop (v2sf);
	s9 =	smul.u32 $0x68DB8BAD, s9;
	(v2sf) =	vpush v5, $0x7  }
0x8b: {  	s17 =	smulhi.u32 $0x68DB8BAD, s16;
	s11 =	sshra.s32 s16, $0x1F  }
0x8c: {  	s6 =	smov.u32 s26;
	s18 =	spop (v2sf);
	s11 =	smul.u32 $0x68DB8BAD, s11  }
0x8d: {  	s22 =	sadd.s32 s0, s3;
	s20 =	smulhi.u32 $0x68DB8BAD, s18;
	s23 =	sshra.s32 s18, $0x1F  }
0x8e: {  	s13 =	sshrl.u32 s22, $0x1F;
	s24 =	spop (v2sf);
	s1 =	smul.u32 $0x68DB8BAD, s23  }
0x8f: {  	s25 =	sadd.s32 s2, s5;
	s26 =	smulhi.u32 $0x68DB8BAD, s24;
	s28 =	sshra.s32 s24, $0x1F  }
0x90: {  	s16 =	sshrl.u32 s25, $0x1F;
	s31 =	spop (v2sf);
	s29 =	smul.u32 $0x68DB8BAD, s28  }
0x91: {  	s24 =	sadd.s32 s4, s8;
	s5 =	smulhi.u32 $0x68DB8BAD, s31;
	s2 =	sshra.s32 s31, $0x1F  }
0x92: {  	s23 =	sadd.s32 s7, s10;
	s8 =	smul.u32 $0x68DB8BAD, s2;
	s14 =	spop (v2sf)  }
0x93: {  	s28 =	sadd.s32 s11, s17;
	s18 =	smulhi.u32 $0x68DB8BAD, s14;
	s7 =	sshra.s32 s14, $0x1F  }
0x94: {  	s2 =	sadd.s32 s9, s12;
	s30 =	spop (v2sf);
	s7 =	smul.u32 $0x68DB8BAD, s7  }
0x95: {  	s10 =	smulhi.u32 $0x68DB8BAD, s30;
	s9 =	sshra.s32 s30, $0x1F;
	s31 =	spop (v2sf)  }
0x96: {  	s14 =	sadd.s32 s1, s20;
	s0 =	smul.u32 $0x68DB8BAD, s9;
	s9 =	spop (v2sf)  }
0x97: {  	s12 =	smulhi.u32 $0x68DB8BAD, s31;
	s11 =	sshra.s32 s31, $0x1F;
	s20 =	spop (v2sf)  }
0x98: {  	s26 =	sadd.s32 s29, s26;
	s29 =	smul.u32 $0x68DB8BAD, s11;
	s11 =	spop (v2sf)  }
0x99: {  	s4 =	sadd.s32 s8, s5;
	s5 =	smulhi.u32 $0x68DB8BAD, s9;
	s30 =	spop (v2sf)  }
0x9a: {  	v7 =	vmov s16;
	s16 =	sshrl.u32 s14, $0x1F;
	s31 =	smulhi.u32 $0x68DB8BAD, s30;
	s17 =	sshra.s32 s30, $0x1F  }
0x9b: {  	s7 =	sadd.s32 s7, s18;
	s18 =	sshrl.u32 s24, $0x1F;
	s17 =	smul.u32 $0x68DB8BAD, s17  }
0x9c: {  	s1 =	sshra.s32 s9, $0x1F;
	s0 =	sadd.s32 s0, s10;
	s10 =	sshrl.u32 s4, $0x1F  }
0x9d: {  	s1 =	smul.u32 $0x68DB8BAD, s1;
	s3 =	sadd.s32 s29, s12;
	s29 =	sadd.s32 s17, s31  }
0x9e: {  	v7 =	vsel vm0, s13, v7;
	s13 =	sshra.s32 s7, $0xC;
	s9 =	smulhi.u32 $0x68DB8BAD, s20;
	s17 =	sshra.s32 s29, $0x1F  }
0x9f: {  	s20 =	sshra.s32 s20, $0x1F;
	s12 =	sshrl.u32 s28, $0x1F;
	s31 =	sshra.s32 s4, $0xC;
	v6 =	vmov s17  }
0xa0: {  	v7 =	vsel vm1, s18, v7;
	v29 =	vmov s10;
	s10 =	sshrl.u32 s0, $0x1F;
	s18 =	sshra.s32 s11, $0x1F;
	s4 =	sshra.s32 s4, $0x1F;
	v6 =	vsel vm3, s31, v6  }
0xa1: {  	v30 =	vmov s12;
	s12 =	sshra.s32 s25, $0xC;
	s30 =	sshrl.u32 s2, $0x1F;
	s1 =	sadd.s32 s1, s5;
	v6 =	vsel vm11, s4, v6  }
0xa2: {  	vm9 =	vcmask $0x2F2C;
	v8 =	vnsel vm3, $0x0, v29;
	s4 =	smul.u32 $0x68DB8BAD, s20;
	s20 =	sshrl.u32 s7, $0x1F;
	s7 =	sshra.s32 s7, $0x1F;
	v6 =	vsel vm0, s13, v6  }
0xa3: {  	v31 =	vmov s12;
	s2 =	sshra.s32 s2, $0xC;
	s17 =	sshrl.u32 s23, $0x1F;
	v8 =	vsel vm0, s20, v8;
	s20 =	sshra.s32 s0, $0xC;
	v6 =	vsel vm12, s7, v6  }
0xa4: {  	v9 =	vsel vm0, s30, v30;
	s31 =	sshrl.u32 s26, $0x1F;
	v7 =	vsel vm2, s17, v7;
	s17 =	smul.u32 $0x68DB8BAD, s18;
	s0 =	sshra.s32 s0, $0x1F;
	v6 =	vsel vm1, s20, v6  }
0xa5: {  	v9 =	vsel vm1, s16, v9;
	s18 =	sshrl.u32 s1, $0x1F;
	s13 =	sshrl.u32 s3, $0x1F;
	v8 =	vsel vm1, s10, v8;
	s20 =	sshra.s32 s3, $0xC;
	v6 =	vsel vm13, s0, v6  }
0xa6: {  	v9 =	vsel vm2, s31, v9;
	s7 =	smulhi.u32 $0x68DB8BAD, s11;
	s4 =	sadd.s32 s4, s9;
	s9 =	sshra.s32 s3, $0x1F;
	v8 =	vsel vm2, s13, v8;
	v6 =	vsel vm2, s20, v6  }
0xa7: {  	v7 =	vcombine.low v9, v7;
	s11 =	sshra.s32 s1, $0xC;
	s30 =	sshrl.u32 s4, $0x1F;
	s13 =	sshra.s32 s28, $0xC;
	v8 =	vsel vm4, s18, v8;
	v6 =	vsel vm14, s9, v6  }
0xa8: {  	s16 =	sshra.s32 s1, $0x1F;
	s5 =	sadd.s32 s17, s7;
	s17 =	sshra.s32 s22, $0xC;
	v32 =	vmov s13;
	v8 =	vsel vm5, s30, v8;
	v6 =	vsel vm4, s11, v6  }
0xa9: {  	s18 =	sshra.s32 s4, $0xC;
	s10 =	sshrl.u32 s5, $0x1F;
	v9 =	vsel vm0, s17, v31;
	s20 =	sshra.s32 s24, $0xC;
	v10 =	vsel vm0, s2, v32;
	v6 =	vsel vm15, s16, v6  }
0xaa: {  	s25 =	sshra.s32 s23, $0xC;
	s22 =	sshra.s32 s14, $0xC;
	s24 =	sshra.s32 s4, $0x1F;
	v8 =	vsel vm6, s10, v8;
	v9 =	vsel vm1, s20, v9;
	v6 =	vsel vm5, s18, v6  }
0xab: {  	s28 =	sshra.s32 s26, $0xC;
	s30 =	sshra.s32 s5, $0xC;
	v10 =	vsel vm1, s22, v10;
	v9 =	vsel vm2, s25, v9;
	v6 =	vsel vm9, s24, v6  }
0xac: {  	s31 =	sshrl.u32 s29, $0x1F;
	s2 =	sshra.s32 s5, $0x1F;
	v10 =	vsel vm2, s28, v10;
	vm9 =	vcmask $0x3734;
	v6 =	vsel vm6, s30, v6  }
0xad: {  	s3 =	sshra.s32 s29, $0xC;
	v8 =	vsel vm7, s31, v8;
	v9 =	vcombine.low v10, v9;
	v6 =	vsel vm9, s2, v6  }
0xae: {  	v7 =	vperm.xlane v7, v0;
	v8 =	vperm.xlane v8, v2;
	v6 =	vsel vm7, s3, v6  }
0xaf: {  	v9 =	vperm.xlane v9, v0;
	v6 =	vperm.xlane v6, v2;
	_ =	sdelay $0x1  }
0xb0: {  	v7 =	vsel vm8, v8, v7;
	v6 =	vsel vm8, v6, v9  }
0xb1: {  	v6 =	vadd.s32 v7, v6  }
0xb2: {  	v7 =	vmul.u32 $0xFFFFD8F0, v6  }
0xb3: {  	v33 =	vsub.s32 $0x0, v5  }
0xb4: {  	vm9 =	vlt.s32 v5, $0x1;
	vm10 =	vne.s32 v7, v33  }
0xb5: {  	vm9 =	vmand vm9, vm10  }
0xb6: {  	v7 =	vsel vm9, $0xFFFFFFFF, v3  }
0xb7: {  	v6 =	vadd.s32 v7, v6  }
0xb8: {  	v6 =	vadd.s32 $0xFFFFEC78, v6  }
0xb9: {  	vm9 =	vlt.u32 v6, $0x1388  }
0xba: {  	v6 =	vmpcnt.ones.xlane vm9;
	_ =	sdelay $0x1  }
0xbb: {  	v6 =	vxor.u32 $0x80000000, v6  }
0xbc: {  	s4 =	sadd.s32 s19, s6;
	(xrf0) =	vmax.scan.msk.u32 $0xffff, v6  }
0xbd: {  	s23 =	sadd.s32 $0x80000000, s4  }
0xbe: {  	[tilespmem:s23+$0x67F0] =	vst.msk vm9, v5  }
0xbf: {  	v5 =	vld [tilespmem:s21+$0x5410];
	_ =	sdelay $0x2  }
0xc0: {  	v6, _, _ =	vpop (xrf0)  }
0xc1: {  	(v2sf) =	vpush v6, $0xF  }
0xc2: {  	(v2sf) =	vpush v5, $0xD;
	_ =	sdelay $0x1  }
0xc3: {  	(v2sf) =	vpush v5, $0xC;
	_ =	sdelay $0x1  }
0xc4: {  	(v2sf) =	vpush v5, $0xE;
	_ =	sdelay $0x1  }
0xc5: {  	(v2sf) =	vpush v5, $0xF;
	_ =	sdelay $0x1  }
0xc6: {  	(v2sf) =	vpush v5, $0x9;
	_ =	sdelay $0x1  }
0xc7: {  	(v2sf) =	vpush v5, $0x8;
	_ =	sdelay $0x1  }
0xc8: {  	(v2sf) =	vpush v5, $0xA;
	_ =	sdelay $0x1  }
0xc9: {  	[dreg:$0xb] =	wrdreg s19;
	(v2sf) =	vpush v5, $0xB;
	s19 =	spop (v2sf)  }
0xca: {  	s5 =	spop (v2sf)  }
0xcb: {  	[dreg:$0xd] =	wrdreg s6;
	(v2sf) =	vpush v5, $0x0;
	s6 =	smulhi.u32 $0x68DB8BAD, s5;
	s0 =	sshra.s32 s5, $0x1F  }
0xcc: {  	s7 =	spop (v2sf);
	s0 =	smul.u32 $0x68DB8BAD, s0  }
0xcd: {  	(v2sf) =	vpush v5, $0x1;
	s8 =	smulhi.u32 $0x68DB8BAD, s7;
	s2 =	sshra.s32 s7, $0x1F  }
0xce: {  	s9 =	spop (v2sf);
	s2 =	smul.u32 $0x68DB8BAD, s2  }
0xcf: {  	(v2sf) =	vpush v5, $0x2;
	s10 =	smulhi.u32 $0x68DB8BAD, s9;
	s4 =	sshra.s32 s9, $0x1F  }
0xd0: {  	s11 =	spop (v2sf);
	s4 =	smul.u32 $0x68DB8BAD, s4  }
0xd1: {  	(v2sf) =	vpush v5, $0x3;
	s12 =	smulhi.u32 $0x68DB8BAD, s11;
	s7 =	sshra.s32 s11, $0x1F  }
0xd2: {  	(v2sf) =	vpush v5, $0x4;
	s14 =	spop (v2sf);
	s7 =	smul.u32 $0x68DB8BAD, s7  }
0xd3: {  	(v2sf) =	vpush v5, $0x5;
	s16 =	smulhi.u32 $0x68DB8BAD, s14;
	s9 =	sshra.s32 s14, $0x1F  }
0xd4: {  	s17 =	spop (v2sf);
	(v2sf) =	vpush v5, $0x6;
	s9 =	smul.u32 $0x68DB8BAD, s9  }
0xd5: {  	s18 =	smulhi.u32 $0x68DB8BAD, s17;
	s11 =	sshra.s32 s17, $0x1F;
	(v2sf) =	vpush v5, $0x7  }
0xd6: {  	s30 =	spop (v2sf);
	s11 =	smul.u32 $0x68DB8BAD, s11  }
0xd7: {  	s31 =	smulhi.u32 $0x68DB8BAD, s30;
	s13 =	sshra.s32 s30, $0x1F  }
0xd8: {  	s29 =	spop (v2sf);
	s13 =	smul.u32 $0x68DB8BAD, s13  }
0xd9: {  	s17 =	smulhi.u32 $0x68DB8BAD, s29;
	s14 =	sshra.s32 s29, $0x1F  }
0xda: {  	s26 =	sadd.s32 s0, s6;
	s20 =	spop (v2sf);
	s30 =	smul.u32 $0x68DB8BAD, s14  }
0xdb: {  	s28 =	sadd.s32 s2, s8;
	s22 =	smulhi.u32 $0x68DB8BAD, s20;
	s1 =	sshra.s32 s20, $0x1F  }
0xdc: {  	s25 =	sadd.s32 s4, s10;
	s1 =	smul.u32 $0x68DB8BAD, s1;
	s6 =	spop (v2sf)  }
0xdd: {  	s24 =	sadd.s32 s7, s12;
	s4 =	smulhi.u32 $0x68DB8BAD, s6;
	s8 =	sshra.s32 s6, $0x1F  }
0xde: {  	s2 =	sadd.s32 s9, s16;
	s10 =	spop (v2sf);
	s5 =	smul.u32 $0x68DB8BAD, s8  }
0xdf: {  	s14 =	sadd.s32 s11, s18;
	s18 =	smulhi.u32 $0x68DB8BAD, s10;
	s7 =	sshra.s32 s10, $0x1F  }
0xe0: {  	s29 =	sadd.s32 s13, s31;
	s31 =	spop (v2sf);
	s7 =	smul.u32 $0x68DB8BAD, s7  }
0xe1: {  	s10 =	smulhi.u32 $0x68DB8BAD, s31;
	s9 =	sshra.s32 s31, $0x1F;
	s6 =	spop (v2sf)  }
0xe2: {  	s16 =	sshrl.u32 s26, $0x1F;
	s12 =	smul.u32 $0x68DB8BAD, s9;
	s9 =	spop (v2sf)  }
0xe3: {  	s20 =	smulhi.u32 $0x68DB8BAD, s6;
	s11 =	sshra.s32 s6, $0x1F;
	s13 =	spop (v2sf)  }
0xe4: {  	s1 =	sadd.s32 s1, s22;
	s22 =	smul.u32 $0x68DB8BAD, s11;
	s31 =	spop (v2sf)  }
0xe5: {  	s30 =	sadd.s32 s30, s17;
	s6 =	smulhi.u32 $0x68DB8BAD, s31;
	s11 =	sshra.s32 s31, $0x1F  }
0xe6: {  	s8 =	sshrl.u32 s2, $0x1F;
	s2 =	sshra.s32 s2, $0xC;
	s17 =	smul.u32 $0x68DB8BAD, s11  }
0xe7: {  	s4 =	sadd.s32 s5, s4;
	s7 =	sadd.s32 s7, s18;
	s18 =	sshrl.u32 s28, $0x1F  }
0xe8: {  	s0 =	sadd.s32 s12, s10;
	s10 =	sshrl.u32 s1, $0x1F;
	s31 =	sadd.s32 s17, s6  }
0xe9: {  	s12 =	smulhi.u32 $0x68DB8BAD, s9;
	s3 =	sadd.s32 s22, s20;
	s22 =	sshra.s32 s31, $0x1F  }
0xea: {  	s5 =	sshra.s32 s9, $0x1F;
	v7 =	vmov s18;
	s18 =	sshrl.u32 s29, $0x1F;
	s20 =	sshra.s32 s1, $0xC;
	v6 =	vmov s22  }
0xeb: {  	s9 =	sshrl.u32 s30, $0x1F;
	s1 =	sshra.s32 s1, $0x1F;
	v7 =	vsel vm0, s16, v7;
	v34 =	vmov s10;
	s16 =	sshra.s32 s13, $0x1F;
	v6 =	vsel vm3, s20, v6  }
0xec: {  	vm9 =	vcmask $0x2F2C;
	v8 =	vnsel vm3, $0x0, v34;
	s11 =	sshrl.u32 s14, $0x1F;
	s6 =	sshrl.u32 s25, $0x1F;
	s22 =	sshra.s32 s4, $0xC;
	v6 =	vsel vm11, s1, v6  }
0xed: {  	v35 =	vmov s11;
	s17 =	sshrl.u32 s24, $0x1F;
	v7 =	vsel vm1, s6, v7;
	s20 =	sshrl.u32 s4, $0x1F;
	s4 =	sshra.s32 s4, $0x1F;
	v6 =	vsel vm0, s22, v6  }
0xee: {  	s11 =	sshra.s32 s3, $0xC;
	v9 =	vsel vm0, s8, v35;
	s6 =	sshrl.u32 s7, $0x1F;
	v7 =	vsel vm2, s17, v7;
	s17 =	sshra.s32 s7, $0xC;
	v6 =	vsel vm12, s4, v6  }
0xef: {  	v9 =	vsel vm1, s18, v9;
	s7 =	sshra.s32 s7, $0x1F;
	s1 =	smul.u32 $0x68DB8BAD, s5;
	v8 =	vsel vm0, s20, v8;
	s20 =	sshrl.u32 s0, $0x1F;
	v6 =	vsel vm1, s17, v6  }
0xf0: {  	v9 =	vsel vm2, s9, v9;
	s5 =	smul.u32 $0x68DB8BAD, s16;
	v8 =	vsel vm1, s6, v8;
	s22 =	sshrl.u32 s3, $0x1F;
	s6 =	sshra.s32 s0, $0xC;
	v6 =	vsel vm13, s7, v6  }
0xf1: {  	v7 =	vcombine.low v9, v7;
	s0 =	sshra.s32 s0, $0x1F;
	v8 =	vsel vm2, s20, v8;
	s1 =	sadd.s32 s1, s12;
	s12 =	sshra.s32 s28, $0xC;
	v6 =	vsel vm2, s6, v6  }
0xf2: {  	s4 =	smulhi.u32 $0x68DB8BAD, s13;
	s13 =	sshra.s32 s14, $0xC;
	v8 =	vsel vm4, s22, v8;
	s10 =	sshrl.u32 s1, $0x1F;
	v36 =	vmov s12;
	v6 =	vsel vm14, s0, v6  }
0xf3: {  	s18 =	sshra.s32 s25, $0xC;
	s16 =	sshra.s32 s26, $0xC;
	s14 =	sshra.s32 s3, $0x1F;
	v37 =	vmov s13;
	v8 =	vsel vm5, s10, v8;
	v6 =	vsel vm4, s11, v6  }
0xf4: {  	s20 =	sshra.s32 s29, $0xC;
	s17 =	sshra.s32 s1, $0xC;
	s4 =	sadd.s32 s5, s4;
	v9 =	vsel vm0, s16, v36;
	v10 =	vsel vm0, s2, v37;
	v6 =	vsel vm15, s14, v6  }
0xf5: {  	s25 =	sshra.s32 s24, $0xC;
	s22 =	sshra.s32 s1, $0x1F;
	s5 =	sshrl.u32 s4, $0x1F;
	v9 =	vsel vm1, s18, v9;
	v10 =	vsel vm1, s20, v10;
	v6 =	vsel vm5, s17, v6  }
0xf6: {  	s26 =	sshra.s32 s30, $0xC;
	s28 =	sshra.s32 s4, $0xC;
	v8 =	vsel vm6, s5, v8;
	v9 =	vsel vm2, s25, v9;
	v6 =	vsel vm9, s22, v6  }
0xf7: {  	s29 =	sshrl.u32 s31, $0x1F;
	s30 =	sshra.s32 s4, $0x1F;
	v10 =	vsel vm2, s26, v10;
	vm9 =	vcmask $0x3734;
	v6 =	vsel vm6, s28, v6  }
0xf8: {  	s31 =	sshra.s32 s31, $0xC;
	v8 =	vsel vm7, s29, v8;
	v9 =	vcombine.low v10, v9;
	v6 =	vsel vm9, s30, v6  }
0xf9: {  	v7 =	vperm.xlane v7, v0;
	v8 =	vperm.xlane v8, v2;
	v6 =	vsel vm7, s31, v6  }
0xfa: {  	v9 =	vperm.xlane v9, v0;
	v6 =	vperm.xlane v6, v2;
	_ =	sdelay $0x1  }
0xfb: {  	v7 =	vsel vm8, v8, v7;
	v6 =	vsel vm8, v6, v9  }
0xfc: {  	v6 =	vadd.s32 v7, v6  }
0xfd: {  	v7 =	vmul.u32 $0xFFFFD8F0, v6  }
0xfe: {  	v38 =	vsub.s32 $0x0, v5  }
0xff: {  	vm9 =	vlt.s32 v5, $0x1;
	vm10 =	vne.s32 v7, v38  }
0x100: {  	vm9 =	vmand vm9, vm10  }
0x101: {  	v7 =	vsel vm9, $0xFFFFFFFF, v3  }
0x102: {  	v6 =	vadd.s32 v7, v6  }
0x103: {  	v6 =	vadd.s32 $0xFFFFEC78, v6  }
0x104: {  	vm9 =	vlt.u32 v6, $0x1388  }
0x105: {  	v6 =	vmpcnt.ones.xlane vm9;
	_ =	sdelay $0x1  }
0x106: {  	v6 =	vxor.u32 $0x80000000, v6  }
0x107: {  	s1 =	sadd.s32 s19, s23;
	(xrf0) =	vmax.scan.msk.u32 $0xffff, v6  }
0x108: {  	s24 =	sadd.s32 $0x80000000, s1  }
0x109: {  	[tilespmem:s24+$0x67F0] =	vst.msk vm9, v5  }
0x10a: {  	v5 =	vld [tilespmem:s21+$0x5420];
	_ =	sdelay $0x2  }
0x10b: {  	v6, _, _ =	vpop (xrf0)  }
0x10c: {  	(v2sf) =	vpush v6, $0xF  }
0x10d: {  	(v2sf) =	vpush v5, $0xD;
	_ =	sdelay $0x1  }
0x10e: {  	(v2sf) =	vpush v5, $0xC;
	_ =	sdelay $0x1  }
0x10f: {  	(v2sf) =	vpush v5, $0xE;
	_ =	sdelay $0x1  }
0x110: {  	(v2sf) =	vpush v5, $0xF;
	_ =	sdelay $0x1  }
0x111: {  	(v2sf) =	vpush v5, $0x9;
	_ =	sdelay $0x1  }
0x112: {  	(v2sf) =	vpush v5, $0x8;
	_ =	sdelay $0x1  }
0x113: {  	(v2sf) =	vpush v5, $0xA;
	_ =	sdelay $0x1  }
0x114: {  	(v2sf) =	vpush v5, $0xB;
	s6 =	spop (v2sf)  }
0x115: {  	s2 =	spop (v2sf)  }
0x116: {  	(v2sf) =	vpush v5, $0x0;
	s3 =	smulhi.u32 $0x68DB8BAD, s2;
	s0 =	sshra.s32 s2, $0x1F  }
0x117: {  	s4 =	spop (v2sf);
	s0 =	smul.u32 $0x68DB8BAD, s0  }
0x118: {  	(v2sf) =	vpush v5, $0x1;
	s5 =	smulhi.u32 $0x68DB8BAD, s4;
	s2 =	sshra.s32 s4, $0x1F  }
0x119: {  	s7 =	spop (v2sf);
	s2 =	smul.u32 $0x68DB8BAD, s2  }
0x11a: {  	(v2sf) =	vpush v5, $0x2;
	s8 =	smulhi.u32 $0x68DB8BAD, s7;
	s4 =	sshra.s32 s7, $0x1F  }
0x11b: {  	s9 =	spop (v2sf);
	s4 =	smul.u32 $0x68DB8BAD, s4  }
0x11c: {  	(v2sf) =	vpush v5, $0x3;
	s10 =	smulhi.u32 $0x68DB8BAD, s9;
	s7 =	sshra.s32 s9, $0x1F  }
0x11d: {  	(v2sf) =	vpush v5, $0x4;
	s11 =	spop (v2sf);
	s7 =	smul.u32 $0x68DB8BAD, s7  }
0x11e: {  	(v2sf) =	vpush v5, $0x5;
	s12 =	smulhi.u32 $0x68DB8BAD, s11;
	s9 =	sshra.s32 s11, $0x1F  }
0x11f: {  	s16 =	spop (v2sf);
	(v2sf) =	vpush v5, $0x6;
	s9 =	smul.u32 $0x68DB8BAD, s9  }
0x120: {  	[dreg:$0xc] =	wrdreg s19;
	s17 =	smulhi.u32 $0x68DB8BAD, s16;
	s11 =	sshra.s32 s16, $0x1F;
	(v2sf) =	vpush v5, $0x7  }
0x121: {  	s19 =	spop (v2sf);
	s11 =	smul.u32 $0x68DB8BAD, s11  }
0x122: {  	s20 =	smulhi.u32 $0x68DB8BAD, s19;
	s13 =	sshra.s32 s19, $0x1F  }
0x123: {  	s22 =	spop (v2sf);
	s13 =	smul.u32 $0x68DB8BAD, s13  }
0x124: {  	s23 =	smulhi.u32 $0x68DB8BAD, s22;
	s14 =	sshra.s32 s22, $0x1F  }
0x125: {  	s28 =	sadd.s32 s0, s3;
	s18 =	spop (v2sf);
	s31 =	smul.u32 $0x68DB8BAD, s14  }
0x126: {  	s29 =	sadd.s32 s2, s5;
	s19 =	smulhi.u32 $0x68DB8BAD, s18;
	s1 =	sshra.s32 s18, $0x1F  }
0x127: {  	s26 =	sadd.s32 s4, s8;
	s1 =	smul.u32 $0x68DB8BAD, s1;
	s5 =	spop (v2sf)  }
0x128: {  	s25 =	sadd.s32 s7, s10;
	s4 =	smulhi.u32 $0x68DB8BAD, s5;
	s8 =	sshra.s32 s5, $0x1F  }
0x129: {  	s2 =	sadd.s32 s9, s12;
	s10 =	spop (v2sf);
	s5 =	smul.u32 $0x68DB8BAD, s8  }
0x12a: {  	s14 =	sadd.s32 s11, s17;
	s12 =	smulhi.u32 $0x68DB8BAD, s10;
	s7 =	sshra.s32 s10, $0x1F  }
0x12b: {  	s30 =	sadd.s32 s13, s20;
	s13 =	spop (v2sf);
	s7 =	smul.u32 $0x68DB8BAD, s7  }
0x12c: {  	s16 =	smulhi.u32 $0x68DB8BAD, s13;
	s9 =	sshra.s32 s13, $0x1F;
	s20 =	spop (v2sf)  }
0x12d: {  	s31 =	sadd.s32 s31, s23;
	s22 =	smul.u32 $0x68DB8BAD, s9;
	s23 =	spop (v2sf)  }
0x12e: {  	s17 =	smulhi.u32 $0x68DB8BAD, s20;
	s11 =	sshra.s32 s20, $0x1F;
	s13 =	spop (v2sf)  }
0x12f: {  	s3 =	sadd.s32 s1, s19;
	s18 =	smul.u32 $0x68DB8BAD, s11;
	s19 =	spop (v2sf)  }
0x130: {  	s8 =	sshrl.u32 s28, $0x1F;
	s20 =	smulhi.u32 $0x68DB8BAD, s19;
	s11 =	sshra.s32 s19, $0x1F  }
0x131: {  	s10 =	sshrl.u32 s30, $0x1F;
	s4 =	sadd.s32 s5, s4;
	s11 =	smul.u32 $0x68DB8BAD, s11  }
0x132: {  	s7 =	sadd.s32 s7, s12;
	s0 =	sadd.s32 s22, s16;
	s22 =	sshrl.u32 s3, $0x1F  }
0x133: {  	s16 =	smulhi.u32 $0x68DB8BAD, s23;
	s9 =	sshra.s32 s23, $0x1F;
	s1 =	sadd.s32 s11, s20  }
0x134: {  	s23 =	sshra.s32 s3, $0xC;
	s3 =	sshra.s32 s3, $0x1F;
	s11 =	sshra.s32 s1, $0x1F  }
0x135: {  	s12 =	sadd.s32 s18, s17;
	s5 =	smul.u32 $0x68DB8BAD, s9;
	s17 =	sshrl.u32 s29, $0x1F;
	v39 =	vmov s22;
	v6 =	vmov s11  }
0x136: {  	s18 =	sshrl.u32 s26, $0x1F;
	s22 =	sshra.s32 s4, $0x1F;
	v7 =	vmov s17;
	s19 =	sshrl.u32 s4, $0x1F;
	v8 =	vnsel vm3, $0x0, v39;
	v6 =	vsel vm3, s23, v6  }
0x137: {  	v7 =	vsel vm0, s8, v7;
	v8 =	vsel vm0, s19, v8;
	s19 =	sshrl.u32 s7, $0x1F;
	s5 =	sadd.s32 s5, s16;
	s20 =	sshra.s32 s4, $0xC;
	v6 =	vsel vm11, s3, v6  }
0x138: {  	vm9 =	vcmask $0x2F2C;
	s16 =	sshra.s32 s14, $0xC;
	v7 =	vsel vm1, s18, v7;
	s18 =	smulhi.u32 $0x68DB8BAD, s13;
	s4 =	sshrl.u32 s2, $0x1F;
	v6 =	vsel vm0, s20, v6  }
0x139: {  	v8 =	vsel vm1, s19, v8;
	v42 =	vmov s16;
	s2 =	sshra.s32 s2, $0xC;
	s23 =	sshrl.u32 s14, $0x1F;
	s20 =	sshra.s32 s7, $0xC;
	v6 =	vsel vm12, s22, v6  }
0x13a: {  	s13 =	sshra.s32 s13, $0x1F;
	v10 =	vsel vm0, s2, v42;
	s11 =	sshrl.u32 s25, $0x1F;
	v40 =	vmov s23;
	s7 =	sshra.s32 s7, $0x1F;
	v6 =	vsel vm1, s20, v6  }
0x13b: {  	s8 =	sshra.s32 s0, $0xC;
	v7 =	vsel vm2, s11, v7;
	s3 =	smul.u32 $0x68DB8BAD, s13;
	s13 =	sshra.s32 s29, $0xC;
	v9 =	vsel vm0, s4, v40;
	v6 =	vsel vm13, s7, v6  }
0x13c: {  	s17 =	sshrl.u32 s31, $0x1F;
	v41 =	vmov s13;
	s22 =	sshrl.u32 s0, $0x1F;
	v9 =	vsel vm1, s10, v9;
	s0 =	sshra.s32 s0, $0x1F;
	v6 =	vsel vm2, s8, v6  }
0x13d: {  	s11 =	sshra.s32 s12, $0xC;
	s23 =	sshrl.u32 s12, $0x1F;
	s3 =	sadd.s32 s3, s18;
	v8 =	vsel vm2, s22, v8;
	v9 =	vsel vm2, s17, v9;
	v6 =	vsel vm14, s0, v6  }
0x13e: {  	s18 =	sshra.s32 s28, $0xC;
	s17 =	sshra.s32 s12, $0x1F;
	s22 =	sshra.s32 s30, $0xC;
	v8 =	vsel vm4, s23, v8;
	v7 =	vcombine.low v9, v7;
	v6 =	vsel vm4, s11, v6  }
0x13f: {  	s9 =	sshrl.u32 s5, $0x1F;
	s19 =	sshra.s32 s5, $0xC;
	s20 =	sshra.s32 s26, $0xC;
	v9 =	vsel vm0, s18, v41;
	v10 =	vsel vm1, s22, v10;
	v6 =	vsel vm15, s17, v6  }
0x140: {  	s10 =	sshrl.u32 s3, $0x1F;
	s26 =	sshra.s32 s31, $0xC;
	s23 =	sshra.s32 s5, $0x1F;
	v8 =	vsel vm5, s9, v8;
	v9 =	vsel vm1, s20, v9;
	v6 =	vsel vm5, s19, v6  }
0x141: {  	s25 =	sshra.s32 s25, $0xC;
	s28 =	sshra.s32 s3, $0xC;
	v10 =	vsel vm2, s26, v10;
	v8 =	vsel vm6, s10, v8;
	v6 =	vsel vm9, s23, v6  }
0x142: {  	s29 =	sshrl.u32 s1, $0x1F;
	s30 =	sshra.s32 s3, $0x1F;
	v9 =	vsel vm2, s25, v9;
	vm9 =	vcmask $0x3734;
	v6 =	vsel vm6, s28, v6  }
0x143: {  	s31 =	sshra.s32 s1, $0xC;
	v8 =	vsel vm7, s29, v8;
	v9 =	vcombine.low v10, v9;
	v6 =	vsel vm9, s30, v6  }
0x144: {  	v7 =	vperm.xlane v7, v0;
	v8 =	vperm.xlane v8, v2;
	v6 =	vsel vm7, s31, v6  }
0x145: {  	v9 =	vperm.xlane v9, v0;
	v6 =	vperm.xlane v6, v2;
	_ =	sdelay $0x1  }
0x146: {  	v7 =	vsel vm8, v8, v7;
	v6 =	vsel vm8, v6, v9  }
0x147: {  	v6 =	vadd.s32 v7, v6  }
0x148: {  	v7 =	vmul.u32 $0xFFFFD8F0, v6  }
0x149: {  	v43 =	vsub.s32 $0x0, v5  }
0x14a: {  	vm9 =	vlt.s32 v5, $0x1;
	vm10 =	vne.s32 v7, v43  }
0x14b: {  	vm9 =	vmand vm9, vm10  }
0x14c: {  	v7 =	vsel vm9, $0xFFFFFFFF, v3  }
0x14d: {  	v6 =	vadd.s32 v7, v6  }
0x14e: {  	v6 =	vadd.s32 $0xFFFFEC78, v6  }
0x14f: {  	vm9 =	vlt.u32 v6, $0x1388  }
0x150: {  	v6 =	vmpcnt.ones.xlane vm9;
	_ =	sdelay $0x1  }
0x151: {  	v6 =	vxor.u32 $0x80000000, v6  }
0x152: {  	s1 =	sadd.s32 s6, s24;
	(xrf0) =	vmax.scan.msk.u32 $0xffff, v6  }
0x153: {  	s25 =	sadd.s32 $0x80000000, s1  }
0x154: {  	[tilespmem:s25+$0x67F0] =	vst.msk vm9, v5  }
0x155: {  	v5 =	vld [tilespmem:s21+$0x5430];
	_ =	sdelay $0x2  }
0x156: {  	v6, _, _ =	vpop (xrf0)  }
0x157: {  	(v2sf) =	vpush v6, $0xF  }
0x158: {  	(v2sf) =	vpush v5, $0xD;
	_ =	sdelay $0x1  }
0x159: {  	(v2sf) =	vpush v5, $0xC;
	_ =	sdelay $0x1  }
0x15a: {  	(v2sf) =	vpush v5, $0xE;
	_ =	sdelay $0x1  }
0x15b: {  	(v2sf) =	vpush v5, $0xF;
	_ =	sdelay $0x1  }
0x15c: {  	(v2sf) =	vpush v5, $0x9;
	_ =	sdelay $0x1  }
0x15d: {  	(v2sf) =	vpush v5, $0x8;
	_ =	sdelay $0x1  }
0x15e: {  	(v2sf) =	vpush v5, $0xA;
	_ =	sdelay $0x1  }
0x15f: {  	[dreg:$0xe] =	wrdreg s6;
	(v2sf) =	vpush v5, $0xB;
	s6 =	spop (v2sf)  }
0x160: {  	s2 =	spop (v2sf)  }
0x161: {  	(v2sf) =	vpush v5, $0x0;
	s3 =	smulhi.u32 $0x68DB8BAD, s2;
	s0 =	sshra.s32 s2, $0x1F  }
0x162: {  	s4 =	spop (v2sf);
	s0 =	smul.u32 $0x68DB8BAD, s0  }
0x163: {  	(v2sf) =	vpush v5, $0x1;
	s5 =	smulhi.u32 $0x68DB8BAD, s4;
	s2 =	sshra.s32 s4, $0x1F  }
0x164: {  	s7 =	spop (v2sf);
	s2 =	smul.u32 $0x68DB8BAD, s2  }
0x165: {  	(v2sf) =	vpush v5, $0x2;
	s8 =	smulhi.u32 $0x68DB8BAD, s7;
	s4 =	sshra.s32 s7, $0x1F  }
0x166: {  	s9 =	spop (v2sf);
	s4 =	smul.u32 $0x68DB8BAD, s4  }
0x167: {  	(v2sf) =	vpush v5, $0x3;
	s10 =	smulhi.u32 $0x68DB8BAD, s9;
	s7 =	sshra.s32 s9, $0x1F  }
0x168: {  	s11 =	spop (v2sf);
	s7 =	smul.u32 $0x68DB8BAD, s7  }
0x169: {  	(v2sf) =	vpush v5, $0x4;
	s12 =	smulhi.u32 $0x68DB8BAD, s11;
	s9 =	sshra.s32 s11, $0x1F  }
0x16a: {  	s16 =	spop (v2sf);
	s9 =	smul.u32 $0x68DB8BAD, s9  }
0x16b: {  	(v2sf) =	vpush v5, $0x5;
	s17 =	smulhi.u32 $0x68DB8BAD, s16;
	s11 =	sshra.s32 s16, $0x1F  }
0x16c: {  	(v2sf) =	vpush v5, $0x6;
	s19 =	spop (v2sf);
	s11 =	smul.u32 $0x68DB8BAD, s11  }
0x16d: {  	(v2sf) =	vpush v5, $0x7;
	s20 =	smulhi.u32 $0x68DB8BAD, s19;
	s13 =	sshra.s32 s19, $0x1F  }
0x16e: {  	s22 =	spop (v2sf);
	s13 =	smul.u32 $0x68DB8BAD, s13  }
0x16f: {  	s23 =	smulhi.u32 $0x68DB8BAD, s22;
	s14 =	sshra.s32 s22, $0x1F  }
0x170: {  	s24 =	smul.u32 $0x68DB8BAD, s14;
	s14 =	spop (v2sf)  }
0x171: {  	s18 =	smulhi.u32 $0x68DB8BAD, s14;
	s1 =	sshra.s32 s14, $0x1F  }
0x172: {  	s30 =	sadd.s32 s2, s5;
	s19 =	smul.u32 $0x68DB8BAD, s1;
	s2 =	spop (v2sf)  }
0x173: {  	s28 =	sadd.s32 s4, s8;
	s5 =	smulhi.u32 $0x68DB8BAD, s2;
	s1 =	sshra.s32 s2, $0x1F  }
0x174: {  	s26 =	sadd.s32 s7, s10;
	s8 =	spop (v2sf);
	s7 =	smul.u32 $0x68DB8BAD, s1  }
0x175: {  	s14 =	sadd.s32 s9, s12;
	s9 =	smulhi.u32 $0x68DB8BAD, s8;
	s2 =	sshra.s32 s8, $0x1F  }
0x176: {  	s31 =	sadd.s32 s13, s20;
	s12 =	spop (v2sf);
	s10 =	smul.u32 $0x68DB8BAD, s2  }
0x177: {  	s4 =	sadd.s32 s19, s18;
	s13 =	smulhi.u32 $0x68DB8BAD, s12;
	s20 =	sshra.s32 s12, $0x1F  }
0x178: {  	s22 =	spop (v2sf);
	s2 =	sadd.s32 s24, s23;
	s23 =	smul.u32 $0x68DB8BAD, s20  }
0x179: {  	s1 =	sadd.s32 s11, s17;
	s16 =	smulhi.u32 $0x68DB8BAD, s22;
	s12 =	sshra.s32 s22, $0x1F  }
0x17a: {  	s24 =	spop (v2sf);
	s18 =	smul.u32 $0x68DB8BAD, s12;
	s8 =	sadd.s32 s10, s9  }
0x17b: {  	s17 =	spop (v2sf);
	s9 =	sadd.s32 s23, s13;
	s23 =	sshra.s32 s24, $0x1F  }
0x17c: {  	s19 =	spop (v2sf);
	s13 =	smul.u32 $0x68DB8BAD, s23  }
0x17d: {  	s20 =	smulhi.u32 $0x68DB8BAD, s19;
	s12 =	sshra.s32 s19, $0x1F  }
0x17e: {  	s29 =	sadd.s32 s0, s3;
	s22 =	smul.u32 $0x68DB8BAD, s12  }
0x17f: {  	s5 =	sadd.s32 s7, s5;
	s0 =	sadd.s32 s18, s16;
	s7 =	smulhi.u32 $0x68DB8BAD, s17  }
0x180: {  	s10 =	sshra.s32 s17, $0x1F;
	s17 =	sshrl.u32 s5, $0x1F;
	s3 =	sadd.s32 s22, s20  }
0x181: {  	s19 =	sshra.s32 s4, $0xC;
	s10 =	smul.u32 $0x68DB8BAD, s10;
	s18 =	sshra.s32 s3, $0x1F  }
0x182: {  	vm9 =	vcmask $0x2F2C;
	s12 =	smulhi.u32 $0x68DB8BAD, s24;
	s24 =	sshrl.u32 s4, $0x1F;
	s20 =	sshrl.u32 s30, $0x1F;
	v6 =	vmov s18  }
0x183: {  	s23 =	sshra.s32 s5, $0xC;
	s4 =	sshra.s32 s4, $0x1F;
	v44 =	vmov s24;
	s22 =	sshrl.u32 s29, $0x1F;
	v7 =	vmov s20;
	v6 =	vsel vm3, s19, v6  }
0x184: {  	s16 =	sshrl.u32 s28, $0x1F;
	s24 =	sshra.s32 s5, $0x1F;
	s7 =	sadd.s32 s10, s7;
	v8 =	vnsel vm3, $0x0, v44;
	v7 =	vsel vm0, s22, v7;
	v6 =	vsel vm11, s4, v6  }
0x185: {  	s20 =	sshrl.u32 s14, $0x1F;
	v8 =	vsel vm0, s17, v8;
	s22 =	sshrl.u32 s1, $0x1F;
	s1 =	sshra.s32 s1, $0xC;
	v7 =	vsel vm1, s16, v7;
	v6 =	vsel vm0, s23, v6  }
0x186: {  	s14 =	sshra.s32 s14, $0xC;
	s19 =	sshrl.u32 s26, $0x1F;
	v45 =	vmov s22;
	v47 =	vmov s1;
	v6 =	vsel vm12, s24, v6;
	s24 =	sshra.s32 s8, $0xC  }
0x187: {  	s18 =	sshrl.u32 s31, $0x1F;
	v7 =	vsel vm2, s19, v7;
	v9 =	vsel vm0, s20, v45;
	s23 =	sshrl.u32 s8, $0x1F;
	s8 =	sshra.s32 s8, $0x1F;
	v6 =	vsel vm1, s24, v6  }
0x188: {  	s22 =	sshra.s32 s9, $0xC;
	s20 =	sadd.s32 s13, s12;
	s12 =	sshra.s32 s30, $0xC;
	v10 =	vsel vm0, s14, v47;
	v9 =	vsel vm1, s18, v9;
	v6 =	vsel vm13, s8, v6  }
0x189: {  	s4 =	sshrl.u32 s2, $0x1F;
	v46 =	vmov s12;
	s18 =	sshra.s32 s31, $0xC;
	v8 =	vsel vm1, s23, v8;
	s24 =	sshra.s32 s9, $0x1F;
	v6 =	vsel vm2, s22, v6  }
0x18a: {  	s10 =	sshra.s32 s0, $0xC;
	s17 =	sshrl.u32 s9, $0x1F;
	s19 =	sshrl.u32 s0, $0x1F;
	v9 =	vsel vm2, s4, v9;
	v10 =	vsel vm1, s18, v10;
	v6 =	vsel vm14, s24, v6  }
0x18b: {  	s0 =	sshra.s32 s0, $0x1F;
	s13 =	sshra.s32 s29, $0xC;
	s2 =	sshra.s32 s2, $0xC;
	v8 =	vsel vm2, s17, v8;
	v7 =	vcombine.low v9, v7;
	v6 =	vsel vm4, s10, v6  }
0x18c: {  	s16 =	sshra.s32 s20, $0xC;
	v9 =	vsel vm0, s13, v46;
	s17 =	sshra.s32 s28, $0xC;
	v10 =	vsel vm2, s2, v10;
	v6 =	vsel vm15, s0, v6  }
0x18d: {  	s23 =	sshrl.u32 s20, $0x1F;
	v8 =	vsel vm4, s19, v8;
	s19 =	sshra.s32 s20, $0x1F;
	v9 =	vsel vm1, s17, v9;
	s20 =	sshra.s32 s26, $0xC;
	v6 =	vsel vm5, s16, v6  }
0x18e: {  	s9 =	sshrl.u32 s7, $0x1F;
	v8 =	vsel vm5, s23, v8;
	s22 =	sshra.s32 s7, $0xC;
	v9 =	vsel vm2, s20, v9;
	v6 =	vsel vm9, s19, v6  }
0x18f: {  	s23 =	sshrl.u32 s3, $0x1F;
	v8 =	vsel vm6, s9, v8;
	s24 =	sshra.s32 s7, $0x1F;
	vm9 =	vcmask $0x3734;
	v6 =	vsel vm6, s22, v6  }
0x190: {  	s26 =	sshra.s32 s3, $0xC;
	v9 =	vcombine.low v10, v9;
	v8 =	vsel vm7, s23, v8;
	v6 =	vsel vm9, s24, v6  }
0x191: {  	v7 =	vperm.xlane v7, v0;
	v8 =	vperm.xlane v8, v2;
	v6 =	vsel vm7, s26, v6  }
0x192: {  	v9 =	vperm.xlane v9, v0;
	v6 =	vperm.xlane v6, v2;
	_ =	sdelay $0x1  }
0x193: {  	v7 =	vsel vm8, v8, v7;
	v6 =	vsel vm8, v6, v9  }
0x194: {  	v6 =	vadd.s32 v7, v6  }
0x195: {  	v7 =	vmul.u32 $0xFFFFD8F0, v6  }
0x196: {  	v48 =	vsub.s32 $0x0, v5  }
0x197: {  	vm9 =	vlt.s32 v5, $0x1;
	vm10 =	vne.s32 v7, v48  }
0x198: {  	vm9 =	vmand vm9, vm10  }
0x199: {  	v7 =	vsel vm9, $0xFFFFFFFF, v3  }
0x19a: {  	v6 =	vadd.s32 v7, v6  }
0x19b: {  	v6 =	vadd.s32 $0xFFFFEC78, v6  }
0x19c: {  	vm9 =	vlt.u32 v6, $0x1388  }
0x19d: {  	v6 =	vmpcnt.ones.xlane vm9;
	_ =	sdelay $0x1  }
0x19e: {  	v6 =	vxor.u32 $0x80000000, v6  }
0x19f: {  	s28 =	sadd.s32 s6, s25;
	(xrf0) =	vmax.scan.msk.u32 $0xffff, v6  }
0x1a0: {  	s26 =	sadd.s32 $0x80000000, s28  }
0x1a1: {  	[tilespmem:s26+$0x67F0] =	vst.msk vm9, v5  }
0x1a2: {  	v5 =	vld [tilespmem:s21+$0x5440];
	_ =	sdelay $0x2  }
0x1a3: {  	v6, _, _ =	vpop (xrf0)  }
0x1a4: {  	(v2sf) =	vpush v6, $0xF  }
0x1a5: {  	(v2sf) =	vpush v5, $0xD;
	_ =	sdelay $0x1  }
0x1a6: {  	(v2sf) =	vpush v5, $0xC;
	_ =	sdelay $0x1  }
0x1a7: {  	(v2sf) =	vpush v5, $0xE;
	_ =	sdelay $0x1  }
0x1a8: {  	(v2sf) =	vpush v5, $0xF;
	_ =	sdelay $0x1  }
0x1a9: {  	(v2sf) =	vpush v5, $0x9;
	_ =	sdelay $0x1  }
0x1aa: {  	(v2sf) =	vpush v5, $0x8;
	_ =	sdelay $0x1  }
0x1ab: {  	(v2sf) =	vpush v5, $0xA;
	_ =	sdelay $0x1  }
0x1ac: {  	[dreg:$0xf] =	wrdreg s6;
	(v2sf) =	vpush v5, $0xB;
	s6 =	spop (v2sf)  }
0x1ad: {  	s29 =	spop (v2sf)  }
0x1ae: {  	(v2sf) =	vpush v5, $0x0;
	s30 =	smulhi.u32 $0x68DB8BAD, s29;
	s0 =	sshra.s32 s29, $0x1F  }
0x1af: {  	s16 =	spop (v2sf);
	s0 =	smul.u32 $0x68DB8BAD, s0  }
0x1b0: {  	(v2sf) =	vpush v5, $0x1;
	s3 =	smulhi.u32 $0x68DB8BAD, s16;
	s2 =	sshra.s32 s16, $0x1F  }
0x1b1: {  	s17 =	spop (v2sf);
	s2 =	smul.u32 $0x68DB8BAD, s2  }
0x1b2: {  	(v2sf) =	vpush v5, $0x2;
	s5 =	smulhi.u32 $0x68DB8BAD, s17;
	s4 =	sshra.s32 s17, $0x1F  }
0x1b3: {  	s18 =	spop (v2sf);
	s4 =	smul.u32 $0x68DB8BAD, s4  }
0x1b4: {  	(v2sf) =	vpush v5, $0x3;
	s8 =	smulhi.u32 $0x68DB8BAD, s18;
	s7 =	sshra.s32 s18, $0x1F  }
0x1b5: {  	(v2sf) =	vpush v5, $0x4;
	s19 =	spop (v2sf);
	s7 =	smul.u32 $0x68DB8BAD, s7  }
0x1b6: {  	(v2sf) =	vpush v5, $0x5;
	s10 =	smulhi.u32 $0x68DB8BAD, s19;
	s9 =	sshra.s32 s19, $0x1F  }
0x1b7: {  	s20 =	spop (v2sf);
	(v2sf) =	vpush v5, $0x6;
	s9 =	smul.u32 $0x68DB8BAD, s9  }
0x1b8: {  	s12 =	smulhi.u32 $0x68DB8BAD, s20;
	s11 =	sshra.s32 s20, $0x1F;
	(v2sf) =	vpush v5, $0x7  }
0x1b9: {  	s22 =	spop (v2sf);
	s11 =	smul.u32 $0x68DB8BAD, s11  }
0x1ba: {  	s14 =	smulhi.u32 $0x68DB8BAD, s22;
	s13 =	sshra.s32 s22, $0x1F  }
0x1bb: {  	s23 =	spop (v2sf);
	s13 =	smul.u32 $0x68DB8BAD, s13  }
0x1bc: {  	s30 =	sadd.s32 s0, s30;
	s17 =	smulhi.u32 $0x68DB8BAD, s23;
	s16 =	sshra.s32 s23, $0x1F  }
0x1bd: {  	s2 =	sadd.s32 s2, s3;
	s24 =	spop (v2sf);
	s16 =	smul.u32 $0x68DB8BAD, s16  }
0x1be: {  	s28 =	sadd.s32 s7, s8;
	s31 =	smulhi.u32 $0x68DB8BAD, s24;
	s18 =	sshra.s32 s24, $0x1F  }
0x1bf: {  	s18 =	smul.u32 $0x68DB8BAD, s18;
	s3 =	sadd.s32 s13, s14;
	s25 =	spop (v2sf)  }
0x1c0: {  	s13 =	sshrl.u32 s2, $0x1F;
	s0 =	smulhi.u32 $0x68DB8BAD, s25;
	s29 =	sshra.s32 s25, $0x1F  }
0x1c1: {  	s14 =	sadd.s32 s16, s17;
	s19 =	spop (v2sf);
	s20 =	smul.u32 $0x68DB8BAD, s29  }
0x1c2: {  	s29 =	sadd.s32 s4, s5;
	s5 =	smulhi.u32 $0x68DB8BAD, s19;
	s1 =	sshra.s32 s19, $0x1F  }
0x1c3: {  	s16 =	sshrl.u32 s28, $0x1F;
	s22 =	spop (v2sf);
	s7 =	smul.u32 $0x68DB8BAD, s1  }
0x1c4: {  	s8 =	smulhi.u32 $0x68DB8BAD, s22;
	s23 =	sshra.s32 s22, $0x1F;
	s24 =	spop (v2sf)  }
0x1c5: {  	s1 =	sadd.s32 s9, s10;
	s9 =	smul.u32 $0x68DB8BAD, s23;
	s10 =	spop (v2sf)  }
0x1c6: {  	s22 =	smulhi.u32 $0x68DB8BAD, s24;
	s25 =	sshra.s32 s24, $0x1F;
	s19 =	spop (v2sf)  }
0x1c7: {  	s4 =	sadd.s32 s11, s12;
	s11 =	smul.u32 $0x68DB8BAD, s25;
	s23 =	spop (v2sf)  }
0x1c8: {  	s0 =	sadd.s32 s20, s0;
	s24 =	smulhi.u32 $0x68DB8BAD, s23;
	s12 =	sshra.s32 s23, $0x1F  }
0x1c9: {  	s25 =	sadd.s32 s18, s31;
	s5 =	sadd.s32 s7, s5;
	s12 =	smul.u32 $0x68DB8BAD, s12  }
0x1ca: {  	s17 =	smulhi.u32 $0x68DB8BAD, s10;
	s10 =	sshra.s32 s10, $0x1F;
	s7 =	sadd.s32 s9, s8  }
0x1cb: {  	s8 =	smul.u32 $0x68DB8BAD, s10;
	s31 =	sadd.s32 s12, s24;
	s12 =	sshra.s32 s19, $0x1F  }
0x1cc: {  	v7 =	vmov s13;
	s13 =	sshra.s32 s1, $0xC;
	s10 =	smul.u32 $0x68DB8BAD, s12;
	s12 =	sshra.s32 s31, $0x1F  }
0x1cd: {  	s18 =	sshra.s32 s25, $0xC;
	s9 =	smulhi.u32 $0x68DB8BAD, s19;
	s19 =	sshrl.u32 s25, $0x1F;
	v6 =	vmov s12  }
0x1ce: {  	vm9 =	vcmask $0x2F2C;
	s20 =	sshra.s32 s25, $0x1F;
	s11 =	sadd.s32 s11, s22;
	s22 =	sshrl.u32 s30, $0x1F;
	v49 =	vmov s19;
	v6 =	vsel vm3, s18, v6  }
0x1cf: {  	s23 =	sshrl.u32 s0, $0x1F;
	v7 =	vsel vm0, s22, v7;
	s24 =	sshra.s32 s0, $0xC;
	s25 =	sshrl.u32 s29, $0x1F;
	v8 =	vnsel vm3, $0x0, v49;
	v6 =	vsel vm11, s20, v6  }
0x1d0: {  	s0 =	sshra.s32 s0, $0x1F;
	v7 =	vsel vm1, s25, v7;
	v8 =	vsel vm0, s23, v8;
	s23 =	sshrl.u32 s5, $0x1F;
	s9 =	sadd.s32 s10, s9;
	v6 =	vsel vm0, s24, v6  }
0x1d1: {  	v7 =	vsel vm2, s16, v7;
	s10 =	sshra.s32 s4, $0xC;
	s20 =	sshrl.u32 s4, $0x1F;
	v8 =	vsel vm1, s23, v8;
	s24 =	sshra.s32 s5, $0xC;
	v6 =	vsel vm12, s0, v6  }
0x1d2: {  	s19 =	sshrl.u32 s1, $0x1F;
	s18 =	sshrl.u32 s7, $0x1F;
	v52 =	vmov s10;
	v50 =	vmov s20;
	s5 =	sshra.s32 s5, $0x1F;
	v6 =	vsel vm1, s24, v6  }
0x1d3: {  	s22 =	sshrl.u32 s3, $0x1F;
	s8 =	sadd.s32 s8, s17;
	v8 =	vsel vm2, s18, v8;
	s20 =	sshra.s32 s7, $0xC;
	v9 =	vsel vm0, s19, v50;
	v6 =	vsel vm13, s5, v6  }
0x1d4: {  	s25 =	sshrl.u32 s14, $0x1F;
	s23 =	sshra.s32 s7, $0x1F;
	s7 =	sshra.s32 s2, $0xC;
	v10 =	vsel vm0, s13, v52;
	v9 =	vsel vm1, s22, v9;
	v6 =	vsel vm2, s20, v6  }
0x1d5: {  	s18 =	sshra.s32 s3, $0xC;
	s19 =	sshrl.u32 s11, $0x1F;
	v51 =	vmov s7;
	v9 =	vsel vm2, s25, v9;
	s25 =	sshra.s32 s11, $0xC;
	v6 =	vsel vm14, s23, v6  }
0x1d6: {  	v10 =	vsel vm1, s18, v10;
	v8 =	vsel vm4, s19, v8;
	s22 =	sshrl.u32 s8, $0x1F;
	s11 =	sshra.s32 s11, $0x1F;
	v6 =	vsel vm4, s25, v6  }
0x1d7: {  	s12 =	sshra.s32 s30, $0xC;
	s16 =	sshra.s32 s8, $0xC;
	s24 =	sshrl.u32 s9, $0x1F;
	v8 =	vsel vm5, s22, v8;
	v7 =	vcombine.low v9, v7;
	v6 =	vsel vm15, s11, v6  }
0x1d8: {  	s17 =	sshra.s32 s29, $0xC;
	s19 =	sshra.s32 s8, $0x1F;
	s22 =	sshra.s32 s14, $0xC;
	v8 =	vsel vm6, s24, v8;
	v9 =	vsel vm0, s12, v51;
	v6 =	vsel vm5, s16, v6  }
0x1d9: {  	s20 =	sshra.s32 s28, $0xC;
	v10 =	vsel vm2, s22, v10;
	v9 =	vsel vm1, s17, v9;
	s23 =	sshra.s32 s9, $0xC;
	v6 =	vsel vm9, s19, v6  }
0x1da: {  	s24 =	sshrl.u32 s31, $0x1F;
	v9 =	vsel vm2, s20, v9;
	s25 =	sshra.s32 s9, $0x1F;
	vm9 =	vcmask $0x3734;
	v6 =	vsel vm6, s23, v6  }
0x1db: {  	s28 =	sshra.s32 s31, $0xC;
	v8 =	vsel vm7, s24, v8;
	v9 =	vcombine.low v10, v9;
	v6 =	vsel vm9, s25, v6  }
0x1dc: {  	v7 =	vperm.xlane v7, v0;
	v8 =	vperm.xlane v8, v2;
	v6 =	vsel vm7, s28, v6  }
0x1dd: {  	v9 =	vperm.xlane v9, v0;
	v6 =	vperm.xlane v6, v2;
	_ =	sdelay $0x1  }
0x1de: {  	v7 =	vsel vm8, v8, v7;
	v6 =	vsel vm8, v6, v9  }
0x1df: {  	v6 =	vadd.s32 v7, v6  }
0x1e0: {  	v7 =	vmul.u32 $0xFFFFD8F0, v6  }
0x1e1: {  	v53 =	vsub.s32 $0x0, v5  }
0x1e2: {  	vm9 =	vlt.s32 v5, $0x1;
	vm10 =	vne.s32 v7, v53  }
0x1e3: {  	vm9 =	vmand vm9, vm10  }
0x1e4: {  	v7 =	vsel vm9, $0xFFFFFFFF, v3  }
0x1e5: {  	v6 =	vadd.s32 v7, v6  }
0x1e6: {  	v6 =	vadd.s32 $0xFFFFEC78, v6  }
0x1e7: {  	vm9 =	vlt.u32 v6, $0x1388  }
0x1e8: {  	v6 =	vmpcnt.ones.xlane vm9;
	_ =	sdelay $0x1  }
0x1e9: {  	v6 =	vxor.u32 $0x80000000, v6  }
0x1ea: {  	s29 =	sadd.s32 s6, s26;
	(xrf0) =	vmax.scan.msk.u32 $0xffff, v6  }
0x1eb: {  	s26 =	sadd.s32 $0x80000000, s29  }
0x1ec: {  	[tilespmem:s26+$0x67F0] =	vst.msk vm9, v5  }
0x1ed: {  	v5 =	vld [tilespmem:s21+$0x5450];
	_ =	sdelay $0x2  }
0x1ee: {  	v6, _, _ =	vpop (xrf0)  }
0x1ef: {  	(v2sf) =	vpush v6, $0xF  }
0x1f0: {  	(v2sf) =	vpush v5, $0xD;
	_ =	sdelay $0x1  }
0x1f1: {  	(v2sf) =	vpush v5, $0xC;
	_ =	sdelay $0x1  }
0x1f2: {  	(v2sf) =	vpush v5, $0xE;
	_ =	sdelay $0x1  }
0x1f3: {  	(v2sf) =	vpush v5, $0xF;
	_ =	sdelay $0x1  }
0x1f4: {  	(v2sf) =	vpush v5, $0x9;
	_ =	sdelay $0x1  }
0x1f5: {  	(v2sf) =	vpush v5, $0x8;
	_ =	sdelay $0x1  }
0x1f6: {  	(v2sf) =	vpush v5, $0xA;
	_ =	sdelay $0x1  }
0x1f7: {  	[dreg:$0x11] =	wrdreg s6;
	(v2sf) =	vpush v5, $0xB;
	s6 =	spop (v2sf)  }
0x1f8: {  	s30 =	spop (v2sf)  }
0x1f9: {  	(v2sf) =	vpush v5, $0x0;
	s31 =	smulhi.u32 $0x68DB8BAD, s30;
	s0 =	sshra.s32 s30, $0x1F  }
0x1fa: {  	s17 =	spop (v2sf);
	s0 =	smul.u32 $0x68DB8BAD, s0  }
0x1fb: {  	(v2sf) =	vpush v5, $0x1;
	s3 =	smulhi.u32 $0x68DB8BAD, s17;
	s2 =	sshra.s32 s17, $0x1F  }
0x1fc: {  	s18 =	spop (v2sf);
	s2 =	smul.u32 $0x68DB8BAD, s2  }
0x1fd: {  	(v2sf) =	vpush v5, $0x2;
	s5 =	smulhi.u32 $0x68DB8BAD, s18;
	s4 =	sshra.s32 s18, $0x1F  }
0x1fe: {  	s19 =	spop (v2sf);
	s4 =	smul.u32 $0x68DB8BAD, s4  }
0x1ff: {  	(v2sf) =	vpush v5, $0x3;
	s8 =	smulhi.u32 $0x68DB8BAD, s19;
	s7 =	sshra.s32 s19, $0x1F  }
0x200: {  	s20 =	spop (v2sf);
	s7 =	smul.u32 $0x68DB8BAD, s7  }
0x201: {  	(v2sf) =	vpush v5, $0x4;
	s10 =	smulhi.u32 $0x68DB8BAD, s20;
	s9 =	sshra.s32 s20, $0x1F  }
0x202: {  	s22 =	spop (v2sf);
	s9 =	smul.u32 $0x68DB8BAD, s9  }
0x203: {  	(v2sf) =	vpush v5, $0x5;
	s12 =	smulhi.u32 $0x68DB8BAD, s22;
	s11 =	sshra.s32 s22, $0x1F  }
0x204: {  	(v2sf) =	vpush v5, $0x6;
	s23 =	spop (v2sf);
	s11 =	smul.u32 $0x68DB8BAD, s11  }
0x205: {  	(v2sf) =	vpush v5, $0x7;
	s16 =	smulhi.u32 $0x68DB8BAD, s23;
	s13 =	sshra.s32 s23, $0x1F  }
0x206: {  	s24 =	spop (v2sf);
	s13 =	smul.u32 $0x68DB8BAD, s13  }
0x207: {  	s17 =	smulhi.u32 $0x68DB8BAD, s24;
	s14 =	sshra.s32 s24, $0x1F  }
0x208: {  	s18 =	smul.u32 $0x68DB8BAD, s14;
	s25 =	spop (v2sf)  }
0x209: {  	s19 =	smulhi.u32 $0x68DB8BAD, s25;
	s14 =	sshra.s32 s25, $0x1F  }
0x20a: {  	s28 =	spop (v2sf);
	s20 =	smul.u32 $0x68DB8BAD, s14  }
0x20b: {  	s22 =	smulhi.u32 $0x68DB8BAD, s28;
	s14 =	sshra.s32 s28, $0x1F  }
0x20c: {  	s29 =	spop (v2sf);
	s23 =	smul.u32 $0x68DB8BAD, s14  }
0x20d: {  	s24 =	smulhi.u32 $0x68DB8BAD, s29;
	s30 =	sshra.s32 s29, $0x1F  }
0x20e: {  	s14 =	sadd.s32 s0, s31;
	s31 =	spop (v2sf);
	s0 =	smul.u32 $0x68DB8BAD, s30  }
0x20f: {  	s3 =	sadd.s32 s2, s3;
	s25 =	smulhi.u32 $0x68DB8BAD, s31;
	s1 =	sshra.s32 s31, $0x1F  }
0x210: {  	s2 =	sadd.s32 s4, s5;
	s5 =	spop (v2sf);
	s1 =	smul.u32 $0x68DB8BAD, s1  }
0x211: {  	s29 =	sadd.s32 s7, s8;
	s7 =	smulhi.u32 $0x68DB8BAD, s5;
	s4 =	sshra.s32 s5, $0x1F  }
0x212: {  	s31 =	sadd.s32 s9, s10;
	s28 =	spop (v2sf);
	s8 =	smul.u32 $0x68DB8BAD, s4  }
0x213: {  	s9 =	smulhi.u32 $0x68DB8BAD, s28;
	s4 =	sshra.s32 s28, $0x1F;
	s10 =	spop (v2sf)  }
0x214: {  	s5 =	sadd.s32 s11, s12;
	s11 =	smul.u32 $0x68DB8BAD, s4;
	s30 =	spop (v2sf)  }
0x215: {  	s4 =	sadd.s32 s13, s16;
	s16 =	smulhi.u32 $0x68DB8BAD, s30;
	s12 =	sshra.s32 s30, $0x1F  }
0x216: {  	s28 =	sadd.s32 s20, s19;
	s20 =	sshrl.u32 s3, $0x1F;
	s12 =	smul.u32 $0x68DB8BAD, s12  }
0x217: {  	s3 =	sshra.s32 s3, $0xC;
	s19 =	sadd.s32 s1, s25;
	s25 =	sshrl.u32 s14, $0x1F  }
0x218: {  	s30 =	sadd.s32 s18, s17;
	s17 =	sadd.s32 s23, s22;
	s1 =	sadd.s32 s12, s16  }
0x219: {  	s18 =	sadd.s32 s0, s24;
	s7 =	sadd.s32 s8, s7;
	s13 =	sshra.s32 s1, $0x1F  }
0x21a: {  	v7 =	vmov s20;
	s8 =	smulhi.u32 $0x68DB8BAD, s10;
	s22 =	sshrl.u32 s28, $0x1F;
	s23 =	sshra.s32 s28, $0xC;
	v6 =	vmov s13  }
0x21b: {  	vm9 =	vcmask $0x2F2C;
	s24 =	sshra.s32 s28, $0x1F;
	v7 =	vsel vm0, s25, v7;
	s25 =	sshrl.u32 s5, $0x1F;
	s5 =	sshra.s32 s5, $0xC;
	v6 =	vsel vm3, s23, v6  }
0x21c: {  	v56 =	vmov s3;
	s0 =	sadd.s32 s11, s9;
	s9 =	sshra.s32 s10, $0x1F;
	v54 =	vmov s22;
	s16 =	sshra.s32 s17, $0xC;
	v6 =	vsel vm11, s24, v6  }
0x21d: {  	s28 =	sshrl.u32 s17, $0x1F;
	s20 =	sshra.s32 s17, $0x1F;
	s22 =	sshrl.u32 s2, $0x1F;
	v55 =	vmov s25;
	v8 =	vnsel vm3, $0x0, v54;
	v6 =	vsel vm0, s16, v6  }
0x21e: {  	s25 =	sshra.s32 s19, $0xC;
	v57 =	vmov s5;
	v8 =	vsel vm0, s28, v8;
	s17 =	sshra.s32 s18, $0xC;
	s13 =	sshrl.u32 s18, $0x1F;
	v6 =	vsel vm12, s20, v6  }
0x21f: {  	v7 =	vsel vm1, s22, v7;
	s23 =	sshrl.u32 s29, $0x1F;
	v8 =	vsel vm1, s13, v8;
	s24 =	sshrl.u32 s31, $0x1F;
	s20 =	sshra.s32 s18, $0x1F;
	v6 =	vsel vm1, s17, v6  }
0x220: {  	s9 =	smul.u32 $0x68DB8BAD, s9;
	s22 =	sshrl.u32 s19, $0x1F;
	s28 =	sshrl.u32 s4, $0x1F;
	v7 =	vsel vm2, s23, v7;
	v9 =	vsel vm0, s24, v55;
	v6 =	vsel vm13, s20, v6  }
0x221: {  	s11 =	sshra.s32 s19, $0x1F;
	v8 =	vsel vm2, s22, v8;
	s23 =	sshrl.u32 s30, $0x1F;
	s24 =	sshrl.u32 s7, $0x1F;
	v9 =	vsel vm1, s28, v9;
	v6 =	vsel vm2, s25, v6  }
0x222: {  	s8 =	sadd.s32 s9, s8;
	s13 =	sshra.s32 s7, $0xC;
	v8 =	vsel vm4, s24, v8;
	s28 =	sshrl.u32 s0, $0x1F;
	v9 =	vsel vm2, s23, v9;
	v6 =	vsel vm14, s11, v6  }
0x223: {  	s12 =	sshrl.u32 s8, $0x1F;
	s7 =	sshra.s32 s7, $0x1F;
	s16 =	sshra.s32 s14, $0xC;
	v8 =	vsel vm5, s28, v8;
	v7 =	vcombine.low v9, v7;
	v6 =	vsel vm4, s13, v6  }
0x224: {  	s2 =	sshra.s32 s2, $0xC;
	s18 =	sshra.s32 s0, $0xC;
	s17 =	sshra.s32 s31, $0xC;
	v8 =	vsel vm6, s12, v8;
	v9 =	vsel vm0, s16, v56;
	v6 =	vsel vm15, s7, v6  }
0x225: {  	s19 =	sshra.s32 s4, $0xC;
	s0 =	sshra.s32 s0, $0x1F;
	v10 =	vsel vm0, s17, v57;
	s20 =	sshra.s32 s29, $0xC;
	v9 =	vsel vm1, s2, v9;
	v6 =	vsel vm5, s18, v6  }
0x226: {  	s22 =	sshra.s32 s30, $0xC;
	s23 =	sshra.s32 s8, $0xC;
	v10 =	vsel vm1, s19, v10;
	v9 =	vsel vm2, s20, v9;
	v6 =	vsel vm9, s0, v6  }
0x227: {  	s24 =	sshrl.u32 s1, $0x1F;
	s25 =	sshra.s32 s8, $0x1F;
	v10 =	vsel vm2, s22, v10;
	vm9 =	vcmask $0x3734;
	v6 =	vsel vm6, s23, v6  }
0x228: {  	s28 =	sshra.s32 s1, $0xC;
	v8 =	vsel vm7, s24, v8;
	v9 =	vcombine.low v10, v9;
	v6 =	vsel vm9, s25, v6  }
0x229: {  	v7 =	vperm.xlane v7, v0;
	v8 =	vperm.xlane v8, v2;
	v6 =	vsel vm7, s28, v6  }
0x22a: {  	v9 =	vperm.xlane v9, v0;
	v6 =	vperm.xlane v6, v2;
	_ =	sdelay $0x1  }
0x22b: {  	v7 =	vsel vm8, v8, v7;
	v6 =	vsel vm8, v6, v9  }
0x22c: {  	v6 =	vadd.s32 v7, v6  }
0x22d: {  	v7 =	vmul.u32 $0xFFFFD8F0, v6  }
0x22e: {  	v58 =	vsub.s32 $0x0, v5  }
0x22f: {  	vm9 =	vlt.s32 v5, $0x1;
	vm10 =	vne.s32 v7, v58  }
0x230: {  	vm9 =	vmand vm9, vm10  }
0x231: {  	v7 =	vsel vm9, $0xFFFFFFFF, v3  }
0x232: {  	v6 =	vadd.s32 v7, v6  }
0x233: {  	v6 =	vadd.s32 $0xFFFFEC78, v6  }
0x234: {  	vm9 =	vlt.u32 v6, $0x1388  }
0x235: {  	v6 =	vmpcnt.ones.xlane vm9;
	_ =	sdelay $0x1  }
0x236: {  	v6 =	vxor.u32 $0x80000000, v6  }
0x237: {  	s29 =	sadd.s32 s6, s26;
	(xrf0) =	vmax.scan.msk.u32 $0xffff, v6  }
0x238: {  	s26 =	sadd.s32 $0x80000000, s29  }
0x239: {  	[tilespmem:s26+$0x67F0] =	vst.msk vm9, v5  }
0x23a: {  	v5 =	vld [tilespmem:s21+$0x5460];
	_ =	sdelay $0x2  }
0x23b: {  	v6, _, _ =	vpop (xrf0)  }
0x23c: {  	(v2sf) =	vpush v6, $0xF  }
0x23d: {  	(v2sf) =	vpush v5, $0xD;
	_ =	sdelay $0x1  }
0x23e: {  	(v2sf) =	vpush v5, $0xC;
	_ =	sdelay $0x1  }
0x23f: {  	(v2sf) =	vpush v5, $0xE;
	_ =	sdelay $0x1  }
0x240: {  	(v2sf) =	vpush v5, $0xF;
	_ =	sdelay $0x1  }
0x241: {  	(v2sf) =	vpush v5, $0x9;
	_ =	sdelay $0x1  }
0x242: {  	(v2sf) =	vpush v5, $0x8;
	_ =	sdelay $0x1  }
0x243: {  	(v2sf) =	vpush v5, $0xA;
	_ =	sdelay $0x1  }
0x244: {  	(v2sf) =	vpush v5, $0xB;
	s21 =	spop (v2sf)  }
0x245: {  	s30 =	spop (v2sf)  }
0x246: {  	(v2sf) =	vpush v5, $0x0;
	s31 =	smulhi.u32 $0x68DB8BAD, s30;
	s0 =	sshra.s32 s30, $0x1F  }
0x247: {  	s16 =	spop (v2sf);
	s0 =	smul.u32 $0x68DB8BAD, s0  }
0x248: {  	(v2sf) =	vpush v5, $0x1;
	s3 =	smulhi.u32 $0x68DB8BAD, s16;
	s2 =	sshra.s32 s16, $0x1F  }
0x249: {  	s17 =	spop (v2sf);
	s2 =	smul.u32 $0x68DB8BAD, s2  }
0x24a: {  	(v2sf) =	vpush v5, $0x2;
	s5 =	smulhi.u32 $0x68DB8BAD, s17;
	s4 =	sshra.s32 s17, $0x1F  }
0x24b: {  	s18 =	spop (v2sf);
	s7 =	smul.u32 $0x68DB8BAD, s4  }
0x24c: {  	(v2sf) =	vpush v5, $0x3;
	s8 =	smulhi.u32 $0x68DB8BAD, s18;
	s4 =	sshra.s32 s18, $0x1F  }
0x24d: {  	s19 =	spop (v2sf);
	s9 =	smul.u32 $0x68DB8BAD, s4  }
0x24e: {  	(v2sf) =	vpush v5, $0x4;
	s10 =	smulhi.u32 $0x68DB8BAD, s19;
	s4 =	sshra.s32 s19, $0x1F  }
0x24f: {  	s20 =	spop (v2sf);
	s11 =	smul.u32 $0x68DB8BAD, s4  }
0x250: {  	(v2sf) =	vpush v5, $0x5;
	s12 =	smulhi.u32 $0x68DB8BAD, s20;
	s4 =	sshra.s32 s20, $0x1F  }
0x251: {  	(v2sf) =	vpush v5, $0x6;
	s22 =	spop (v2sf);
	s13 =	smul.u32 $0x68DB8BAD, s4  }
0x252: {  	(v2sf) =	vpush v5, $0x7;
	s16 =	smulhi.u32 $0x68DB8BAD, s22;
	s4 =	sshra.s32 s22, $0x1F  }
0x253: {  	s23 =	spop (v2sf);
	s17 =	smul.u32 $0x68DB8BAD, s4  }
0x254: {  	s18 =	smulhi.u32 $0x68DB8BAD, s23;
	s24 =	sshra.s32 s23, $0x1F  }
0x255: {  	s19 =	smul.u32 $0x68DB8BAD, s24;
	s25 =	spop (v2sf)  }
0x256: {  	s20 =	smulhi.u32 $0x68DB8BAD, s25;
	s28 =	sshra.s32 s25, $0x1F  }
0x257: {  	s29 =	spop (v2sf);
	s22 =	smul.u32 $0x68DB8BAD, s28  }
0x258: {  	s23 =	smulhi.u32 $0x68DB8BAD, s29;
	s4 =	sshra.s32 s29, $0x1F  }
0x259: {  	s30 =	spop (v2sf);
	s24 =	smul.u32 $0x68DB8BAD, s4  }
0x25a: {  	s14 =	sadd.s32 s0, s31;
	s25 =	smulhi.u32 $0x68DB8BAD, s30;
	s4 =	sshra.s32 s30, $0x1F  }
0x25b: {  	s29 =	sadd.s32 s7, s5;
	s31 =	spop (v2sf);
	s1 =	smul.u32 $0x68DB8BAD, s4  }
0x25c: {  	s4 =	sadd.s32 s2, s3;
	s28 =	smulhi.u32 $0x68DB8BAD, s31;
	s0 =	sshra.s32 s31, $0x1F  }
0x25d: {  	s3 =	spop (v2sf);
	s2 =	sadd.s32 s9, s8;
	s5 =	smul.u32 $0x68DB8BAD, s0  }
0x25e: {  	s20 =	sadd.s32 s22, s20;
	s7 =	smulhi.u32 $0x68DB8BAD, s3;
	s0 =	sshra.s32 s3, $0x1F  }
0x25f: {  	s3 =	sadd.s32 s11, s10;
	s30 =	spop (v2sf);
	s8 =	smul.u32 $0x68DB8BAD, s0  }
0x260: {  	s9 =	smulhi.u32 $0x68DB8BAD, s30;
	s31 =	sshra.s32 s30, $0x1F;
	s11 =	spop (v2sf)  }
0x261: {  	s0 =	sadd.s32 s13, s12;
	s10 =	smul.u32 $0x68DB8BAD, s31;
	s13 =	spop (v2sf)  }
0x262: {  	s31 =	sadd.s32 s17, s16;
	s16 =	smulhi.u32 $0x68DB8BAD, s13;
	s12 =	sshra.s32 s13, $0x1F  }
0x263: {  	s30 =	sadd.s32 s19, s18;
	s18 =	sadd.s32 s1, s25;
	s12 =	smul.u32 $0x68DB8BAD, s12  }
0x264: {  	s25 =	sshra.s32 s20, $0xC;
	s17 =	sadd.s32 s24, s23;
	s19 =	sadd.s32 s5, s28  }
0x265: {  	s23 =	sshrl.u32 s4, $0x1F;
	s24 =	sshrl.u32 s20, $0x1F;
	s1 =	sadd.s32 s12, s16  }
0x266: {  	s28 =	sshra.s32 s20, $0x1F;
	s4 =	sshra.s32 s4, $0xC;
	s22 =	sshra.s32 s1, $0x1F  }
0x267: {  	vm9 =	vcmask $0x2F2C;
	s7 =	sadd.s32 s8, s7;
	s8 =	smulhi.u32 $0x68DB8BAD, s11;
	s13 =	sshrl.u32 s14, $0x1F;
	v6 =	vmov s22  }
0x268: {  	v7 =	vmov s23;
	v59 =	vmov s24;
	s20 =	sshra.s32 s17, $0xC;
	s23 =	sshrl.u32 s29, $0x1F;
	s24 =	sshrl.u32 s2, $0x1F;
	v6 =	vsel vm3, s25, v6  }
0x269: {  	v61 =	vmov s4;
	s14 =	sshra.s32 s14, $0xC;
	s5 =	sadd.s32 s10, s9;
	s9 =	sshra.s32 s11, $0x1F;
	v7 =	vsel vm0, s13, v7;
	v6 =	vsel vm11, s28, v6  }
0x26a: {  	v8 =	vnsel vm3, $0x0, v59;
	s11 =	sshrl.u32 s18, $0x1F;
	v10 =	vsel vm0, s14, v61;
	s16 =	sshrl.u32 s17, $0x1F;
	s22 =	sshra.s32 s17, $0x1F;
	v6 =	vsel vm0, s20, v6  }
0x26b: {  	s13 =	sshra.s32 s18, $0xC;
	s18 =	sshra.s32 s18, $0x1F;
	v7 =	vsel vm1, s23, v7;
	s9 =	smul.u32 $0x68DB8BAD, s9;
	v8 =	vsel vm0, s16, v8;
	v6 =	vsel vm12, s22, v6  }
0x26c: {  	s23 =	sshra.s32 s19, $0xC;
	v7 =	vsel vm2, s24, v7;
	s16 =	sshra.s32 s29, $0xC;
	v8 =	vsel vm1, s11, v8;
	s28 =	sshrl.u32 s0, $0x1F;
	v6 =	vsel vm1, s13, v6  }
0x26d: {  	s24 =	sshrl.u32 s30, $0x1F;
	v10 =	vsel vm1, s16, v10;
	s25 =	sshrl.u32 s3, $0x1F;
	s0 =	sshra.s32 s0, $0xC;
	v60 =	vmov s28;
	v6 =	vsel vm13, s18, v6  }
0x26e: {  	s3 =	sshra.s32 s3, $0xC;
	s20 =	sshrl.u32 s19, $0x1F;
	s28 =	sshra.s32 s19, $0x1F;
	v11 =	vmov s0;
	v9 =	vsel vm0, s25, v60;
	v6 =	vsel vm2, s23, v6  }
0x26f: {  	s17 =	sshrl.u32 s31, $0x1F;
	v8 =	vsel vm2, s20, v8;
	s22 =	sshrl.u32 s7, $0x1F;
	v11 =	vsel vm0, s3, v11;
	s13 =	sshra.s32 s7, $0xC;
	v6 =	vsel vm14, s28, v6  }
0x270: {  	s8 =	sadd.s32 s9, s8;
	s19 =	sshra.s32 s31, $0xC;
	v9 =	vsel vm1, s17, v9;
	v8 =	vsel vm4, s22, v8;
	s7 =	sshra.s32 s7, $0x1F;
	v6 =	vsel vm4, s13, v6  }
0x271: {  	s25 =	sshrl.u32 s5, $0x1F;
	s17 =	sshra.s32 s5, $0xC;
	v11 =	vsel vm1, s19, v11;
	s22 =	sshra.s32 s30, $0xC;
	v9 =	vsel vm2, s24, v9;
	v6 =	vsel vm15, s7, v6  }
0x272: {  	s12 =	sshrl.u32 s8, $0x1F;
	s20 =	sshra.s32 s5, $0x1F;
	v8 =	vsel vm5, s25, v8;
	s18 =	sshra.s32 s2, $0xC;
	v11 =	vsel vm2, s22, v11;
	v6 =	vsel vm5, s17, v6  }
0x273: {  	v8 =	vsel vm6, s12, v8;
	v10 =	vsel vm2, s18, v10;
	s23 =	sshra.s32 s8, $0xC;
	v6 =	vsel vm9, s20, v6  }
0x274: {  	s24 =	sshrl.u32 s1, $0x1F;
	s25 =	sshra.s32 s8, $0x1F;
	v7 =	vcombine.low v9, v7;
	vm9 =	vcmask $0x3734;
	v6 =	vsel vm6, s23, v6  }
0x275: {  	v8 =	vsel vm7, s24, v8;
	v62 =	vcombine.low v11, v10;
	s28 =	sshra.s32 s1, $0xC;
	v6 =	vsel vm9, s25, v6  }
0x276: {  	v7 =	vperm.xlane v7, v0;
	v8 =	vperm.xlane v8, v2;
	v6 =	vsel vm7, s28, v6  }
0x277: {  	v9 =	vperm.xlane v62, v0;
	v6 =	vperm.xlane v6, v2;
	_ =	sdelay $0x1  }
0x278: {  	v7 =	vsel vm8, v8, v7;
	v6 =	vsel vm8, v6, v9  }
0x279: {  	v6 =	vadd.s32 v7, v6  }
0x27a: {  	v7 =	vmul.u32 $0xFFFFD8F0, v6  }
0x27b: {  	v63 =	vsub.s32 $0x0, v5  }
0x27c: {  	vm9 =	vlt.s32 v5, $0x1;
	vm10 =	vne.s32 v7, v63  }
0x27d: {  	vm9 =	vmand vm9, vm10  }
0x27e: {  	v7 =	vsel vm9, $0xFFFFFFFF, v3  }
0x27f: {  	v6 =	vadd.s32 v7, v6  }
0x280: {  	v6 =	vadd.s32 $0xFFFFEC78, v6  }
0x281: {  	vm9 =	vlt.u32 v6, $0x1388  }
0x282: {  	v6 =	vmpcnt.ones.xlane vm9;
	_ =	sdelay $0x1  }
0x283: {  	v6 =	vxor.u32 $0x80000000, v6  }
0x284: {  	(xrf0) =	vmax.scan.msk.u32 $0xffff, v6;
	_ =	sdelay $0x5  }
0x285: {  	v6, _, _ =	vpop (xrf0)  }
0x286: {  	(v2sf) =	vpush v6, $0xF;
	_ =	sdelay $0xb  }
0x287: {  	p1 =	sne.s32 s15, $0x4E00  }
.Ltmp2:
0x288: {  	_ = 	snop;
	(pc) =	sbr.rel @p1 .LBB2_2-.Ltmp2, $4  }
0x289: {  	s29 =	sadd.s32 s21, s26  }
0x28a: {  	s30 =	sadd.s32 $0x80000000, s29;
	s0 =	spop (v2sf)  }
0x28b: {  	s31 =	sadd.s32 s0, s30  }
0x28c: {  	s15 =	sadd.s32 $0x200, s15;
	vm10 =	vcmask $0x3734;
	[tilespmem:s30+$0x67F0] =	vst.msk vm9, v5;
	vm9 =	vcmask $0x2F2C;
	s26 =	sadd.s32 $0x80000000, s31  }
0x28d: {  	s11 =	rddreg [dreg:$0x11]  }
0x28e: {  	s10 =	rddreg [dreg:$0xf]  }
0x28f: {  	s9 =	rddreg [dreg:$0xe]  }
0x290: {  	s8 =	rddreg [dreg:$0xc]  }
0x291: {  	s13 =	smov.u32 s6;
	s5 =	rddreg [dreg:$0xb];
	s1 =	simm.s32 $0x0  }
0x292: {  	s6 =	rddreg [dreg:$0xd];
	s2 =	simm.s32 $0x10;
	s1 =	sand.u32 $0x1FF0, s1  }
.LBB2_4:
0x293: {  	p1 =	sne.s32 s2, $0x1470;
	[tilespmem:s1+$0x9470] =	vst v4;
	s1 =	smov.u32 s2;
	s2 =	sadd.s32 $0x10, s2  }
.Ltmp3:
0x294: {  	(pc) =	sbr.rel @p1 .LBB2_4-.Ltmp3, $2  }
0x295: {  	_ =	sdelay $0x2  }
0x296: {  	s1 =	sand.u32 $0x1FF0, s1  }
0x297: {  	s2 =	sadd.s32 $0xF, s26  }
0x298: {  	s3 =	sand.u32 $0xF, s2  }
0x299: {  	s4 =	sshra.s32 s2, $0x1F;
	p1 =	slt.s32 s2, $0x1;
	p2 =	sne.s32 s3, $0x0  }
0x29a: {  	s31 =	sshrl.u32 s4, $0x1C;
	p1 =	por !p1, !p2  }
0x29b: {  	s3 =	simm.s32 $0x1;
	s2 =	sadd.s32 s31, s2;
	p1 =	por !p1, !p1  }
0x29c: {  	s2 =	sshra.s32 s2, $0x4;
	s3 =	simm.s32 @!p1 $0x0  }
0x29d: {  	s18 =	ssub.s32 s2, s3  }
0x29e: {  	p1 =	slt.s32 s18, $0x1  }
.Ltmp4:
0x29f: {  	_ = 	snop;
	(pc) =	sbr.rel @p1 .LBB2_8-.Ltmp4, $2  }
0x2a0: {  	_ =	sdelay $0x2  }
0x2a1: {  	[dreg:$0x10] =	wrdreg s26;
	[tilespmem:s1+$0x9470] =	vst v4;
	s12 =	simm.s32 $0x2C70;
	s7 =	simm.s32 $0x4F0  }
0x2a2: {  	s1 =	sadd.s32 s8, s5  }
0x2a3: {  	s1 =	sadd.s32 s9, s1  }
0x2a4: {  	s1 =	sadd.s32 s10, s1  }
0x2a5: {  	s1 =	sadd.s32 s11, s1  }
0x2a6: {  	s1 =	sadd.s32 s13, s1  }
0x2a7: {  	s1 =	sadd.s32 s21, s1  }
0x2a8: {  	s20 =	simm.s32 $0x7C70;
	s0 =	sadd.s32 s0, s1  }
0x2a9: {  	s22 =	simm.s32 $0x67F0;
	s21 =	simm.s32 $0x9470;
	s19 =	sadd.s32 s6, s0  }
.LBB2_7:
0x2aa: {  	v5 =	vld [tilespmem:s22+$0x0];
	_ =	sdelay $0x2  }
0x2ab: {  	v6 =	vmov s19  }
0x2ac: {  	vm11 =	vgt.s32 v6, v1  }
0x2ad: {  	v5 =	vnsel vm11, $0x0, v5  }
0x2ae: {  	(v2sf) =	vpush v5, $0xD;
	_ =	sdelay $0x1  }
0x2af: {  	(v2sf) =	vpush v5, $0xC;
	_ =	sdelay $0x1  }
0x2b0: {  	(v2sf) =	vpush v5, $0xE;
	_ =	sdelay $0x1  }
0x2b1: {  	(v2sf) =	vpush v5, $0xF;
	_ =	sdelay $0x1  }
0x2b2: {  	(v2sf) =	vpush v5, $0x9;
	_ =	sdelay $0x1  }
0x2b3: {  	(v2sf) =	vpush v5, $0x8;
	_ =	sdelay $0x1  }
0x2b4: {  	(v2sf) =	vpush v5, $0xA  }
0x2b5: {  	(v2sf) =	vpush v5, $0xB;
	_ =	sdelay $0x1  }
0x2b6: {  	s0 =	spop (v2sf)  }
0x2b7: {  	(v2sf) =	vpush v5, $0x0;
	s1 =	smulhi.u32 $0x68DB8BAD, s0;
	s0 =	sshra.s32 s0, $0x1F  }
0x2b8: {  	s2 =	spop (v2sf);
	s3 =	smul.u32 $0x68DB8BAD, s0  }
0x2b9: {  	(v2sf) =	vpush v5, $0x1;
	s4 =	smulhi.u32 $0x68DB8BAD, s2;
	s17 =	sshra.s32 s2, $0x1F  }
0x2ba: {  	(v2sf) =	vpush v5, $0x2;
	s23 =	spop (v2sf);
	s5 =	smul.u32 $0x68DB8BAD, s17  }
0x2bb: {  	s7 =	smulhi.u32 $0x68DB8BAD, s23;
	s2 =	sshra.s32 s23, $0x1F  }
0x2bc: {  	(v2sf) =	vpush v5, $0x3;
	s24 =	spop (v2sf);
	s9 =	smul.u32 $0x68DB8BAD, s2  }
0x2bd: {  	(v2sf) =	vpush v5, $0x4;
	s10 =	smulhi.u32 $0x68DB8BAD, s24;
	s0 =	sshra.s32 s24, $0x1F  }
0x2be: {  	(v2sf) =	vpush v5, $0x5;
	s8 =	spop (v2sf);
	s12 =	smul.u32 $0x68DB8BAD, s0  }
0x2bf: {  	(v2sf) =	vpush v5, $0x6;
	s13 =	smulhi.u32 $0x68DB8BAD, s8;
	s26 =	sshra.s32 s8, $0x1F  }
0x2c0: {  	(v2sf) =	vpush v5, $0x7;
	s25 =	spop (v2sf);
	s16 =	smul.u32 $0x68DB8BAD, s26  }
0x2c1: {  	s29 =	smulhi.u32 $0x68DB8BAD, s25;
	s31 =	sshra.s32 s25, $0x1F  }
0x2c2: {  	s11 =	spop (v2sf);
	s25 =	sadd.s32 s3, s1;
	s31 =	smul.u32 $0x68DB8BAD, s31  }
0x2c3: {  	s28 =	spop (v2sf);
	s6 =	smulhi.u32 $0x68DB8BAD, s11;
	s2 =	sshra.s32 s11, $0x1F  }
0x2c4: {  	s9 =	sadd.s32 s9, s7;
	[dreg:$0x12] =	wrdreg s25;
	s15 =	smul.u32 $0x68DB8BAD, s2  }
0x2c5: {  	s25 =	sshrl.u32 s25, $0x1F;
	s24 =	smulhi.u32 $0x68DB8BAD, s28;
	s8 =	sshra.s32 s28, $0x1F  }
0x2c6: {  	s10 =	sadd.s32 s12, s10;
	s14 =	spop (v2sf);
	s3 =	smul.u32 $0x68DB8BAD, s8  }
0x2c7: {  	s8 =	sadd.s32 s5, s4;
	s5 =	smulhi.u32 $0x68DB8BAD, s14;
	s14 =	sshra.s32 s14, $0x1F  }
0x2c8: {  	s17 =	spop (v2sf);
	s4 =	sadd.s32 s31, s29;
	s14 =	smul.u32 $0x68DB8BAD, s14  }
0x2c9: {  	s30 =	spop (v2sf);
	s2 =	sshrl.u32 s8, $0x1F;
	s7 =	smulhi.u32 $0x68DB8BAD, s17  }
0x2ca: {  	s28 =	sshra.s32 s17, $0x1F;
	s17 =	sshrl.u32 s9, $0x1F;
	s1 =	sadd.s32 s15, s6  }
0x2cb: {  	s26 =	spop (v2sf);
	s12 =	smul.u32 $0x68DB8BAD, s28;
	s28 =	sadd.s32 s16, s13  }
0x2cc: {  	s13 =	smulhi.u32 $0x68DB8BAD, s30;
	s30 =	sshra.s32 s30, $0x1F;
	s11 =	spop (v2sf)  }
0x2cd: {  	s29 =	sshrl.u32 s4, $0x1F;
	s31 =	smul.u32 $0x68DB8BAD, s30;
	s23 =	spop (v2sf)  }
0x2ce: {  	s15 =	smulhi.u32 $0x68DB8BAD, s26;
	s26 =	sshra.s32 s26, $0x1F;
	s0 =	spop (v2sf)  }
0x2cf: {  	s6 =	sadd.s32 s3, s24;
	s24 =	smul.u32 $0x68DB8BAD, s26;
	s26 =	spop (v2sf)  }
0x2d0: {  	s4 =	sshra.s32 s4, $0xC;
	s30 =	smulhi.u32 $0x68DB8BAD, s26;
	s3 =	sshra.s32 s26, $0x1F  }
0x2d1: {  	s16 =	sshrl.u32 s10, $0x1F;
	s7 =	sadd.s32 s12, s7;
	s3 =	smul.u32 $0x68DB8BAD, s3  }
0x2d2: {  	s12 =	sadd.s32 s31, s13;
	s31 =	smulhi.u32 $0x68DB8BAD, s11;
	s11 =	sshra.s32 s11, $0x1F  }
0x2d3: {  	v6 =	vimm.s32 $0x0;
	s5 =	sadd.s32 s14, s5;
	s11 =	smul.u32 $0x68DB8BAD, s11;
	s3 =	sadd.s32 s3, s30  }
0x2d4: {  	v6 =	vsel vm11, $0xFFFFFFFF, v6;
	s14 =	sshrl.u32 s1, $0x1F;
	s15 =	sadd.s32 s24, s15;
	s30 =	sshra.s32 s3, $0x1F  }
0x2d5: {  	[tilespmem:$0x1FFF0] =	vst v6;
	v7 =	vmov s2;
	s24 =	sshrl.u32 s7, $0x1F;
	s11 =	sadd.s32 s11, s31;
	s31 =	sshra.s32 s5, $0xC;
	v6 =	vmov s30  }
0x2d6: {  	vm11 =	vcmask $0x704;
	v7 =	vsel vm0, s25, v7;
	s25 =	sshrl.u32 s12, $0x1F;
	s30 =	sshrl.u32 s5, $0x1F;
	s5 =	sshra.s32 s5, $0x1F;
	v6 =	vsel vm3, s31, v6  }
0x2d7: {  	s2 =	smulhi.u32 $0x68DB8BAD, s23;
	s23 =	sshra.s32 s23, $0x1F;
	v8 =	vmov s30;
	s31 =	sshra.s32 s7, $0xC;
	v6 =	vsel vm11, s5, v6  }
0x2d8: {  	v9 =	vmov s29;
	s26 =	sshrl.u32 s28, $0x1F;
	s30 =	smul.u32 $0x68DB8BAD, s23;
	s7 =	sshra.s32 s7, $0x1F;
	v8 =	vnsel vm3, $0x0, v8;
	v6 =	vsel vm0, s31, v6  }
0x2d9: {  	v7 =	vsel vm1, s17, v7;
	s23 =	sshra.s32 s12, $0xC;
	v8 =	vsel vm0, s24, v8;
	s31 =	smulhi.u32 $0x68DB8BAD, s0;
	s0 =	sshra.s32 s0, $0x1F;
	v6 =	vsel vm12, s7, v6  }
0x2da: {  	s17 =	rddreg [dreg:$0x12];
	v9 =	vsel vm0, s26, v9;
	v8 =	vsel vm1, s25, v8;
	s0 =	smul.u32 $0x68DB8BAD, s0;
	s25 =	sshra.s32 s12, $0x1F;
	v6 =	vsel vm1, s23, v6  }
0x2db: {  	v10 =	vmov s4;
	s13 =	sshrl.u32 s6, $0x1F;
	s29 =	sshra.s32 s15, $0xC;
	s26 =	sshrl.u32 s11, $0x1F;
	v9 =	vsel vm1, s14, v9;
	v6 =	vsel vm13, s25, v6  }
0x2dc: {  	v7 =	vsel vm2, s16, v7;
	v9 =	vsel vm2, s13, v9;
	s24 =	sshrl.u32 s15, $0x1F;
	s0 =	sadd.s32 s0, s31;
	s31 =	sshra.s32 s15, $0x1F;
	v6 =	vsel vm2, s29, v6  }
0x2dd: {  	s14 =	sshra.s32 s11, $0xC;
	v7 =	vcombine.low v9, v7;
	s2 =	sadd.s32 s30, s2;
	v8 =	vsel vm2, s24, v8;
	s23 =	sshra.s32 s28, $0xC;
	v6 =	vsel vm14, s31, v6  }
0x2de: {  	s16 =	sshra.s32 s11, $0x1F;
	s30 =	sshrl.u32 s2, $0x1F;
	v8 =	vsel vm4, s26, v8;
	s15 =	sshra.s32 s8, $0xC;
	v10 =	vsel vm0, s23, v10;
	v6 =	vsel vm4, s14, v6  }
0x2df: {  	s1 =	sshra.s32 s1, $0xC;
	s24 =	sshra.s32 s2, $0xC;
	s8 =	sshra.s32 s17, $0xC;
	v8 =	vsel vm5, s30, v8;
	v61 =	vmov s15;
	v6 =	vsel vm15, s16, v6  }
0x2e0: {  	s2 =	sshra.s32 s2, $0x1F;
	s25 =	sshra.s32 s9, $0xC;
	s13 =	sshrl.u32 s0, $0x1F;
	v10 =	vsel vm1, s1, v10;
	v9 =	vsel vm0, s8, v61;
	v6 =	vsel vm5, s24, v6  }
0x2e1: {  	s28 =	sshra.s32 s6, $0xC;
	s26 =	sshra.s32 s10, $0xC;
	s29 =	sshra.s32 s0, $0xC;
	v8 =	vsel vm6, s13, v8;
	v9 =	vsel vm1, s25, v9;
	v6 =	vsel vm9, s2, v6  }
0x2e2: {  	s30 =	sshrl.u32 s3, $0x1F;
	s0 =	sshra.s32 s0, $0x1F;
	v10 =	vsel vm2, s28, v10;
	v9 =	vsel vm2, s26, v9;
	v6 =	vsel vm6, s29, v6  }
0x2e3: {  	s31 =	sshra.s32 s3, $0xC;
	v8 =	vsel vm7, s30, v8;
	v9 =	vcombine.low v10, v9;
	v6 =	vsel vm10, s0, v6  }
0x2e4: {  	v7 =	vperm.xlane v7, v0;
	v8 =	vperm.xlane v8, v2;
	v6 =	vsel vm7, s31, v6  }
0x2e5: {  	v9 =	vperm.xlane v9, v0;
	v6 =	vperm.xlane v6, v2;
	_ =	sdelay $0x1  }
0x2e6: {  	v7 =	vsel vm8, v8, v7;
	v6 =	vsel vm8, v6, v9  }
0x2e7: {  	v6 =	vadd.s32 v7, v6  }
0x2e8: {  	v7 =	vmul.u32 $0xFFFFD8F0, v6  }
0x2e9: {  	v62 =	vsub.s32 $0x0, v5  }
0x2ea: {  	vm10 =	vlt.s32 v5, $0x1;
	vm11 =	vne.s32 v7, v62  }
0x2eb: {  	vm10 =	vmand vm10, vm11  }
0x2ec: {  	v7 =	vsel vm10, $0xFFFFFFFF, v3  }
0x2ed: {  	v6 =	vadd.s32 v7, v6  }
0x2ee: {  	v7 =	vmul.u32 $0xFFFFD8F0, v6;
	_ =	sdelay $0x1  }
0x2ef: {  	v7 =	vadd.s32 v5, v7;
	_ =	sdelay $0x2  }
0x2f0: {  	s7 =	simm.s32 $0x4F0  }
0x2f1: {  	s12 =	simm.s32 $0x2C70;
	v63 =	vld.idx.msk [tilespmem:v6+s7+$0x0], $0xffff  }
0x2f2: {  	v7 =	vld.idx.msk [tilespmem:v7+s12+$0x0], $0xffff;
	_ =	sdelay $0x4  }
0x2f3: {  	v7 =	vadd.f32 v7, v63;
	_ =	sdelay $0x1  }
0x2f4: {  	v8 =	vmul.f32 $1.000000010e-01, v7  }
0x2f5: {  	vm10 =	vge.f32 v7, $0.0e+00  }
0x2f6: {  	v7 =	vsel vm10, v7, v8  }
0x2f7: {  	v7 =	vmul.f32 $1.442695020e+00, v7;
	_ =	sdelay $0x1  }
0x2f8: {  	(erf) = vpow2.f32 v7;
	_ =	sdelay $0x1  }
0x2f9: {  	vm9 =	vmmov vm2;
	vm2 =	vmmov vm1;
	vm1 =	vmmov vm0  }
0x2fa: {  	vm0 =	vmmov vm8;
	vm8 =	vmmov vm7;
	vm7 =	vmmov vm6  }
0x2fb: {  	vm6 =	vmmov vm5;
	vm5 =	vmmov vm4;
	vm4 =	vmmov vm3;
	v7 =	vld [tilespmem:$0x1FFF0]  }
0x2fc: {  	vm3 =	vmmov vm15;
	vm15 =	vmmov vm14;
	v6 =	vmul.u32 $0x70, v6  }
0x2fd: {  	p1 =	sne.s32 s18, $0x1;
	vm14 =	vmmov vm15;
	vm15 =	vmmov vm3  }
.Ltmp5:
0x2fe: {  	vm3 =	vmmov vm4;
	vm4 =	vmmov vm5;
	vm5 =	vmmov vm6;
	(pc) =	sbr.rel @p1 .LBB2_7-.Ltmp5, $4  }
0x2ff: {  	vm6 =	vmmov vm7;
	vm7 =	vmmov vm8;
	v5 =	vadd.s32 v6, v5  }
0x300: {  	vm8 =	vmmov vm0;
	v5 =	vadd.s32 $0xFCFC8400, v5;
	vm11 =	vnez.u8 v7;
	v6 =	vpop (erf)  }
0x301: {  	s22 =	sadd.s32 $0x10, s22;
	s19 =	sadd.s32 $0xFFFFFFF0, s19;
	vm0 =	vmmov vm1;
	vm1 =	vmmov vm2;
	v5 =	vnsel vm11, $0x3037C00, v5;
	[tilespmem:s20+$0x0] =	vst v6  }
0x302: {  	s18 =	sadd.s32 $0xFFFFFFFF, s18;
	vm2 =	vmmov vm9;
	vm9 =	vcmask $0x2F2C;
	vm10 =	vcmask $0x3734;
	s20 =	sadd.s32 $0x10, s20;
	[tilespmem:s21+$0x0] =	vst v5;
	s21 =	sadd.s32 $0x10, s21  }
.LBB2_8:
0x303: {  	s0 =	rddreg [dreg:$0x10]  }
0x304: {  	s0 =	sadd.s32 $0x7F, s0  }
0x305: {  	s1 =	sand.u32 $0x7F, s0  }
0x306: {  	s2 =	sshra.s32 s0, $0x1F;
	p1 =	slt.s32 s0, $0x1;
	p2 =	sne.s32 s1, $0x0  }
0x307: {  	s31 =	sshrl.u32 s2, $0x19;
	p1 =	por !p1, !p2  }
0x308: {  	s1 =	simm.s32 $0x1;
	s0 =	sadd.s32 s31, s0;
	p1 =	por !p1, !p1  }
0x309: {  	s0 =	sshra.s32 s0, $0x7;
	s1 =	simm.s32 @!p1 $0x0  }
0x30a: {  	s0 =	ssub.s32 s0, s1  }
0x30b: {  	p1 =	slt.s32 s0, $0x1  }
.Ltmp6:
0x30c: {  	_ = 	snop;
	(pc) =	sbr.rel @p1 .LBB2_14-.Ltmp6, $2  }
0x30d: {  	_ =	sdelay $0x2  }
0x30e: {  	s5 =	simm.s32 $0x80;
	s1 =	rddreg [dreg:$0xa]  }
0x30f: {  	p1 =	sne.s32 s0, $0x1  }
.Ltmp7:
0x310: {  	_ = 	snop;
	(pc) =	sbr.rel @!p1 .LBB2_11-.Ltmp7, $4  }
0x311: {  	_ = 	snop  }
0x312: {  	s1 =	simm.s32 $0x7C70  }
0x313: {  	s2 =	simm.s32 $0x9470;
	s4 =	rddreg [dreg:$0x5];
	s3 =	sadd.s32 $0xFFFFFFFF, s0  }
0x314: {  	[hbm4b:s4+s5] =	stream.indirect.scatter [tilespmem:s1], [sflag:$0x1], $0x1, s2, s5, $0xb8;
	[tilespmem:$0xAC70] =	vst v63  }
.LBB2_10:
0x315: {  	p2 =	sne.s32 s3, $0x1  }
.Ltmp8:
0x316: {  	_ = 	snop;
	(pc) =	sbr.rel @p2 .LBB2_10-.Ltmp8, $4  }
0x317: {  	_ = 	snop  }
0x318: {  	s1 =	sadd.s32 $0x80, s1;
	s2 =	sadd.s32 $0x80, s2  }
0x319: {  	s3 =	sadd.s32 $0xFFFFFFFF, s3  }
0x31a: {  	[hbm4b:s4+s5] =	stream.indirect.scatter [tilespmem:s1], [sflag:$0x1], $0x1, s2, s5, $0xb8;
	[tilespmem:$0xAC70] =	vst v63  }
.LBB2_11:
.Ltmp9:
0x31b: {  	(pc) =	sbr.rel @!p1 .LBB2_13-.Ltmp9, $4  }
0x31c: {  	_ = 	snop  }
0x31d: {  	s1 =	simm.s32 $0x1  }
0x31e: {  	_ =	swait.ge [sflag:s1], $0x80  }
0x31f: {  	s0 =	sadd.s32 $0xFFFFFFFF, s0;
	[sflag:s1] =	ssyncset.done $0x0  }
.LBB2_12:
0x320: {  	p1 =	sne.s32 s0, $0x1;
	s0 =	sadd.s32 $0xFFFFFFFF, s0;
	[sflag:s1] =	ssyncadd.s32 $0xFFFFFF80  }
.Ltmp10:
0x321: {  	(pc) =	sbr.rel @p1 .LBB2_12-.Ltmp10, $3  }
0x322: {  	_ =	sdelay $0x1  }
0x323: {  	_ =	swait.ge [sflag:s1], $0x80  }
0x324: {  	[sflag:s1] =	ssyncset.done $0x0  }
.Ltmp11:
0x325: {  	_ = 	snop;
	(pc) =	sbr.rel .LBB2_13-.Ltmp11, $1  }
0x326: {  	_ =	sdelay $0x3  }
.LBB2_15:
0x327: {  	_ =	sfence.sel $0x180000  }
0x328: {  	[bflag:$0x0] =	sbarrier.arrive $0xFFFF  }
0x329: {  	_ =	strace $0x9000004A  }
0x32a: {  	[bflag:$0x2] =	sbarrier.arrive $0xFFFF  }
0x32b: {  	s0 =	rddreg [dreg:$0x3]  }
0x32c: {  	s0 =	sadd.s32 @!p0 $0x100000, s0  }
0x32d: {  	[sflag:s0] =	ssyncadd.tile.s32 @!p0 $0x1;
	_ =	shalt  }
.Lfunc_end2:
_tile_overlayer_lowered:
.L_overlay_start_2:
0x32e: {  	(tag) =	ssettag $0x2  }
0x32f: {  	s0 =	rddreg [dreg:$0x0];
	s2 =	stileid.u32  }
0x330: {  	s1 =	rddreg [dreg:$0x1];
	p0 =	sne.s32 s2, $0x0  }
0x331: {  	s3 =	rddreg [dreg:$0x2];
	[bflag:$0x3] =	sbarrier.arrive $0xFFFF;
	s2 =	simm.s32 @!p0 $0x1C02  }
0x332: {  	[timem:s3], [sflag:s2] =	dma.local @!p0 [hbm:s0], s1  }
0x333: {  	s0 =	simm.s32 @!p0 $0x2  }
0x334: {  	_ =	swait.ge @!p0 [sflag:s0], s1  }
0x335: {  	s1 =	ssub.s32 @!p0 $0x0, s1;
	[sflag:s0] =	ssyncset.done @!p0 $0x0  }
0x336: {  	[sflag:s0] =	ssyncadd.s32 @!p0 s1  }
0x337: {  	[bflag:$0x3] =	sbarrier.arrive $0xFFFF  }
0x338: {  	_ =	shalt  }

// kernel: kernel.7.cloned.1.call-start
scs
__scs_entry_jumppad:
0x0: {  	(pc) =	sbr.rel $0x88, $3  }
0x1: {  	(tag) =	ssettag $0x0;
	lr =	simm.s32 $0x1  }
0x2: {  	[smem:$0x3F9D] =	sst lr;
	_ =	strace $0xD0000000  }
0x3: {  	_ = 	snop  }
0x4: {  	_ = 	snop  }
0x5: {  	_ = 	snop  }
0x6: {  	_ = 	snop  }
0x7: {  	_ = 	snop  }
__scs_overlays_trampoline_lowered:
0x8: {  	[smem:$0x3FAC] =	sst s0  }
0x9: {  	[smem:$0x3FAD] =	sst s1  }
0xa: {  	[smem:$0x3FAE] =	sst s2  }
0xb: {  	[smem:$0x3FAF] =	sst s3  }
0xc: {  	[smem:$0x3FB0] =	sst s4  }
0xd: {  	[smem:$0x3FB1] =	sst s5  }
0xe: {  	[smem:$0x3FB2] =	sst s6  }
0xf: {  	[smem:$0x3FB3] =	sst s7  }
0x10: {  	[smem:$0x3FB4] =	sst s8  }
0x11: {  	[smem:$0x3FB5] =	sst s9;
	s0 =	simm.s32 @!p0 $0x0  }
0x12: {  	s1 =	sld [smem:$0x3F9B];
	s0 =	simm.s32 @p0 $0x1  }
0x13: {  	[smem:$0x3FB6] =	sst s0;
	s0 =	simm.s32 @!p1 $0x0  }
0x14: {  	s2 =	sld [smem:$0x3F9A];
	s0 =	simm.s32 @p1 $0x1  }
0x15: {  	[smem:$0x3FB7] =	sst s0;
	s0 =	simm.s32 @!p2 $0x0  }
0x16: {  	s3 =	sld [smem:$0x3FDB];
	s0 =	simm.s32 @p2 $0x1  }
0x17: {  	s4 =	simm.s32 $0x1BF5;
	[smem:$0x3FB9] =	sst s0  }
0x18: {  	s0 =	sld [smem:$0x3F9C];
	_ =	swait.ge [sflag:s4], $0x0  }
0x19: {  	s7 =	sld [smem:$0x3F9D]  }
0x1a: {  	s8 =	sadd.s32 $0xFFFFE003, lr  }
0x1b: {  	s9 =	sadd.s32 $0xFFFFFEF7, lr;
	s5 =	simm.s32 $0xFFFFFFFF;
	p2 =	slt.u32 s8, $0xFFFFF086  }
0x1c: {  	p1 =	slt.u32 s9, $0xF7A;
	s5 =	simm.s32 @!p2 $0x0  }
0x1d: {  	s5 =	simm.s32 @p1 $0x1;
	p0 =	seq.s32 s7, s2  }
0x1e: {  	s7 =	smul.u32 @!p0 $0xF7A, s2;
	p2 =	seq.s32 @!p0 s5, $0x0  }
0x1f: {  	s9 =	smul.u32 $0xF7A, s1;
	s8 =	simm.s32 @!p0 $0x1BF5;
	p2 =	por !p2, p0  }
0x20: {  	[sflag:s8] =	ssyncset.s32 @!p0 $0xFFFFF086;
	s6 =	sadd.s32 @!p0 s3, s7;
	s7 =	simm.s32 @!p0 $0x108  }
0x21: {  	s3 =	sadd.s32 s3, s9;
	s6 =	sadd.s32 @!p0 $0x88, s6;
	s7 =	simm.s32 @p2 $0x1082  }
0x22: {  	[simem:s7], [sflag:s8] =	dma.local @!p0 [hbm:s6], $0xF7A  }
0x23: {  	s9 =	sor.u32 $0xD0000000, s2;
	s6 =	simm.s32 $0x108;
	_ =	swait.ge @!p0 [sflag:s8], $0x0  }
0x24: {  	s3 =	sadd.s32 $0x88, s3;
	s6 =	simm.s32 @!p1 $0x1082;
	[sflag:s4] =	ssyncset.s32 $0xFFFFF086  }
0x25: {  	[simem:s6], [sflag:s4] =	dma.local [hbm:s3], $0xF7A  }
0x26: {  	[smem:$0x3F9D] =	sst s1;
	(tag) =	ssettag s2;
	_ =	strace s9  }
0x27: {  	s1 =	sld [smem:$0x3FAD]  }
0x28: {  	s2 =	sld [smem:$0x3FAE]  }
0x29: {  	s4 =	sld [smem:$0x3FB0]  }
0x2a: {  	p0 =	seq.s32 s5, $0x0;
	s5 =	sld [smem:$0x3FB1]  }
0x2b: {  	s6 =	sld [smem:$0x3FB2]  }
0x2c: {  	s7 =	sld [smem:$0x3FB3]  }
0x2d: {  	s3 =	simm.s32 $0x108;
	s8 =	sld [smem:$0x3FB4]  }
0x2e: {  	s3 =	simm.s32 @!p0 $0x1082;
	s9 =	sld [smem:$0x3FB5]  }
0x2f: {  	lr =	sadd.s32 s0, s3;
	s0 =	sld [smem:$0x3FAC]  }
0x30: {  	s3 =	sld [smem:$0x3FAF]  }
0x31: {  	[smem:$0x3FB8] =	sst s10  }
0x32: {  	s10 =	sld [smem:$0x3FB6];
	_ =	sdelay $0x3  }
0x33: {  	p0 =	seq.s32 s10, $0x1;
	s10 =	sld [smem:$0x3FB8];
	_ =	sdelay $0x3  }
0x34: {  	[smem:$0x3FB8] =	sst s10  }
0x35: {  	s10 =	sld [smem:$0x3FB7];
	_ =	sdelay $0x3  }
0x36: {  	p1 =	seq.s32 s10, $0x1;
	s10 =	sld [smem:$0x3FB8];
	_ =	sdelay $0x3  }
0x37: {  	[smem:$0x3FB8] =	sst s10  }
0x38: {  	s10 =	sld [smem:$0x3FB9]  }
0x39: {  	_ = 	snop;
	(pc) =	sbr.ind lr, $3  }
0x3a: {  	_ = 	snop  }
0x3b: {  	_ = 	snop  }
0x3c: {  	p2 =	seq.s32 s10, $0x1;
	s10 =	sld [smem:$0x3FB8]  }
0x3d: {  	_ =	shalt  }
0x3e: {  	_ =	shalt  }
0x3f: {  	_ =	shalt  }
0x40: {  	_ =	shalt  }
0x41: {  	_ =	shalt  }
0x42: {  	_ =	shalt  }
0x43: {  	_ =	shalt  }
0x44: {  	_ =	shalt  }
0x45: {  	_ =	shalt  }
0x46: {  	_ =	shalt  }
0x47: {  	_ =	shalt  }
0x48: {  	_ =	shalt  }
0x49: {  	_ =	shalt  }
0x4a: {  	_ =	shalt  }
0x4b: {  	_ =	shalt  }
0x4c: {  	_ =	shalt  }
0x4d: {  	_ =	shalt  }
0x4e: {  	_ =	shalt  }
0x4f: {  	_ =	shalt  }
0x50: {  	_ =	shalt  }
0x51: {  	_ =	shalt  }
0x52: {  	_ =	shalt  }
0x53: {  	_ =	shalt  }
0x54: {  	_ =	shalt  }
0x55: {  	_ =	shalt  }
0x56: {  	_ =	shalt  }
0x57: {  	_ =	shalt  }
0x58: {  	_ =	shalt  }
0x59: {  	_ =	shalt  }
0x5a: {  	_ =	shalt  }
0x5b: {  	_ =	shalt  }
0x5c: {  	_ =	shalt  }
0x5d: {  	_ =	shalt  }
0x5e: {  	_ =	shalt  }
0x5f: {  	_ =	shalt  }
0x60: {  	_ =	shalt  }
0x61: {  	_ =	shalt  }
0x62: {  	_ =	shalt  }
0x63: {  	_ =	shalt  }
0x64: {  	_ =	shalt  }
0x65: {  	_ =	shalt  }
0x66: {  	_ =	shalt  }
0x67: {  	_ =	shalt  }
0x68: {  	_ =	shalt  }
0x69: {  	_ =	shalt  }
0x6a: {  	_ =	shalt  }
0x6b: {  	_ =	shalt  }
0x6c: {  	_ =	shalt  }
0x6d: {  	_ =	shalt  }
0x6e: {  	_ =	shalt  }
0x6f: {  	_ =	shalt  }
0x70: {  	_ =	shalt  }
0x71: {  	_ =	shalt  }
0x72: {  	_ =	shalt  }
0x73: {  	_ =	shalt  }
0x74: {  	_ =	shalt  }
0x75: {  	_ =	shalt  }
0x76: {  	_ =	shalt  }
0x77: {  	_ =	shalt  }
0x78: {  	_ =	shalt  }
0x79: {  	_ =	shalt  }
0x7a: {  	_ =	shalt  }
0x7b: {  	_ =	shalt  }
0x7c: {  	_ =	shalt  }
0x7d: {  	_ =	shalt  }
0x7e: {  	_ =	shalt  }
0x7f: {  	_ =	shalt  }
0x80: {  	_ =	shalt  }
0x81: {  	_ =	shalt  }
0x82: {  	_ =	shalt  }
0x83: {  	_ =	shalt  }
0x84: {  	_ =	shalt  }
0x85: {  	_ =	shalt  }
0x86: {  	_ =	shalt  }
0x87: {  	_ =	shalt  }
.Lfunc_end0:
.L_simem_size_0:
called_computation_lowered:
.L_overlay_start_0:
0x88: {  	s2 =	sld [smem:$0x3FD9]  }
0x89: {  	s3 =	sld [smem:$0x3FFE];
	_ =	sdelay $0x1  }
0x8a: {  	s1 =	srdreg.scid  }
0x8b: {  	s0 =	sand.u32 $0x1, s1  }
0x8c: {  	s17 =	sshll.u32 s0, $0xA;
	s2 =	sadd.s32 s3, s2  }
0x8d: {  	s2 =	sadd.s32 s2, s17  }
0x8e: {  	[smem:$0x3FC4] =	sst s2  }
0x8f: {  	_ = 	snop  }
0x90: {  	s2 =	sld [smem:$0x3FD0];
	(tm) =	ssettm $0x1  }
0x91: {  	s18 =	sld [smem:$0x3FFB];
	_ =	sdelay $0x3  }
0x92: {  	_ =	strace s18  }
0x93: {  	s3 =	sld [smem:$0x3FFC];
	_ =	sdelay $0x3  }
0x94: {  	_ =	strace s3  }
0x95: {  	s3 =	sld [smem:$0x3FFD];
	_ =	sdelay $0x3  }
0x96: {  	_ =	strace s3  }
0x97: {  	_ =	strace $0x8FFFFFFF  }
0x98: {  	s19 =	sld [smem:$0x3FDB];
	_ =	sdelay $0x1  }
0x99: {  	s4 =	simm.s32 $_scs_section_size  }
0x9a: {  	s5 =	simm.s32 $_size__tile_overlayer_lowered;
	s6 =	simm.s32 $_tile_overlayer_lowered  }
0x9b: {  	s22 =	simm.s32 $0x1BFF;
	s21 =	sshll.u32 s6, $0x1;
	s3 =	sadd.s32 s4, s19  }
0x9c: {  	s7 =	simm.s32 $0x0;
	s20 =	sshll.u32 s5, $0x1;
	s5 =	sadd.s32 s21, s3  }
0x9d: {  	[timem:s7], [sflag:s22] =	dma.local [hbm:s5], s20  }
0x9e: {  	_ =	swait.ge [sflag:s22], s20  }
0x9f: {  	s4 =	ssub.s32 $0x0, s20;
	[sflag:s22] =	ssyncset.done $0x0  }
0xa0: {  	[sflag:s22] =	ssyncadd.s32 s4;
	_ =	sdelay $0x1  }
0xa1: {  	s23 =	simm.s32 $0x1B8B  }
0xa2: {  	_ =	swait.ge [sflag:s23], $0x1  }
0xa3: {  	[sflag:s23] =	ssyncset.done $0x0  }
0xa4: {  	s25 =	simm.s32 $0x1B8E;
	s24 =	sld [smem:$0x3FFE];
	[sflag:s23] =	ssyncadd.s32 $0xFFFFFFFF  }
0xa5: {  	s26 =	simm.s32 $execute0_lowered;
	[smem:$0x3FD2] =	sst s25  }
0xa6: {  	s5 =	sshll.u32 s26, $0x1;
	_ =	strace $0x80000046;
	[dreg:$0x1] =	wrdreg $0xFFFFFFFF  }
0xa7: {  	s28 =	simm.s32 $_size_execute0_lowered;
	s3 =	sadd.s32 s3, s5;
	[dreg:$0x0] =	wrdreg $0x0  }
0xa8: {  	s5 =	sshll.u32 s28, $0x1;
	[dreg:$0x2] =	wrdreg s3  }
0xa9: {  	[dreg:$0x3] =	wrdreg s5  }
0xaa: {  	[dreg:$0x4] =	wrdreg $0xC0  }
0xab: {  	_ =	task [dreg:s7], $0x5FFFF  }
0xac: {  	[dreg:$0x1] =	wrdreg $0xFFFFFFFF  }
0xad: {  	[dreg:$0x0] =	wrdreg $0x60  }
0xae: {  	[dreg:$0x2] =	wrdreg s24  }
0xaf: {  	[dreg:$0x3] =	wrdreg s2  }
0xb0: {  	[dreg:$0x4] =	wrdreg $0x0  }
0xb1: {  	[dreg:$0x5] =	wrdreg $0x2780  }
0xb2: {  	[dreg:$0x6] =	wrdreg $0x9  }
0xb3: {  	_ =	task.clear_ibuf [dreg:s7], $0x7FFFF;
	_ =	strace $0x90000046  }
0xb4: {  	s29 =	simm.s32 $0x9;
	_ =	strace $0x80000048  }
0xb5: {  	_ =	swait.ge [sflag:s29], $0x1  }
0xb6: {  	[sflag:s29] =	ssyncadd.s32 $0xFFFFFFFF  }
0xb7: {  	_ =	strace $0x90000048  }
0xb8: {  	_ =	sfence  }
0xb9: {  	s30 =	sld [smem:$0x0];
	_ =	sdelay $0x2  }
0xba: {  	s31 =	sshll.u32 s1, $0xD;
	s1 =	sshrl.u32 s1, $0x2  }
0xbb: {  	s3 =	sand.u32 $0x4000, s31;
	s1 =	sadd.s32 s1, s30  }
0xbc: {  	s0 =	sor.u32 s3, s0;
	s1 =	sshll.u32 s1, $0x11  }
0xbd: {  	s0 =	sor.u32 s1, s0  }
0xbe: {  	s0 =	sadd.s32 $0x8F2B, s0  }
0xbf: {  	[sflag:s0] =	ssyncadd.remote.s32 $0x1  }
0xc0: {  	_ =	sfence.sel $0xFFFF  }
0xc1: {  	[dreg:$0x0] =	wrdreg $0xFFFFFFFF;
	(pc) =	sbr.abs _section_cstart, $3  }
0xc2: {  	[dreg:$0x1] =	wrdreg $0xFFFFFFFF  }
0xc3: {  	_ =	task.clear_ibuf [dreg:s7], $0x2FFFF;
	_ =	strace $0x9FFFFFFF  }
0xc4: {  	(tm) =	ssettm $0x7FFFFFFF  }
0xc5: {  	_ =	shalt  }
tec
execute0_lowered:
.L_overlay_start_1:
0x0: {  	(tag) =	ssettag $0x1  }
0x1: {  	s0 =	srdreg.scid;
	s2 =	stileid.u32  }
0x2: {  	s1 =	rddreg [dreg:$0x0];
	s0 =	sand.u32 $0x1, s0;
	s3 =	sshll.u32 s2, $0x1  }
0x3: {  	s5 =	rddreg [dreg:$0x2];
	s4 =	simm.s32 $0x0;
	s3 =	sor.u32 s0, s3  }
0x4: {  	v0 =	vimm.s32 $0xECA86420;
	[smem:$0x7FF] =	sst s4;
	s0 =	ssub.s32 $0x2, s0;
	s3 =	smul.u32 $0x280, s3  }
0x5: {  	s6 =	rddreg [dreg:$0x3];
	vm0 =	vcmask $0xB08;
	vm1 =	vcmask $0x1310;
	vm2 =	vcmask $0x1B18;
	_ =	strace $0x80000047;
	s30 =	sshrl.u32 s0, $0x1  }
0x6: {  	vm3 =	vcmask $0x300;
	vm4 =	vcmask $0x2320;
	vm5 =	vcmask $0x2B28;
	s0 =	ssub.s32 s0, s30;
	s3 =	sadd.s32 s3, s1;
	s1 =	sadd.s32 $0x600, s1  }
.Ltmp0:
0x7: {  	vm6 =	vcmask $0x3330;
	v1 =	vlaneseq.u32;
	vm7 =	vcmask $0x3B38;
	s0 =	smax.u32 s0, $0x1;
	[dreg:$0x5] =	wrdreg s1;
	(pc) =	sbr.rel .LBB2_1-.Ltmp0, $4  }
0x8: {  	vm8 =	vmmov $0xff;
	vm12 =	vcmask $0xF0C;
	vm13 =	vcmask $0x1714;
	p0 =	sne.s32 s2, $0x0;
	s31 =	sadd.s32 $0xC00, s3;
	[dreg:$0x7] =	wrdreg s0  }
0x9: {  	vm14 =	vcmask $0x1F1C;
	vm15 =	vcmask $0x2724;
	v0 =	vunpack.c.l.s4.s8 v0;
	s0 =	sshrl.u32 @!p0 s5, $0x3;
	[dreg:$0x6] =	wrdreg s31  }
0xa: {  	s13 =	simm.s32 $0x4F0;
	vm9 =	vcmask $0x2F2C;
	vm10 =	vcmask $0x3734;
	v3 =	vimm.s32 $0x0;
	[dreg:$0x8] =	wrdreg s0;
	s0 =	sshrl.u32 @!p0 s6, $0x3  }
0xb: {  	v4 =	vimm.s32 $0x3037C00;
	v2 =	vmul.u32 $0x2, v1;
	v0 =	vunpack.c.0.s8.s32 v0;
	s5 =	simm.s32 $0x2C70;
	s1 =	simm.s32 $0x0;
	[dreg:$0x9] =	wrdreg s0  }
.LBB2_13:
0xc: {  	[sflag:s1] =	ssyncadd.s32 $0xFFFFFF80;
	s1 =	rddreg [dreg:$0xa]  }
.LBB2_14:
0xd: {  	s1 =	sadd.s32 $0x1, s1;
	s0 =	rddreg [dreg:$0x7]  }
0xe: {  	p1 =	sne.s32 s1, s0  }
.Ltmp1:
0xf: {  	_ = 	snop;
	(pc) =	sbr.rel @!p1 .LBB2_15-.Ltmp1, $1  }
0x10: {  	_ =	sdelay $0x3  }
.LBB2_1:
0x11: {  	[dreg:$0xa] =	wrdreg s1  }
0x12: {  	s1 =	rddreg [dreg:$0x0]  }
0x13: {  	s0 =	simm.s32 @!p0 $0x1C02;
	s2 =	rddreg [dreg:$0x8]  }
0x14: {  	[spmem:s2], [sflag:s0] =	dma.local @!p0 [hbm:s1], $0x4F0  }
0x15: {  	s2 =	simm.s32 @!p0 $0x2  }
0x16: {  	_ =	swait.ge @!p0 [sflag:s2], $0x4F0  }
0x17: {  	[sflag:s2] =	ssyncset.done @!p0 $0x0;
	s1 =	rddreg [dreg:$0x5]  }
0x18: {  	s3 =	rddreg [dreg:$0x9];
	[sflag:s2] =	ssyncadd.s32 @!p0 $0xFFFFFB10  }
0x19: {  	[spmem:s3], [sflag:s0] =	dma.local @!p0 [hbm:s1], $0x4F0  }
0x1a: {  	_ =	swait.ge @!p0 [sflag:s2], $0x4F0  }
0x1b: {  	[sflag:s2] =	ssyncset.done @!p0 $0x0  }
0x1c: {  	[sflag:s2] =	ssyncadd.s32 @!p0 $0xFFFFFB10  }
0x1d: {  	[bflag:$0x0] =	sbarrier.arrive $0xFFFF  }
0x1e: {  	s26 =	simm.s32 $0x2;
	s25 =	rddreg [dreg:$0x2]  }
0x1f: {  	[tilespmem:s13], [sflag:$0x2] =	stream.linear.gather [spmem:s25], $0x2780, $0x38;
	[tilespmem:$0xAC70] =	vst v63  }
0x20: {  	_ =	swait.ge [sflag:s26], $0x2780  }
0x21: {  	[sflag:s26] =	ssyncset.done $0x0  }
0x22: {  	[sflag:s26] =	ssyncadd.s32 $0xFFFFD880  }
0x23: {  	s28 =	rddreg [dreg:$0x3]  }
0x24: {  	[tilespmem:s5], [sflag:$0x2] =	stream.linear.gather [spmem:s28], $0x2780, $0x38;
	[tilespmem:$0xAC70] =	vst v63  }
0x25: {  	_ =	swait.ge [sflag:s26], $0x2780  }
0x26: {  	s29 =	simm.s32 $0x0;
	[sflag:s26] =	ssyncset.done $0x0  }
0x27: {  	s31 =	simm.s32 $0x53F0;
	s30 =	rddreg [dreg:$0x6];
	[sflag:s26] =	ssyncadd.s32 $0xFFFFD880  }
0x28: {  	[tilespmem:s31], [sflag:$0x2] =	stream.linear.gather [hbm4b:s30+s29], $0x1400, $0x38;
	[tilespmem:$0xAC70] =	vst v63  }
0x29: {  	_ =	swait.ge [sflag:s26], $0x1400  }
0x2a: {  	[sflag:s26] =	ssyncset.done $0x0  }
0x2b: {  	s15 =	simm.s32 $0x0;
	s16 =	simm.s32 $0x0;
	[sflag:s26] =	ssyncadd.s32 $0xFFFFEC00  }
.LBB2_2:
0x2c: {  	s21 =	sshra.s32 s15, $0x2  }
0x2d: {  	v5 =	vld [tilespmem:s21+$0x53F0];
	_ =	sdelay $0x4  }
0x2e: {  	(v2sf) =	vpush v5, $0xD;
	_ =	sdelay $0x1  }
0x2f: {  	(v2sf) =	vpush v5, $0xC;
	_ =	sdelay $0x1  }
0x30: {  	(v2sf) =	vpush v5, $0xE;
	_ =	sdelay $0x1  }
0x31: {  	(v2sf) =	vpush v5, $0xF;
	_ =	sdelay $0x1  }
0x32: {  	(v2sf) =	vpush v5, $0x9;
	_ =	sdelay $0x1  }
0x33: {  	(v2sf) =	vpush v5, $0x8;
	_ =	sdelay $0x1  }
0x34: {  	(v2sf) =	vpush v5, $0xA;
	_ =	sdelay $0x1  }
0x35: {  	(v2sf) =	vpush v5, $0xB  }
0x36: {  	s0 =	spop (v2sf)  }
0x37: {  	(v2sf) =	vpush v5, $0x0;
	s2 =	smulhi.u32 $0x68DB8BAD, s0;
	s0 =	sshra.s32 s0, $0x1F  }
0x38: {  	s3 =	spop (v2sf);
	s0 =	smul.u32 $0x68DB8BAD, s0  }
0x39: {  	(v2sf) =	vpush v5, $0x1;
	s4 =	smulhi.u32 $0x68DB8BAD, s3;
	s3 =	sshra.s32 s3, $0x1F  }
0x3a: {  	s5 =	spop (v2sf);
	(v2sf) =	vpush v5, $0x2;
	s3 =	smul.u32 $0x68DB8BAD, s3  }
0x3b: {  	s6 =	smulhi.u32 $0x68DB8BAD, s5;
	s5 =	sshra.s32 s5, $0x1F;
	(v2sf) =	vpush v5, $0x3  }
0x3c: {  	s14 =	spop (v2sf);
	s5 =	smul.u32 $0x68DB8BAD, s5;
	(v2sf) =	vpush v5, $0x4  }
0x3d: {  	s22 =	smulhi.u32 $0x68DB8BAD, s14;
	s14 =	sshra.s32 s14, $0x1F;
	(v2sf) =	vpush v5, $0x5  }
0x3e: {  	s19 =	spop (v2sf);
	s14 =	smul.u32 $0x68DB8BAD, s14;
	(v2sf) =	vpush v5, $0x6  }
0x3f: {  	s24 =	smulhi.u32 $0x68DB8BAD, s19;
	s20 =	sshra.s32 s19, $0x1F;
	(v2sf) =	vpush v5, $0x7  }
0x40: {  	s23 =	spop (v2sf);
	s17 =	smul.u32 $0x68DB8BAD, s20  }
0x41: {  	s19 =	sadd.s32 s0, s2;
	s25 =	smulhi.u32 $0x68DB8BAD, s23;
	s18 =	sshra.s32 s23, $0x1F  }
0x42: {  	s0 =	sshrl.u32 s19, $0x1F;
	s31 =	spop (v2sf);
	s26 =	smul.u32 $0x68DB8BAD, s18  }
0x43: {  	s23 =	sadd.s32 s3, s4;
	s29 =	smulhi.u32 $0x68DB8BAD, s31;
	s3 =	sshra.s32 s31, $0x1F  }
0x44: {  	s20 =	sadd.s32 s5, s6;
	s9 =	spop (v2sf);
	s1 =	smul.u32 $0x68DB8BAD, s3  }
0x45: {  	s28 =	sshrl.u32 s23, $0x1F;
	s30 =	smulhi.u32 $0x68DB8BAD, s9;
	s3 =	sshra.s32 s9, $0x1F  }
0x46: {  	s6 =	sshrl.u32 s20, $0x1F;
	s31 =	smul.u32 $0x68DB8BAD, s3;
	s10 =	spop (v2sf)  }
0x47: {  	s22 =	sadd.s32 s14, s22;
	s8 =	smulhi.u32 $0x68DB8BAD, s10;
	s11 =	sshra.s32 s10, $0x1F  }
0x48: {  	s3 =	sadd.s32 s17, s24;
	s12 =	spop (v2sf);
	s9 =	smul.u32 $0x68DB8BAD, s11  }
0x49: {  	s10 =	smulhi.u32 $0x68DB8BAD, s12;
	s13 =	sshra.s32 s12, $0x1F;
	s17 =	spop (v2sf)  }
0x4a: {  	s2 =	sadd.s32 s26, s25;
	s4 =	smul.u32 $0x68DB8BAD, s13;
	s18 =	spop (v2sf)  }
0x4b: {  	s12 =	smulhi.u32 $0x68DB8BAD, s17;
	s24 =	sshra.s32 s17, $0x1F;
	s17 =	spop (v2sf)  }
0x4c: {  	s14 =	sadd.s32 s1, s29;
	s26 =	smul.u32 $0x68DB8BAD, s24;
	s29 =	spop (v2sf)  }
0x4d: {  	s11 =	smulhi.u32 $0x68DB8BAD, s18;
	s25 =	sshra.s32 s18, $0x1F;
	s13 =	spop (v2sf)  }
0x4e: {  	s7 =	sshrl.u32 s22, $0x1F;
	s25 =	smul.u32 $0x68DB8BAD, s25;
	s1 =	spop (v2sf)  }
0x4f: {  	s24 =	sadd.s32 s31, s30;
	s18 =	smulhi.u32 $0x68DB8BAD, s1;
	s30 =	sshra.s32 s1, $0x1F  }
0x50: {  	s8 =	sadd.s32 s9, s8;
	s4 =	sadd.s32 s4, s10;
	s30 =	smul.u32 $0x68DB8BAD, s30  }
0x51: {  	s10 =	sshrl.u32 s3, $0x1F;
	s31 =	smulhi.u32 $0x68DB8BAD, s17;
	s17 =	sshra.s32 s17, $0x1F  }
0x52: {  	v7 =	vmov s28;
	s5 =	sadd.s32 s26, s12;
	s11 =	sadd.s32 s25, s11;
	s25 =	sadd.s32 s30, s18  }
0x53: {  	v7 =	vsel vm0, s0, v7;
	s26 =	sshrl.u32 s8, $0x1F;
	s9 =	smul.u32 $0x68DB8BAD, s17;
	s30 =	sshra.s32 s25, $0x1F  }
0x54: {  	vm11 =	vcmask $0x704;
	v7 =	vsel vm1, s6, v7;
	s17 =	sshrl.u32 s24, $0x1F;
	s28 =	sshrl.u32 s4, $0x1F;
	s18 =	sshra.s32 s8, $0xC;
	v6 =	vmov s30  }
0x55: {  	v7 =	vsel vm2, s7, v7;
	v8 =	vmov s26;
	s26 =	sshra.s32 s29, $0x1F;
	s7 =	smulhi.u32 $0x68DB8BAD, s13;
	s8 =	sshra.s32 s8, $0x1F;
	v6 =	vsel vm3, s18, v6  }
0x56: {  	s1 =	sshrl.u32 s14, $0x1F;
	s18 =	smulhi.u32 $0x68DB8BAD, s29;
	s29 =	sshra.s32 s4, $0xC;
	v6 =	vsel vm11, s8, v6  }
0x57: {  	v8 =	vnsel vm3, $0x0, v8;
	s0 =	smul.u32 $0x68DB8BAD, s26;
	s26 =	sshra.s32 s13, $0x1F;
	s4 =	sshra.s32 s4, $0x1F;
	v6 =	vsel vm0, s29, v6  }
0x58: {  	v8 =	vsel vm0, s28, v8;
	s30 =	sshrl.u32 s2, $0x1F;
	s2 =	sshra.s32 s2, $0xC;
	s29 =	sshra.s32 s5, $0xC;
	v6 =	vsel vm12, s4, v6  }
0x59: {  	s13 =	sshra.s32 s5, $0x1F;
	s12 =	smul.u32 $0x68DB8BAD, s26;
	v9 =	vmov s30;
	v10 =	vmov s2;
	s8 =	sshrl.u32 s5, $0x1F;
	v6 =	vsel vm1, s29, v6  }
0x5a: {  	s6 =	sshrl.u32 s11, $0x1F;
	v9 =	vsel vm0, s10, v9;
	v8 =	vsel vm1, s8, v8;
	s8 =	sadd.s32 s9, s31;
	s29 =	sshra.s32 s11, $0xC;
	v6 =	vsel vm13, s13, v6  }
0x5b: {  	v9 =	vsel vm1, s1, v9;
	s31 =	sadd.s32 s12, s7;
	s7 =	sshra.s32 s11, $0x1F;
	v8 =	vsel vm2, s6, v8;
	s26 =	sshrl.u32 s8, $0x1F;
	v6 =	vsel vm2, s29, v6  }
0x5c: {  	s0 =	sadd.s32 s0, s18;
	v9 =	vsel vm2, s17, v9;
	s10 =	sshra.s32 s8, $0xC;
	s17 =	sshra.s32 s3, $0xC;
	v8 =	vsel vm4, s26, v8;
	v6 =	vsel vm14, s7, v6  }
0x5d: {  	s30 =	sshrl.u32 s0, $0x1F;
	s12 =	sshra.s32 s8, $0x1F;
	v7 =	vcombine.low v9, v7;
	s11 =	sshra.s32 s23, $0xC;
	v10 =	vsel vm0, s17, v10;
	v6 =	vsel vm4, s10, v6  }
0x5e: {  	s9 =	sshrl.u32 s31, $0x1F;
	s18 =	sshra.s32 s0, $0xC;
	v8 =	vsel vm5, s30, v8;
	s13 =	sshra.s32 s19, $0xC;
	v27 =	vmov s11;
	v6 =	vsel vm15, s12, v6  }
0x5f: {  	s0 =	sshra.s32 s0, $0x1F;
	s19 =	sshra.s32 s20, $0xC;
	s20 =	sshra.s32 s14, $0xC;
	v8 =	vsel vm6, s9, v8;
	v9 =	vsel vm0, s13, v27;
	v6 =	vsel vm5, s18, v6  }
0x60: {  	s23 =	sshra.s32 s22, $0xC;
	s26 =	sshra.s32 s24, $0xC;
	v10 =	vsel vm1, s20, v10;
	s29 =	sshra.s32 s31, $0xC;
	v9 =	vsel vm1, s19, v9;
	v6 =	vsel vm9, s0, v6  }
0x61: {  	s30 =	sshrl.u32 s25, $0x1F;
	s31 =	sshra.s32 s31, $0x1F;
	v10 =	vsel vm2, s26, v10;
	v9 =	vsel vm2, s23, v9;
	v6 =	vsel vm6, s29, v6  }
0x62: {  	s1 =	sshra.s32 s25, $0xC;
	v8 =	vsel vm7, s30, v8;
	v9 =	vcombine.low v10, v9;
	v6 =	vsel vm10, s31, v6  }
0x63: {  	v7 =	vperm.xlane v7, v0;
	v8 =	vperm.xlane v8, v2;
	v6 =	vsel vm7, s1, v6  }
0x64: {  	v9 =	vperm.xlane v9, v0;
	v6 =	vperm.xlane v6, v2;
	_ =	sdelay $0x1  }
0x65: {  	v7 =	vsel vm8, v8, v7;
	v6 =	vsel vm8, v6, v9  }
0x66: {  	v6 =	vadd.s32 v7, v6  }
0x67: {  	v7 =	vmul.u32 $0xFFFFD8F0, v6  }
0x68: {  	v28 =	vsub.s32 $0x0, v5  }
0x69: {  	vm9 =	vlt.s32 v5, $0x1;
	vm10 =	vne.s32 v7, v28  }
0x6a: {  	vm9 =	vmand vm9, vm10  }
0x6b: {  	v7 =	vsel vm9, $0xFFFFFFFF, v3  }
0x6c: {  	v6 =	vadd.s32 v7, v6  }
0x6d: {  	vm9 =	vlt.u32 v6, $0x1388  }
0x6e: {  	v6 =	vmpcnt.ones.xlane vm9;
	_ =	sdelay $0x1  }
0x6f: {  	v6 =	vxor.u32 $0x80000000, v6  }
0x70: {  	(xrf0) =	vmax.scan.msk.u32 $0xffff, v6;
	_ =	sdelay $0x1  }
0x71: {  	[tilespmem:s16+$0x67F0] =	vst.msk vm9, v5  }
0x72: {  	v5 =	vld [tilespmem:s21+$0x5400];
	_ =	sdelay $0x2  }
0x73: {  	v6, _, _ =	vpop (xrf0)  }
0x74: {  	(v2sf) =	vpush v6, $0xF  }
0x75: {  	(v2sf) =	vpush v5, $0xD;
	_ =	sdelay $0x1  }
0x76: {  	(v2sf) =	vpush v5, $0xC;
	_ =	sdelay $0x1  }
0x77: {  	(v2sf) =	vpush v5, $0xE;
	_ =	sdelay $0x1  }
0x78: {  	(v2sf) =	vpush v5, $0xF;
	_ =	sdelay $0x1  }
0x79: {  	(v2sf) =	vpush v5, $0x9;
	_ =	sdelay $0x1  }
0x7a: {  	(v2sf) =	vpush v5, $0x8;
	_ =	sdelay $0x1  }
0x7b: {  	(v2sf) =	vpush v5, $0xA;
	_ =	sdelay $0x1  }
0x7c: {  	(v2sf) =	vpush v5, $0xB;
	s19 =	spop (v2sf)  }
0x7d: {  	s2 =	spop (v2sf)  }
0x7e: {  	(v2sf) =	vpush v5, $0x0;
	s3 =	smulhi.u32 $0x68DB8BAD, s2;
	s0 =	sshra.s32 s2, $0x1F  }
0x7f: {  	s4 =	spop (v2sf);
	s0 =	smul.u32 $0x68DB8BAD, s0  }
0x80: {  	(v2sf) =	vpush v5, $0x1;
	s5 =	smulhi.u32 $0x68DB8BAD, s4;
	s2 =	sshra.s32 s4, $0x1F  }
0x81: {  	s6 =	spop (v2sf);
	s2 =	smul.u32 $0x68DB8BAD, s2  }
0x82: {  	(v2sf) =	vpush v5, $0x2;
	s7 =	smulhi.u32 $0x68DB8BAD, s6;
	s4 =	sshra.s32 s6, $0x1F  }
0x83: {  	(v2sf) =	vpush v5, $0x3;
	s8 =	spop (v2sf);
	s4 =	smul.u32 $0x68DB8BAD, s4  }
0x84: {  	(v2sf) =	vpush v5, $0x4;
	s9 =	smulhi.u32 $0x68DB8BAD, s8;
	s6 =	sshra.s32 s8, $0x1F  }
0x85: {  	s10 =	spop (v2sf);
	(v2sf) =	vpush v5, $0x5;
	s6 =	smul.u32 $0x68DB8BAD, s6  }
0x86: {  	s11 =	smulhi.u32 $0x68DB8BAD, s10;
	s8 =	sshra.s32 s10, $0x1F;
	(v2sf) =	vpush v5, $0x6  }
0x87: {  	s29 =	spop (v2sf);
	s8 =	smul.u32 $0x68DB8BAD, s8;
	(v2sf) =	vpush v5, $0x7  }
0x88: {  	s30 =	smulhi.u32 $0x68DB8BAD, s29;
	s10 =	sshra.s32 s29, $0x1F  }
0x89: {  	s18 =	spop (v2sf);
	s10 =	smul.u32 $0x68DB8BAD, s10  }
0x8a: {  	s22 =	sadd.s32 s0, s3;
	s20 =	smulhi.u32 $0x68DB8BAD, s18;
	s13 =	sshra.s32 s18, $0x1F  }
0x8b: {  	s12 =	sshrl.u32 s22, $0x1F;
	s14 =	spop (v2sf);
	s1 =	smul.u32 $0x68DB8BAD, s13  }
0x8c: {  	s25 =	sadd.s32 s2, s5;
	s17 =	smulhi.u32 $0x68DB8BAD, s14;
	s26 =	sshra.s32 s14, $0x1F  }
0x8d: {  	s24 =	sadd.s32 s4, s7;
	s31 =	spop (v2sf);
	s29 =	smul.u32 $0x68DB8BAD, s26  }
0x8e: {  	s23 =	sadd.s32 s6, s9;
	s5 =	smulhi.u32 $0x68DB8BAD, s31;
	s3 =	sshra.s32 s31, $0x1F  }
0x8f: {  	s13 =	sshrl.u32 s25, $0x1F;
	s7 =	smul.u32 $0x68DB8BAD, s3;
	s14 =	spop (v2sf)  }
0x90: {  	s28 =	sadd.s32 s10, s30;
	s18 =	smulhi.u32 $0x68DB8BAD, s14;
	s6 =	sshra.s32 s14, $0x1F  }
0x91: {  	s3 =	sadd.s32 s8, s11;
	s30 =	spop (v2sf);
	s6 =	smul.u32 $0x68DB8BAD, s6  }
0x92: {  	s9 =	smulhi.u32 $0x68DB8BAD, s30;
	s8 =	sshra.s32 s30, $0x1F;
	s31 =	spop (v2sf)  }
0x93: {  	s14 =	sadd.s32 s1, s20;
	s0 =	smul.u32 $0x68DB8BAD, s8;
	s8 =	spop (v2sf)  }
0x94: {  	s11 =	smulhi.u32 $0x68DB8BAD, s31;
	s10 =	sshra.s32 s31, $0x1F;
	s20 =	spop (v2sf)  }
0x95: {  	s26 =	sadd.s32 s29, s17;
	s29 =	smul.u32 $0x68DB8BAD, s10;
	s10 =	spop (v2sf)  }
0x96: {  	s4 =	sadd.s32 s7, s5;
	s5 =	smulhi.u32 $0x68DB8BAD, s8;
	s30 =	spop (v2sf)  }
0x97: {  	v7 =	vmov s13;
	s13 =	sshrl.u32 s14, $0x1F;
	s31 =	smulhi.u32 $0x68DB8BAD, s30;
	s17 =	sshra.s32 s30, $0x1F  }
0x98: {  	s6 =	sadd.s32 s6, s18;
	s18 =	sshrl.u32 s24, $0x1F;
	s17 =	smul.u32 $0x68DB8BAD, s17  }
0x99: {  	s1 =	sshra.s32 s8, $0x1F;
	s0 =	sadd.s32 s0, s9;
	s9 =	sshrl.u32 s4, $0x1F  }
0x9a: {  	s1 =	smul.u32 $0x68DB8BAD, s1;
	s2 =	sadd.s32 s29, s11;
	s29 =	sadd.s32 s17, s31  }
0x9b: {  	v7 =	vsel vm0, s12, v7;
	s12 =	sshra.s32 s6, $0xC;
	s8 =	smulhi.u32 $0x68DB8BAD, s20;
	s17 =	sshra.s32 s29, $0x1F  }
0x9c: {  	s20 =	sshra.s32 s20, $0x1F;
	s11 =	sshrl.u32 s28, $0x1F;
	s31 =	sshra.s32 s4, $0xC;
	v6 =	vmov s17  }
0x9d: {  	v7 =	vsel vm1, s18, v7;
	v29 =	vmov s9;
	s9 =	sshrl.u32 s0, $0x1F;
	s18 =	sshra.s32 s10, $0x1F;
	s4 =	sshra.s32 s4, $0x1F;
	v6 =	vsel vm3, s31, v6  }
0x9e: {  	v30 =	vmov s11;
	s11 =	sshra.s32 s28, $0xC;
	s30 =	sshrl.u32 s3, $0x1F;
	s17 =	sshrl.u32 s23, $0x1F;
	v6 =	vsel vm11, s4, v6  }
0x9f: {  	v8 =	vnsel vm3, $0x0, v29;
	v9 =	vsel vm0, s30, v30;
	s4 =	smul.u32 $0x68DB8BAD, s20;
	s20 =	sshrl.u32 s6, $0x1F;
	s6 =	sshra.s32 s6, $0x1F;
	v6 =	vsel vm0, s12, v6  }
0xa0: {  	s1 =	sadd.s32 s1, s5;
	v7 =	vsel vm2, s17, v7;
	s17 =	smul.u32 $0x68DB8BAD, s18;
	v8 =	vsel vm0, s20, v8;
	s20 =	sshra.s32 s0, $0xC;
	v6 =	vsel vm12, s6, v6  }
0xa1: {  	vm9 =	vcmask $0x2F2C;
	v9 =	vsel vm1, s13, v9;
	s31 =	sshrl.u32 s26, $0x1F;
	s0 =	sshra.s32 s0, $0x1F;
	s6 =	smulhi.u32 $0x68DB8BAD, s10;
	v6 =	vsel vm1, s20, v6  }
0xa2: {  	v32 =	vmov s11;
	s13 =	sshra.s32 s22, $0xC;
	v9 =	vsel vm2, s31, v9;
	s12 =	sshrl.u32 s2, $0x1F;
	s20 =	sshra.s32 s2, $0xC;
	v6 =	vsel vm13, s0, v6  }
0xa3: {  	v7 =	vcombine.low v9, v7;
	v8 =	vsel vm1, s9, v8;
	s10 =	sshra.s32 s25, $0xC;
	s5 =	sadd.s32 s17, s6;
	s6 =	sshra.s32 s2, $0x1F;
	v6 =	vsel vm2, s20, v6  }
0xa4: {  	s18 =	sshrl.u32 s1, $0x1F;
	s4 =	sadd.s32 s4, s8;
	s9 =	sshra.s32 s1, $0xC;
	v8 =	vsel vm2, s12, v8;
	v31 =	vmov s10;
	v6 =	vsel vm14, s6, v6  }
0xa5: {  	s30 =	sshrl.u32 s4, $0x1F;
	s12 =	sshra.s32 s1, $0x1F;
	v8 =	vsel vm4, s18, v8;
	s17 =	sshra.s32 s3, $0xC;
	v9 =	vsel vm0, s13, v31;
	v6 =	vsel vm4, s9, v6  }
0xa6: {  	s18 =	sshra.s32 s4, $0xC;
	v8 =	vsel vm5, s30, v8;
	s8 =	sshrl.u32 s5, $0x1F;
	s20 =	sshra.s32 s24, $0xC;
	v10 =	vsel vm0, s17, v32;
	v6 =	vsel vm15, s12, v6  }
0xa7: {  	s22 =	sshra.s32 s14, $0xC;
	s25 =	sshra.s32 s23, $0xC;
	s24 =	sshra.s32 s4, $0x1F;
	v8 =	vsel vm6, s8, v8;
	v9 =	vsel vm1, s20, v9;
	v6 =	vsel vm5, s18, v6  }
0xa8: {  	s26 =	sshra.s32 s26, $0xC;
	s30 =	sshra.s32 s5, $0xC;
	v10 =	vsel vm1, s22, v10;
	v9 =	vsel vm2, s25, v9;
	v6 =	vsel vm9, s24, v6  }
0xa9: {  	s31 =	sshrl.u32 s29, $0x1F;
	s1 =	sshra.s32 s5, $0x1F;
	v10 =	vsel vm2, s26, v10;
	vm9 =	vcmask $0x3734;
	v6 =	vsel vm6, s30, v6  }
0xaa: {  	s2 =	sshra.s32 s29, $0xC;
	v8 =	vsel vm7, s31, v8;
	v9 =	vcombine.low v10, v9;
	v6 =	vsel vm9, s1, v6  }
0xab: {  	v7 =	vperm.xlane v7, v0;
	v8 =	vperm.xlane v8, v2;
	v6 =	vsel vm7, s2, v6  }
0xac: {  	v9 =	vperm.xlane v9, v0;
	v6 =	vperm.xlane v6, v2;
	_ =	sdelay $0x1  }
0xad: {  	v7 =	vsel vm8, v8, v7;
	v6 =	vsel vm8, v6, v9  }
0xae: {  	v6 =	vadd.s32 v7, v6  }
0xaf: {  	v7 =	vmul.u32 $0xFFFFD8F0, v6  }
0xb0: {  	v33 =	vsub.s32 $0x0, v5  }
0xb1: {  	vm9 =	vlt.s32 v5, $0x1;
	vm10 =	vne.s32 v7, v33  }
0xb2: {  	vm9 =	vmand vm9, vm10  }
0xb3: {  	v7 =	vsel vm9, $0xFFFFFFFF, v3  }
0xb4: {  	v6 =	vadd.s32 v7, v6  }
0xb5: {  	vm9 =	vlt.u32 v6, $0x1388  }
0xb6: {  	v6 =	vmpcnt.ones.xlane vm9;
	_ =	sdelay $0x1  }
0xb7: {  	v6 =	vxor.u32 $0x80000000, v6  }
0xb8: {  	s3 =	sadd.s32 s19, s16;
	(xrf0) =	vmax.scan.msk.u32 $0xffff, v6  }
0xb9: {  	s23 =	sadd.s32 $0x80000000, s3  }
0xba: {  	[tilespmem:s23+$0x67F0] =	vst.msk vm9, v5  }
0xbb: {  	v5 =	vld [tilespmem:s21+$0x5410];
	_ =	sdelay $0x2  }
0xbc: {  	v6, _, _ =	vpop (xrf0)  }
0xbd: {  	(v2sf) =	vpush v6, $0xF  }
0xbe: {  	(v2sf) =	vpush v5, $0xD;
	_ =	sdelay $0x1  }
0xbf: {  	(v2sf) =	vpush v5, $0xC;
	_ =	sdelay $0x1  }
0xc0: {  	(v2sf) =	vpush v5, $0xE;
	_ =	sdelay $0x1  }
0xc1: {  	(v2sf) =	vpush v5, $0xF;
	_ =	sdelay $0x1  }
0xc2: {  	(v2sf) =	vpush v5, $0x9;
	_ =	sdelay $0x1  }
0xc3: {  	(v2sf) =	vpush v5, $0x8;
	_ =	sdelay $0x1  }
0xc4: {  	(v2sf) =	vpush v5, $0xA;
	_ =	sdelay $0x1  }
0xc5: {  	[dreg:$0xb] =	wrdreg s16;
	(v2sf) =	vpush v5, $0xB;
	s16 =	spop (v2sf)  }
0xc6: {  	s4 =	spop (v2sf)  }
0xc7: {  	(v2sf) =	vpush v5, $0x0;
	s5 =	smulhi.u32 $0x68DB8BAD, s4;
	s0 =	sshra.s32 s4, $0x1F  }
0xc8: {  	s6 =	spop (v2sf);
	s0 =	smul.u32 $0x68DB8BAD, s0  }
0xc9: {  	(v2sf) =	vpush v5, $0x1;
	s7 =	smulhi.u32 $0x68DB8BAD, s6;
	s2 =	sshra.s32 s6, $0x1F  }
0xca: {  	s8 =	spop (v2sf);
	s2 =	smul.u32 $0x68DB8BAD, s2  }
0xcb: {  	(v2sf) =	vpush v5, $0x2;
	s9 =	smulhi.u32 $0x68DB8BAD, s8;
	s4 =	sshra.s32 s8, $0x1F  }
0xcc: {  	s10 =	spop (v2sf);
	s4 =	smul.u32 $0x68DB8BAD, s4  }
0xcd: {  	(v2sf) =	vpush v5, $0x3;
	s11 =	smulhi.u32 $0x68DB8BAD, s10;
	s6 =	sshra.s32 s10, $0x1F  }
0xce: {  	(v2sf) =	vpush v5, $0x4;
	s12 =	spop (v2sf);
	s6 =	smul.u32 $0x68DB8BAD, s6  }
0xcf: {  	(v2sf) =	vpush v5, $0x5;
	s13 =	smulhi.u32 $0x68DB8BAD, s12;
	s8 =	sshra.s32 s12, $0x1F  }
0xd0: {  	s26 =	spop (v2sf);
	(v2sf) =	vpush v5, $0x6;
	s8 =	smul.u32 $0x68DB8BAD, s8  }
0xd1: {  	s29 =	smulhi.u32 $0x68DB8BAD, s26;
	s10 =	sshra.s32 s26, $0x1F;
	(v2sf) =	vpush v5, $0x7  }
0xd2: {  	s30 =	spop (v2sf);
	s10 =	smul.u32 $0x68DB8BAD, s10  }
0xd3: {  	s31 =	smulhi.u32 $0x68DB8BAD, s30;
	s12 =	sshra.s32 s30, $0x1F  }
0xd4: {  	s18 =	spop (v2sf);
	s12 =	smul.u32 $0x68DB8BAD, s12  }
0xd5: {  	[dreg:$0xc] =	wrdreg s19;
	s17 =	smulhi.u32 $0x68DB8BAD, s18;
	s14 =	sshra.s32 s18, $0x1F  }
0xd6: {  	s28 =	sadd.s32 s2, s7;
	s20 =	spop (v2sf);
	s19 =	smul.u32 $0x68DB8BAD, s14  }
0xd7: {  	s26 =	sadd.s32 s0, s5;
	s22 =	smulhi.u32 $0x68DB8BAD, s20;
	s1 =	sshra.s32 s20, $0x1F  }
0xd8: {  	s25 =	sadd.s32 s4, s9;
	s1 =	smul.u32 $0x68DB8BAD, s1;
	s5 =	spop (v2sf)  }
0xd9: {  	s24 =	sadd.s32 s6, s11;
	s4 =	smulhi.u32 $0x68DB8BAD, s5;
	s7 =	sshra.s32 s5, $0x1F  }
0xda: {  	s3 =	sadd.s32 s8, s13;
	s9 =	spop (v2sf);
	s5 =	smul.u32 $0x68DB8BAD, s7  }
0xdb: {  	s14 =	sadd.s32 s10, s29;
	s18 =	smulhi.u32 $0x68DB8BAD, s9;
	s6 =	sshra.s32 s9, $0x1F  }
0xdc: {  	s29 =	sadd.s32 s12, s31;
	s30 =	spop (v2sf);
	s6 =	smul.u32 $0x68DB8BAD, s6  }
0xdd: {  	s9 =	smulhi.u32 $0x68DB8BAD, s30;
	s8 =	sshra.s32 s30, $0x1F;
	s31 =	spop (v2sf)  }
0xde: {  	s30 =	sadd.s32 s19, s17;
	s11 =	smul.u32 $0x68DB8BAD, s8;
	s8 =	spop (v2sf)  }
0xdf: {  	s19 =	smulhi.u32 $0x68DB8BAD, s31;
	s10 =	sshra.s32 s31, $0x1F;
	s12 =	spop (v2sf)  }
0xe0: {  	s1 =	sadd.s32 s1, s22;
	s20 =	smul.u32 $0x68DB8BAD, s10;
	s22 =	spop (v2sf)  }
0xe1: {  	s13 =	sshrl.u32 s26, $0x1F;
	s31 =	smulhi.u32 $0x68DB8BAD, s22;
	s10 =	sshra.s32 s22, $0x1F  }
0xe2: {  	s7 =	sshrl.u32 s3, $0x1F;
	s4 =	sadd.s32 s5, s4;
	s17 =	smul.u32 $0x68DB8BAD, s10  }
0xe3: {  	s6 =	sadd.s32 s6, s18;
	s18 =	sshrl.u32 s28, $0x1F;
	s0 =	sadd.s32 s11, s9  }
0xe4: {  	s9 =	sshrl.u32 s1, $0x1F;
	s11 =	smulhi.u32 $0x68DB8BAD, s8;
	s31 =	sadd.s32 s17, s31  }
0xe5: {  	s5 =	sshra.s32 s8, $0x1F;
	s2 =	sadd.s32 s20, s19;
	s20 =	sshra.s32 s31, $0x1F  }
0xe6: {  	v7 =	vmov s18;
	s18 =	sshrl.u32 s29, $0x1F;
	s8 =	sshrl.u32 s30, $0x1F;
	s19 =	sshra.s32 s1, $0xC;
	v6 =	vmov s20  }
0xe7: {  	s1 =	sshra.s32 s1, $0x1F;
	v7 =	vsel vm0, s13, v7;
	v34 =	vmov s9;
	s13 =	smulhi.u32 $0x68DB8BAD, s12;
	s10 =	sshrl.u32 s14, $0x1F;
	v6 =	vsel vm3, s19, v6  }
0xe8: {  	s9 =	sshra.s32 s0, $0xC;
	s22 =	sshrl.u32 s25, $0x1F;
	v8 =	vnsel vm3, $0x0, v34;
	v35 =	vmov s10;
	s20 =	sshra.s32 s4, $0xC;
	v6 =	vsel vm11, s1, v6  }
0xe9: {  	v7 =	vsel vm1, s22, v7;
	s17 =	sshrl.u32 s24, $0x1F;
	v9 =	vsel vm0, s7, v35;
	s19 =	sshrl.u32 s4, $0x1F;
	s4 =	sshra.s32 s4, $0x1F;
	v6 =	vsel vm0, s20, v6  }
0xea: {  	s22 =	sshrl.u32 s6, $0x1F;
	v7 =	vsel vm2, s17, v7;
	s17 =	sshra.s32 s12, $0x1F;
	v8 =	vsel vm0, s19, v8;
	s19 =	sshra.s32 s6, $0xC;
	v6 =	vsel vm12, s4, v6  }
0xeb: {  	vm9 =	vcmask $0x2F2C;
	v9 =	vsel vm1, s18, v9;
	s12 =	sshra.s32 s28, $0xC;
	s1 =	smul.u32 $0x68DB8BAD, s5;
	s6 =	sshra.s32 s6, $0x1F;
	v6 =	vsel vm1, s19, v6  }
0xec: {  	v9 =	vsel vm2, s8, v9;
	v36 =	vmov s12;
	s5 =	smul.u32 $0x68DB8BAD, s17;
	s17 =	sshra.s32 s26, $0xC;
	s20 =	sshrl.u32 s0, $0x1F;
	v6 =	vsel vm13, s6, v6  }
0xed: {  	v7 =	vcombine.low v9, v7;
	v8 =	vsel vm1, s22, v8;
	s22 =	sshrl.u32 s2, $0x1F;
	s0 =	sshra.s32 s0, $0x1F;
	s1 =	sadd.s32 s1, s11;
	v6 =	vsel vm2, s9, v6  }
0xee: {  	v9 =	vsel vm0, s17, v36;
	v8 =	vsel vm2, s20, v8;
	s4 =	sadd.s32 s5, s13;
	s11 =	sshra.s32 s2, $0xC;
	s13 =	sshra.s32 s14, $0xC;
	v6 =	vsel vm14, s0, v6  }
0xef: {  	s3 =	sshra.s32 s3, $0xC;
	s14 =	sshra.s32 s2, $0x1F;
	v8 =	vsel vm4, s22, v8;
	s10 =	sshrl.u32 s1, $0x1F;
	v37 =	vmov s13;
	v6 =	vsel vm4, s11, v6  }
0xf0: {  	s5 =	sshrl.u32 s4, $0x1F;
	s18 =	sshra.s32 s1, $0xC;
	s19 =	sshra.s32 s25, $0xC;
	v8 =	vsel vm5, s10, v8;
	v10 =	vsel vm0, s3, v37;
	v6 =	vsel vm15, s14, v6  }
0xf1: {  	s20 =	sshra.s32 s29, $0xC;
	s22 =	sshra.s32 s1, $0x1F;
	s25 =	sshra.s32 s24, $0xC;
	v9 =	vsel vm1, s19, v9;
	v8 =	vsel vm6, s5, v8;
	v6 =	vsel vm5, s18, v6  }
0xf2: {  	s26 =	sshra.s32 s30, $0xC;
	s29 =	sshra.s32 s4, $0xC;
	v10 =	vsel vm1, s20, v10;
	v9 =	vsel vm2, s25, v9;
	v6 =	vsel vm9, s22, v6  }
0xf3: {  	s30 =	sshrl.u32 s31, $0x1F;
	s1 =	sshra.s32 s4, $0x1F;
	v10 =	vsel vm2, s26, v10;
	vm9 =	vcmask $0x3734;
	v6 =	vsel vm6, s29, v6  }
0xf4: {  	s2 =	sshra.s32 s31, $0xC;
	v8 =	vsel vm7, s30, v8;
	v9 =	vcombine.low v10, v9;
	v6 =	vsel vm9, s1, v6  }
0xf5: {  	v7 =	vperm.xlane v7, v0;
	v8 =	vperm.xlane v8, v2;
	v6 =	vsel vm7, s2, v6  }
0xf6: {  	v9 =	vperm.xlane v9, v0;
	v6 =	vperm.xlane v6, v2;
	_ =	sdelay $0x1  }
0xf7: {  	v7 =	vsel vm8, v8, v7;
	v6 =	vsel vm8, v6, v9  }
0xf8: {  	v6 =	vadd.s32 v7, v6  }
0xf9: {  	v7 =	vmul.u32 $0xFFFFD8F0, v6  }
0xfa: {  	v38 =	vsub.s32 $0x0, v5  }
0xfb: {  	vm9 =	vlt.s32 v5, $0x1;
	vm10 =	vne.s32 v7, v38  }
0xfc: {  	vm9 =	vmand vm9, vm10  }
0xfd: {  	v7 =	vsel vm9, $0xFFFFFFFF, v3  }
0xfe: {  	v6 =	vadd.s32 v7, v6  }
0xff: {  	vm9 =	vlt.u32 v6, $0x1388  }
0x100: {  	v6 =	vmpcnt.ones.xlane vm9;
	_ =	sdelay $0x1  }
0x101: {  	v6 =	vxor.u32 $0x80000000, v6  }
0x102: {  	s3 =	sadd.s32 s16, s23;
	(xrf0) =	vmax.scan.msk.u32 $0xffff, v6  }
0x103: {  	s24 =	sadd.s32 $0x80000000, s3  }
0x104: {  	[tilespmem:s24+$0x67F0] =	vst.msk vm9, v5  }
0x105: {  	v5 =	vld [tilespmem:s21+$0x5420];
	_ =	sdelay $0x2  }
0x106: {  	v6, _, _ =	vpop (xrf0)  }
0x107: {  	(v2sf) =	vpush v6, $0xF  }
0x108: {  	(v2sf) =	vpush v5, $0xD;
	_ =	sdelay $0x1  }
0x109: {  	(v2sf) =	vpush v5, $0xC;
	_ =	sdelay $0x1  }
0x10a: {  	(v2sf) =	vpush v5, $0xE;
	_ =	sdelay $0x1  }
0x10b: {  	(v2sf) =	vpush v5, $0xF;
	_ =	sdelay $0x1  }
0x10c: {  	(v2sf) =	vpush v5, $0x9;
	_ =	sdelay $0x1  }
0x10d: {  	(v2sf) =	vpush v5, $0x8;
	_ =	sdelay $0x1  }
0x10e: {  	(v2sf) =	vpush v5, $0xA;
	_ =	sdelay $0x1  }
0x10f: {  	[dreg:$0xd] =	wrdreg s16;
	(v2sf) =	vpush v5, $0xB;
	s16 =	spop (v2sf)  }
0x110: {  	s4 =	spop (v2sf)  }
0x111: {  	(v2sf) =	vpush v5, $0x0;
	s5 =	smulhi.u32 $0x68DB8BAD, s4;
	s0 =	sshra.s32 s4, $0x1F  }
0x112: {  	s6 =	spop (v2sf);
	s0 =	smul.u32 $0x68DB8BAD, s0  }
0x113: {  	(v2sf) =	vpush v5, $0x1;
	s7 =	smulhi.u32 $0x68DB8BAD, s6;
	s2 =	sshra.s32 s6, $0x1F  }
0x114: {  	s8 =	spop (v2sf);
	s2 =	smul.u32 $0x68DB8BAD, s2  }
0x115: {  	(v2sf) =	vpush v5, $0x2;
	s9 =	smulhi.u32 $0x68DB8BAD, s8;
	s4 =	sshra.s32 s8, $0x1F  }
0x116: {  	s10 =	spop (v2sf);
	s4 =	smul.u32 $0x68DB8BAD, s4  }
0x117: {  	(v2sf) =	vpush v5, $0x3;
	s11 =	smulhi.u32 $0x68DB8BAD, s10;
	s6 =	sshra.s32 s10, $0x1F  }
0x118: {  	(v2sf) =	vpush v5, $0x4;
	s12 =	spop (v2sf);
	s6 =	smul.u32 $0x68DB8BAD, s6  }
0x119: {  	(v2sf) =	vpush v5, $0x5;
	s13 =	smulhi.u32 $0x68DB8BAD, s12;
	s8 =	sshra.s32 s12, $0x1F  }
0x11a: {  	s14 =	spop (v2sf);
	(v2sf) =	vpush v5, $0x6;
	s8 =	smul.u32 $0x68DB8BAD, s8  }
0x11b: {  	s17 =	smulhi.u32 $0x68DB8BAD, s14;
	s10 =	sshra.s32 s14, $0x1F;
	(v2sf) =	vpush v5, $0x7  }
0x11c: {  	s19 =	spop (v2sf);
	s10 =	smul.u32 $0x68DB8BAD, s10  }
0x11d: {  	s20 =	smulhi.u32 $0x68DB8BAD, s19;
	s12 =	sshra.s32 s19, $0x1F  }
0x11e: {  	s22 =	spop (v2sf);
	s12 =	smul.u32 $0x68DB8BAD, s12  }
0x11f: {  	s23 =	smulhi.u32 $0x68DB8BAD, s22;
	s14 =	sshra.s32 s22, $0x1F  }
0x120: {  	s28 =	sadd.s32 s0, s5;
	s18 =	spop (v2sf);
	s31 =	smul.u32 $0x68DB8BAD, s14  }
0x121: {  	s29 =	sadd.s32 s2, s7;
	s19 =	smulhi.u32 $0x68DB8BAD, s18;
	s1 =	sshra.s32 s18, $0x1F  }
0x122: {  	s26 =	sadd.s32 s4, s9;
	s1 =	smul.u32 $0x68DB8BAD, s1;
	s5 =	spop (v2sf)  }
0x123: {  	s25 =	sadd.s32 s6, s11;
	s4 =	smulhi.u32 $0x68DB8BAD, s5;
	s7 =	sshra.s32 s5, $0x1F  }
0x124: {  	s3 =	sadd.s32 s8, s13;
	s9 =	spop (v2sf);
	s5 =	smul.u32 $0x68DB8BAD, s7  }
0x125: {  	s14 =	sadd.s32 s10, s17;
	s11 =	smulhi.u32 $0x68DB8BAD, s9;
	s6 =	sshra.s32 s9, $0x1F  }
0x126: {  	s30 =	sadd.s32 s12, s20;
	s12 =	spop (v2sf);
	s6 =	smul.u32 $0x68DB8BAD, s6  }
0x127: {  	s13 =	smulhi.u32 $0x68DB8BAD, s12;
	s8 =	sshra.s32 s12, $0x1F;
	s20 =	spop (v2sf)  }
0x128: {  	s31 =	sadd.s32 s31, s23;
	s22 =	smul.u32 $0x68DB8BAD, s8;
	s23 =	spop (v2sf)  }
0x129: {  	s17 =	smulhi.u32 $0x68DB8BAD, s20;
	s10 =	sshra.s32 s20, $0x1F;
	s12 =	spop (v2sf)  }
0x12a: {  	s1 =	sadd.s32 s1, s19;
	s18 =	smul.u32 $0x68DB8BAD, s10;
	s19 =	spop (v2sf)  }
0x12b: {  	s7 =	sshrl.u32 s28, $0x1F;
	s20 =	smulhi.u32 $0x68DB8BAD, s19;
	s10 =	sshra.s32 s19, $0x1F  }
0x12c: {  	s4 =	sadd.s32 s5, s4;
	s6 =	sadd.s32 s6, s11;
	s10 =	smul.u32 $0x68DB8BAD, s10  }
0x12d: {  	s0 =	sadd.s32 s22, s13;
	s22 =	sshrl.u32 s1, $0x1F;
	s13 =	smulhi.u32 $0x68DB8BAD, s23  }
0x12e: {  	s8 =	sshra.s32 s23, $0x1F;
	s23 =	sshra.s32 s1, $0xC;
	s2 =	sadd.s32 s10, s20  }
0x12f: {  	s1 =	sshra.s32 s1, $0x1F;
	s11 =	sadd.s32 s18, s17;
	v39 =	vmov s22;
	s10 =	sshra.s32 s2, $0x1F  }
0x130: {  	s5 =	smul.u32 $0x68DB8BAD, s8;
	s17 =	sshrl.u32 s29, $0x1F;
	s19 =	sshrl.u32 s4, $0x1F;
	v8 =	vnsel vm3, $0x0, v39;
	v6 =	vmov s10  }
0x131: {  	s18 =	sshrl.u32 s26, $0x1F;
	s22 =	sshra.s32 s4, $0x1F;
	v7 =	vmov s17;
	v8 =	vsel vm0, s19, v8;
	s19 =	sshra.s32 s12, $0x1F;
	v6 =	vsel vm3, s23, v6  }
0x132: {  	v7 =	vsel vm0, s7, v7;
	s5 =	sadd.s32 s5, s13;
	s13 =	sshra.s32 s29, $0xC;
	s20 =	sshra.s32 s4, $0xC;
	v6 =	vsel vm11, s1, v6  }
0x133: {  	vm9 =	vcmask $0x2F2C;
	v7 =	vsel vm1, s18, v7;
	s18 =	smulhi.u32 $0x68DB8BAD, s12;
	s4 =	sshrl.u32 s3, $0x1F;
	s10 =	sshrl.u32 s25, $0x1F;
	v6 =	vsel vm0, s20, v6  }
0x134: {  	v41 =	vmov s13;
	s23 =	sshrl.u32 s14, $0x1F;
	v7 =	vsel vm2, s10, v7;
	s14 =	sshra.s32 s14, $0xC;
	v6 =	vsel vm12, s22, v6;
	s22 =	sshra.s32 s6, $0xC  }
0x135: {  	s3 =	sshra.s32 s3, $0xC;
	v40 =	vmov s23;
	v42 =	vmov s14;
	s20 =	sshrl.u32 s6, $0x1F;
	s6 =	sshra.s32 s6, $0x1F;
	v6 =	vsel vm1, s22, v6  }
0x136: {  	s9 =	sshrl.u32 s30, $0x1F;
	s8 =	sshra.s32 s0, $0xC;
	s1 =	smul.u32 $0x68DB8BAD, s19;
	v9 =	vsel vm0, s4, v40;
	v10 =	vsel vm0, s3, v42;
	v6 =	vsel vm13, s6, v6  }
0x137: {  	s17 =	sshrl.u32 s31, $0x1F;
	s23 =	sshrl.u32 s0, $0x1F;
	s0 =	sshra.s32 s0, $0x1F;
	v8 =	vsel vm1, s20, v8;
	v9 =	vsel vm1, s9, v9;
	v6 =	vsel vm2, s8, v6  }
0x138: {  	s7 =	sshrl.u32 s11, $0x1F;
	s12 =	sshra.s32 s11, $0xC;
	s1 =	sadd.s32 s1, s18;
	v8 =	vsel vm2, s23, v8;
	v9 =	vsel vm2, s17, v9;
	v6 =	vsel vm14, s0, v6  }
0x139: {  	s18 =	sshra.s32 s28, $0xC;
	s17 =	sshra.s32 s11, $0x1F;
	s22 =	sshra.s32 s30, $0xC;
	v8 =	vsel vm4, s7, v8;
	v7 =	vcombine.low v9, v7;
	v6 =	vsel vm4, s12, v6  }
0x13a: {  	s19 =	sshra.s32 s5, $0xC;
	s9 =	sshrl.u32 s5, $0x1F;
	s20 =	sshra.s32 s26, $0xC;
	v9 =	vsel vm0, s18, v41;
	v10 =	vsel vm1, s22, v10;
	v6 =	vsel vm15, s17, v6  }
0x13b: {  	s29 =	sshra.s32 s31, $0xC;
	s10 =	sshrl.u32 s1, $0x1F;
	s23 =	sshra.s32 s5, $0x1F;
	v8 =	vsel vm5, s9, v8;
	v9 =	vsel vm1, s20, v9;
	v6 =	vsel vm5, s19, v6  }
0x13c: {  	s26 =	sshra.s32 s25, $0xC;
	s30 =	sshra.s32 s1, $0xC;
	v10 =	vsel vm2, s29, v10;
	v8 =	vsel vm6, s10, v8;
	v6 =	vsel vm9, s23, v6  }
0x13d: {  	s31 =	sshrl.u32 s2, $0x1F;
	s1 =	sshra.s32 s1, $0x1F;
	v9 =	vsel vm2, s26, v9;
	vm9 =	vcmask $0x3734;
	v6 =	vsel vm6, s30, v6  }
0x13e: {  	s2 =	sshra.s32 s2, $0xC;
	v8 =	vsel vm7, s31, v8;
	v9 =	vcombine.low v10, v9;
	v6 =	vsel vm9, s1, v6  }
0x13f: {  	v7 =	vperm.xlane v7, v0;
	v8 =	vperm.xlane v8, v2;
	v6 =	vsel vm7, s2, v6  }
0x140: {  	v9 =	vperm.xlane v9, v0;
	v6 =	vperm.xlane v6, v2;
	_ =	sdelay $0x1  }
0x141: {  	v7 =	vsel vm8, v8, v7;
	v6 =	vsel vm8, v6, v9  }
0x142: {  	v6 =	vadd.s32 v7, v6  }
0x143: {  	v7 =	vmul.u32 $0xFFFFD8F0, v6  }
0x144: {  	v43 =	vsub.s32 $0x0, v5  }
0x145: {  	vm9 =	vlt.s32 v5, $0x1;
	vm10 =	vne.s32 v7, v43  }
0x146: {  	vm9 =	vmand vm9, vm10  }
0x147: {  	v7 =	vsel vm9, $0xFFFFFFFF, v3  }
0x148: {  	v6 =	vadd.s32 v7, v6  }
0x149: {  	vm9 =	vlt.u32 v6, $0x1388  }
0x14a: {  	v6 =	vmpcnt.ones.xlane vm9;
	_ =	sdelay $0x1  }
0x14b: {  	v6 =	vxor.u32 $0x80000000, v6  }
0x14c: {  	s3 =	sadd.s32 s16, s24;
	(xrf0) =	vmax.scan.msk.u32 $0xffff, v6  }
0x14d: {  	s25 =	sadd.s32 $0x80000000, s3  }
0x14e: {  	[tilespmem:s25+$0x67F0] =	vst.msk vm9, v5  }
0x14f: {  	v5 =	vld [tilespmem:s21+$0x5430];
	_ =	sdelay $0x2  }
0x150: {  	v6, _, _ =	vpop (xrf0)  }
0x151: {  	(v2sf) =	vpush v6, $0xF  }
0x152: {  	(v2sf) =	vpush v5, $0xD;
	_ =	sdelay $0x1  }
0x153: {  	(v2sf) =	vpush v5, $0xC;
	_ =	sdelay $0x1  }
0x154: {  	(v2sf) =	vpush v5, $0xE;
	_ =	sdelay $0x1  }
0x155: {  	(v2sf) =	vpush v5, $0xF;
	_ =	sdelay $0x1  }
0x156: {  	(v2sf) =	vpush v5, $0x9;
	_ =	sdelay $0x1  }
0x157: {  	(v2sf) =	vpush v5, $0x8;
	_ =	sdelay $0x1  }
0x158: {  	(v2sf) =	vpush v5, $0xA;
	_ =	sdelay $0x1  }
0x159: {  	[dreg:$0xe] =	wrdreg s16;
	(v2sf) =	vpush v5, $0xB;
	s16 =	spop (v2sf)  }
0x15a: {  	s4 =	spop (v2sf)  }
0x15b: {  	(v2sf) =	vpush v5, $0x0;
	s5 =	smulhi.u32 $0x68DB8BAD, s4;
	s0 =	sshra.s32 s4, $0x1F  }
0x15c: {  	s6 =	spop (v2sf);
	s0 =	smul.u32 $0x68DB8BAD, s0  }
0x15d: {  	(v2sf) =	vpush v5, $0x1;
	s7 =	smulhi.u32 $0x68DB8BAD, s6;
	s2 =	sshra.s32 s6, $0x1F  }
0x15e: {  	s8 =	spop (v2sf);
	s2 =	smul.u32 $0x68DB8BAD, s2  }
0x15f: {  	(v2sf) =	vpush v5, $0x2;
	s9 =	smulhi.u32 $0x68DB8BAD, s8;
	s4 =	sshra.s32 s8, $0x1F  }
0x160: {  	s10 =	spop (v2sf);
	s4 =	smul.u32 $0x68DB8BAD, s4  }
0x161: {  	(v2sf) =	vpush v5, $0x3;
	s11 =	smulhi.u32 $0x68DB8BAD, s10;
	s6 =	sshra.s32 s10, $0x1F  }
0x162: {  	(v2sf) =	vpush v5, $0x4;
	s12 =	spop (v2sf);
	s6 =	smul.u32 $0x68DB8BAD, s6  }
0x163: {  	(v2sf) =	vpush v5, $0x5;
	s13 =	smulhi.u32 $0x68DB8BAD, s12;
	s8 =	sshra.s32 s12, $0x1F  }
0x164: {  	s20 =	spop (v2sf);
	(v2sf) =	vpush v5, $0x6;
	s8 =	smul.u32 $0x68DB8BAD, s8  }
0x165: {  	s22 =	smulhi.u32 $0x68DB8BAD, s20;
	s10 =	sshra.s32 s20, $0x1F;
	(v2sf) =	vpush v5, $0x7  }
0x166: {  	s23 =	spop (v2sf);
	s10 =	smul.u32 $0x68DB8BAD, s10  }
0x167: {  	s24 =	smulhi.u32 $0x68DB8BAD, s23;
	s12 =	sshra.s32 s23, $0x1F  }
0x168: {  	s31 =	spop (v2sf);
	s12 =	smul.u32 $0x68DB8BAD, s12  }
0x169: {  	s17 =	smulhi.u32 $0x68DB8BAD, s31;
	s14 =	sshra.s32 s31, $0x1F  }
0x16a: {  	s29 =	sadd.s32 s0, s5;
	s0 =	smul.u32 $0x68DB8BAD, s14;
	s14 =	spop (v2sf)  }
0x16b: {  	s30 =	sadd.s32 s2, s7;
	s18 =	smulhi.u32 $0x68DB8BAD, s14;
	s1 =	sshra.s32 s14, $0x1F  }
0x16c: {  	s28 =	sadd.s32 s4, s9;
	s1 =	smul.u32 $0x68DB8BAD, s1;
	s19 =	spop (v2sf)  }
0x16d: {  	s26 =	sadd.s32 s6, s11;
	s4 =	smulhi.u32 $0x68DB8BAD, s19;
	s2 =	sshra.s32 s19, $0x1F  }
0x16e: {  	s14 =	sadd.s32 s8, s13;
	s20 =	spop (v2sf);
	s5 =	smul.u32 $0x68DB8BAD, s2  }
0x16f: {  	s31 =	sadd.s32 s12, s24;
	s6 =	smulhi.u32 $0x68DB8BAD, s20;
	s3 =	sshra.s32 s20, $0x1F  }
0x170: {  	s2 =	sadd.s32 s10, s22;
	s22 =	spop (v2sf);
	s7 =	smul.u32 $0x68DB8BAD, s3  }
0x171: {  	s8 =	smulhi.u32 $0x68DB8BAD, s22;
	s23 =	sshra.s32 s22, $0x1F;
	s24 =	spop (v2sf)  }
0x172: {  	s3 =	sadd.s32 s0, s17;
	s11 =	smul.u32 $0x68DB8BAD, s23;
	s12 =	spop (v2sf)  }
0x173: {  	s17 =	smulhi.u32 $0x68DB8BAD, s24;
	s10 =	sshra.s32 s24, $0x1F;
	s19 =	spop (v2sf)  }
0x174: {  	s1 =	sadd.s32 s1, s18;
	s10 =	smul.u32 $0x68DB8BAD, s10;
	s20 =	spop (v2sf)  }
0x175: {  	s5 =	sadd.s32 s5, s4;
	s22 =	smulhi.u32 $0x68DB8BAD, s20;
	s13 =	sshra.s32 s20, $0x1F  }
0x176: {  	s24 =	sshrl.u32 s1, $0x1F;
	s6 =	sadd.s32 s7, s6;
	s23 =	smul.u32 $0x68DB8BAD, s13  }
0x177: {  	v44 =	vmov s24;
	s24 =	sshra.s32 s5, $0x1F;
	s7 =	sadd.s32 s11, s8;
	s9 =	sshra.s32 s12, $0x1F  }
0x178: {  	s0 =	sadd.s32 s10, s17;
	s10 =	smulhi.u32 $0x68DB8BAD, s12;
	s4 =	sadd.s32 s23, s22  }
0x179: {  	s11 =	sshra.s32 s14, $0xC;
	s8 =	smulhi.u32 $0x68DB8BAD, s19;
	s18 =	sshra.s32 s4, $0x1F  }
0x17a: {  	s12 =	sshra.s32 s19, $0x1F;
	s19 =	sshra.s32 s1, $0xC;
	s20 =	sshrl.u32 s30, $0x1F;
	v6 =	vmov s18  }
0x17b: {  	vm9 =	vcmask $0x2F2C;
	s9 =	smul.u32 $0x68DB8BAD, s9;
	s1 =	sshra.s32 s1, $0x1F;
	v7 =	vmov s20;
	s22 =	sshrl.u32 s29, $0x1F;
	v6 =	vsel vm3, s19, v6  }
0x17c: {  	v8 =	vnsel vm3, $0x0, v44;
	s17 =	sshrl.u32 s5, $0x1F;
	s13 =	sshrl.u32 s28, $0x1F;
	s23 =	sshra.s32 s5, $0xC;
	v7 =	vsel vm0, s22, v7;
	v6 =	vsel vm11, s1, v6  }
0x17d: {  	v8 =	vsel vm0, s17, v8;
	s17 =	smul.u32 $0x68DB8BAD, s12;
	s22 =	sshrl.u32 s2, $0x1F;
	s2 =	sshra.s32 s2, $0xC;
	v7 =	vsel vm1, s13, v7;
	v6 =	vsel vm0, s23, v6  }
0x17e: {  	s20 =	sshrl.u32 s14, $0x1F;
	s18 =	sshrl.u32 s31, $0x1F;
	v45 =	vmov s22;
	v47 =	vmov s2;
	v6 =	vsel vm12, s24, v6;
	s24 =	sshra.s32 s6, $0xC  }
0x17f: {  	s19 =	sshrl.u32 s26, $0x1F;
	v9 =	vsel vm0, s20, v45;
	v10 =	vsel vm0, s11, v47;
	s23 =	sshrl.u32 s6, $0x1F;
	s6 =	sshra.s32 s6, $0x1F;
	v6 =	vsel vm1, s24, v6  }
0x180: {  	s9 =	sadd.s32 s9, s10;
	s14 =	sshra.s32 s31, $0xC;
	s22 =	sshra.s32 s7, $0xC;
	v7 =	vsel vm2, s19, v7;
	v9 =	vsel vm1, s18, v9;
	v6 =	vsel vm13, s6, v6  }
0x181: {  	s1 =	sshrl.u32 s3, $0x1F;
	s19 =	sshrl.u32 s7, $0x1F;
	v10 =	vsel vm1, s14, v10;
	v8 =	vsel vm1, s23, v8;
	s24 =	sshra.s32 s7, $0x1F;
	v6 =	vsel vm2, s22, v6  }
0x182: {  	s10 =	sshra.s32 s29, $0xC;
	s20 =	sshrl.u32 s0, $0x1F;
	v9 =	vsel vm2, s1, v9;
	v8 =	vsel vm2, s19, v8;
	s6 =	sshra.s32 s0, $0xC;
	v6 =	vsel vm14, s24, v6  }
0x183: {  	v7 =	vcombine.low v9, v7;
	s7 =	sshra.s32 s30, $0xC;
	s19 =	sshra.s32 s3, $0xC;
	v8 =	vsel vm4, s20, v8;
	s0 =	sshra.s32 s0, $0x1F;
	v6 =	vsel vm4, s6, v6  }
0x184: {  	s8 =	sadd.s32 s17, s8;
	s12 =	sshra.s32 s9, $0xC;
	s23 =	sshrl.u32 s9, $0x1F;
	v46 =	vmov s7;
	v10 =	vsel vm2, s19, v10;
	v6 =	vsel vm15, s0, v6  }
0x185: {  	s17 =	sshra.s32 s9, $0x1F;
	s5 =	sshrl.u32 s8, $0x1F;
	s13 =	sshra.s32 s28, $0xC;
	v8 =	vsel vm5, s23, v8;
	v9 =	vsel vm0, s10, v46;
	v6 =	vsel vm5, s12, v6  }
0x186: {  	s18 =	sshra.s32 s26, $0xC;
	s20 =	sshra.s32 s8, $0xC;
	v8 =	vsel vm6, s5, v8;
	v9 =	vsel vm1, s13, v9;
	v6 =	vsel vm9, s17, v6  }
0x187: {  	s22 =	sshrl.u32 s4, $0x1F;
	s23 =	sshra.s32 s8, $0x1F;
	v9 =	vsel vm2, s18, v9;
	vm9 =	vcmask $0x3734;
	v6 =	vsel vm6, s20, v6  }
0x188: {  	s24 =	sshra.s32 s4, $0xC;
	v8 =	vsel vm7, s22, v8;
	v9 =	vcombine.low v10, v9;
	v6 =	vsel vm9, s23, v6  }
0x189: {  	v7 =	vperm.xlane v7, v0;
	v8 =	vperm.xlane v8, v2;
	v6 =	vsel vm7, s24, v6  }
0x18a: {  	v9 =	vperm.xlane v9, v0;
	v6 =	vperm.xlane v6, v2;
	_ =	sdelay $0x1  }
0x18b: {  	v7 =	vsel vm8, v8, v7;
	v6 =	vsel vm8, v6, v9  }
0x18c: {  	v6 =	vadd.s32 v7, v6  }
0x18d: {  	v7 =	vmul.u32 $0xFFFFD8F0, v6  }
0x18e: {  	v48 =	vsub.s32 $0x0, v5  }
0x18f: {  	vm9 =	vlt.s32 v5, $0x1;
	vm10 =	vne.s32 v7, v48  }
0x190: {  	vm9 =	vmand vm9, vm10  }
0x191: {  	v7 =	vsel vm9, $0xFFFFFFFF, v3  }
0x192: {  	v6 =	vadd.s32 v7, v6  }
0x193: {  	vm9 =	vlt.u32 v6, $0x1388  }
0x194: {  	v6 =	vmpcnt.ones.xlane vm9;
	_ =	sdelay $0x1  }
0x195: {  	v6 =	vxor.u32 $0x80000000, v6  }
0x196: {  	s26 =	sadd.s32 s16, s25;
	(xrf0) =	vmax.scan.msk.u32 $0xffff, v6  }
0x197: {  	s26 =	sadd.s32 $0x80000000, s26  }
0x198: {  	[tilespmem:s26+$0x67F0] =	vst.msk vm9, v5  }
0x199: {  	v5 =	vld [tilespmem:s21+$0x5440];
	_ =	sdelay $0x2  }
0x19a: {  	v6, _, _ =	vpop (xrf0)  }
0x19b: {  	(v2sf) =	vpush v6, $0xF  }
0x19c: {  	(v2sf) =	vpush v5, $0xD;
	_ =	sdelay $0x1  }
0x19d: {  	(v2sf) =	vpush v5, $0xC;
	_ =	sdelay $0x1  }
0x19e: {  	(v2sf) =	vpush v5, $0xE;
	_ =	sdelay $0x1  }
0x19f: {  	(v2sf) =	vpush v5, $0xF;
	_ =	sdelay $0x1  }
0x1a0: {  	(v2sf) =	vpush v5, $0x9;
	_ =	sdelay $0x1  }
0x1a1: {  	(v2sf) =	vpush v5, $0x8;
	_ =	sdelay $0x1  }
0x1a2: {  	(v2sf) =	vpush v5, $0xA;
	_ =	sdelay $0x1  }
0x1a3: {  	[dreg:$0xf] =	wrdreg s16;
	(v2sf) =	vpush v5, $0xB;
	s16 =	spop (v2sf)  }
0x1a4: {  	s29 =	spop (v2sf)  }
0x1a5: {  	(v2sf) =	vpush v5, $0x0;
	s30 =	smulhi.u32 $0x68DB8BAD, s29;
	s0 =	sshra.s32 s29, $0x1F  }
0x1a6: {  	s17 =	spop (v2sf);
	s0 =	smul.u32 $0x68DB8BAD, s0  }
0x1a7: {  	(v2sf) =	vpush v5, $0x1;
	s3 =	smulhi.u32 $0x68DB8BAD, s17;
	s2 =	sshra.s32 s17, $0x1F  }
0x1a8: {  	s18 =	spop (v2sf);
	s2 =	smul.u32 $0x68DB8BAD, s2  }
0x1a9: {  	(v2sf) =	vpush v5, $0x2;
	s5 =	smulhi.u32 $0x68DB8BAD, s18;
	s4 =	sshra.s32 s18, $0x1F  }
0x1aa: {  	s19 =	spop (v2sf);
	s4 =	smul.u32 $0x68DB8BAD, s4  }
0x1ab: {  	(v2sf) =	vpush v5, $0x3;
	s7 =	smulhi.u32 $0x68DB8BAD, s19;
	s6 =	sshra.s32 s19, $0x1F  }
0x1ac: {  	s20 =	spop (v2sf);
	s6 =	smul.u32 $0x68DB8BAD, s6  }
0x1ad: {  	(v2sf) =	vpush v5, $0x4;
	s9 =	smulhi.u32 $0x68DB8BAD, s20;
	s8 =	sshra.s32 s20, $0x1F  }
0x1ae: {  	(v2sf) =	vpush v5, $0x5;
	s22 =	spop (v2sf);
	s8 =	smul.u32 $0x68DB8BAD, s8  }
0x1af: {  	(v2sf) =	vpush v5, $0x6;
	s11 =	smulhi.u32 $0x68DB8BAD, s22;
	s10 =	sshra.s32 s22, $0x1F  }
0x1b0: {  	(v2sf) =	vpush v5, $0x7;
	s23 =	spop (v2sf);
	s10 =	smul.u32 $0x68DB8BAD, s10  }
0x1b1: {  	s13 =	smulhi.u32 $0x68DB8BAD, s23;
	s12 =	sshra.s32 s23, $0x1F  }
0x1b2: {  	s24 =	spop (v2sf);
	s12 =	smul.u32 $0x68DB8BAD, s12  }
0x1b3: {  	s17 =	smulhi.u32 $0x68DB8BAD, s24;
	s14 =	sshra.s32 s24, $0x1F  }
0x1b4: {  	s25 =	spop (v2sf);
	s14 =	smul.u32 $0x68DB8BAD, s14  }
0x1b5: {  	s31 =	smulhi.u32 $0x68DB8BAD, s25;
	s18 =	sshra.s32 s25, $0x1F  }
0x1b6: {  	s18 =	smul.u32 $0x68DB8BAD, s18;
	s28 =	spop (v2sf)  }
0x1b7: {  	s30 =	sadd.s32 s0, s30;
	s0 =	smulhi.u32 $0x68DB8BAD, s28;
	s29 =	sshra.s32 s28, $0x1F  }
0x1b8: {  	s3 =	sadd.s32 s2, s3;
	s19 =	spop (v2sf);
	s1 =	smul.u32 $0x68DB8BAD, s29  }
0x1b9: {  	s14 =	sadd.s32 s14, s17;
	s20 =	smulhi.u32 $0x68DB8BAD, s19;
	s2 =	sshra.s32 s19, $0x1F  }
0x1ba: {  	s28 =	sadd.s32 s6, s7;
	s22 =	spop (v2sf);
	s6 =	smul.u32 $0x68DB8BAD, s2  }
0x1bb: {  	s29 =	sadd.s32 s4, s5;
	s7 =	smulhi.u32 $0x68DB8BAD, s22;
	s23 =	sshra.s32 s22, $0x1F  }
0x1bc: {  	s24 =	spop (v2sf);
	s2 =	sadd.s32 s8, s9;
	s8 =	smul.u32 $0x68DB8BAD, s23  }
0x1bd: {  	s22 =	smulhi.u32 $0x68DB8BAD, s24;
	s25 =	sshra.s32 s24, $0x1F;
	s9 =	spop (v2sf)  }
0x1be: {  	s5 =	sadd.s32 s10, s11;
	s10 =	smul.u32 $0x68DB8BAD, s25;
	s19 =	spop (v2sf)  }
0x1bf: {  	s4 =	sadd.s32 s12, s13;
	s17 =	smulhi.u32 $0x68DB8BAD, s9;
	s23 =	spop (v2sf)  }
0x1c0: {  	s0 =	sadd.s32 s1, s0;
	s24 =	smulhi.u32 $0x68DB8BAD, s23;
	s11 =	sshra.s32 s23, $0x1F  }
0x1c1: {  	s25 =	sadd.s32 s18, s31;
	s9 =	sshra.s32 s9, $0x1F;
	s18 =	smul.u32 $0x68DB8BAD, s11  }
0x1c2: {  	s6 =	sadd.s32 s6, s20;
	s7 =	sadd.s32 s8, s7;
	s1 =	smul.u32 $0x68DB8BAD, s9  }
0x1c3: {  	s8 =	smulhi.u32 $0x68DB8BAD, s19;
	s20 =	sshra.s32 s19, $0x1F;
	s31 =	sadd.s32 s18, s24  }
0x1c4: {  	s10 =	sadd.s32 s10, s22;
	s24 =	sshrl.u32 s25, $0x1F;
	s22 =	sshra.s32 s31, $0x1F  }
0x1c5: {  	s19 =	sshrl.u32 s0, $0x1F;
	s13 =	sshra.s32 s7, $0x1F;
	s18 =	sshra.s32 s25, $0xC;
	v49 =	vmov s24;
	v6 =	vmov s22  }
0x1c6: {  	vm9 =	vcmask $0x2F2C;
	s9 =	smul.u32 $0x68DB8BAD, s20;
	s23 =	sshrl.u32 s3, $0x1F;
	s25 =	sshra.s32 s25, $0x1F;
	v8 =	vnsel vm3, $0x0, v49;
	v6 =	vsel vm3, s18, v6  }
0x1c7: {  	s20 =	sshra.s32 s0, $0xC;
	v7 =	vmov s23;
	s18 =	sshrl.u32 s30, $0x1F;
	v8 =	vsel vm0, s19, v8;
	s19 =	sshrl.u32 s6, $0x1F;
	v6 =	vsel vm11, s25, v6  }
0x1c8: {  	s0 =	sshra.s32 s0, $0x1F;
	s22 =	sshrl.u32 s29, $0x1F;
	v7 =	vsel vm0, s18, v7;
	s25 =	sshrl.u32 s5, $0x1F;
	v8 =	vsel vm1, s19, v8;
	v6 =	vsel vm0, s20, v6  }
0x1c9: {  	s23 =	sshrl.u32 s28, $0x1F;
	s19 =	sshra.s32 s3, $0xC;
	v7 =	vsel vm1, s22, v7;
	s20 =	sshra.s32 s6, $0xC;
	v50 =	vmov s25;
	v6 =	vsel vm12, s0, v6  }
0x1ca: {  	s24 =	sshrl.u32 s2, $0x1F;
	s6 =	sshra.s32 s6, $0x1F;
	v51 =	vmov s19;
	v7 =	vsel vm2, s23, v7;
	s23 =	sshrl.u32 s7, $0x1F;
	v6 =	vsel vm1, s20, v6  }
0x1cb: {  	s25 =	sshra.s32 s7, $0xC;
	s0 =	sshrl.u32 s4, $0x1F;
	v9 =	vsel vm0, s24, v50;
	s24 =	sshrl.u32 s10, $0x1F;
	v8 =	vsel vm2, s23, v8;
	v6 =	vsel vm13, s6, v6  }
0x1cc: {  	s1 =	sadd.s32 s1, s17;
	s22 =	sshrl.u32 s14, $0x1F;
	v9 =	vsel vm1, s0, v9;
	s20 =	sshra.s32 s5, $0xC;
	v8 =	vsel vm4, s24, v8;
	v6 =	vsel vm2, s25, v6  }
0x1cd: {  	s12 =	sshrl.u32 s1, $0x1F;
	s8 =	sadd.s32 s9, s8;
	s18 =	sshra.s32 s10, $0xC;
	v9 =	vsel vm2, s22, v9;
	v52 =	vmov s20;
	v6 =	vsel vm14, s13, v6  }
0x1ce: {  	s23 =	sshra.s32 s30, $0xC;
	s22 =	sshra.s32 s10, $0x1F;
	s24 =	sshra.s32 s2, $0xC;
	v8 =	vsel vm5, s12, v8;
	v7 =	vcombine.low v9, v7;
	v6 =	vsel vm4, s18, v6  }
0x1cf: {  	s17 =	sshrl.u32 s8, $0x1F;
	s30 =	sshra.s32 s29, $0xC;
	s25 =	sshra.s32 s1, $0xC;
	v9 =	vsel vm0, s23, v51;
	v10 =	vsel vm0, s24, v52;
	v6 =	vsel vm15, s22, v6  }
0x1d0: {  	s4 =	sshra.s32 s4, $0xC;
	s5 =	sshra.s32 s28, $0xC;
	s1 =	sshra.s32 s1, $0x1F;
	v8 =	vsel vm6, s17, v8;
	v9 =	vsel vm1, s30, v9;
	v6 =	vsel vm5, s25, v6  }
0x1d1: {  	s7 =	sshra.s32 s8, $0xC;
	s6 =	sshra.s32 s14, $0xC;
	v10 =	vsel vm1, s4, v10;
	v9 =	vsel vm2, s5, v9;
	v6 =	vsel vm9, s1, v6  }
0x1d2: {  	s9 =	sshrl.u32 s31, $0x1F;
	s10 =	sshra.s32 s8, $0x1F;
	v10 =	vsel vm2, s6, v10;
	vm9 =	vcmask $0x3734;
	v6 =	vsel vm6, s7, v6  }
0x1d3: {  	s11 =	sshra.s32 s31, $0xC;
	v8 =	vsel vm7, s9, v8;
	v9 =	vcombine.low v10, v9;
	v6 =	vsel vm9, s10, v6  }
0x1d4: {  	v7 =	vperm.xlane v7, v0;
	v8 =	vperm.xlane v8, v2;
	v6 =	vsel vm7, s11, v6  }
0x1d5: {  	v9 =	vperm.xlane v9, v0;
	v6 =	vperm.xlane v6, v2;
	_ =	sdelay $0x1  }
0x1d6: {  	v7 =	vsel vm8, v8, v7;
	v6 =	vsel vm8, v6, v9  }
0x1d7: {  	v6 =	vadd.s32 v7, v6  }
0x1d8: {  	v7 =	vmul.u32 $0xFFFFD8F0, v6  }
0x1d9: {  	v53 =	vsub.s32 $0x0, v5  }
0x1da: {  	vm9 =	vlt.s32 v5, $0x1;
	vm10 =	vne.s32 v7, v53  }
0x1db: {  	vm9 =	vmand vm9, vm10  }
0x1dc: {  	v7 =	vsel vm9, $0xFFFFFFFF, v3  }
0x1dd: {  	v6 =	vadd.s32 v7, v6  }
0x1de: {  	vm9 =	vlt.u32 v6, $0x1388  }
0x1df: {  	v6 =	vmpcnt.ones.xlane vm9;
	_ =	sdelay $0x1  }
0x1e0: {  	v6 =	vxor.u32 $0x80000000, v6  }
0x1e1: {  	s12 =	sadd.s32 s16, s26;
	(xrf0) =	vmax.scan.msk.u32 $0xffff, v6  }
0x1e2: {  	s26 =	sadd.s32 $0x80000000, s12  }
0x1e3: {  	[tilespmem:s26+$0x67F0] =	vst.msk vm9, v5  }
0x1e4: {  	v5 =	vld [tilespmem:s21+$0x5450];
	_ =	sdelay $0x2  }
0x1e5: {  	v6, _, _ =	vpop (xrf0)  }
0x1e6: {  	(v2sf) =	vpush v6, $0xF  }
0x1e7: {  	(v2sf) =	vpush v5, $0xD;
	_ =	sdelay $0x1  }
0x1e8: {  	(v2sf) =	vpush v5, $0xC;
	_ =	sdelay $0x1  }
0x1e9: {  	(v2sf) =	vpush v5, $0xE;
	_ =	sdelay $0x1  }
0x1ea: {  	(v2sf) =	vpush v5, $0xF;
	_ =	sdelay $0x1  }
0x1eb: {  	(v2sf) =	vpush v5, $0x9;
	_ =	sdelay $0x1  }
0x1ec: {  	(v2sf) =	vpush v5, $0x8;
	_ =	sdelay $0x1  }
0x1ed: {  	(v2sf) =	vpush v5, $0xA;
	_ =	sdelay $0x1  }
0x1ee: {  	(v2sf) =	vpush v5, $0xB;
	s28 =	spop (v2sf)  }
0x1ef: {  	s13 =	spop (v2sf)  }
0x1f0: {  	(v2sf) =	vpush v5, $0x0;
	s14 =	smulhi.u32 $0x68DB8BAD, s13;
	s0 =	sshra.s32 s13, $0x1F  }
0x1f1: {  	s17 =	spop (v2sf);
	s0 =	smul.u32 $0x68DB8BAD, s0  }
0x1f2: {  	(v2sf) =	vpush v5, $0x1;
	s3 =	smulhi.u32 $0x68DB8BAD, s17;
	s2 =	sshra.s32 s17, $0x1F  }
0x1f3: {  	s18 =	spop (v2sf);
	s2 =	smul.u32 $0x68DB8BAD, s2  }
0x1f4: {  	(v2sf) =	vpush v5, $0x2;
	s5 =	smulhi.u32 $0x68DB8BAD, s18;
	s4 =	sshra.s32 s18, $0x1F  }
0x1f5: {  	s19 =	spop (v2sf);
	s6 =	smul.u32 $0x68DB8BAD, s4  }
0x1f6: {  	(v2sf) =	vpush v5, $0x3;
	s7 =	smulhi.u32 $0x68DB8BAD, s19;
	s4 =	sshra.s32 s19, $0x1F  }
0x1f7: {  	s20 =	spop (v2sf);
	s8 =	smul.u32 $0x68DB8BAD, s4  }
0x1f8: {  	(v2sf) =	vpush v5, $0x4;
	s9 =	smulhi.u32 $0x68DB8BAD, s20;
	s4 =	sshra.s32 s20, $0x1F  }
0x1f9: {  	s22 =	spop (v2sf);
	s10 =	smul.u32 $0x68DB8BAD, s4  }
0x1fa: {  	(v2sf) =	vpush v5, $0x5;
	s11 =	smulhi.u32 $0x68DB8BAD, s22;
	s4 =	sshra.s32 s22, $0x1F  }
0x1fb: {  	(v2sf) =	vpush v5, $0x6;
	s23 =	spop (v2sf);
	s12 =	smul.u32 $0x68DB8BAD, s4  }
0x1fc: {  	(v2sf) =	vpush v5, $0x7;
	s13 =	smulhi.u32 $0x68DB8BAD, s23;
	s4 =	sshra.s32 s23, $0x1F  }
0x1fd: {  	s24 =	spop (v2sf);
	s17 =	smul.u32 $0x68DB8BAD, s4  }
0x1fe: {  	s18 =	smulhi.u32 $0x68DB8BAD, s24;
	s4 =	sshra.s32 s24, $0x1F  }
0x1ff: {  	s19 =	smul.u32 $0x68DB8BAD, s4;
	s25 =	spop (v2sf)  }
0x200: {  	s20 =	smulhi.u32 $0x68DB8BAD, s25;
	s4 =	sshra.s32 s25, $0x1F  }
0x201: {  	s29 =	spop (v2sf);
	s22 =	smul.u32 $0x68DB8BAD, s4  }
0x202: {  	s23 =	smulhi.u32 $0x68DB8BAD, s29;
	s4 =	sshra.s32 s29, $0x1F  }
0x203: {  	s30 =	spop (v2sf);
	s24 =	smul.u32 $0x68DB8BAD, s4  }
0x204: {  	[dreg:$0x10] =	wrdreg s16;
	s16 =	smulhi.u32 $0x68DB8BAD, s30;
	s4 =	sshra.s32 s30, $0x1F  }
0x205: {  	s14 =	sadd.s32 s0, s14;
	s31 =	spop (v2sf);
	s0 =	smul.u32 $0x68DB8BAD, s4  }
0x206: {  	s4 =	sadd.s32 s2, s3;
	s2 =	smulhi.u32 $0x68DB8BAD, s31;
	s1 =	sshra.s32 s31, $0x1F  }
0x207: {  	s3 =	sadd.s32 s6, s5;
	s6 =	spop (v2sf);
	s1 =	smul.u32 $0x68DB8BAD, s1  }
0x208: {  	s29 =	sadd.s32 s8, s7;
	s7 =	smulhi.u32 $0x68DB8BAD, s6;
	s5 =	sshra.s32 s6, $0x1F  }
0x209: {  	s31 =	sadd.s32 s10, s9;
	s10 =	spop (v2sf);
	s8 =	smul.u32 $0x68DB8BAD, s5  }
0x20a: {  	s9 =	smulhi.u32 $0x68DB8BAD, s10;
	s5 =	sshra.s32 s10, $0x1F;
	s10 =	spop (v2sf)  }
0x20b: {  	s6 =	sadd.s32 s12, s11;
	s25 =	smul.u32 $0x68DB8BAD, s5;
	s30 =	spop (v2sf)  }
0x20c: {  	s5 =	sadd.s32 s17, s13;
	s17 =	smulhi.u32 $0x68DB8BAD, s30;
	s12 =	sshra.s32 s30, $0x1F  }
0x20d: {  	s16 =	sadd.s32 s0, s16;
	s1 =	sadd.s32 s1, s2;
	s12 =	smul.u32 $0x68DB8BAD, s12  }
0x20e: {  	s13 =	sshrl.u32 s14, $0x1F;
	s30 =	sadd.s32 s19, s18;
	s19 =	sadd.s32 s22, s20  }
0x20f: {  	s18 =	sadd.s32 s24, s23;
	s7 =	sadd.s32 s8, s7;
	s2 =	sadd.s32 s12, s17  }
0x210: {  	s8 =	smulhi.u32 $0x68DB8BAD, s10;
	s22 =	sshrl.u32 s4, $0x1F;
	s20 =	sshra.s32 s2, $0x1F  }
0x211: {  	vm9 =	vcmask $0x2F2C;
	s4 =	sshra.s32 s4, $0xC;
	s0 =	sadd.s32 s25, s9;
	s24 =	sshra.s32 s19, $0xC;
	v6 =	vmov s20  }
0x212: {  	s9 =	sshra.s32 s10, $0x1F;
	s23 =	sshrl.u32 s19, $0x1F;
	v7 =	vmov s22;
	s25 =	sshra.s32 s19, $0x1F;
	v56 =	vmov s4;
	v6 =	vsel vm3, s24, v6  }
0x213: {  	s19 =	sshra.s32 s18, $0xC;
	s22 =	sshrl.u32 s3, $0x1F;
	s10 =	sshrl.u32 s5, $0x1F;
	v7 =	vsel vm0, s13, v7;
	v54 =	vmov s23;
	v6 =	vsel vm11, s25, v6  }
0x214: {  	s23 =	sshrl.u32 s29, $0x1F;
	s17 =	sshrl.u32 s18, $0x1F;
	v7 =	vsel vm1, s22, v7;
	v8 =	vnsel vm3, $0x0, v54;
	s20 =	sshra.s32 s18, $0x1F;
	v6 =	vsel vm0, s19, v6  }
0x215: {  	v7 =	vsel vm2, s23, v7;
	v8 =	vsel vm0, s17, v8;
	s18 =	sshrl.u32 s16, $0x1F;
	s25 =	sshrl.u32 s6, $0x1F;
	s19 =	sshra.s32 s16, $0xC;
	v6 =	vsel vm12, s20, v6  }
0x216: {  	s22 =	sshrl.u32 s1, $0x1F;
	s24 =	sshrl.u32 s31, $0x1F;
	v8 =	vsel vm1, s18, v8;
	v55 =	vmov s25;
	s20 =	sshra.s32 s16, $0x1F;
	v6 =	vsel vm1, s19, v6  }
0x217: {  	s9 =	smul.u32 $0x68DB8BAD, s9;
	v8 =	vsel vm2, s22, v8;
	s6 =	sshra.s32 s6, $0xC;
	s25 =	sshra.s32 s1, $0xC;
	v9 =	vsel vm0, s24, v55;
	v6 =	vsel vm13, s20, v6  }
0x218: {  	s1 =	sshra.s32 s1, $0x1F;
	v57 =	vmov s6;
	s24 =	sshrl.u32 s7, $0x1F;
	s16 =	sshra.s32 s31, $0xC;
	v9 =	vsel vm1, s10, v9;
	v6 =	vsel vm2, s25, v6  }
0x219: {  	s11 =	sshrl.u32 s0, $0x1F;
	s12 =	sshra.s32 s7, $0xC;
	s23 =	sshrl.u32 s30, $0x1F;
	v8 =	vsel vm4, s24, v8;
	v10 =	vsel vm0, s16, v57;
	v6 =	vsel vm14, s1, v6  }
0x21a: {  	s13 =	sshra.s32 s7, $0x1F;
	s8 =	sadd.s32 s9, s8;
	s18 =	sshra.s32 s5, $0xC;
	v9 =	vsel vm2, s23, v9;
	v8 =	vsel vm5, s11, v8;
	v6 =	vsel vm4, s12, v6  }
0x21b: {  	s14 =	sshra.s32 s14, $0xC;
	s17 =	sshra.s32 s0, $0xC;
	s9 =	sshrl.u32 s8, $0x1F;
	v10 =	vsel vm1, s18, v10;
	v7 =	vcombine.low v9, v7;
	v6 =	vsel vm15, s13, v6  }
0x21c: {  	s3 =	sshra.s32 s3, $0xC;
	s0 =	sshra.s32 s0, $0x1F;
	s20 =	sshra.s32 s30, $0xC;
	v8 =	vsel vm6, s9, v8;
	v9 =	vsel vm0, s14, v56;
	v6 =	vsel vm5, s17, v6  }
0x21d: {  	s22 =	sshra.s32 s8, $0xC;
	s19 =	sshra.s32 s29, $0xC;
	v10 =	vsel vm2, s20, v10;
	v9 =	vsel vm1, s3, v9;
	v6 =	vsel vm9, s0, v6  }
0x21e: {  	s24 =	sshra.s32 s8, $0x1F;
	s23 =	sshrl.u32 s2, $0x1F;
	v9 =	vsel vm2, s19, v9;
	vm9 =	vcmask $0x3734;
	v6 =	vsel vm6, s22, v6  }
0x21f: {  	s25 =	sshra.s32 s2, $0xC;
	v8 =	vsel vm7, s23, v8;
	v9 =	vcombine.low v10, v9;
	v6 =	vsel vm9, s24, v6  }
0x220: {  	v7 =	vperm.xlane v7, v0;
	v8 =	vperm.xlane v8, v2;
	v6 =	vsel vm7, s25, v6  }
0x221: {  	v9 =	vperm.xlane v9, v0;
	v6 =	vperm.xlane v6, v2;
	_ =	sdelay $0x1  }
0x222: {  	v7 =	vsel vm8, v8, v7;
	v6 =	vsel vm8, v6, v9  }
0x223: {  	v6 =	vadd.s32 v7, v6  }
0x224: {  	v7 =	vmul.u32 $0xFFFFD8F0, v6  }
0x225: {  	v58 =	vsub.s32 $0x0, v5  }
0x226: {  	vm9 =	vlt.s32 v5, $0x1;
	vm10 =	vne.s32 v7, v58  }
0x227: {  	vm9 =	vmand vm9, vm10  }
0x228: {  	v7 =	vsel vm9, $0xFFFFFFFF, v3  }
0x229: {  	v6 =	vadd.s32 v7, v6  }
0x22a: {  	vm9 =	vlt.u32 v6, $0x1388  }
0x22b: {  	v6 =	vmpcnt.ones.xlane vm9;
	_ =	sdelay $0x1  }
0x22c: {  	v6 =	vxor.u32 $0x80000000, v6  }
0x22d: {  	s29 =	sadd.s32 s28, s26;
	(xrf0) =	vmax.scan.msk.u32 $0xffff, v6  }
0x22e: {  	s26 =	sadd.s32 $0x80000000, s29  }
0x22f: {  	[tilespmem:s26+$0x67F0] =	vst.msk vm9, v5  }
0x230: {  	v5 =	vld [tilespmem:s21+$0x5460];
	_ =	sdelay $0x2  }
0x231: {  	v6, _, _ =	vpop (xrf0)  }
0x232: {  	(v2sf) =	vpush v6, $0xF  }
0x233: {  	(v2sf) =	vpush v5, $0xD;
	_ =	sdelay $0x1  }
0x234: {  	(v2sf) =	vpush v5, $0xC;
	_ =	sdelay $0x1  }
0x235: {  	(v2sf) =	vpush v5, $0xE;
	_ =	sdelay $0x1  }
0x236: {  	(v2sf) =	vpush v5, $0xF;
	_ =	sdelay $0x1  }
0x237: {  	(v2sf) =	vpush v5, $0x9;
	_ =	sdelay $0x1  }
0x238: {  	(v2sf) =	vpush v5, $0x8;
	_ =	sdelay $0x1  }
0x239: {  	(v2sf) =	vpush v5, $0xA;
	_ =	sdelay $0x1  }
0x23a: {  	(v2sf) =	vpush v5, $0xB;
	s21 =	spop (v2sf)  }
0x23b: {  	s30 =	spop (v2sf)  }
0x23c: {  	(v2sf) =	vpush v5, $0x0;
	s31 =	smulhi.u32 $0x68DB8BAD, s30;
	s0 =	sshra.s32 s30, $0x1F  }
0x23d: {  	s14 =	spop (v2sf);
	s0 =	smul.u32 $0x68DB8BAD, s0  }
0x23e: {  	(v2sf) =	vpush v5, $0x1;
	s3 =	smulhi.u32 $0x68DB8BAD, s14;
	s2 =	sshra.s32 s14, $0x1F  }
0x23f: {  	s16 =	spop (v2sf);
	s2 =	smul.u32 $0x68DB8BAD, s2  }
0x240: {  	(v2sf) =	vpush v5, $0x2;
	s6 =	smulhi.u32 $0x68DB8BAD, s16;
	s4 =	sshra.s32 s16, $0x1F  }
0x241: {  	s17 =	spop (v2sf);
	s4 =	smul.u32 $0x68DB8BAD, s4  }
0x242: {  	(v2sf) =	vpush v5, $0x3;
	s7 =	smulhi.u32 $0x68DB8BAD, s17;
	s5 =	sshra.s32 s17, $0x1F  }
0x243: {  	s18 =	spop (v2sf);
	s8 =	smul.u32 $0x68DB8BAD, s5  }
0x244: {  	(v2sf) =	vpush v5, $0x4;
	s9 =	smulhi.u32 $0x68DB8BAD, s18;
	s5 =	sshra.s32 s18, $0x1F  }
0x245: {  	s19 =	spop (v2sf);
	s10 =	smul.u32 $0x68DB8BAD, s5  }
0x246: {  	(v2sf) =	vpush v5, $0x5;
	s11 =	smulhi.u32 $0x68DB8BAD, s19;
	s5 =	sshra.s32 s19, $0x1F  }
0x247: {  	(v2sf) =	vpush v5, $0x6;
	s20 =	spop (v2sf);
	s12 =	smul.u32 $0x68DB8BAD, s5  }
0x248: {  	(v2sf) =	vpush v5, $0x7;
	s13 =	smulhi.u32 $0x68DB8BAD, s20;
	s5 =	sshra.s32 s20, $0x1F  }
0x249: {  	s22 =	spop (v2sf);
	s16 =	smul.u32 $0x68DB8BAD, s5  }
0x24a: {  	s17 =	smulhi.u32 $0x68DB8BAD, s22;
	s23 =	sshra.s32 s22, $0x1F  }
0x24b: {  	s18 =	smul.u32 $0x68DB8BAD, s23;
	s24 =	spop (v2sf)  }
0x24c: {  	s19 =	smulhi.u32 $0x68DB8BAD, s24;
	s25 =	sshra.s32 s24, $0x1F  }
0x24d: {  	s29 =	spop (v2sf);
	s20 =	smul.u32 $0x68DB8BAD, s25  }
0x24e: {  	s22 =	smulhi.u32 $0x68DB8BAD, s29;
	s5 =	sshra.s32 s29, $0x1F  }
0x24f: {  	s30 =	spop (v2sf);
	s23 =	smul.u32 $0x68DB8BAD, s5  }
0x250: {  	s14 =	sadd.s32 s0, s31;
	s24 =	smulhi.u32 $0x68DB8BAD, s30;
	s5 =	sshra.s32 s30, $0x1F  }
0x251: {  	s29 =	sadd.s32 s4, s6;
	s31 =	spop (v2sf);
	s1 =	smul.u32 $0x68DB8BAD, s5  }
0x252: {  	s5 =	sadd.s32 s2, s3;
	s2 =	smulhi.u32 $0x68DB8BAD, s31;
	s0 =	sshra.s32 s31, $0x1F  }
0x253: {  	s4 =	sadd.s32 s10, s9;
	s25 =	spop (v2sf);
	s6 =	smul.u32 $0x68DB8BAD, s0  }
0x254: {  	s3 =	sadd.s32 s8, s7;
	s7 =	smulhi.u32 $0x68DB8BAD, s25;
	s0 =	sshra.s32 s25, $0x1F  }
0x255: {  	s19 =	sadd.s32 s20, s19;
	s30 =	spop (v2sf);
	s8 =	smul.u32 $0x68DB8BAD, s0  }
0x256: {  	s9 =	smulhi.u32 $0x68DB8BAD, s30;
	s31 =	sshra.s32 s30, $0x1F;
	s25 =	spop (v2sf)  }
0x257: {  	s0 =	sadd.s32 s12, s11;
	s10 =	smul.u32 $0x68DB8BAD, s31;
	s12 =	spop (v2sf)  }
0x258: {  	s31 =	sadd.s32 s16, s13;
	s13 =	smulhi.u32 $0x68DB8BAD, s12;
	s11 =	sshra.s32 s12, $0x1F  }
0x259: {  	s30 =	sadd.s32 s18, s17;
	s1 =	sadd.s32 s1, s24;
	s11 =	smul.u32 $0x68DB8BAD, s11  }
0x25a: {  	s24 =	sshra.s32 s19, $0xC;
	s16 =	sadd.s32 s23, s22;
	s17 =	sadd.s32 s6, s2  }
0x25b: {  	s22 =	sshrl.u32 s5, $0x1F;
	s23 =	sshrl.u32 s19, $0x1F;
	s2 =	sadd.s32 s11, s13  }
0x25c: {  	s5 =	sshra.s32 s5, $0xC;
	s7 =	sadd.s32 s8, s7;
	s20 =	sshra.s32 s2, $0x1F  }
0x25d: {  	s8 =	smulhi.u32 $0x68DB8BAD, s25;
	v7 =	vmov s22;
	s18 =	sshrl.u32 s16, $0x1F;
	s22 =	sshrl.u32 s29, $0x1F;
	v6 =	vmov s20  }
0x25e: {  	vm9 =	vcmask $0x2F2C;
	v59 =	vmov s23;
	s6 =	sadd.s32 s10, s9;
	s9 =	sshra.s32 s25, $0x1F;
	s25 =	sshra.s32 s19, $0x1F;
	v6 =	vsel vm3, s24, v6  }
0x25f: {  	s23 =	sshrl.u32 s3, $0x1F;
	v61 =	vmov s5;
	s19 =	sshra.s32 s16, $0xC;
	v8 =	vnsel vm3, $0x0, v59;
	s13 =	sshrl.u32 s14, $0x1F;
	v6 =	vsel vm11, s25, v6  }
0x260: {  	s10 =	sshra.s32 s7, $0xC;
	v8 =	vsel vm0, s18, v8;
	s11 =	sshrl.u32 s1, $0x1F;
	v7 =	vsel vm0, s13, v7;
	s20 =	sshra.s32 s16, $0x1F;
	v6 =	vsel vm0, s19, v6  }
0x261: {  	s9 =	smul.u32 $0x68DB8BAD, s9;
	s13 =	sshra.s32 s1, $0xC;
	v8 =	vsel vm1, s11, v8;
	s11 =	sshra.s32 s14, $0xC;
	v7 =	vsel vm1, s22, v7;
	v6 =	vsel vm12, s20, v6  }
0x262: {  	s1 =	sshra.s32 s1, $0x1F;
	v10 =	vsel vm0, s11, v61;
	v7 =	vsel vm2, s23, v7;
	s25 =	sshrl.u32 s0, $0x1F;
	s0 =	sshra.s32 s0, $0xC;
	v6 =	vsel vm1, s13, v6  }
0x263: {  	s22 =	sshra.s32 s17, $0xC;
	s24 =	sshrl.u32 s4, $0x1F;
	v60 =	vmov s25;
	s19 =	sshrl.u32 s17, $0x1F;
	v11 =	vmov s0;
	v6 =	vsel vm13, s1, v6  }
0x264: {  	s18 =	sshrl.u32 s31, $0x1F;
	s14 =	sshra.s32 s4, $0xC;
	s25 =	sshra.s32 s17, $0x1F;
	v9 =	vsel vm0, s24, v60;
	v8 =	vsel vm2, s19, v8;
	v6 =	vsel vm2, s22, v6  }
0x265: {  	s12 =	sshra.s32 s7, $0x1F;
	s23 =	sshrl.u32 s30, $0x1F;
	s20 =	sshrl.u32 s7, $0x1F;
	v11 =	vsel vm0, s14, v11;
	v9 =	vsel vm1, s18, v9;
	v6 =	vsel vm14, s25, v6  }
0x266: {  	s8 =	sadd.s32 s9, s8;
	s24 =	sshrl.u32 s6, $0x1F;
	v8 =	vsel vm4, s20, v8;
	s13 =	sshra.s32 s29, $0xC;
	v9 =	vsel vm2, s23, v9;
	v6 =	vsel vm4, s10, v6  }
0x267: {  	s9 =	sshrl.u32 s8, $0x1F;
	s16 =	sshra.s32 s6, $0xC;
	s18 =	sshra.s32 s31, $0xC;
	v8 =	vsel vm5, s24, v8;
	v10 =	vsel vm1, s13, v10;
	v6 =	vsel vm15, s12, v6  }
0x268: {  	s17 =	sshra.s32 s3, $0xC;
	s19 =	sshra.s32 s6, $0x1F;
	s20 =	sshra.s32 s30, $0xC;
	v11 =	vsel vm1, s18, v11;
	v8 =	vsel vm6, s9, v8;
	v6 =	vsel vm5, s16, v6  }
0x269: {  	v10 =	vsel vm2, s17, v10;
	s22 =	sshra.s32 s8, $0xC;
	v11 =	vsel vm2, s20, v11;
	v6 =	vsel vm9, s19, v6  }
0x26a: {  	s23 =	sshrl.u32 s2, $0x1F;
	s24 =	sshra.s32 s8, $0x1F;
	v7 =	vcombine.low v9, v7;
	vm9 =	vcmask $0x3734;
	v6 =	vsel vm6, s22, v6  }
0x26b: {  	v8 =	vsel vm7, s23, v8;
	v62 =	vcombine.low v11, v10;
	s25 =	sshra.s32 s2, $0xC;
	v6 =	vsel vm9, s24, v6  }
0x26c: {  	v7 =	vperm.xlane v7, v0;
	v8 =	vperm.xlane v8, v2;
	v6 =	vsel vm7, s25, v6  }
0x26d: {  	v9 =	vperm.xlane v62, v0;
	v6 =	vperm.xlane v6, v2;
	_ =	sdelay $0x1  }
0x26e: {  	v7 =	vsel vm8, v8, v7;
	v6 =	vsel vm8, v6, v9  }
0x26f: {  	v6 =	vadd.s32 v7, v6  }
0x270: {  	v7 =	vmul.u32 $0xFFFFD8F0, v6  }
0x271: {  	v63 =	vsub.s32 $0x0, v5  }
0x272: {  	vm9 =	vlt.s32 v5, $0x1;
	vm10 =	vne.s32 v7, v63  }
0x273: {  	vm9 =	vmand vm9, vm10  }
0x274: {  	v7 =	vsel vm9, $0xFFFFFFFF, v3  }
0x275: {  	v6 =	vadd.s32 v7, v6  }
0x276: {  	vm9 =	vlt.u32 v6, $0x1388  }
0x277: {  	v6 =	vmpcnt.ones.xlane vm9;
	_ =	sdelay $0x1  }
0x278: {  	v6 =	vxor.u32 $0x80000000, v6  }
0x279: {  	(xrf0) =	vmax.scan.msk.u32 $0xffff, v6;
	_ =	sdelay $0x5  }
0x27a: {  	v6, _, _ =	vpop (xrf0)  }
0x27b: {  	(v2sf) =	vpush v6, $0xF;
	_ =	sdelay $0xb  }
0x27c: {  	p1 =	sne.s32 s15, $0x4E00  }
.Ltmp2:
0x27d: {  	_ = 	snop;
	(pc) =	sbr.rel @p1 .LBB2_2-.Ltmp2, $4  }
0x27e: {  	s29 =	sadd.s32 s21, s26  }
0x27f: {  	s30 =	sadd.s32 $0x80000000, s29;
	s0 =	spop (v2sf)  }
0x280: {  	s31 =	sadd.s32 s0, s30  }
0x281: {  	s15 =	sadd.s32 $0x200, s15;
	vm10 =	vcmask $0x3734;
	[tilespmem:s30+$0x67F0] =	vst.msk vm9, v5;
	vm9 =	vcmask $0x2F2C;
	s16 =	sadd.s32 $0x80000000, s31  }
0x282: {  	s10 =	rddreg [dreg:$0x10]  }
0x283: {  	s9 =	rddreg [dreg:$0xf]  }
0x284: {  	s8 =	rddreg [dreg:$0xe]  }
0x285: {  	s7 =	rddreg [dreg:$0xd]  }
0x286: {  	s6 =	rddreg [dreg:$0xc];
	s1 =	simm.s32 $0x0  }
0x287: {  	s5 =	rddreg [dreg:$0xb];
	s3 =	simm.s32 $0x10;
	s2 =	sand.u32 $0x1FF0, s1  }
.LBB2_4:
0x288: {  	p1 =	sne.s32 s3, $0x1470;
	[tilespmem:s2+$0x9470] =	vst v4;
	s1 =	smov.u32 s3;
	s3 =	sadd.s32 $0x10, s3  }
.Ltmp3:
0x289: {  	(pc) =	sbr.rel @p1 .LBB2_4-.Ltmp3, $2  }
0x28a: {  	_ =	sdelay $0x2  }
0x28b: {  	s2 =	sand.u32 $0x1FF0, s1  }
0x28c: {  	s1 =	sadd.s32 $0xF, s16  }
0x28d: {  	s3 =	sand.u32 $0xF, s1  }
0x28e: {  	s4 =	sshra.s32 s1, $0x1F;
	p1 =	slt.s32 s1, $0x1;
	p2 =	sne.s32 s3, $0x0  }
0x28f: {  	s31 =	sshrl.u32 s4, $0x1C;
	p1 =	por !p1, !p2  }
0x290: {  	s3 =	simm.s32 $0x1;
	s1 =	sadd.s32 s31, s1;
	p1 =	por !p1, !p1  }
0x291: {  	s1 =	sshra.s32 s1, $0x4;
	s3 =	simm.s32 @!p1 $0x0  }
0x292: {  	s24 =	ssub.s32 s1, s3  }
0x293: {  	p1 =	slt.s32 s24, $0x1  }
.Ltmp4:
0x294: {  	_ = 	snop;
	(pc) =	sbr.rel @p1 .LBB2_8-.Ltmp4, $2  }
0x295: {  	_ =	sdelay $0x2  }
0x296: {  	[dreg:$0x11] =	wrdreg s16;
	[tilespmem:s2+$0x9470] =	vst v4;
	s13 =	simm.s32 $0x4F0  }
0x297: {  	s1 =	sadd.s32 s7, s6  }
0x298: {  	s1 =	sadd.s32 s8, s1  }
0x299: {  	s1 =	sadd.s32 s9, s1  }
0x29a: {  	s1 =	sadd.s32 s10, s1  }
0x29b: {  	s1 =	sadd.s32 s28, s1  }
0x29c: {  	s1 =	sadd.s32 s21, s1  }
0x29d: {  	s20 =	simm.s32 $0x7C70;
	s0 =	sadd.s32 s0, s1  }
0x29e: {  	s22 =	simm.s32 $0x67F0;
	s21 =	simm.s32 $0x9470;
	s19 =	sadd.s32 s5, s0  }
.LBB2_7:
0x29f: {  	v5 =	vld [tilespmem:s22+$0x0];
	_ =	sdelay $0x1  }
0x2a0: {  	v6 =	vmov s19  }
0x2a1: {  	vm11 =	vgt.s32 v6, v1;
	v6 =	vimm.s32 $0x0  }
0x2a2: {  	v6 =	vsel vm11, $0xFFFFFFFF, v6  }
0x2a3: {  	[tilespmem:$0x1FFF0] =	vst v6;
	v6 =	vnsel vm11, $0x0, v5  }
0x2a4: {  	(v2sf) =	vpush v6, $0xD;
	_ =	sdelay $0x1  }
0x2a5: {  	(v2sf) =	vpush v6, $0xC;
	_ =	sdelay $0x1  }
0x2a6: {  	(v2sf) =	vpush v6, $0xE;
	_ =	sdelay $0x1  }
0x2a7: {  	(v2sf) =	vpush v6, $0xF;
	_ =	sdelay $0x1  }
0x2a8: {  	(v2sf) =	vpush v6, $0x9;
	_ =	sdelay $0x1  }
0x2a9: {  	(v2sf) =	vpush v6, $0x8;
	_ =	sdelay $0x1  }
0x2aa: {  	(v2sf) =	vpush v6, $0xA;
	_ =	sdelay $0x1  }
0x2ab: {  	(v2sf) =	vpush v6, $0xB  }
0x2ac: {  	(v2sf) =	vpush v6, $0x0;
	s0 =	spop (v2sf)  }
0x2ad: {  	(v2sf) =	vpush v6, $0x1;
	s1 =	smulhi.u32 $0x68DB8BAD, s0;
	s0 =	sshra.s32 s0, $0x1F  }
0x2ae: {  	s2 =	spop (v2sf);
	s3 =	smul.u32 $0x68DB8BAD, s0  }
0x2af: {  	s4 =	smulhi.u32 $0x68DB8BAD, s2;
	s14 =	sshra.s32 s2, $0x1F  }
0x2b0: {  	s15 =	spop (v2sf);
	s5 =	smul.u32 $0x68DB8BAD, s14  }
0x2b1: {  	(v2sf) =	vpush v6, $0x2;
	s6 =	smulhi.u32 $0x68DB8BAD, s15;
	s2 =	sshra.s32 s15, $0x1F  }
0x2b2: {  	s16 =	spop (v2sf);
	s2 =	smul.u32 $0x68DB8BAD, s2  }
0x2b3: {  	(v2sf) =	vpush v6, $0x3;
	s9 =	smulhi.u32 $0x68DB8BAD, s16;
	s0 =	sshra.s32 s16, $0x1F  }
0x2b4: {  	(v2sf) =	vpush v6, $0x4;
	s7 =	spop (v2sf);
	s11 =	smul.u32 $0x68DB8BAD, s0  }
0x2b5: {  	(v2sf) =	vpush v6, $0x5;
	s12 =	smulhi.u32 $0x68DB8BAD, s7;
	s17 =	sshra.s32 s7, $0x1F  }
0x2b6: {  	(v2sf) =	vpush v6, $0x6;
	s8 =	spop (v2sf);
	s14 =	smul.u32 $0x68DB8BAD, s17  }
0x2b7: {  	(v2sf) =	vpush v6, $0x7;
	s17 =	smulhi.u32 $0x68DB8BAD, s8;
	s25 =	sshra.s32 s8, $0x1F  }
0x2b8: {  	s10 =	spop (v2sf);
	s29 =	smul.u32 $0x68DB8BAD, s25  }
0x2b9: {  	s31 =	smulhi.u32 $0x68DB8BAD, s10;
	s26 =	sshra.s32 s10, $0x1F  }
0x2ba: {  	s6 =	sadd.s32 s2, s6;
	s18 =	spop (v2sf);
	s26 =	smul.u32 $0x68DB8BAD, s26  }
0x2bb: {  	s9 =	sadd.s32 s11, s9;
	s13 =	spop (v2sf);
	s23 =	smulhi.u32 $0x68DB8BAD, s18  }
0x2bc: {  	s7 =	sshra.s32 s18, $0x1F;
	s18 =	sadd.s32 s3, s1;
	s16 =	spop (v2sf)  }
0x2bd: {  	s3 =	sadd.s32 s5, s4;
	[dreg:$0x12] =	wrdreg s18;
	s7 =	smul.u32 $0x68DB8BAD, s7  }
0x2be: {  	s4 =	smulhi.u32 $0x68DB8BAD, s13;
	s28 =	sshra.s32 s13, $0x1F;
	s13 =	sshrl.u32 s18, $0x1F  }
0x2bf: {  	s25 =	sshrl.u32 s3, $0x1F;
	s3 =	sshra.s32 s3, $0xC;
	s1 =	smul.u32 $0x68DB8BAD, s28  }
0x2c0: {  	s8 =	spop (v2sf);
	s18 =	smulhi.u32 $0x68DB8BAD, s16;
	s5 =	sshra.s32 s16, $0x1F  }
0x2c1: {  	s16 =	sshrl.u32 s6, $0x1F;
	s28 =	sadd.s32 s14, s12;
	s11 =	smul.u32 $0x68DB8BAD, s5  }
0x2c2: {  	s2 =	sadd.s32 s26, s31;
	s30 =	spop (v2sf);
	s12 =	smulhi.u32 $0x68DB8BAD, s8  }
0x2c3: {  	s14 =	sshra.s32 s8, $0x1F;
	s8 =	sshrl.u32 s9, $0x1F;
	s10 =	spop (v2sf)  }
0x2c4: {  	s5 =	sadd.s32 s29, s17;
	s17 =	smul.u32 $0x68DB8BAD, s14;
	s15 =	spop (v2sf)  }
0x2c5: {  	s26 =	smulhi.u32 $0x68DB8BAD, s30;
	s31 =	sshra.s32 s30, $0x1F;
	s0 =	spop (v2sf)  }
0x2c6: {  	s14 =	sadd.s32 s7, s23;
	s7 =	smul.u32 $0x68DB8BAD, s31;
	s30 =	spop (v2sf)  }
0x2c7: {  	s1 =	sadd.s32 s1, s4;
	s4 =	smulhi.u32 $0x68DB8BAD, s30;
	s23 =	sshra.s32 s30, $0x1F  }
0x2c8: {  	s29 =	sshrl.u32 s28, $0x1F;
	s11 =	sadd.s32 s11, s18;
	s31 =	smul.u32 $0x68DB8BAD, s23  }
0x2c9: {  	s18 =	sshrl.u32 s2, $0x1F;
	s30 =	smulhi.u32 $0x68DB8BAD, s10;
	s10 =	sshra.s32 s10, $0x1F  }
0x2ca: {  	s12 =	sadd.s32 s17, s12;
	s10 =	smul.u32 $0x68DB8BAD, s10;
	s4 =	sadd.s32 s31, s4  }
0x2cb: {  	v8 =	vmov s25;
	s17 =	sshrl.u32 s14, $0x1F;
	s7 =	sadd.s32 s7, s26;
	s31 =	sshra.s32 s4, $0x1F  }
0x2cc: {  	v8 =	vsel vm0, s13, v8;
	s26 =	sshrl.u32 s11, $0x1F;
	s10 =	sadd.s32 s10, s30;
	s30 =	sshra.s32 s1, $0xC;
	v7 =	vmov s31  }
0x2cd: {  	vm11 =	vcmask $0x704;
	v8 =	vsel vm1, s16, v8;
	s16 =	sshra.s32 s12, $0xC;
	s31 =	sshrl.u32 s1, $0x1F;
	s1 =	sshra.s32 s1, $0x1F;
	v7 =	vsel vm3, s30, v7  }
0x2ce: {  	s25 =	sshra.s32 s12, $0x1F;
	s13 =	smulhi.u32 $0x68DB8BAD, s15;
	s30 =	sshra.s32 s11, $0xC;
	v7 =	vsel vm11, s1, v7  }
0x2cf: {  	v8 =	vsel vm2, s8, v8;
	s8 =	smulhi.u32 $0x68DB8BAD, s0;
	s0 =	sshra.s32 s0, $0x1F;
	v9 =	vmov s31;
	s11 =	sshra.s32 s11, $0x1F;
	v7 =	vsel vm0, s30, v7  }
0x2d0: {  	v60 =	vmov s3;
	s15 =	sshra.s32 s15, $0x1F;
	s0 =	smul.u32 $0x68DB8BAD, s0;
	s23 =	sshrl.u32 s5, $0x1F;
	v9 =	vnsel vm3, $0x0, v9;
	v7 =	vsel vm12, s11, v7  }
0x2d1: {  	s15 =	smul.u32 $0x68DB8BAD, s15;
	s5 =	sshra.s32 s5, $0xC;
	v10 =	vmov s23;
	s31 =	sshrl.u32 s12, $0x1F;
	v9 =	vsel vm0, s26, v9;
	v7 =	vsel vm1, s16, v7  }
0x2d2: {  	s23 =	sshrl.u32 s7, $0x1F;
	s0 =	sadd.s32 s0, s8;
	v11 =	vmov s5;
	s30 =	sshra.s32 s7, $0xC;
	v9 =	vsel vm1, s31, v9;
	v7 =	vsel vm13, s25, v7  }
0x2d3: {  	v10 =	vsel vm0, s29, v10;
	s29 =	sshrl.u32 s10, $0x1F;
	s26 =	sadd.s32 s15, s13;
	s7 =	sshra.s32 s7, $0x1F;
	v9 =	vsel vm2, s23, v9;
	v7 =	vsel vm2, s30, v7  }
0x2d4: {  	s8 =	sshrl.u32 s0, $0x1F;
	v10 =	vsel vm1, s18, v10;
	s15 =	sshra.s32 s10, $0xC;
	s31 =	sshrl.u32 s26, $0x1F;
	v9 =	vsel vm4, s29, v9;
	v7 =	vsel vm14, s7, v7  }
0x2d5: {  	s18 =	sshra.s32 s28, $0xC;
	v10 =	vsel vm2, s17, v10;
	s17 =	rddreg [dreg:$0x12];
	s16 =	sshra.s32 s10, $0x1F;
	v9 =	vsel vm5, s31, v9;
	v7 =	vsel vm4, s15, v7  }
0x2d6: {  	v11 =	vsel vm0, s18, v11;
	s23 =	sshra.s32 s26, $0xC;
	v9 =	vsel vm6, s8, v9;
	s8 =	sshra.s32 s17, $0xC;
	v7 =	vsel vm15, s16, v7  }
0x2d7: {  	s6 =	sshra.s32 s6, $0xC;
	s2 =	sshra.s32 s2, $0xC;
	v8 =	vcombine.low v10, v8;
	s1 =	sshra.s32 s26, $0x1F;
	v10 =	vsel vm0, s8, v60;
	v7 =	vsel vm5, s23, v7  }
0x2d8: {  	s28 =	sshra.s32 s0, $0xC;
	v11 =	vsel vm1, s2, v11;
	s26 =	sshra.s32 s14, $0xC;
	s25 =	sshra.s32 s9, $0xC;
	v10 =	vsel vm1, s6, v10;
	v7 =	vsel vm9, s1, v7  }
0x2d9: {  	s0 =	sshra.s32 s0, $0x1F;
	s29 =	sshrl.u32 s4, $0x1F;
	v11 =	vsel vm2, s26, v11;
	v10 =	vsel vm2, s25, v10;
	v7 =	vsel vm6, s28, v7  }
0x2da: {  	s31 =	sshra.s32 s4, $0xC;
	v9 =	vsel vm7, s29, v9;
	v10 =	vcombine.low v11, v10;
	v7 =	vsel vm10, s0, v7  }
0x2db: {  	v8 =	vperm.xlane v8, v0;
	v9 =	vperm.xlane v9, v2;
	v7 =	vsel vm7, s31, v7  }
0x2dc: {  	v10 =	vperm.xlane v10, v0;
	v7 =	vperm.xlane v7, v2;
	_ =	sdelay $0x1  }
0x2dd: {  	v8 =	vsel vm8, v9, v8;
	v7 =	vsel vm8, v7, v10  }
0x2de: {  	v7 =	vadd.s32 v8, v7  }
0x2df: {  	v8 =	vmul.u32 $0xFFFFD8F0, v7  }
0x2e0: {  	v61 =	vsub.s32 $0x0, v6  }
0x2e1: {  	vm10 =	vlt.s32 v6, $0x1;
	vm11 =	vne.s32 v8, v61  }
0x2e2: {  	vm10 =	vmand vm10, vm11  }
0x2e3: {  	v62 =	vsel vm10, $0xFFFFFFFF, v3  }
0x2e4: {  	v7 =	vadd.s32 v62, v7  }
0x2e5: {  	v8 =	vmul.u32 $0xFFFFD8F0, v7;
	_ =	sdelay $0x1  }
0x2e6: {  	v6 =	vadd.s32 v6, v8;
	_ =	sdelay $0x2  }
0x2e7: {  	s13 =	simm.s32 $0x4F0  }
0x2e8: {  	s30 =	simm.s32 $0x2C70;
	v63 =	vld.idx.msk [tilespmem:v7+s13+$0x0], $0xffff  }
0x2e9: {  	v6 =	vld.idx.msk [tilespmem:v6+s30+$0x0], $0xffff;
	_ =	sdelay $0x4  }
0x2ea: {  	v6 =	vadd.f32 v6, v63;
	_ =	sdelay $0x1  }
0x2eb: {  	v8 =	vmul.f32 $1.000000010e-01, v6  }
0x2ec: {  	vm10 =	vge.f32 v6, $0.0e+00  }
0x2ed: {  	v6 =	vsel vm10, v6, v8  }
0x2ee: {  	v6 =	vmul.f32 $1.442695020e+00, v6;
	_ =	sdelay $0x1  }
0x2ef: {  	(erf) = vpow2.f32 v6;
	_ =	sdelay $0x1  }
0x2f0: {  	v6 =	vmul.u32 $0x70, v7  }
0x2f1: {  	vm9 =	vmmov vm2;
	vm2 =	vmmov vm1;
	vm1 =	vmmov vm0  }
0x2f2: {  	vm0 =	vmmov vm8;
	vm8 =	vmmov vm7;
	v5 =	vadd.s32 v5, v6;
	v6 =	vld [tilespmem:$0x1FFF0]  }
0x2f3: {  	vm7 =	vmmov vm6;
	vm6 =	vmmov vm5;
	vm5 =	vmmov vm4  }
0x2f4: {  	p1 =	sne.s32 s24, $0x1;
	vm4 =	vmmov vm3;
	vm3 =	vmmov vm15;
	vm15 =	vmmov vm14  }
.Ltmp5:
0x2f5: {  	vm14 =	vmmov vm15;
	vm15 =	vmmov vm3;
	vm3 =	vmmov vm4;
	(pc) =	sbr.rel @p1 .LBB2_7-.Ltmp5, $4  }
0x2f6: {  	vm4 =	vmmov vm5;
	vm5 =	vmmov vm6;
	vm6 =	vmmov vm7  }
0x2f7: {  	vm7 =	vmmov vm8;
	vm8 =	vmmov vm0;
	vm11 =	vnez.u8 v6;
	v7 =	vpop (erf)  }
0x2f8: {  	s22 =	sadd.s32 $0x10, s22;
	s19 =	sadd.s32 $0xFFFFFFF0, s19;
	vm0 =	vmmov vm1;
	vm1 =	vmmov vm2;
	v5 =	vnsel vm11, $0x3037C00, v5;
	[tilespmem:s20+$0x0] =	vst v7  }
0x2f9: {  	s24 =	sadd.s32 $0xFFFFFFFF, s24;
	vm2 =	vmmov vm9;
	vm9 =	vcmask $0x2F2C;
	vm10 =	vcmask $0x3734;
	s20 =	sadd.s32 $0x10, s20;
	[tilespmem:s21+$0x0] =	vst v5;
	s21 =	sadd.s32 $0x10, s21  }
.LBB2_8:
0x2fa: {  	s0 =	rddreg [dreg:$0x11]  }
0x2fb: {  	s0 =	sadd.s32 $0x7F, s0  }
0x2fc: {  	s1 =	sand.u32 $0x7F, s0  }
0x2fd: {  	s2 =	sshra.s32 s0, $0x1F;
	p1 =	slt.s32 s0, $0x1;
	p2 =	sne.s32 s1, $0x0  }
0x2fe: {  	s31 =	sshrl.u32 s2, $0x19;
	p1 =	por !p1, !p2  }
0x2ff: {  	s1 =	simm.s32 $0x1;
	s0 =	sadd.s32 s31, s0;
	p1 =	por !p1, !p1  }
0x300: {  	s0 =	sshra.s32 s0, $0x7;
	s1 =	simm.s32 @!p1 $0x0  }
0x301: {  	s0 =	ssub.s32 s0, s1  }
0x302: {  	p1 =	slt.s32 s0, $0x1  }
.Ltmp6:
0x303: {  	_ = 	snop;
	(pc) =	sbr.rel @p1 .LBB2_14-.Ltmp6, $2  }
0x304: {  	_ =	sdelay $0x2  }
0x305: {  	s5 =	simm.s32 $0x2C70;
	s6 =	simm.s32 $0x80;
	s1 =	rddreg [dreg:$0xa]  }
0x306: {  	p1 =	sne.s32 s0, $0x1  }
.Ltmp7:
0x307: {  	_ = 	snop;
	(pc) =	sbr.rel @!p1 .LBB2_11-.Ltmp7, $4  }
0x308: {  	_ = 	snop  }
0x309: {  	s2 =	simm.s32 $0x7C70  }
0x30a: {  	s3 =	simm.s32 $0x9470;
	s1 =	rddreg [dreg:$0x1];
	s4 =	sadd.s32 $0xFFFFFFFF, s0  }
0x30b: {  	[hbm4b:s1+s6] =	stream.indirect.scatter [tilespmem:s2], [sflag:$0x1], $0x1, s3, s6, $0xb8;
	[tilespmem:$0xAC70] =	vst v63  }
.LBB2_10:
0x30c: {  	p2 =	sne.s32 s4, $0x1  }
.Ltmp8:
0x30d: {  	_ = 	snop;
	(pc) =	sbr.rel @p2 .LBB2_10-.Ltmp8, $4  }
0x30e: {  	_ = 	snop  }
0x30f: {  	s2 =	sadd.s32 $0x80, s2;
	s3 =	sadd.s32 $0x80, s3  }
0x310: {  	s4 =	sadd.s32 $0xFFFFFFFF, s4  }
0x311: {  	[hbm4b:s1+s6] =	stream.indirect.scatter [tilespmem:s2], [sflag:$0x1], $0x1, s3, s6, $0xb8;
	[tilespmem:$0xAC70] =	vst v63  }
.LBB2_11:
.Ltmp9:
0x312: {  	(pc) =	sbr.rel @!p1 .LBB2_13-.Ltmp9, $4  }
0x313: {  	_ = 	snop  }
0x314: {  	s1 =	simm.s32 $0x1  }
0x315: {  	_ =	swait.ge [sflag:s1], $0x80  }
0x316: {  	s0 =	sadd.s32 $0xFFFFFFFF, s0;
	[sflag:s1] =	ssyncset.done $0x0  }
.LBB2_12:
0x317: {  	p1 =	sne.s32 s0, $0x1;
	s0 =	sadd.s32 $0xFFFFFFFF, s0;
	[sflag:s1] =	ssyncadd.s32 $0xFFFFFF80  }
.Ltmp10:
0x318: {  	(pc) =	sbr.rel @p1 .LBB2_12-.Ltmp10, $3  }
0x319: {  	_ =	sdelay $0x1  }
0x31a: {  	_ =	swait.ge [sflag:s1], $0x80  }
0x31b: {  	[sflag:s1] =	ssyncset.done $0x0  }
.Ltmp11:
0x31c: {  	_ = 	snop;
	(pc) =	sbr.rel .LBB2_13-.Ltmp11, $1  }
0x31d: {  	_ =	sdelay $0x3  }
.LBB2_15:
0x31e: {  	_ =	sfence.sel $0x180000  }
0x31f: {  	[bflag:$0x0] =	sbarrier.arrive $0xFFFF  }
0x320: {  	_ =	strace $0x90000047  }
0x321: {  	[bflag:$0x2] =	sbarrier.arrive $0xFFFF  }
0x322: {  	s0 =	rddreg [dreg:$0x4]  }
0x323: {  	s0 =	sadd.s32 @!p0 $0x100000, s0  }
0x324: {  	[sflag:s0] =	ssyncadd.tile.s32 @!p0 $0x1;
	_ =	shalt  }
.Lfunc_end2:
_tile_overlayer_lowered:
.L_overlay_start_2:
0x325: {  	(tag) =	ssettag $0x2  }
0x326: {  	s0 =	rddreg [dreg:$0x0];
	s2 =	stileid.u32  }
0x327: {  	s1 =	rddreg [dreg:$0x1];
	p0 =	sne.s32 s2, $0x0  }
0x328: {  	s3 =	rddreg [dreg:$0x2];
	[bflag:$0x3] =	sbarrier.arrive $0xFFFF;
	s2 =	simm.s32 @!p0 $0x1C02  }
0x329: {  	[timem:s3], [sflag:s2] =	dma.local @!p0 [hbm:s0], s1  }
0x32a: {  	s0 =	simm.s32 @!p0 $0x2  }
0x32b: {  	_ =	swait.ge @!p0 [sflag:s0], s1  }
0x32c: {  	s1 =	ssub.s32 @!p0 $0x0, s1;
	[sflag:s0] =	ssyncset.done @!p0 $0x0  }
0x32d: {  	[sflag:s0] =	ssyncadd.s32 @!p0 s1  }
0x32e: {  	[bflag:$0x3] =	sbarrier.arrive $0xFFFF  }
0x32f: {  	_ =	shalt  }

</sc_bundles>
